<compile_context>
chip_gen: v7x
topology: tpu7x:2x2x1
jax: 0.10.2.dev20260603
libtpu: 0.0.44.dev20260713+nightly
codegen_flags: <defaults>
</compile_context>

<pallas_src>
import jax
import jax.numpy as jnp
from jax import lax
from jax.experimental import pallas as pl
from jax.experimental.pallas import tpu as pltpu
from jax.experimental.pallas import tpu_sc as plsc

N = 10000
D = 128
E = 320000
NC = 2
NS = 16
NW = NC * NS
EPW = E // NW
NR = 78
TAIL = EPW - NR * 128
CH = 64
QR = 4
NP = 10240
RPT = NP // NS


def _spmm_partials(feat, src_m, src_t, dst_m, dst_t):
    mesh = plsc.VectorSubcoreMesh(core_axis_name="c", subcore_axis_name="s")

    @pl.kernel(
        out_type=jax.ShapeDtypeStruct((NC, NP, D), jnp.float32),
        mesh=mesh,
        scratch_types=[
            pltpu.VMEM((QR, 128), jnp.int32),
            pltpu.VMEM((QR, 128), jnp.int32),
            pltpu.VMEM((TAIL,), jnp.int32),
            pltpu.VMEM((TAIL,), jnp.int32),
            pltpu.VMEM((CH, D), jnp.float32),
            pltpu.VMEM((CH, D), jnp.float32),
            pltpu.VMEM((CH, D), jnp.float32),
            pltpu.VMEM((CH, D), jnp.float32),
            pltpu.VMEM((CH, D), jnp.float32),
            pltpu.VMEM((TAIL, D), jnp.float32),
            pltpu.VMEM_SHARED((NP, D), jnp.float32),
            pltpu.SemaphoreType.DMA,
            pltpu.SemaphoreType.DMA,
            pltpu.SemaphoreType.DMA,
            pltpu.SemaphoreType.DMA,
            pltpu.SemaphoreType.DMA,
            pltpu.SemaphoreType.DMA,
            pltpu.SemaphoreType.DMA,
            pltpu.SemaphoreType.DMA,
            pltpu.SemaphoreType.DMA,
            pltpu.SemaphoreType.DMA,
            pltpu.SemaphoreType.DMA,
            pltpu.SemaphoreType.DMA,
        ],
    )
    def k(feat_hbm, srcm_hbm, srct_hbm, dstm_hbm, dstt_hbm, out_hbm,
          s_ring, d_ring, stail, dtail, rb0, rb1, rb2, rb3, rb4,
          rtail, accum, semfs, semfd,
          g0, g1, g2, g3, g4, s0, s1, s2, s3, s4):
        c = lax.axis_index("c")
        s = lax.axis_index("s")
        wid = c * NS + s

        pltpu.sync_copy(srcm_hbm.at[wid, pl.ds(0, QR - 1)],
                        s_ring.at[pl.ds(0, QR - 1)])
        pltpu.sync_copy(dstm_hbm.at[wid, pl.ds(0, QR - 1)],
                        d_ring.at[pl.ds(0, QR - 1)])
        pltpu.sync_copy(srct_hbm.at[wid], stail)
        pltpu.sync_copy(dstt_hbm.at[wid], dtail)

        def gsrc(t):
            return feat_hbm.at[
                s_ring.at[(t // 2) % QR, pl.ds((t % 2) * CH, CH)]]

        def dsl(t):
            return accum.at[
                d_ring.at[(t // 2) % QR, pl.ds((t % 2) * CH, CH)]]

        bufs = (rb0, rb1, rb2, rb3, rb4)
        gsems = (g0, g1, g2, g3, g4)
        ssems = (s0, s1, s2, s3, s4)
        NCH = 2 * NR

        for u in range(4):
            pltpu.async_copy(gsrc(u), bufs[u], gsems[u])

        zeros16 = jnp.zeros((16,), jnp.float32)

        @pl.loop(0, CH)
        def _(r):
            for j in range(D // 16):
                rb4[r, pl.ds(j * 16, 16)] = zeros16

        @pl.loop(0, RPT // CH)
        def _(t):
            pltpu.sync_copy(rb4, accum.at[pl.ds(s * RPT + t * CH, CH)])

        plsc.subcore_barrier()

        def fetch_desc(r):
            rf = jnp.minimum(r, NR - 1)
            a = pltpu.make_async_copy(
                srcm_hbm.at[wid, rf], s_ring.at[r % QR], semfs)
            b = pltpu.make_async_copy(
                dstm_hbm.at[wid, rf], d_ring.at[r % QR], semfd)
            return a, b

        def step(t, b):
            nb = (b + 4) % 5
            r = t // 2
            pltpu.make_async_copy(gsrc(t), bufs[b], gsems[b]).wait()
            pltpu.async_copy(bufs[b], dsl(t), ssems[b], add=True)

            @pl.when(t >= 1)
            def _():
                pltpu.make_async_copy(bufs[nb], dsl(t - 1), ssems[nb]).wait()

            @pl.when(t % 2 == 0)
            def _():
                @pl.when(t >= 2)
                def _():
                    a, bb = fetch_desc(r + 2)
                    a.wait()
                    bb.wait()
                a, bb = fetch_desc(r + 3)
                a.start()
                bb.start()

            t4 = jnp.minimum(t + 4, NCH - 1)
            pltpu.async_copy(gsrc(t4), bufs[nb], gsems[nb])

        @pl.loop(0, (NCH - 1) // 5)
        def _(i):
            for b in range(5):
                step(5 * i + b, b)

        tl = NCH - 1
        pltpu.make_async_copy(gsrc(tl), bufs[0], gsems[0]).wait()
        pltpu.async_copy(bufs[0], dsl(tl), ssems[0], add=True)
        pltpu.make_async_copy(bufs[4], dsl(tl - 1), ssems[4]).wait()

        pltpu.make_async_copy(bufs[0], dsl(tl), ssems[0]).wait()
        for b in range(1, 4):
            pltpu.make_async_copy(gsrc(tl), bufs[b], gsems[b]).wait()
        a, bb = fetch_desc(NR - 1)
        a.wait()
        bb.wait()

        pltpu.sync_copy(feat_hbm.at[stail], rtail)
        pltpu.sync_copy(rtail, accum.at[dtail], add=True)

        plsc.subcore_barrier()

        pltpu.sync_copy(
            accum.at[pl.ds(s * RPT, RPT)],
            out_hbm.at[c].at[pl.ds(s * RPT, RPT)],
        )

    return k(feat, src_m, src_t, dst_m, dst_t)


def _mm_tc(xin, wa):
    bm = 1000

    def body(x_ref, wa_ref, o_ref):
        o_ref[...] = jnp.dot(x_ref[...], wa_ref[...],
                             preferred_element_type=jnp.float32)

    return pl.pallas_call(
        body,
        grid=(N // bm,),
        in_specs=[
            pl.BlockSpec((bm, D), lambda i: (i, 0)),
            pl.BlockSpec((D, D), lambda i: (0, 0)),
        ],
        out_specs=pl.BlockSpec((bm, D), lambda i: (i, 0)),
        out_shape=jax.ShapeDtypeStruct((N, D), jnp.float32),
    )(xin, wa)


def _layer_tc(xa, pq, wb, do_relu):
    bm = 1000

    def body(xa_ref, p0_ref, p1_ref, wb_ref, o_ref):
        acc = xa_ref[...] + jnp.dot(p0_ref[0] + p1_ref[0], wb_ref[...],
                                    preferred_element_type=jnp.float32)
        if do_relu:
            acc = jnp.maximum(acc, 0.0)
        o_ref[...] = acc

    return pl.pallas_call(
        body,
        grid=(N // bm,),
        in_specs=[
            pl.BlockSpec((bm, D), lambda i: (i, 0)),
            pl.BlockSpec((1, bm, D), lambda i: (0, i, 0)),
            pl.BlockSpec((1, bm, D), lambda i: (1, i, 0)),
            pl.BlockSpec((D, D), lambda i: (0, 0)),
        ],
        out_specs=pl.BlockSpec((bm, D), lambda i: (i, 0)),
        out_shape=jax.ShapeDtypeStruct((N, D), jnp.float32),
    )(xa, pq, pq, wb)


def kernel(X, edge_index, W1, W2):
    e32 = edge_index.astype(jnp.int32).reshape(2, NW, EPW)
    src_m = e32[0, :, : NR * 128].reshape(NW, NR, 128)
    src_t = e32[0, :, NR * 128:]
    dst_m = e32[1, :, : NR * 128].reshape(NW, NR, 128)
    dst_t = e32[1, :, NR * 128:]
    w1t = W1.T
    w2t = W2.T

    p = _spmm_partials(X, src_m, src_t, dst_m, dst_t)
    xa = _mm_tc(X, w1t[:D])
    h = _layer_tc(xa, p, w1t[D:], True)
    q = _spmm_partials(h, src_m, src_t, dst_m, dst_t)
    ha = _mm_tc(h, w2t[:D])
    out = _layer_tc(ha, q, w2t[D:], False)
    return out

# --- scband reference (transcript-rebuilt; emitter-appended) ---
"""Pipeline reference for scband-sagebench-72962904424514 (READ-ONLY COPY).

The authoritative reference and input builder live on the scoring server;
editing this copy changes nothing except your own understanding.
"""

import jax, jax.numpy as jnp
import numpy as np

N_NODES = 10000
N_EDGES = 320000
IN_DIM = 128
HIDDEN_DIM = 128
OUT_DIM = 128


def setup_inputs(seed: int = 0) -> dict:
    key = jax.random.key(seed)
    k1, k2, k3, k4 = jax.random.split(key, 4)
    X = jax.random.normal(k1, (N_NODES, IN_DIM), dtype=jnp.float32)
    edge_index = jax.random.randint(k2, (2, N_EDGES), 0, N_NODES, dtype=jnp.int64)
    # torch nn.Linear weights: W1 [hidden, 2*in], W2 [out, 2*hidden]
    lim1 = 1.0 / np.sqrt(2 * IN_DIM)
    lim2 = 1.0 / np.sqrt(2 * HIDDEN_DIM)
    W1 = jax.random.uniform(k3, (HIDDEN_DIM, 2 * IN_DIM), dtype=jnp.float32, minval=-lim1, maxval=lim1)
    W2 = jax.random.uniform(k4, (OUT_DIM, 2 * HIDDEN_DIM), dtype=jnp.float32, minval=-lim2, maxval=lim2)
    return {"X": X, "edge_index": edge_index, "W1": W1, "W2": W2}


def _spmm(feat, src, dst, num_nodes):
    # Sparse adjacency matmul: out[v] = sum_{(u->v) in E} feat[u]
    gathered = jnp.take(feat, src, axis=0)
    return jax.ops.segment_sum(gathered, dst, num_segments=num_nodes)


def reference(X, edge_index, W1, W2):
    src = edge_index[0]
    dst = edge_index[1]
    n = X.shape[0]
    neigh1 = _spmm(X, src, dst, n)
    h = jnp.concatenate([X, neigh1], axis=1)
    h = jax.nn.relu(h @ W1.T)
    neigh2 = _spmm(h, src, dst, n)
    h = jnp.concatenate([h, neigh2], axis=1)
    out = h @ W2.T
    return out

if __name__ == "__main__":
    import jax
    _d = setup_inputs()
    print(jax.jit(kernel)(*tuple(_d.values())))

</pallas_src>

<mosaic_0001>
#map = affine_map<(d0, d1) -> (0, 0)>
#map1 = affine_map<(d0, d1) -> (0, 0, 0)>
module attributes {stable_mosaic.version = 14 : i64} {
  func.func @k(%arg0: i32, %arg1: i32, %arg2: memref<10000x128xf32, #tpu.memory_space<hbm>>, %arg3: memref<32x78x128xi32, #tpu.memory_space<hbm>>, %arg4: memref<32x16xi32, #tpu.memory_space<hbm>>, %arg5: memref<32x78x128xi32, #tpu.memory_space<hbm>>, %arg6: memref<32x16xi32, #tpu.memory_space<hbm>>, %arg7: memref<2x10240x128xf32, #tpu.memory_space<hbm>>, %arg8: memref<4x128xi32, #tpu.memory_space<vmem>>, %arg9: memref<4x128xi32, #tpu.memory_space<vmem>>, %arg10: memref<16xi32, #tpu.memory_space<vmem>>, %arg11: memref<16xi32, #tpu.memory_space<vmem>>, %arg12: memref<64x128xf32, #tpu.memory_space<vmem>>, %arg13: memref<64x128xf32, #tpu.memory_space<vmem>>, %arg14: memref<64x128xf32, #tpu.memory_space<vmem>>, %arg15: memref<64x128xf32, #tpu.memory_space<vmem>>, %arg16: memref<64x128xf32, #tpu.memory_space<vmem>>, %arg17: memref<16x128xf32, #tpu.memory_space<vmem>>, %arg18: memref<10240x128xf32, #tpu.memory_space<vmem_shared>>, %arg19: memref<!tpu.dma_semaphore, #tpu.memory_space<semaphore_mem>>, %arg20: memref<!tpu.dma_semaphore, #tpu.memory_space<semaphore_mem>>, %arg21: memref<!tpu.dma_semaphore, #tpu.memory_space<semaphore_mem>>, %arg22: memref<!tpu.dma_semaphore, #tpu.memory_space<semaphore_mem>>, %arg23: memref<!tpu.dma_semaphore, #tpu.memory_space<semaphore_mem>>, %arg24: memref<!tpu.dma_semaphore, #tpu.memory_space<semaphore_mem>>, %arg25: memref<!tpu.dma_semaphore, #tpu.memory_space<semaphore_mem>>, %arg26: memref<!tpu.dma_semaphore, #tpu.memory_space<semaphore_mem>>, %arg27: memref<!tpu.dma_semaphore, #tpu.memory_space<semaphore_mem>>, %arg28: memref<!tpu.dma_semaphore, #tpu.memory_space<semaphore_mem>>, %arg29: memref<!tpu.dma_semaphore, #tpu.memory_space<semaphore_mem>>, %arg30: memref<!tpu.dma_semaphore, #tpu.memory_space<semaphore_mem>>) attributes {dimension_semantics = [#tpu.dimension_semantics<core_parallel>, #tpu.dimension_semantics<subcore_parallel>], iteration_bounds = array<i64: 2, 16>, scalar_prefetch = 0 : i64, scratch_operands = 23 : i64, tpu.core_type = #tpu.core_type<sc_vector_subcore>, window_params = [{transform_indices = #map}, {transform_indices = #map1}, {transform_indices = #map}, {transform_indices = #map1}, {transform_indices = #map}, {transform_indices = #map1}]} {
    %mul3A = arith.constant 16 : i32
    %mul3A_0 = arith.muli %arg0, %mul3A : i32
    %add3A = arith.addi %mul3A_0, %arg1 : i32
    "tpu.region"() ({
      %run_scoped3A = tpu.sem_alloc : memref<!tpu.dma_semaphore, #tpu.memory_space<semaphore_mem>>
      %dma_start3A_124 = arith.constant 0 : i32
      %dma_start3A_125 = arith.constant 0 : i32
      %dma_start3A_126 = tpu.memref_slice %arg8[%dma_start3A_124, %dma_start3A_125] : memref<4x128xi32, #tpu.memory_space<vmem>> -> memref<3x128xi32, #tpu.memory_space<vmem>>
      %dma_start3A_127 = arith.constant 0 : i32
      %dma_start3A_128 = arith.constant 0 : i32
      %dma_start3A_129 = tpu.memref_slice %arg3[%add3A, %dma_start3A_127, %dma_start3A_128] : memref<32x78x128xi32, #tpu.memory_space<hbm>> -> memref<1x3x128xi32, #tpu.memory_space<hbm>>
      %dma_start3A_130 = tpu.memref_squeeze %dma_start3A_129 : memref<1x3x128xi32, #tpu.memory_space<hbm>> -> memref<3x128xi32, #tpu.memory_space<hbm>>
      %dma_start3A_131 = arith.constant 0 : i32
      %dma_start3A_132 = arith.constant 0 : i32
      %dma_start3A_133 = tpu.memref_slice %arg8[%dma_start3A_131, %dma_start3A_132] : memref<4x128xi32, #tpu.memory_space<vmem>> -> memref<3x128xi32, #tpu.memory_space<vmem>>
      %dma_start3A_134 = arith.constant 0 : i32
      %dma_start3A_135 = arith.constant 0 : i32
      %dma_start3A_136 = tpu.memref_slice %arg3[%add3A, %dma_start3A_134, %dma_start3A_135] : memref<32x78x128xi32, #tpu.memory_space<hbm>> -> memref<1x3x128xi32, #tpu.memory_space<hbm>>
      %dma_start3A_137 = tpu.memref_squeeze %dma_start3A_136 : memref<1x3x128xi32, #tpu.memory_space<hbm>> -> memref<3x128xi32, #tpu.memory_space<hbm>>
      tpu.enqueue_dma source(%dma_start3A_137 : memref<3x128xi32, #tpu.memory_space<hbm>>) target(%dma_start3A_133 : memref<3x128xi32, #tpu.memory_space<vmem>>) target_semaphore(%run_scoped3A : memref<!tpu.dma_semaphore, #tpu.memory_space<semaphore_mem>>)
      %dma_wait3A_138 = arith.constant 0 : i32
      %dma_wait3A_139 = arith.constant 0 : i32
      %dma_wait3A_140 = tpu.memref_slice %arg8[%dma_wait3A_138, %dma_wait3A_139] : memref<4x128xi32, #tpu.memory_space<vmem>> -> memref<3x128xi32, #tpu.memory_space<vmem>>
      %dma_wait3A_141 = arith.constant 0 : i32
      %dma_wait3A_142 = arith.constant 0 : i32
      %dma_wait3A_143 = tpu.memref_slice %arg3[%add3A, %dma_wait3A_141, %dma_wait3A_142] : memref<32x78x128xi32, #tpu.memory_space<hbm>> -> memref<1x3x128xi32, #tpu.memory_space<hbm>>
      %dma_wait3A_144 = tpu.memref_squeeze %dma_wait3A_143 : memref<1x3x128xi32, #tpu.memory_space<hbm>> -> memref<3x128xi32, #tpu.memory_space<hbm>>
      %dma_wait3A_145 = arith.constant 0 : i32
      %dma_wait3A_146 = arith.constant 0 : i32
      %dma_wait3A_147 = tpu.memref_slice %arg8[%dma_wait3A_145, %dma_wait3A_146] : memref<4x128xi32, #tpu.memory_space<vmem>> -> memref<3x128xi32, #tpu.memory_space<vmem>>
      %dma_wait3A_148 = arith.constant 0 : i32
      %dma_wait3A_149 = arith.constant 0 : i32
      %dma_wait3A_150 = tpu.memref_slice %arg3[%add3A, %dma_wait3A_148, %dma_wait3A_149] : memref<32x78x128xi32, #tpu.memory_space<hbm>> -> memref<1x3x128xi32, #tpu.memory_space<hbm>>
      %dma_wait3A_151 = tpu.memref_squeeze %dma_wait3A_150 : memref<1x3x128xi32, #tpu.memory_space<hbm>> -> memref<3x128xi32, #tpu.memory_space<hbm>>
      tpu.wait_dma2 semaphore(%run_scoped3A : memref<!tpu.dma_semaphore, #tpu.memory_space<semaphore_mem>>) src(%dma_wait3A_151 : memref<3x128xi32, #tpu.memory_space<hbm>>) dst(%dma_wait3A_147 : memref<3x128xi32, #tpu.memory_space<vmem>>)
      tpu.yield
    }) : () -> ()
    "tpu.region"() ({
      %run_scoped3A = tpu.sem_alloc : memref<!tpu.dma_semaphore, #tpu.memory_space<semaphore_mem>>
      %dma_start3A_124 = arith.constant 0 : i32
      %dma_start3A_125 = arith.constant 0 : i32
      %dma_start3A_126 = tpu.memref_slice %arg9[%dma_start3A_124, %dma_start3A_125] : memref<4x128xi32, #tpu.memory_space<vmem>> -> memref<3x128xi32, #tpu.memory_space<vmem>>
      %dma_start3A_127 = arith.constant 0 : i32
      %dma_start3A_128 = arith.constant 0 : i32
      %dma_start3A_129 = tpu.memref_slice %arg5[%add3A, %dma_start3A_127, %dma_start3A_128] : memref<32x78x128xi32, #tpu.memory_space<hbm>> -> memref<1x3x128xi32, #tpu.memory_space<hbm>>
      %dma_start3A_130 = tpu.memref_squeeze %dma_start3A_129 : memref<1x3x128xi32, #tpu.memory_space<hbm>> -> memref<3x128xi32, #tpu.memory_space<hbm>>
      %dma_start3A_131 = arith.constant 0 : i32
      %dma_start3A_132 = arith.constant 0 : i32
      %dma_start3A_133 = tpu.memref_slice %arg9[%dma_start3A_131, %dma_start3A_132] : memref<4x128xi32, #tpu.memory_space<vmem>> -> memref<3x128xi32, #tpu.memory_space<vmem>>
      %dma_start3A_134 = arith.constant 0 : i32
      %dma_start3A_135 = arith.constant 0 : i32
      %dma_start3A_136 = tpu.memref_slice %arg5[%add3A, %dma_start3A_134, %dma_start3A_135] : memref<32x78x128xi32, #tpu.memory_space<hbm>> -> memref<1x3x128xi32, #tpu.memory_space<hbm>>
      %dma_start3A_137 = tpu.memref_squeeze %dma_start3A_136 : memref<1x3x128xi32, #tpu.memory_space<hbm>> -> memref<3x128xi32, #tpu.memory_space<hbm>>
      tpu.enqueue_dma source(%dma_start3A_137 : memref<3x128xi32, #tpu.memory_space<hbm>>) target(%dma_start3A_133 : memref<3x128xi32, #tpu.memory_space<vmem>>) target_semaphore(%run_scoped3A : memref<!tpu.dma_semaphore, #tpu.memory_space<semaphore_mem>>)
      %dma_wait3A_138 = arith.constant 0 : i32
      %dma_wait3A_139 = arith.constant 0 : i32
      %dma_wait3A_140 = tpu.memref_slice %arg9[%dma_wait3A_138, %dma_wait3A_139] : memref<4x128xi32, #tpu.memory_space<vmem>> -> memref<3x128xi32, #tpu.memory_space<vmem>>
      %dma_wait3A_141 = arith.constant 0 : i32
      %dma_wait3A_142 = arith.constant 0 : i32
      %dma_wait3A_143 = tpu.memref_slice %arg5[%add3A, %dma_wait3A_141, %dma_wait3A_142] : memref<32x78x128xi32, #tpu.memory_space<hbm>> -> memref<1x3x128xi32, #tpu.memory_space<hbm>>
      %dma_wait3A_144 = tpu.memref_squeeze %dma_wait3A_143 : memref<1x3x128xi32, #tpu.memory_space<hbm>> -> memref<3x128xi32, #tpu.memory_space<hbm>>
      %dma_wait3A_145 = arith.constant 0 : i32
      %dma_wait3A_146 = arith.constant 0 : i32
      %dma_wait3A_147 = tpu.memref_slice %arg9[%dma_wait3A_145, %dma_wait3A_146] : memref<4x128xi32, #tpu.memory_space<vmem>> -> memref<3x128xi32, #tpu.memory_space<vmem>>
      %dma_wait3A_148 = arith.constant 0 : i32
      %dma_wait3A_149 = arith.constant 0 : i32
      %dma_wait3A_150 = tpu.memref_slice %arg5[%add3A, %dma_wait3A_148, %dma_wait3A_149] : memref<32x78x128xi32, #tpu.memory_space<hbm>> -> memref<1x3x128xi32, #tpu.memory_space<hbm>>
      %dma_wait3A_151 = tpu.memref_squeeze %dma_wait3A_150 : memref<1x3x128xi32, #tpu.memory_space<hbm>> -> memref<3x128xi32, #tpu.memory_space<hbm>>
      tpu.wait_dma2 semaphore(%run_scoped3A : memref<!tpu.dma_semaphore, #tpu.memory_space<semaphore_mem>>) src(%dma_wait3A_151 : memref<3x128xi32, #tpu.memory_space<hbm>>) dst(%dma_wait3A_147 : memref<3x128xi32, #tpu.memory_space<vmem>>)
      tpu.yield
    }) : () -> ()
    "tpu.region"() ({
      %run_scoped3A = tpu.sem_alloc : memref<!tpu.dma_semaphore, #tpu.memory_space<semaphore_mem>>
      %dma_start3A_124 = arith.constant 0 : i32
      %dma_start3A_125 = tpu.memref_slice %arg4[%add3A, %dma_start3A_124] : memref<32x16xi32, #tpu.memory_space<hbm>> -> memref<1x16xi32, #tpu.memory_space<hbm>>
      %dma_start3A_126 = tpu.memref_squeeze %dma_start3A_125 : memref<1x16xi32, #tpu.memory_space<hbm>> -> memref<16xi32, #tpu.memory_space<hbm>>
      %dma_start3A_127 = arith.constant 0 : i32
      %dma_start3A_128 = tpu.memref_slice %arg4[%add3A, %dma_start3A_127] : memref<32x16xi32, #tpu.memory_space<hbm>> -> memref<1x16xi32, #tpu.memory_space<hbm>>
      %dma_start3A_129 = tpu.memref_squeeze %dma_start3A_128 : memref<1x16xi32, #tpu.memory_space<hbm>> -> memref<16xi32, #tpu.memory_space<hbm>>
      tpu.enqueue_dma source(%dma_start3A_129 : memref<16xi32, #tpu.memory_space<hbm>>) target(%arg10 : memref<16xi32, #tpu.memory_space<vmem>>) target_semaphore(%run_scoped3A : memref<!tpu.dma_semaphore, #tpu.memory_space<semaphore_mem>>)
      %dma_wait3A_130 = arith.constant 0 : i32
      %dma_wait3A_131 = tpu.memref_slice %arg4[%add3A, %dma_wait3A_130] : memref<32x16xi32, #tpu.memory_space<hbm>> -> memref<1x16xi32, #tpu.memory_space<hbm>>
      %dma_wait3A_132 = tpu.memref_squeeze %dma_wait3A_131 : memref<1x16xi32, #tpu.memory_space<hbm>> -> memref<16xi32, #tpu.memory_space<hbm>>
      %dma_wait3A_133 = arith.constant 0 : i32
      %dma_wait3A_134 = tpu.memref_slice %arg4[%add3A, %dma_wait3A_133] : memref<32x16xi32, #tpu.memory_space<hbm>> -> memref<1x16xi32, #tpu.memory_space<hbm>>
      %dma_wait3A_135 = tpu.memref_squeeze %dma_wait3A_134 : memref<1x16xi32, #tpu.memory_space<hbm>> -> memref<16xi32, #tpu.memory_space<hbm>>
      tpu.wait_dma2 semaphore(%run_scoped3A : memref<!tpu.dma_semaphore, #tpu.memory_space<semaphore_mem>>) src(%dma_wait3A_135 : memref<16xi32, #tpu.memory_space<hbm>>) dst(%arg10 : memref<16xi32, #tpu.memory_space<vmem>>)
      tpu.yield
    }) : () -> ()
    "tpu.region"() ({
      %run_scoped3A = tpu.sem_alloc : memref<!tpu.dma_semaphore, #tpu.memory_space<semaphore_mem>>
      %dma_start3A_124 = arith.constant 0 : i32
      %dma_start3A_125 = tpu.memref_slice %arg6[%add3A, %dma_start3A_124] : memref<32x16xi32, #tpu.memory_space<hbm>> -> memref<1x16xi32, #tpu.memory_space<hbm>>
      %dma_start3A_126 = tpu.memref_squeeze %dma_start3A_125 : memref<1x16xi32, #tpu.memory_space<hbm>> -> memref<16xi32, #tpu.memory_space<hbm>>
      %dma_start3A_127 = arith.constant 0 : i32
      %dma_start3A_128 = tpu.memref_slice %arg6[%add3A, %dma_start3A_127] : memref<32x16xi32, #tpu.memory_space<hbm>> -> memref<1x16xi32, #tpu.memory_space<hbm>>
      %dma_start3A_129 = tpu.memref_squeeze %dma_start3A_128 : memref<1x16xi32, #tpu.memory_space<hbm>> -> memref<16xi32, #tpu.memory_space<hbm>>
      tpu.enqueue_dma source(%dma_start3A_129 : memref<16xi32, #tpu.memory_space<hbm>>) target(%arg11 : memref<16xi32, #tpu.memory_space<vmem>>) target_semaphore(%run_scoped3A : memref<!tpu.dma_semaphore, #tpu.memory_space<semaphore_mem>>)
      %dma_wait3A_130 = arith.constant 0 : i32
      %dma_wait3A_131 = tpu.memref_slice %arg6[%add3A, %dma_wait3A_130] : memref<32x16xi32, #tpu.memory_space<hbm>> -> memref<1x16xi32, #tpu.memory_space<hbm>>
      %dma_wait3A_132 = tpu.memref_squeeze %dma_wait3A_131 : memref<1x16xi32, #tpu.memory_space<hbm>> -> memref<16xi32, #tpu.memory_space<hbm>>
      %dma_wait3A_133 = arith.constant 0 : i32
      %dma_wait3A_134 = tpu.memref_slice %arg6[%add3A, %dma_wait3A_133] : memref<32x16xi32, #tpu.memory_space<hbm>> -> memref<1x16xi32, #tpu.memory_space<hbm>>
      %dma_wait3A_135 = tpu.memref_squeeze %dma_wait3A_134 : memref<1x16xi32, #tpu.memory_space<hbm>> -> memref<16xi32, #tpu.memory_space<hbm>>
      tpu.wait_dma2 semaphore(%run_scoped3A : memref<!tpu.dma_semaphore, #tpu.memory_space<semaphore_mem>>) src(%dma_wait3A_135 : memref<16xi32, #tpu.memory_space<hbm>>) dst(%arg11 : memref<16xi32, #tpu.memory_space<vmem>>)
      tpu.yield
    }) : () -> ()
    %dma_start3A = arith.constant 0 : i32
    %dma_start3A_1 = arith.constant 0 : i32
    %dma_start3A_2 = tpu.memref_slice %arg8[%dma_start3A, %dma_start3A_1] : memref<4x128xi32, #tpu.memory_space<vmem>> -> memref<1x64xi32, #tpu.memory_space<vmem>>
    %dma_start3A_3 = tpu.memref_squeeze %dma_start3A_2 : memref<1x64xi32, #tpu.memory_space<vmem>> -> memref<64xi32, #tpu.memory_space<vmem>>
    %dma_start3A_4 = arith.constant 0 : i32
    %dma_start3A_5 = arith.constant 0 : i32
    %dma_start3A_6 = tpu.memref_slice %arg2[%dma_start3A_4, %dma_start3A_5] : memref<10000x128xf32, #tpu.memory_space<hbm>> -> memref<10000x128xf32, #tpu.memory_space<hbm>>
    tpu.enqueue_indirect_dma source(%dma_start3A_6 : memref<10000x128xf32, #tpu.memory_space<hbm>>) target(%arg12 : memref<64x128xf32, #tpu.memory_space<vmem>>) offsets(%dma_start3A_3 : memref<64xi32, #tpu.memory_space<vmem>>) semaphore(%arg21 : memref<!tpu.dma_semaphore, #tpu.memory_space<semaphore_mem>>)
    %dma_start3A_7 = arith.constant 0 : i32
    %dma_start3A_8 = arith.constant 64 : i32
    %dma_start3A_9 = tpu.memref_slice %arg8[%dma_start3A_7, %dma_start3A_8] : memref<4x128xi32, #tpu.memory_space<vmem>> -> memref<1x64xi32, #tpu.memory_space<vmem>>
    %dma_start3A_10 = tpu.memref_squeeze %dma_start3A_9 : memref<1x64xi32, #tpu.memory_space<vmem>> -> memref<64xi32, #tpu.memory_space<vmem>>
    %dma_start3A_11 = arith.constant 0 : i32
    %dma_start3A_12 = arith.constant 0 : i32
    %dma_start3A_13 = tpu.memref_slice %arg2[%dma_start3A_11, %dma_start3A_12] : memref<10000x128xf32, #tpu.memory_space<hbm>> -> memref<10000x128xf32, #tpu.memory_space<hbm>>
    tpu.enqueue_indirect_dma source(%dma_start3A_13 : memref<10000x128xf32, #tpu.memory_space<hbm>>) target(%arg13 : memref<64x128xf32, #tpu.memory_space<vmem>>) offsets(%dma_start3A_10 : memref<64xi32, #tpu.memory_space<vmem>>) semaphore(%arg22 : memref<!tpu.dma_semaphore, #tpu.memory_space<semaphore_mem>>)
    %dma_start3A_14 = arith.constant 1 : i32
    %dma_start3A_15 = arith.constant 0 : i32
    %dma_start3A_16 = tpu.memref_slice %arg8[%dma_start3A_14, %dma_start3A_15] : memref<4x128xi32, #tpu.memory_space<vmem>> -> memref<1x64xi32, #tpu.memory_space<vmem>>
    %dma_start3A_17 = tpu.memref_squeeze %dma_start3A_16 : memref<1x64xi32, #tpu.memory_space<vmem>> -> memref<64xi32, #tpu.memory_space<vmem>>
    %dma_start3A_18 = arith.constant 0 : i32
    %dma_start3A_19 = arith.constant 0 : i32
    %dma_start3A_20 = tpu.memref_slice %arg2[%dma_start3A_18, %dma_start3A_19] : memref<10000x128xf32, #tpu.memory_space<hbm>> -> memref<10000x128xf32, #tpu.memory_space<hbm>>
    tpu.enqueue_indirect_dma source(%dma_start3A_20 : memref<10000x128xf32, #tpu.memory_space<hbm>>) target(%arg14 : memref<64x128xf32, #tpu.memory_space<vmem>>) offsets(%dma_start3A_17 : memref<64xi32, #tpu.memory_space<vmem>>) semaphore(%arg23 : memref<!tpu.dma_semaphore, #tpu.memory_space<semaphore_mem>>)
    %dma_start3A_21 = arith.constant 1 : i32
    %dma_start3A_22 = arith.constant 64 : i32
    %dma_start3A_23 = tpu.memref_slice %arg8[%dma_start3A_21, %dma_start3A_22] : memref<4x128xi32, #tpu.memory_space<vmem>> -> memref<1x64xi32, #tpu.memory_space<vmem>>
    %dma_start3A_24 = tpu.memref_squeeze %dma_start3A_23 : memref<1x64xi32, #tpu.memory_space<vmem>> -> memref<64xi32, #tpu.memory_space<vmem>>
    %dma_start3A_25 = arith.constant 0 : i32
    %dma_start3A_26 = arith.constant 0 : i32
    %dma_start3A_27 = tpu.memref_slice %arg2[%dma_start3A_25, %dma_start3A_26] : memref<10000x128xf32, #tpu.memory_space<hbm>> -> memref<10000x128xf32, #tpu.memory_space<hbm>>
    tpu.enqueue_indirect_dma source(%dma_start3A_27 : memref<10000x128xf32, #tpu.memory_space<hbm>>) target(%arg15 : memref<64x128xf32, #tpu.memory_space<vmem>>) offsets(%dma_start3A_24 : memref<64xi32, #tpu.memory_space<vmem>>) semaphore(%arg24 : memref<!tpu.dma_semaphore, #tpu.memory_space<semaphore_mem>>)
    %broadcast_in_dim3A = arith.constant 0.000000e+00 : f32
    %broadcast_in_dim3A_28 = vector.broadcast %broadcast_in_dim3A : f32 to vector<16xf32>
    %scan3A = arith.constant 0 : i32
    %scan3A_29 = arith.constant 64 : i32
    %scan3A_30 = arith.addi %scan3A, %scan3A_29 : i32
    %scan3A_31 = arith.constant 1 : i32
    scf.for %scan3A_124 = %scan3A to %scan3A_30 step %scan3A_31  : i32 {
      %mul3A_125 = arith.constant 1 : i32
      %mul3A_126 = arith.muli %scan3A_124, %mul3A_125 : i32
      %add3A_127 = arith.constant 0 : i32
      %add3A_128 = arith.addi %add3A_127, %mul3A_126 : i32
      %swap3A = arith.index_cast %add3A_128 : i32 to index
      %swap3A_129 = arith.constant 0 : index
      %swap3A_130 = tpu.vector_load %arg16[%swap3A, %swap3A_129] {strides = array<i32>} : memref<64x128xf32, #tpu.memory_space<vmem>>, vector<1x16xf32>,
      %swap3A_131 = vector.shape_cast %swap3A_130 : vector<1x16xf32> to vector<16xf32>
      %swap3A_132 = vector.shape_cast %broadcast_in_dim3A_28 : vector<16xf32> to vector<1x16xf32>
      tpu.vector_store %arg16[%swap3A, %swap3A_129], %swap3A_132 {strides = array<i32>} : memref<64x128xf32, #tpu.memory_space<vmem>>, vector<1x16xf32>,
      %swap3A_133 = arith.index_cast %add3A_128 : i32 to index
      %swap3A_134 = arith.constant 16 : index
      %swap3A_135 = tpu.vector_load %arg16[%swap3A_133, %swap3A_134] {strides = array<i32>} : memref<64x128xf32, #tpu.memory_space<vmem>>, vector<1x16xf32>,
      %swap3A_136 = vector.shape_cast %swap3A_135 : vector<1x16xf32> to vector<16xf32>
      %swap3A_137 = vector.shape_cast %broadcast_in_dim3A_28 : vector<16xf32> to vector<1x16xf32>
      tpu.vector_store %arg16[%swap3A_133, %swap3A_134], %swap3A_137 {strides = array<i32>} : memref<64x128xf32, #tpu.memory_space<vmem>>, vector<1x16xf32>,
      %swap3A_138 = arith.index_cast %add3A_128 : i32 to index
      %swap3A_139 = arith.constant 32 : index
      %swap3A_140 = tpu.vector_load %arg16[%swap3A_138, %swap3A_139] {strides = array<i32>} : memref<64x128xf32, #tpu.memory_space<vmem>>, vector<1x16xf32>,
      %swap3A_141 = vector.shape_cast %swap3A_140 : vector<1x16xf32> to vector<16xf32>
      %swap3A_142 = vector.shape_cast %broadcast_in_dim3A_28 : vector<16xf32> to vector<1x16xf32>
      tpu.vector_store %arg16[%swap3A_138, %swap3A_139], %swap3A_142 {strides = array<i32>} : memref<64x128xf32, #tpu.memory_space<vmem>>, vector<1x16xf32>,
      %swap3A_143 = arith.index_cast %add3A_128 : i32 to index
      %swap3A_144 = arith.constant 48 : index
      %swap3A_145 = tpu.vector_load %arg16[%swap3A_143, %swap3A_144] {strides = array<i32>} : memref<64x128xf32, #tpu.memory_space<vmem>>, vector<1x16xf32>,
      %swap3A_146 = vector.shape_cast %swap3A_145 : vector<1x16xf32> to vector<16xf32>
      %swap3A_147 = vector.shape_cast %broadcast_in_dim3A_28 : vector<16xf32> to vector<1x16xf32>
      tpu.vector_store %arg16[%swap3A_143, %swap3A_144], %swap3A_147 {strides = array<i32>} : memref<64x128xf32, #tpu.memory_space<vmem>>, vector<1x16xf32>,
      %swap3A_148 = arith.index_cast %add3A_128 : i32 to index
      %swap3A_149 = arith.constant 64 : index
      %swap3A_150 = tpu.vector_load %arg16[%swap3A_148, %swap3A_149] {strides = array<i32>} : memref<64x128xf32, #tpu.memory_space<vmem>>, vector<1x16xf32>,
      %swap3A_151 = vector.shape_cast %swap3A_150 : vector<1x16xf32> to vector<16xf32>
      %swap3A_152 = vector.shape_cast %broadcast_in_dim3A_28 : vector<16xf32> to vector<1x16xf32>
      tpu.vector_store %arg16[%swap3A_148, %swap3A_149], %swap3A_152 {strides = array<i32>} : memref<64x128xf32, #tpu.memory_space<vmem>>, vector<1x16xf32>,
      %swap3A_153 = arith.index_cast %add3A_128 : i32 to index
      %swap3A_154 = arith.constant 80 : index
      %swap3A_155 = tpu.vector_load %arg16[%swap3A_153, %swap3A_154] {strides = array<i32>} : memref<64x128xf32, #tpu.memory_space<vmem>>, vector<1x16xf32>,
      %swap3A_156 = vector.shape_cast %swap3A_155 : vector<1x16xf32> to vector<16xf32>
      %swap3A_157 = vector.shape_cast %broadcast_in_dim3A_28 : vector<16xf32> to vector<1x16xf32>
      tpu.vector_store %arg16[%swap3A_153, %swap3A_154], %swap3A_157 {strides = array<i32>} : memref<64x128xf32, #tpu.memory_space<vmem>>, vector<1x16xf32>,
      %swap3A_158 = arith.index_cast %add3A_128 : i32 to index
      %swap3A_159 = arith.constant 96 : index
      %swap3A_160 = tpu.vector_load %arg16[%swap3A_158, %swap3A_159] {strides = array<i32>} : memref<64x128xf32, #tpu.memory_space<vmem>>, vector<1x16xf32>,
      %swap3A_161 = vector.shape_cast %swap3A_160 : vector<1x16xf32> to vector<16xf32>
      %swap3A_162 = vector.shape_cast %broadcast_in_dim3A_28 : vector<16xf32> to vector<1x16xf32>
      tpu.vector_store %arg16[%swap3A_158, %swap3A_159], %swap3A_162 {strides = array<i32>} : memref<64x128xf32, #tpu.memory_space<vmem>>, vector<1x16xf32>,
      %swap3A_163 = arith.index_cast %add3A_128 : i32 to index
      %swap3A_164 = arith.constant 112 : index
      %swap3A_165 = tpu.vector_load %arg16[%swap3A_163, %swap3A_164] {strides = array<i32>} : memref<64x128xf32, #tpu.memory_space<vmem>>, vector<1x16xf32>,
      %swap3A_166 = vector.shape_cast %swap3A_165 : vector<1x16xf32> to vector<16xf32>
      %swap3A_167 = vector.shape_cast %broadcast_in_dim3A_28 : vector<16xf32> to vector<1x16xf32>
      tpu.vector_store %arg16[%swap3A_163, %swap3A_164], %swap3A_167 {strides = array<i32>} : memref<64x128xf32, #tpu.memory_space<vmem>>, vector<1x16xf32>,
    }
    %scan3A_32 = arith.constant 64 : i32
    %scan3A_33 = arith.constant 0 : i32
    %scan3A_34 = arith.constant 10 : i32
    %scan3A_35 = arith.addi %scan3A_33, %scan3A_34 : i32
    %scan3A_36 = arith.constant 1 : i32
    scf.for %scan3A_124 = %scan3A_33 to %scan3A_35 step %scan3A_36  : i32 {
      %mul3A_125 = arith.constant 1 : i32
      %mul3A_126 = arith.muli %scan3A_124, %mul3A_125 : i32
      %add3A_127 = arith.constant 0 : i32
      %add3A_128 = arith.addi %add3A_127, %mul3A_126 : i32
      %mul3A_129 = arith.constant 640 : i32
      %mul3A_130 = arith.muli %arg1, %mul3A_129 : i32
      %mul3A_131 = arith.constant 64 : i32
      %mul3A_132 = arith.muli %add3A_128, %mul3A_131 : i32
      %add3A_133 = arith.addi %mul3A_130, %mul3A_132 : i32
      "tpu.region"() ({
        %run_scoped3A = tpu.sem_alloc : memref<!tpu.dma_semaphore, #tpu.memory_space<semaphore_mem>>
        %dma_start3A_134 = arith.constant 0 : i32
        %dma_start3A_135 = tpu.memref_slice %arg18[%add3A_133, %dma_start3A_134] : memref<10240x128xf32, #tpu.memory_space<vmem_shared>> -> memref<64x128xf32, #tpu.memory_space<vmem_shared>>
        %dma_start3A_136 = arith.constant 0 : i32
        %dma_start3A_137 = tpu.memref_slice %arg18[%add3A_133, %dma_start3A_136] : memref<10240x128xf32, #tpu.memory_space<vmem_shared>> -> memref<64x128xf32, #tpu.memory_space<vmem_shared>>
        tpu.enqueue_dma source(%arg16 : memref<64x128xf32, #tpu.memory_space<vmem>>) target(%dma_start3A_137 : memref<64x128xf32, #tpu.memory_space<vmem_shared>>) target_semaphore(%run_scoped3A : memref<!tpu.dma_semaphore, #tpu.memory_space<semaphore_mem>>)
        %dma_wait3A_138 = arith.constant 0 : i32
        %dma_wait3A_139 = tpu.memref_slice %arg18[%add3A_133, %dma_wait3A_138] : memref<10240x128xf32, #tpu.memory_space<vmem_shared>> -> memref<64x128xf32, #tpu.memory_space<vmem_shared>>
        %dma_wait3A_140 = arith.constant 0 : i32
        %dma_wait3A_141 = tpu.memref_slice %arg18[%add3A_133, %dma_wait3A_140] : memref<10240x128xf32, #tpu.memory_space<vmem_shared>> -> memref<64x128xf32, #tpu.memory_space<vmem_shared>>
        tpu.wait_dma2 semaphore(%run_scoped3A : memref<!tpu.dma_semaphore, #tpu.memory_space<semaphore_mem>>) src(%arg16 : memref<64x128xf32, #tpu.memory_space<vmem>>) dst(%dma_wait3A_141 : memref<64x128xf32, #tpu.memory_space<vmem_shared>>)
        tpu.yield
      }) : () -> ()
    }
    %scan3A_37 = arith.constant 10 : i32
    %barrier3A = arith.constant 0 : index
    tpu.barrier barrier_id(%barrier3A)
    %scan3A_38 = arith.constant 0 : i32
    %scan3A_39 = arith.constant 31 : i32
    %scan3A_40 = arith.addi %scan3A_38, %scan3A_39 : i32
    %scan3A_41 = arith.constant 1 : i32
    scf.for %scan3A_124 = %scan3A_38 to %scan3A_40 step %scan3A_41  : i32 {
      %mul3A_125 = arith.constant 1 : i32
      %mul3A_126 = arith.muli %scan3A_124, %mul3A_125 : i32
      %add3A_127 = arith.constant 0 : i32
      %add3A_128 = arith.addi %add3A_127, %mul3A_126 : i32
      %mul3A_129 = arith.constant 5 : i32
      %mul3A_130 = arith.muli %mul3A_129, %add3A_128 : i32
      %add3A_131 = arith.constant 0 : i32
      %add3A_132 = arith.addi %mul3A_130, %add3A_131 : i32
      %jit3A = arith.constant 2 : i32
      %div3A = arith.divsi %add3A_132, %jit3A : i32
      %sign3A = arith.constant 0 : i32
      %sign3A_133 = arith.cmpi sgt, %add3A_132, %sign3A : i32
      %sign3A_134 = arith.extui %sign3A_133 : i1 to i32
      %sign3A_135 = arith.constant 0 : i32
      %sign3A_136 = arith.cmpi slt, %add3A_132, %sign3A_135 : i32
      %sign3A_137 = arith.extui %sign3A_136 : i1 to i32
      %sign3A_138 = arith.subi %sign3A_134, %sign3A_137 : i32
      %sign3A_139 = arith.constant 0 : i32
      %sign3A_140 = arith.cmpi sgt, %jit3A, %sign3A_139 : i32
      %sign3A_141 = arith.extui %sign3A_140 : i1 to i32
      %sign3A_142 = arith.constant 0 : i32
      %sign3A_143 = arith.cmpi slt, %jit3A, %sign3A_142 : i32
      %sign3A_144 = arith.extui %sign3A_143 : i1 to i32
      %sign3A_145 = arith.subi %sign3A_141, %sign3A_144 : i32
      %ne3A = arith.cmpi ne, %sign3A_138, %sign3A_145 : i32
      %rem3A = arith.remsi %add3A_132, %jit3A : i32
      %ne3A_146 = arith.constant 0 : i32
      %ne3A_147 = arith.cmpi ne, %rem3A, %ne3A_146 : i32
      %and3A = arith.andi %ne3A, %ne3A_147 : i1
      %sub3A = arith.constant 1 : i32
      %sub3A_148 = arith.subi %div3A, %sub3A : i32
      %select_n3A = arith.select %and3A, %sub3A_148, %div3A : i32
      %jit3A_149 = arith.constant 2 : i32
      %div3A_150 = arith.divsi %add3A_132, %jit3A_149 : i32
      %sign3A_151 = arith.constant 0 : i32
      %sign3A_152 = arith.cmpi sgt, %add3A_132, %sign3A_151 : i32
      %sign3A_153 = arith.extui %sign3A_152 : i1 to i32
      %sign3A_154 = arith.constant 0 : i32
      %sign3A_155 = arith.cmpi slt, %add3A_132, %sign3A_154 : i32
      %sign3A_156 = arith.extui %sign3A_155 : i1 to i32
      %sign3A_157 = arith.subi %sign3A_153, %sign3A_156 : i32
      %sign3A_158 = arith.constant 0 : i32
      %sign3A_159 = arith.cmpi sgt, %jit3A_149, %sign3A_158 : i32
      %sign3A_160 = arith.extui %sign3A_159 : i1 to i32
      %sign3A_161 = arith.constant 0 : i32
      %sign3A_162 = arith.cmpi slt, %jit3A_149, %sign3A_161 : i32
      %sign3A_163 = arith.extui %sign3A_162 : i1 to i32
      %sign3A_164 = arith.subi %sign3A_160, %sign3A_163 : i32
      %ne3A_165 = arith.cmpi ne, %sign3A_157, %sign3A_164 : i32
      %rem3A_166 = arith.remsi %add3A_132, %jit3A_149 : i32
      %ne3A_167 = arith.constant 0 : i32
      %ne3A_168 = arith.cmpi ne, %rem3A_166, %ne3A_167 : i32
      %and3A_169 = arith.andi %ne3A_165, %ne3A_168 : i1
      %sub3A_170 = arith.constant 1 : i32
      %sub3A_171 = arith.subi %div3A_150, %sub3A_170 : i32
      %select_n3A_172 = arith.select %and3A_169, %sub3A_171, %div3A_150 : i32
      %jit3A_173 = arith.constant 4 : i32
      %eq3A = arith.constant 0 : i32
      %eq3A_174 = arith.cmpi eq, %jit3A_173, %eq3A : i32
      %jit3A_175 = arith.constant 1 : i32
      %select_n3A_176 = arith.select %eq3A_174, %jit3A_175, %jit3A_173 : i32
      %rem3A_177 = arith.remsi %select_n3A_172, %select_n3A_176 : i32
      %ne3A_178 = arith.constant 0 : i32
      %ne3A_179 = arith.cmpi ne, %rem3A_177, %ne3A_178 : i32
      %lt3A = arith.constant 0 : i32
      %lt3A_180 = arith.cmpi slt, %rem3A_177, %lt3A : i32
      %lt3A_181 = arith.constant 0 : i32
      %lt3A_182 = arith.cmpi slt, %select_n3A_176, %lt3A_181 : i32
      %ne3A_183 = arith.xori %lt3A_180, %lt3A_182 : i1
      %and3A_184 = arith.andi %ne3A_183, %ne3A_179 : i1
      %add3A_185 = arith.addi %rem3A_177, %select_n3A_176 : i32
      %select_n3A_186 = arith.select %and3A_184, %add3A_185, %rem3A_177 : i32
      %jit3A_187 = arith.constant 2 : i32
      %eq3A_188 = arith.constant 0 : i32
      %eq3A_189 = arith.cmpi eq, %jit3A_187, %eq3A_188 : i32
      %jit3A_190 = arith.constant 1 : i32
      %select_n3A_191 = arith.select %eq3A_189, %jit3A_190, %jit3A_187 : i32
      %rem3A_192 = arith.remsi %add3A_132, %select_n3A_191 : i32
      %ne3A_193 = arith.constant 0 : i32
      %ne3A_194 = arith.cmpi ne, %rem3A_192, %ne3A_193 : i32
      %lt3A_195 = arith.constant 0 : i32
      %lt3A_196 = arith.cmpi slt, %rem3A_192, %lt3A_195 : i32
      %lt3A_197 = arith.constant 0 : i32
      %lt3A_198 = arith.cmpi slt, %select_n3A_191, %lt3A_197 : i32
      %ne3A_199 = arith.xori %lt3A_196, %lt3A_198 : i1
      %and3A_200 = arith.andi %ne3A_199, %ne3A_194 : i1
      %add3A_201 = arith.addi %rem3A_192, %select_n3A_191 : i32
      %select_n3A_202 = arith.select %and3A_200, %add3A_201, %rem3A_192 : i32
      %mul3A_203 = arith.constant 64 : i32
      %mul3A_204 = arith.muli %select_n3A_202, %mul3A_203 : i32
      %dma_wait3A_205 = tpu.memref_slice %arg8[%select_n3A_186, %mul3A_204] : memref<4x128xi32, #tpu.memory_space<vmem>> -> memref<1x64xi32, #tpu.memory_space<vmem>>
      %dma_wait3A_206 = tpu.memref_squeeze %dma_wait3A_205 : memref<1x64xi32, #tpu.memory_space<vmem>> -> memref<64xi32, #tpu.memory_space<vmem>>
      %dma_wait3A_207 = arith.constant 0 : i32
      %dma_wait3A_208 = arith.constant 0 : i32
      %dma_wait3A_209 = tpu.memref_slice %arg2[%dma_wait3A_207, %dma_wait3A_208] : memref<10000x128xf32, #tpu.memory_space<hbm>> -> memref<10000x128xf32, #tpu.memory_space<hbm>>
      tpu.wait_indirect_dma semaphore(%arg21 : memref<!tpu.dma_semaphore, #tpu.memory_space<semaphore_mem>>) src(%dma_wait3A_209 : memref<10000x128xf32, #tpu.memory_space<hbm>>) dst(%arg12 : memref<64x128xf32, #tpu.memory_space<vmem>>)
      %jit3A_210 = arith.constant 2 : i32
      %div3A_211 = arith.divsi %add3A_132, %jit3A_210 : i32
      %sign3A_212 = arith.constant 0 : i32
      %sign3A_213 = arith.cmpi sgt, %add3A_132, %sign3A_212 : i32
      %sign3A_214 = arith.extui %sign3A_213 : i1 to i32
      %sign3A_215 = arith.constant 0 : i32
      %sign3A_216 = arith.cmpi slt, %add3A_132, %sign3A_215 : i32
      %sign3A_217 = arith.extui %sign3A_216 : i1 to i32
      %sign3A_218 = arith.subi %sign3A_214, %sign3A_217 : i32
      %sign3A_219 = arith.constant 0 : i32
      %sign3A_220 = arith.cmpi sgt, %jit3A_210, %sign3A_219 : i32
      %sign3A_221 = arith.extui %sign3A_220 : i1 to i32
      %sign3A_222 = arith.constant 0 : i32
      %sign3A_223 = arith.cmpi slt, %jit3A_210, %sign3A_222 : i32
      %sign3A_224 = arith.extui %sign3A_223 : i1 to i32
      %sign3A_225 = arith.subi %sign3A_221, %sign3A_224 : i32
      %ne3A_226 = arith.cmpi ne, %sign3A_218, %sign3A_225 : i32
      %rem3A_227 = arith.remsi %add3A_132, %jit3A_210 : i32
      %ne3A_228 = arith.constant 0 : i32
      %ne3A_229 = arith.cmpi ne, %rem3A_227, %ne3A_228 : i32
      %and3A_230 = arith.andi %ne3A_226, %ne3A_229 : i1
      %sub3A_231 = arith.constant 1 : i32
      %sub3A_232 = arith.subi %div3A_211, %sub3A_231 : i32
      %select_n3A_233 = arith.select %and3A_230, %sub3A_232, %div3A_211 : i32
      %jit3A_234 = arith.constant 4 : i32
      %eq3A_235 = arith.constant 0 : i32
      %eq3A_236 = arith.cmpi eq, %jit3A_234, %eq3A_235 : i32
      %jit3A_237 = arith.constant 1 : i32
      %select_n3A_238 = arith.select %eq3A_236, %jit3A_237, %jit3A_234 : i32
      %rem3A_239 = arith.remsi %select_n3A_233, %select_n3A_238 : i32
      %ne3A_240 = arith.constant 0 : i32
      %ne3A_241 = arith.cmpi ne, %rem3A_239, %ne3A_240 : i32
      %lt3A_242 = arith.constant 0 : i32
      %lt3A_243 = arith.cmpi slt, %rem3A_239, %lt3A_242 : i32
      %lt3A_244 = arith.constant 0 : i32
      %lt3A_245 = arith.cmpi slt, %select_n3A_238, %lt3A_244 : i32
      %ne3A_246 = arith.xori %lt3A_243, %lt3A_245 : i1
      %and3A_247 = arith.andi %ne3A_246, %ne3A_241 : i1
      %add3A_248 = arith.addi %rem3A_239, %select_n3A_238 : i32
      %select_n3A_249 = arith.select %and3A_247, %add3A_248, %rem3A_239 : i32
      %jit3A_250 = arith.constant 2 : i32
      %eq3A_251 = arith.constant 0 : i32
      %eq3A_252 = arith.cmpi eq, %jit3A_250, %eq3A_251 : i32
      %jit3A_253 = arith.constant 1 : i32
      %select_n3A_254 = arith.select %eq3A_252, %jit3A_253, %jit3A_250 : i32
      %rem3A_255 = arith.remsi %add3A_132, %select_n3A_254 : i32
      %ne3A_256 = arith.constant 0 : i32
      %ne3A_257 = arith.cmpi ne, %rem3A_255, %ne3A_256 : i32
      %lt3A_258 = arith.constant 0 : i32
      %lt3A_259 = arith.cmpi slt, %rem3A_255, %lt3A_258 : i32
      %lt3A_260 = arith.constant 0 : i32
      %lt3A_261 = arith.cmpi slt, %select_n3A_254, %lt3A_260 : i32
      %ne3A_262 = arith.xori %lt3A_259, %lt3A_261 : i1
      %and3A_263 = arith.andi %ne3A_262, %ne3A_257 : i1
      %add3A_264 = arith.addi %rem3A_255, %select_n3A_254 : i32
      %select_n3A_265 = arith.select %and3A_263, %add3A_264, %rem3A_255 : i32
      %mul3A_266 = arith.constant 64 : i32
      %mul3A_267 = arith.muli %select_n3A_265, %mul3A_266 : i32
      %dma_start3A_268 = tpu.memref_slice %arg9[%select_n3A_249, %mul3A_267] : memref<4x128xi32, #tpu.memory_space<vmem>> -> memref<1x64xi32, #tpu.memory_space<vmem>>
      %dma_start3A_269 = tpu.memref_squeeze %dma_start3A_268 : memref<1x64xi32, #tpu.memory_space<vmem>> -> memref<64xi32, #tpu.memory_space<vmem>>
      %dma_start3A_270 = arith.constant 0 : i32
      %dma_start3A_271 = arith.constant 0 : i32
      %dma_start3A_272 = tpu.memref_slice %arg18[%dma_start3A_270, %dma_start3A_271] : memref<10240x128xf32, #tpu.memory_space<vmem_shared>> -> memref<10240x128xf32, #tpu.memory_space<vmem_shared>>
      tpu.enqueue_indirect_dma source(%arg12 : memref<64x128xf32, #tpu.memory_space<vmem>>) target(%dma_start3A_272 : memref<10240x128xf32, #tpu.memory_space<vmem_shared>>) offsets(%dma_start3A_269 : memref<64xi32, #tpu.memory_space<vmem>>) semaphore(%arg26 : memref<!tpu.dma_semaphore, #tpu.memory_space<semaphore_mem>>) {add = true}
      %ge3A = arith.constant 1 : i32
      %ge3A_273 = arith.cmpi sge, %add3A_132, %ge3A : i32
      %convert_element_type3A = arith.extui %ge3A_273 : i1 to i32
      %cond3A = arith.constant 0 : i32
      %cond3A_274 = arith.cmpi ne, %convert_element_type3A, %cond3A : i32
      scf.if %cond3A_274 {
        %sub3A_1351 = arith.constant 1 : i32
        %sub3A_1352 = arith.subi %add3A_132, %sub3A_1351 : i32
        %jit3A_1353 = arith.constant 2 : i32
        %div3A_1354 = arith.divsi %sub3A_1352, %jit3A_1353 : i32
        %sign3A_1355 = arith.constant 0 : i32
        %sign3A_1356 = arith.cmpi sgt, %sub3A_1352, %sign3A_1355 : i32
        %sign3A_1357 = arith.extui %sign3A_1356 : i1 to i32
        %sign3A_1358 = arith.constant 0 : i32
        %sign3A_1359 = arith.cmpi slt, %sub3A_1352, %sign3A_1358 : i32
        %sign3A_1360 = arith.extui %sign3A_1359 : i1 to i32
        %sign3A_1361 = arith.subi %sign3A_1357, %sign3A_1360 : i32
        %sign3A_1362 = arith.constant 0 : i32
        %sign3A_1363 = arith.cmpi sgt, %jit3A_1353, %sign3A_1362 : i32
        %sign3A_1364 = arith.extui %sign3A_1363 : i1 to i32
        %sign3A_1365 = arith.constant 0 : i32
        %sign3A_1366 = arith.cmpi slt, %jit3A_1353, %sign3A_1365 : i32
        %sign3A_1367 = arith.extui %sign3A_1366 : i1 to i32
        %sign3A_1368 = arith.subi %sign3A_1364, %sign3A_1367 : i32
        %ne3A_1369 = arith.cmpi ne, %sign3A_1361, %sign3A_1368 : i32
        %rem3A_1370 = arith.remsi %sub3A_1352, %jit3A_1353 : i32
        %ne3A_1371 = arith.constant 0 : i32
        %ne3A_1372 = arith.cmpi ne, %rem3A_1370, %ne3A_1371 : i32
        %and3A_1373 = arith.andi %ne3A_1369, %ne3A_1372 : i1
        %sub3A_1374 = arith.constant 1 : i32
        %sub3A_1375 = arith.subi %div3A_1354, %sub3A_1374 : i32
        %select_n3A_1376 = arith.select %and3A_1373, %sub3A_1375, %div3A_1354 : i32
        %jit3A_1377 = arith.constant 4 : i32
        %eq3A_1378 = arith.constant 0 : i32
        %eq3A_1379 = arith.cmpi eq, %jit3A_1377, %eq3A_1378 : i32
        %jit3A_1380 = arith.constant 1 : i32
        %select_n3A_1381 = arith.select %eq3A_1379, %jit3A_1380, %jit3A_1377 : i32
        %rem3A_1382 = arith.remsi %select_n3A_1376, %select_n3A_1381 : i32
        %ne3A_1383 = arith.constant 0 : i32
        %ne3A_1384 = arith.cmpi ne, %rem3A_1382, %ne3A_1383 : i32
        %lt3A_1385 = arith.constant 0 : i32
        %lt3A_1386 = arith.cmpi slt, %rem3A_1382, %lt3A_1385 : i32
        %lt3A_1387 = arith.constant 0 : i32
        %lt3A_1388 = arith.cmpi slt, %select_n3A_1381, %lt3A_1387 : i32
        %ne3A_1389 = arith.xori %lt3A_1386, %lt3A_1388 : i1
        %and3A_1390 = arith.andi %ne3A_1389, %ne3A_1384 : i1
        %add3A_1391 = arith.addi %rem3A_1382, %select_n3A_1381 : i32
        %select_n3A_1392 = arith.select %and3A_1390, %add3A_1391, %rem3A_1382 : i32
        %jit3A_1393 = arith.constant 2 : i32
        %eq3A_1394 = arith.constant 0 : i32
        %eq3A_1395 = arith.cmpi eq, %jit3A_1393, %eq3A_1394 : i32
        %jit3A_1396 = arith.constant 1 : i32
        %select_n3A_1397 = arith.select %eq3A_1395, %jit3A_1396, %jit3A_1393 : i32
        %rem3A_1398 = arith.remsi %sub3A_1352, %select_n3A_1397 : i32
        %ne3A_1399 = arith.constant 0 : i32
        %ne3A_1400 = arith.cmpi ne, %rem3A_1398, %ne3A_1399 : i32
        %lt3A_1401 = arith.constant 0 : i32
        %lt3A_1402 = arith.cmpi slt, %rem3A_1398, %lt3A_1401 : i32
        %lt3A_1403 = arith.constant 0 : i32
        %lt3A_1404 = arith.cmpi slt, %select_n3A_1397, %lt3A_1403 : i32
        %ne3A_1405 = arith.xori %lt3A_1402, %lt3A_1404 : i1
        %and3A_1406 = arith.andi %ne3A_1405, %ne3A_1400 : i1
        %add3A_1407 = arith.addi %rem3A_1398, %select_n3A_1397 : i32
        %select_n3A_1408 = arith.select %and3A_1406, %add3A_1407, %rem3A_1398 : i32
        %mul3A_1409 = arith.constant 64 : i32
        %mul3A_1410 = arith.muli %select_n3A_1408, %mul3A_1409 : i32
        %dma_wait3A_1411 = tpu.memref_slice %arg9[%select_n3A_1392, %mul3A_1410] : memref<4x128xi32, #tpu.memory_space<vmem>> -> memref<1x64xi32, #tpu.memory_space<vmem>>
        %dma_wait3A_1412 = tpu.memref_squeeze %dma_wait3A_1411 : memref<1x64xi32, #tpu.memory_space<vmem>> -> memref<64xi32, #tpu.memory_space<vmem>>
        %dma_wait3A_1413 = arith.constant 0 : i32
        %dma_wait3A_1414 = arith.constant 0 : i32
        %dma_wait3A_1415 = tpu.memref_slice %arg18[%dma_wait3A_1413, %dma_wait3A_1414] : memref<10240x128xf32, #tpu.memory_space<vmem_shared>> -> memref<10240x128xf32, #tpu.memory_space<vmem_shared>>
        tpu.wait_indirect_dma semaphore(%arg30 : memref<!tpu.dma_semaphore, #tpu.memory_space<semaphore_mem>>) src(%arg16 : memref<64x128xf32, #tpu.memory_space<vmem>>) dst(%dma_wait3A_1415 : memref<10240x128xf32, #tpu.memory_space<vmem_shared>>)
      } else {
      }
      %jit3A_275 = arith.constant 2 : i32
      %eq3A_276 = arith.constant 0 : i32
      %eq3A_277 = arith.cmpi eq, %jit3A_275, %eq3A_276 : i32
      %jit3A_278 = arith.constant 1 : i32
      %select_n3A_279 = arith.select %eq3A_277, %jit3A_278, %jit3A_275 : i32
      %rem3A_280 = arith.remsi %add3A_132, %select_n3A_279 : i32
      %ne3A_281 = arith.constant 0 : i32
      %ne3A_282 = arith.cmpi ne, %rem3A_280, %ne3A_281 : i32
      %lt3A_283 = arith.constant 0 : i32
      %lt3A_284 = arith.cmpi slt, %rem3A_280, %lt3A_283 : i32
      %lt3A_285 = arith.constant 0 : i32
      %lt3A_286 = arith.cmpi slt, %select_n3A_279, %lt3A_285 : i32
      %ne3A_287 = arith.xori %lt3A_284, %lt3A_286 : i1
      %and3A_288 = arith.andi %ne3A_287, %ne3A_282 : i1
      %add3A_289 = arith.addi %rem3A_280, %select_n3A_279 : i32
      %select_n3A_290 = arith.select %and3A_288, %add3A_289, %rem3A_280 : i32
      %eq3A_291 = arith.constant 0 : i32
      %eq3A_292 = arith.cmpi eq, %select_n3A_290, %eq3A_291 : i32
      %convert_element_type3A_293 = arith.extui %eq3A_292 : i1 to i32
      %cond3A_294 = arith.constant 0 : i32
      %cond3A_295 = arith.cmpi ne, %convert_element_type3A_293, %cond3A_294 : i32
      scf.if %cond3A_295 {
        %ge3A_1351 = arith.constant 2 : i32
        %ge3A_1352 = arith.cmpi sge, %add3A_132, %ge3A_1351 : i32
        %convert_element_type3A_1353 = arith.extui %ge3A_1352 : i1 to i32
        %cond3A_1354 = arith.constant 0 : i32
        %cond3A_1355 = arith.cmpi ne, %convert_element_type3A_1353, %cond3A_1354 : i32
        scf.if %cond3A_1355 {
          %add3A_1416 = arith.constant 2 : i32
          %add3A_1417 = arith.addi %select_n3A, %add3A_1416 : i32
          %min3A_1418 = arith.constant 77 : i32
          %min3A_1419 = arith.minsi %add3A_1417, %min3A_1418 : i32
          %jit3A_1420 = arith.constant 4 : i32
          %eq3A_1421 = arith.constant 0 : i32
          %eq3A_1422 = arith.cmpi eq, %jit3A_1420, %eq3A_1421 : i32
          %jit3A_1423 = arith.constant 1 : i32
          %select_n3A_1424 = arith.select %eq3A_1422, %jit3A_1423, %jit3A_1420 : i32
          %rem3A_1425 = arith.remsi %add3A_1417, %select_n3A_1424 : i32
          %ne3A_1426 = arith.constant 0 : i32
          %ne3A_1427 = arith.cmpi ne, %rem3A_1425, %ne3A_1426 : i32
          %lt3A_1428 = arith.constant 0 : i32
          %lt3A_1429 = arith.cmpi slt, %rem3A_1425, %lt3A_1428 : i32
          %lt3A_1430 = arith.constant 0 : i32
          %lt3A_1431 = arith.cmpi slt, %select_n3A_1424, %lt3A_1430 : i32
          %ne3A_1432 = arith.xori %lt3A_1429, %lt3A_1431 : i1
          %and3A_1433 = arith.andi %ne3A_1432, %ne3A_1427 : i1
          %add3A_1434 = arith.addi %rem3A_1425, %select_n3A_1424 : i32
          %select_n3A_1435 = arith.select %and3A_1433, %add3A_1434, %rem3A_1425 : i32
          %jit3A_1436 = arith.constant 4 : i32
          %eq3A_1437 = arith.constant 0 : i32
          %eq3A_1438 = arith.cmpi eq, %jit3A_1436, %eq3A_1437 : i32
          %jit3A_1439 = arith.constant 1 : i32
          %select_n3A_1440 = arith.select %eq3A_1438, %jit3A_1439, %jit3A_1436 : i32
          %rem3A_1441 = arith.remsi %add3A_1417, %select_n3A_1440 : i32
          %ne3A_1442 = arith.constant 0 : i32
          %ne3A_1443 = arith.cmpi ne, %rem3A_1441, %ne3A_1442 : i32
          %lt3A_1444 = arith.constant 0 : i32
          %lt3A_1445 = arith.cmpi slt, %rem3A_1441, %lt3A_1444 : i32
          %lt3A_1446 = arith.constant 0 : i32
          %lt3A_1447 = arith.cmpi slt, %select_n3A_1440, %lt3A_1446 : i32
          %ne3A_1448 = arith.xori %lt3A_1445, %lt3A_1447 : i1
          %and3A_1449 = arith.andi %ne3A_1448, %ne3A_1443 : i1
          %add3A_1450 = arith.addi %rem3A_1441, %select_n3A_1440 : i32
          %select_n3A_1451 = arith.select %and3A_1449, %add3A_1450, %rem3A_1441 : i32
          %dma_wait3A_1452 = arith.constant 0 : i32
          %dma_wait3A_1453 = tpu.memref_slice %arg8[%select_n3A_1435, %dma_wait3A_1452] : memref<4x128xi32, #tpu.memory_space<vmem>> -> memref<1x128xi32, #tpu.memory_space<vmem>>
          %dma_wait3A_1454 = tpu.memref_squeeze %dma_wait3A_1453 : memref<1x128xi32, #tpu.memory_space<vmem>> -> memref<128xi32, #tpu.memory_space<vmem>>
          %dma_wait3A_1455 = arith.constant 0 : i32
          %dma_wait3A_1456 = tpu.memref_slice %arg3[%add3A, %min3A_1419, %dma_wait3A_1455] : memref<32x78x128xi32, #tpu.memory_space<hbm>> -> memref<1x1x128xi32, #tpu.memory_space<hbm>>
          %dma_wait3A_1457 = tpu.memref_squeeze %dma_wait3A_1456 : memref<1x1x128xi32, #tpu.memory_space<hbm>> -> memref<128xi32, #tpu.memory_space<hbm>>
          %dma_wait3A_1458 = arith.constant 0 : i32
          %dma_wait3A_1459 = tpu.memref_slice %arg8[%select_n3A_1435, %dma_wait3A_1458] : memref<4x128xi32, #tpu.memory_space<vmem>> -> memref<1x128xi32, #tpu.memory_space<vmem>>
          %dma_wait3A_1460 = tpu.memref_squeeze %dma_wait3A_1459 : memref<1x128xi32, #tpu.memory_space<vmem>> -> memref<128xi32, #tpu.memory_space<vmem>>
          %dma_wait3A_1461 = arith.constant 0 : i32
          %dma_wait3A_1462 = tpu.memref_slice %arg3[%add3A, %min3A_1419, %dma_wait3A_1461] : memref<32x78x128xi32, #tpu.memory_space<hbm>> -> memref<1x1x128xi32, #tpu.memory_space<hbm>>
          %dma_wait3A_1463 = tpu.memref_squeeze %dma_wait3A_1462 : memref<1x1x128xi32, #tpu.memory_space<hbm>> -> memref<128xi32, #tpu.memory_space<hbm>>
          tpu.wait_dma2 semaphore(%arg19 : memref<!tpu.dma_semaphore, #tpu.memory_space<semaphore_mem>>) src(%dma_wait3A_1463 : memref<128xi32, #tpu.memory_space<hbm>>) dst(%dma_wait3A_1460 : memref<128xi32, #tpu.memory_space<vmem>>)
          %dma_wait3A_1464 = arith.constant 0 : i32
          %dma_wait3A_1465 = tpu.memref_slice %arg9[%select_n3A_1451, %dma_wait3A_1464] : memref<4x128xi32, #tpu.memory_space<vmem>> -> memref<1x128xi32, #tpu.memory_space<vmem>>
          %dma_wait3A_1466 = tpu.memref_squeeze %dma_wait3A_1465 : memref<1x128xi32, #tpu.memory_space<vmem>> -> memref<128xi32, #tpu.memory_space<vmem>>
          %dma_wait3A_1467 = arith.constant 0 : i32
          %dma_wait3A_1468 = tpu.memref_slice %arg5[%add3A, %min3A_1419, %dma_wait3A_1467] : memref<32x78x128xi32, #tpu.memory_space<hbm>> -> memref<1x1x128xi32, #tpu.memory_space<hbm>>
          %dma_wait3A_1469 = tpu.memref_squeeze %dma_wait3A_1468 : memref<1x1x128xi32, #tpu.memory_space<hbm>> -> memref<128xi32, #tpu.memory_space<hbm>>
          %dma_wait3A_1470 = arith.constant 0 : i32
          %dma_wait3A_1471 = tpu.memref_slice %arg9[%select_n3A_1451, %dma_wait3A_1470] : memref<4x128xi32, #tpu.memory_space<vmem>> -> memref<1x128xi32, #tpu.memory_space<vmem>>
          %dma_wait3A_1472 = tpu.memref_squeeze %dma_wait3A_1471 : memref<1x128xi32, #tpu.memory_space<vmem>> -> memref<128xi32, #tpu.memory_space<vmem>>
          %dma_wait3A_1473 = arith.constant 0 : i32
          %dma_wait3A_1474 = tpu.memref_slice %arg5[%add3A, %min3A_1419, %dma_wait3A_1473] : memref<32x78x128xi32, #tpu.memory_space<hbm>> -> memref<1x1x128xi32, #tpu.memory_space<hbm>>
          %dma_wait3A_1475 = tpu.memref_squeeze %dma_wait3A_1474 : memref<1x1x128xi32, #tpu.memory_space<hbm>> -> memref<128xi32, #tpu.memory_space<hbm>>
          tpu.wait_dma2 semaphore(%arg20 : memref<!tpu.dma_semaphore, #tpu.memory_space<semaphore_mem>>) src(%dma_wait3A_1475 : memref<128xi32, #tpu.memory_space<hbm>>) dst(%dma_wait3A_1472 : memref<128xi32, #tpu.memory_space<vmem>>)
        } else {
        }
        %add3A_1356 = arith.constant 3 : i32
        %add3A_1357 = arith.addi %select_n3A, %add3A_1356 : i32
        %min3A_1358 = arith.constant 77 : i32
        %min3A_1359 = arith.minsi %add3A_1357, %min3A_1358 : i32
        %jit3A_1360 = arith.constant 4 : i32
        %eq3A_1361 = arith.constant 0 : i32
        %eq3A_1362 = arith.cmpi eq, %jit3A_1360, %eq3A_1361 : i32
        %jit3A_1363 = arith.constant 1 : i32
        %select_n3A_1364 = arith.select %eq3A_1362, %jit3A_1363, %jit3A_1360 : i32
        %rem3A_1365 = arith.remsi %add3A_1357, %select_n3A_1364 : i32
        %ne3A_1366 = arith.constant 0 : i32
        %ne3A_1367 = arith.cmpi ne, %rem3A_1365, %ne3A_1366 : i32
        %lt3A_1368 = arith.constant 0 : i32
        %lt3A_1369 = arith.cmpi slt, %rem3A_1365, %lt3A_1368 : i32
        %lt3A_1370 = arith.constant 0 : i32
        %lt3A_1371 = arith.cmpi slt, %select_n3A_1364, %lt3A_1370 : i32
        %ne3A_1372 = arith.xori %lt3A_1369, %lt3A_1371 : i1
        %and3A_1373 = arith.andi %ne3A_1372, %ne3A_1367 : i1
        %add3A_1374 = arith.addi %rem3A_1365, %select_n3A_1364 : i32
        %select_n3A_1375 = arith.select %and3A_1373, %add3A_1374, %rem3A_1365 : i32
        %jit3A_1376 = arith.constant 4 : i32
        %eq3A_1377 = arith.constant 0 : i32
        %eq3A_1378 = arith.cmpi eq, %jit3A_1376, %eq3A_1377 : i32
        %jit3A_1379 = arith.constant 1 : i32
        %select_n3A_1380 = arith.select %eq3A_1378, %jit3A_1379, %jit3A_1376 : i32
        %rem3A_1381 = arith.remsi %add3A_1357, %select_n3A_1380 : i32
        %ne3A_1382 = arith.constant 0 : i32
        %ne3A_1383 = arith.cmpi ne, %rem3A_1381, %ne3A_1382 : i32
        %lt3A_1384 = arith.constant 0 : i32
        %lt3A_1385 = arith.cmpi slt, %rem3A_1381, %lt3A_1384 : i32
        %lt3A_1386 = arith.constant 0 : i32
        %lt3A_1387 = arith.cmpi slt, %select_n3A_1380, %lt3A_1386 : i32
        %ne3A_1388 = arith.xori %lt3A_1385, %lt3A_1387 : i1
        %and3A_1389 = arith.andi %ne3A_1388, %ne3A_1383 : i1
        %add3A_1390 = arith.addi %rem3A_1381, %select_n3A_1380 : i32
        %select_n3A_1391 = arith.select %and3A_1389, %add3A_1390, %rem3A_1381 : i32
        %dma_start3A_1392 = arith.constant 0 : i32
        %dma_start3A_1393 = tpu.memref_slice %arg8[%select_n3A_1375, %dma_start3A_1392] : memref<4x128xi32, #tpu.memory_space<vmem>> -> memref<1x128xi32, #tpu.memory_space<vmem>>
        %dma_start3A_1394 = tpu.memref_squeeze %dma_start3A_1393 : memref<1x128xi32, #tpu.memory_space<vmem>> -> memref<128xi32, #tpu.memory_space<vmem>>
        %dma_start3A_1395 = arith.constant 0 : i32
        %dma_start3A_1396 = tpu.memref_slice %arg3[%add3A, %min3A_1359, %dma_start3A_1395] : memref<32x78x128xi32, #tpu.memory_space<hbm>> -> memref<1x1x128xi32, #tpu.memory_space<hbm>>
        %dma_start3A_1397 = tpu.memref_squeeze %dma_start3A_1396 : memref<1x1x128xi32, #tpu.memory_space<hbm>> -> memref<128xi32, #tpu.memory_space<hbm>>
        %dma_start3A_1398 = arith.constant 0 : i32
        %dma_start3A_1399 = tpu.memref_slice %arg8[%select_n3A_1375, %dma_start3A_1398] : memref<4x128xi32, #tpu.memory_space<vmem>> -> memref<1x128xi32, #tpu.memory_space<vmem>>
        %dma_start3A_1400 = tpu.memref_squeeze %dma_start3A_1399 : memref<1x128xi32, #tpu.memory_space<vmem>> -> memref<128xi32, #tpu.memory_space<vmem>>
        %dma_start3A_1401 = arith.constant 0 : i32
        %dma_start3A_1402 = tpu.memref_slice %arg3[%add3A, %min3A_1359, %dma_start3A_1401] : memref<32x78x128xi32, #tpu.memory_space<hbm>> -> memref<1x1x128xi32, #tpu.memory_space<hbm>>
        %dma_start3A_1403 = tpu.memref_squeeze %dma_start3A_1402 : memref<1x1x128xi32, #tpu.memory_space<hbm>> -> memref<128xi32, #tpu.memory_space<hbm>>
        tpu.enqueue_dma source(%dma_start3A_1403 : memref<128xi32, #tpu.memory_space<hbm>>) target(%dma_start3A_1400 : memref<128xi32, #tpu.memory_space<vmem>>) target_semaphore(%arg19 : memref<!tpu.dma_semaphore, #tpu.memory_space<semaphore_mem>>)
        %dma_start3A_1404 = arith.constant 0 : i32
        %dma_start3A_1405 = tpu.memref_slice %arg9[%select_n3A_1391, %dma_start3A_1404] : memref<4x128xi32, #tpu.memory_space<vmem>> -> memref<1x128xi32, #tpu.memory_space<vmem>>
        %dma_start3A_1406 = tpu.memref_squeeze %dma_start3A_1405 : memref<1x128xi32, #tpu.memory_space<vmem>> -> memref<128xi32, #tpu.memory_space<vmem>>
        %dma_start3A_1407 = arith.constant 0 : i32
        %dma_start3A_1408 = tpu.memref_slice %arg5[%add3A, %min3A_1359, %dma_start3A_1407] : memref<32x78x128xi32, #tpu.memory_space<hbm>> -> memref<1x1x128xi32, #tpu.memory_space<hbm>>
        %dma_start3A_1409 = tpu.memref_squeeze %dma_start3A_1408 : memref<1x1x128xi32, #tpu.memory_space<hbm>> -> memref<128xi32, #tpu.memory_space<hbm>>
        %dma_start3A_1410 = arith.constant 0 : i32
        %dma_start3A_1411 = tpu.memref_slice %arg9[%select_n3A_1391, %dma_start3A_1410] : memref<4x128xi32, #tpu.memory_space<vmem>> -> memref<1x128xi32, #tpu.memory_space<vmem>>
        %dma_start3A_1412 = tpu.memref_squeeze %dma_start3A_1411 : memref<1x128xi32, #tpu.memory_space<vmem>> -> memref<128xi32, #tpu.memory_space<vmem>>
        %dma_start3A_1413 = arith.constant 0 : i32
        %dma_start3A_1414 = tpu.memref_slice %arg5[%add3A, %min3A_1359, %dma_start3A_1413] : memref<32x78x128xi32, #tpu.memory_space<hbm>> -> memref<1x1x128xi32, #tpu.memory_space<hbm>>
        %dma_start3A_1415 = tpu.memref_squeeze %dma_start3A_1414 : memref<1x1x128xi32, #tpu.memory_space<hbm>> -> memref<128xi32, #tpu.memory_space<hbm>>
        tpu.enqueue_dma source(%dma_start3A_1415 : memref<128xi32, #tpu.memory_space<hbm>>) target(%dma_start3A_1412 : memref<128xi32, #tpu.memory_space<vmem>>) target_semaphore(%arg20 : memref<!tpu.dma_semaphore, #tpu.memory_space<semaphore_mem>>)
      } else {
      }
      %add3A_296 = arith.constant 4 : i32
      %add3A_297 = arith.addi %add3A_132, %add3A_296 : i32
      %min3A_298 = arith.constant 155 : i32
      %min3A_299 = arith.minsi %add3A_297, %min3A_298 : i32
      %jit3A_300 = arith.constant 2 : i32
      %div3A_301 = arith.divsi %min3A_299, %jit3A_300 : i32
      %sign3A_302 = arith.constant 0 : i32
      %sign3A_303 = arith.cmpi sgt, %min3A_299, %sign3A_302 : i32
      %sign3A_304 = arith.extui %sign3A_303 : i1 to i32
      %sign3A_305 = arith.constant 0 : i32
      %sign3A_306 = arith.cmpi slt, %min3A_299, %sign3A_305 : i32
      %sign3A_307 = arith.extui %sign3A_306 : i1 to i32
      %sign3A_308 = arith.subi %sign3A_304, %sign3A_307 : i32
      %sign3A_309 = arith.constant 0 : i32
      %sign3A_310 = arith.cmpi sgt, %jit3A_300, %sign3A_309 : i32
      %sign3A_311 = arith.extui %sign3A_310 : i1 to i32
      %sign3A_312 = arith.constant 0 : i32
      %sign3A_313 = arith.cmpi slt, %jit3A_300, %sign3A_312 : i32
      %sign3A_314 = arith.extui %sign3A_313 : i1 to i32
      %sign3A_315 = arith.subi %sign3A_311, %sign3A_314 : i32
      %ne3A_316 = arith.cmpi ne, %sign3A_308, %sign3A_315 : i32
      %rem3A_317 = arith.remsi %min3A_299, %jit3A_300 : i32
      %ne3A_318 = arith.constant 0 : i32
      %ne3A_319 = arith.cmpi ne, %rem3A_317, %ne3A_318 : i32
      %and3A_320 = arith.andi %ne3A_316, %ne3A_319 : i1
      %sub3A_321 = arith.constant 1 : i32
      %sub3A_322 = arith.subi %div3A_301, %sub3A_321 : i32
      %select_n3A_323 = arith.select %and3A_320, %sub3A_322, %div3A_301 : i32
      %jit3A_324 = arith.constant 4 : i32
      %eq3A_325 = arith.constant 0 : i32
      %eq3A_326 = arith.cmpi eq, %jit3A_324, %eq3A_325 : i32
      %jit3A_327 = arith.constant 1 : i32
      %select_n3A_328 = arith.select %eq3A_326, %jit3A_327, %jit3A_324 : i32
      %rem3A_329 = arith.remsi %select_n3A_323, %select_n3A_328 : i32
      %ne3A_330 = arith.constant 0 : i32
      %ne3A_331 = arith.cmpi ne, %rem3A_329, %ne3A_330 : i32
      %lt3A_332 = arith.constant 0 : i32
      %lt3A_333 = arith.cmpi slt, %rem3A_329, %lt3A_332 : i32
      %lt3A_334 = arith.constant 0 : i32
      %lt3A_335 = arith.cmpi slt, %select_n3A_328, %lt3A_334 : i32
      %ne3A_336 = arith.xori %lt3A_333, %lt3A_335 : i1
      %and3A_337 = arith.andi %ne3A_336, %ne3A_331 : i1
      %add3A_338 = arith.addi %rem3A_329, %select_n3A_328 : i32
      %select_n3A_339 = arith.select %and3A_337, %add3A_338, %rem3A_329 : i32
      %jit3A_340 = arith.constant 2 : i32
      %eq3A_341 = arith.constant 0 : i32
      %eq3A_342 = arith.cmpi eq, %jit3A_340, %eq3A_341 : i32
      %jit3A_343 = arith.constant 1 : i32
      %select_n3A_344 = arith.select %eq3A_342, %jit3A_343, %jit3A_340 : i32
      %rem3A_345 = arith.remsi %min3A_299, %select_n3A_344 : i32
      %ne3A_346 = arith.constant 0 : i32
      %ne3A_347 = arith.cmpi ne, %rem3A_345, %ne3A_346 : i32
      %lt3A_348 = arith.constant 0 : i32
      %lt3A_349 = arith.cmpi slt, %rem3A_345, %lt3A_348 : i32
      %lt3A_350 = arith.constant 0 : i32
      %lt3A_351 = arith.cmpi slt, %select_n3A_344, %lt3A_350 : i32
      %ne3A_352 = arith.xori %lt3A_349, %lt3A_351 : i1
      %and3A_353 = arith.andi %ne3A_352, %ne3A_347 : i1
      %add3A_354 = arith.addi %rem3A_345, %select_n3A_344 : i32
      %select_n3A_355 = arith.select %and3A_353, %add3A_354, %rem3A_345 : i32
      %mul3A_356 = arith.constant 64 : i32
      %mul3A_357 = arith.muli %select_n3A_355, %mul3A_356 : i32
      %dma_start3A_358 = tpu.memref_slice %arg8[%select_n3A_339, %mul3A_357] : memref<4x128xi32, #tpu.memory_space<vmem>> -> memref<1x64xi32, #tpu.memory_space<vmem>>
      %dma_start3A_359 = tpu.memref_squeeze %dma_start3A_358 : memref<1x64xi32, #tpu.memory_space<vmem>> -> memref<64xi32, #tpu.memory_space<vmem>>
      %dma_start3A_360 = arith.constant 0 : i32
      %dma_start3A_361 = arith.constant 0 : i32
      %dma_start3A_362 = tpu.memref_slice %arg2[%dma_start3A_360, %dma_start3A_361] : memref<10000x128xf32, #tpu.memory_space<hbm>> -> memref<10000x128xf32, #tpu.memory_space<hbm>>
      tpu.enqueue_indirect_dma source(%dma_start3A_362 : memref<10000x128xf32, #tpu.memory_space<hbm>>) target(%arg16 : memref<64x128xf32, #tpu.memory_space<vmem>>) offsets(%dma_start3A_359 : memref<64xi32, #tpu.memory_space<vmem>>) semaphore(%arg25 : memref<!tpu.dma_semaphore, #tpu.memory_space<semaphore_mem>>)
      %mul3A_363 = arith.constant 5 : i32
      %mul3A_364 = arith.muli %mul3A_363, %add3A_128 : i32
      %add3A_365 = arith.constant 1 : i32
      %add3A_366 = arith.addi %mul3A_364, %add3A_365 : i32
      %jit3A_367 = arith.constant 2 : i32
      %div3A_368 = arith.divsi %add3A_366, %jit3A_367 : i32
      %sign3A_369 = arith.constant 0 : i32
      %sign3A_370 = arith.cmpi sgt, %add3A_366, %sign3A_369 : i32
      %sign3A_371 = arith.extui %sign3A_370 : i1 to i32
      %sign3A_372 = arith.constant 0 : i32
      %sign3A_373 = arith.cmpi slt, %add3A_366, %sign3A_372 : i32
      %sign3A_374 = arith.extui %sign3A_373 : i1 to i32
      %sign3A_375 = arith.subi %sign3A_371, %sign3A_374 : i32
      %sign3A_376 = arith.constant 0 : i32
      %sign3A_377 = arith.cmpi sgt, %jit3A_367, %sign3A_376 : i32
      %sign3A_378 = arith.extui %sign3A_377 : i1 to i32
      %sign3A_379 = arith.constant 0 : i32
      %sign3A_380 = arith.cmpi slt, %jit3A_367, %sign3A_379 : i32
      %sign3A_381 = arith.extui %sign3A_380 : i1 to i32
      %sign3A_382 = arith.subi %sign3A_378, %sign3A_381 : i32
      %ne3A_383 = arith.cmpi ne, %sign3A_375, %sign3A_382 : i32
      %rem3A_384 = arith.remsi %add3A_366, %jit3A_367 : i32
      %ne3A_385 = arith.constant 0 : i32
      %ne3A_386 = arith.cmpi ne, %rem3A_384, %ne3A_385 : i32
      %and3A_387 = arith.andi %ne3A_383, %ne3A_386 : i1
      %sub3A_388 = arith.constant 1 : i32
      %sub3A_389 = arith.subi %div3A_368, %sub3A_388 : i32
      %select_n3A_390 = arith.select %and3A_387, %sub3A_389, %div3A_368 : i32
      %jit3A_391 = arith.constant 2 : i32
      %div3A_392 = arith.divsi %add3A_366, %jit3A_391 : i32
      %sign3A_393 = arith.constant 0 : i32
      %sign3A_394 = arith.cmpi sgt, %add3A_366, %sign3A_393 : i32
      %sign3A_395 = arith.extui %sign3A_394 : i1 to i32
      %sign3A_396 = arith.constant 0 : i32
      %sign3A_397 = arith.cmpi slt, %add3A_366, %sign3A_396 : i32
      %sign3A_398 = arith.extui %sign3A_397 : i1 to i32
      %sign3A_399 = arith.subi %sign3A_395, %sign3A_398 : i32
      %sign3A_400 = arith.constant 0 : i32
      %sign3A_401 = arith.cmpi sgt, %jit3A_391, %sign3A_400 : i32
      %sign3A_402 = arith.extui %sign3A_401 : i1 to i32
      %sign3A_403 = arith.constant 0 : i32
      %sign3A_404 = arith.cmpi slt, %jit3A_391, %sign3A_403 : i32
      %sign3A_405 = arith.extui %sign3A_404 : i1 to i32
      %sign3A_406 = arith.subi %sign3A_402, %sign3A_405 : i32
      %ne3A_407 = arith.cmpi ne, %sign3A_399, %sign3A_406 : i32
      %rem3A_408 = arith.remsi %add3A_366, %jit3A_391 : i32
      %ne3A_409 = arith.constant 0 : i32
      %ne3A_410 = arith.cmpi ne, %rem3A_408, %ne3A_409 : i32
      %and3A_411 = arith.andi %ne3A_407, %ne3A_410 : i1
      %sub3A_412 = arith.constant 1 : i32
      %sub3A_413 = arith.subi %div3A_392, %sub3A_412 : i32
      %select_n3A_414 = arith.select %and3A_411, %sub3A_413, %div3A_392 : i32
      %jit3A_415 = arith.constant 4 : i32
      %eq3A_416 = arith.constant 0 : i32
      %eq3A_417 = arith.cmpi eq, %jit3A_415, %eq3A_416 : i32
      %jit3A_418 = arith.constant 1 : i32
      %select_n3A_419 = arith.select %eq3A_417, %jit3A_418, %jit3A_415 : i32
      %rem3A_420 = arith.remsi %select_n3A_414, %select_n3A_419 : i32
      %ne3A_421 = arith.constant 0 : i32
      %ne3A_422 = arith.cmpi ne, %rem3A_420, %ne3A_421 : i32
      %lt3A_423 = arith.constant 0 : i32
      %lt3A_424 = arith.cmpi slt, %rem3A_420, %lt3A_423 : i32
      %lt3A_425 = arith.constant 0 : i32
      %lt3A_426 = arith.cmpi slt, %select_n3A_419, %lt3A_425 : i32
      %ne3A_427 = arith.xori %lt3A_424, %lt3A_426 : i1
      %and3A_428 = arith.andi %ne3A_427, %ne3A_422 : i1
      %add3A_429 = arith.addi %rem3A_420, %select_n3A_419 : i32
      %select_n3A_430 = arith.select %and3A_428, %add3A_429, %rem3A_420 : i32
      %jit3A_431 = arith.constant 2 : i32
      %eq3A_432 = arith.constant 0 : i32
      %eq3A_433 = arith.cmpi eq, %jit3A_431, %eq3A_432 : i32
      %jit3A_434 = arith.constant 1 : i32
      %select_n3A_435 = arith.select %eq3A_433, %jit3A_434, %jit3A_431 : i32
      %rem3A_436 = arith.remsi %add3A_366, %select_n3A_435 : i32
      %ne3A_437 = arith.constant 0 : i32
      %ne3A_438 = arith.cmpi ne, %rem3A_436, %ne3A_437 : i32
      %lt3A_439 = arith.constant 0 : i32
      %lt3A_440 = arith.cmpi slt, %rem3A_436, %lt3A_439 : i32
      %lt3A_441 = arith.constant 0 : i32
      %lt3A_442 = arith.cmpi slt, %select_n3A_435, %lt3A_441 : i32
      %ne3A_443 = arith.xori %lt3A_440, %lt3A_442 : i1
      %and3A_444 = arith.andi %ne3A_443, %ne3A_438 : i1
      %add3A_445 = arith.addi %rem3A_436, %select_n3A_435 : i32
      %select_n3A_446 = arith.select %and3A_444, %add3A_445, %rem3A_436 : i32
      %mul3A_447 = arith.constant 64 : i32
      %mul3A_448 = arith.muli %select_n3A_446, %mul3A_447 : i32
      %dma_wait3A_449 = tpu.memref_slice %arg8[%select_n3A_430, %mul3A_448] : memref<4x128xi32, #tpu.memory_space<vmem>> -> memref<1x64xi32, #tpu.memory_space<vmem>>
      %dma_wait3A_450 = tpu.memref_squeeze %dma_wait3A_449 : memref<1x64xi32, #tpu.memory_space<vmem>> -> memref<64xi32, #tpu.memory_space<vmem>>
      %dma_wait3A_451 = arith.constant 0 : i32
      %dma_wait3A_452 = arith.constant 0 : i32
      %dma_wait3A_453 = tpu.memref_slice %arg2[%dma_wait3A_451, %dma_wait3A_452] : memref<10000x128xf32, #tpu.memory_space<hbm>> -> memref<10000x128xf32, #tpu.memory_space<hbm>>
      tpu.wait_indirect_dma semaphore(%arg22 : memref<!tpu.dma_semaphore, #tpu.memory_space<semaphore_mem>>) src(%dma_wait3A_453 : memref<10000x128xf32, #tpu.memory_space<hbm>>) dst(%arg13 : memref<64x128xf32, #tpu.memory_space<vmem>>)
      %jit3A_454 = arith.constant 2 : i32
      %div3A_455 = arith.divsi %add3A_366, %jit3A_454 : i32
      %sign3A_456 = arith.constant 0 : i32
      %sign3A_457 = arith.cmpi sgt, %add3A_366, %sign3A_456 : i32
      %sign3A_458 = arith.extui %sign3A_457 : i1 to i32
      %sign3A_459 = arith.constant 0 : i32
      %sign3A_460 = arith.cmpi slt, %add3A_366, %sign3A_459 : i32
      %sign3A_461 = arith.extui %sign3A_460 : i1 to i32
      %sign3A_462 = arith.subi %sign3A_458, %sign3A_461 : i32
      %sign3A_463 = arith.constant 0 : i32
      %sign3A_464 = arith.cmpi sgt, %jit3A_454, %sign3A_463 : i32
      %sign3A_465 = arith.extui %sign3A_464 : i1 to i32
      %sign3A_466 = arith.constant 0 : i32
      %sign3A_467 = arith.cmpi slt, %jit3A_454, %sign3A_466 : i32
      %sign3A_468 = arith.extui %sign3A_467 : i1 to i32
      %sign3A_469 = arith.subi %sign3A_465, %sign3A_468 : i32
      %ne3A_470 = arith.cmpi ne, %sign3A_462, %sign3A_469 : i32
      %rem3A_471 = arith.remsi %add3A_366, %jit3A_454 : i32
      %ne3A_472 = arith.constant 0 : i32
      %ne3A_473 = arith.cmpi ne, %rem3A_471, %ne3A_472 : i32
      %and3A_474 = arith.andi %ne3A_470, %ne3A_473 : i1
      %sub3A_475 = arith.constant 1 : i32
      %sub3A_476 = arith.subi %div3A_455, %sub3A_475 : i32
      %select_n3A_477 = arith.select %and3A_474, %sub3A_476, %div3A_455 : i32
      %jit3A_478 = arith.constant 4 : i32
      %eq3A_479 = arith.constant 0 : i32
      %eq3A_480 = arith.cmpi eq, %jit3A_478, %eq3A_479 : i32
      %jit3A_481 = arith.constant 1 : i32
      %select_n3A_482 = arith.select %eq3A_480, %jit3A_481, %jit3A_478 : i32
      %rem3A_483 = arith.remsi %select_n3A_477, %select_n3A_482 : i32
      %ne3A_484 = arith.constant 0 : i32
      %ne3A_485 = arith.cmpi ne, %rem3A_483, %ne3A_484 : i32
      %lt3A_486 = arith.constant 0 : i32
      %lt3A_487 = arith.cmpi slt, %rem3A_483, %lt3A_486 : i32
      %lt3A_488 = arith.constant 0 : i32
      %lt3A_489 = arith.cmpi slt, %select_n3A_482, %lt3A_488 : i32
      %ne3A_490 = arith.xori %lt3A_487, %lt3A_489 : i1
      %and3A_491 = arith.andi %ne3A_490, %ne3A_485 : i1
      %add3A_492 = arith.addi %rem3A_483, %select_n3A_482 : i32
      %select_n3A_493 = arith.select %and3A_491, %add3A_492, %rem3A_483 : i32
      %jit3A_494 = arith.constant 2 : i32
      %eq3A_495 = arith.constant 0 : i32
      %eq3A_496 = arith.cmpi eq, %jit3A_494, %eq3A_495 : i32
      %jit3A_497 = arith.constant 1 : i32
      %select_n3A_498 = arith.select %eq3A_496, %jit3A_497, %jit3A_494 : i32
      %rem3A_499 = arith.remsi %add3A_366, %select_n3A_498 : i32
      %ne3A_500 = arith.constant 0 : i32
      %ne3A_501 = arith.cmpi ne, %rem3A_499, %ne3A_500 : i32
      %lt3A_502 = arith.constant 0 : i32
      %lt3A_503 = arith.cmpi slt, %rem3A_499, %lt3A_502 : i32
      %lt3A_504 = arith.constant 0 : i32
      %lt3A_505 = arith.cmpi slt, %select_n3A_498, %lt3A_504 : i32
      %ne3A_506 = arith.xori %lt3A_503, %lt3A_505 : i1
      %and3A_507 = arith.andi %ne3A_506, %ne3A_501 : i1
      %add3A_508 = arith.addi %rem3A_499, %select_n3A_498 : i32
      %select_n3A_509 = arith.select %and3A_507, %add3A_508, %rem3A_499 : i32
      %mul3A_510 = arith.constant 64 : i32
      %mul3A_511 = arith.muli %select_n3A_509, %mul3A_510 : i32
      %dma_start3A_512 = tpu.memref_slice %arg9[%select_n3A_493, %mul3A_511] : memref<4x128xi32, #tpu.memory_space<vmem>> -> memref<1x64xi32, #tpu.memory_space<vmem>>
      %dma_start3A_513 = tpu.memref_squeeze %dma_start3A_512 : memref<1x64xi32, #tpu.memory_space<vmem>> -> memref<64xi32, #tpu.memory_space<vmem>>
      %dma_start3A_514 = arith.constant 0 : i32
      %dma_start3A_515 = arith.constant 0 : i32
      %dma_start3A_516 = tpu.memref_slice %arg18[%dma_start3A_514, %dma_start3A_515] : memref<10240x128xf32, #tpu.memory_space<vmem_shared>> -> memref<10240x128xf32, #tpu.memory_space<vmem_shared>>
      tpu.enqueue_indirect_dma source(%arg13 : memref<64x128xf32, #tpu.memory_space<vmem>>) target(%dma_start3A_516 : memref<10240x128xf32, #tpu.memory_space<vmem_shared>>) offsets(%dma_start3A_513 : memref<64xi32, #tpu.memory_space<vmem>>) semaphore(%arg27 : memref<!tpu.dma_semaphore, #tpu.memory_space<semaphore_mem>>) {add = true}
      %ge3A_517 = arith.constant 1 : i32
      %ge3A_518 = arith.cmpi sge, %add3A_366, %ge3A_517 : i32
      %convert_element_type3A_519 = arith.extui %ge3A_518 : i1 to i32
      %cond3A_520 = arith.constant 0 : i32
      %cond3A_521 = arith.cmpi ne, %convert_element_type3A_519, %cond3A_520 : i32
      scf.if %cond3A_521 {
        %sub3A_1351 = arith.constant 1 : i32
        %sub3A_1352 = arith.subi %add3A_366, %sub3A_1351 : i32
        %jit3A_1353 = arith.constant 2 : i32
        %div3A_1354 = arith.divsi %sub3A_1352, %jit3A_1353 : i32
        %sign3A_1355 = arith.constant 0 : i32
        %sign3A_1356 = arith.cmpi sgt, %sub3A_1352, %sign3A_1355 : i32
        %sign3A_1357 = arith.extui %sign3A_1356 : i1 to i32
        %sign3A_1358 = arith.constant 0 : i32
        %sign3A_1359 = arith.cmpi slt, %sub3A_1352, %sign3A_1358 : i32
        %sign3A_1360 = arith.extui %sign3A_1359 : i1 to i32
        %sign3A_1361 = arith.subi %sign3A_1357, %sign3A_1360 : i32
        %sign3A_1362 = arith.constant 0 : i32
        %sign3A_1363 = arith.cmpi sgt, %jit3A_1353, %sign3A_1362 : i32
        %sign3A_1364 = arith.extui %sign3A_1363 : i1 to i32
        %sign3A_1365 = arith.constant 0 : i32
        %sign3A_1366 = arith.cmpi slt, %jit3A_1353, %sign3A_1365 : i32
        %sign3A_1367 = arith.extui %sign3A_1366 : i1 to i32
        %sign3A_1368 = arith.subi %sign3A_1364, %sign3A_1367 : i32
        %ne3A_1369 = arith.cmpi ne, %sign3A_1361, %sign3A_1368 : i32
        %rem3A_1370 = arith.remsi %sub3A_1352, %jit3A_1353 : i32
        %ne3A_1371 = arith.constant 0 : i32
        %ne3A_1372 = arith.cmpi ne, %rem3A_1370, %ne3A_1371 : i32
        %and3A_1373 = arith.andi %ne3A_1369, %ne3A_1372 : i1
        %sub3A_1374 = arith.constant 1 : i32
        %sub3A_1375 = arith.subi %div3A_1354, %sub3A_1374 : i32
        %select_n3A_1376 = arith.select %and3A_1373, %sub3A_1375, %div3A_1354 : i32
        %jit3A_1377 = arith.constant 4 : i32
        %eq3A_1378 = arith.constant 0 : i32
        %eq3A_1379 = arith.cmpi eq, %jit3A_1377, %eq3A_1378 : i32
        %jit3A_1380 = arith.constant 1 : i32
        %select_n3A_1381 = arith.select %eq3A_1379, %jit3A_1380, %jit3A_1377 : i32
        %rem3A_1382 = arith.remsi %select_n3A_1376, %select_n3A_1381 : i32
        %ne3A_1383 = arith.constant 0 : i32
        %ne3A_1384 = arith.cmpi ne, %rem3A_1382, %ne3A_1383 : i32
        %lt3A_1385 = arith.constant 0 : i32
        %lt3A_1386 = arith.cmpi slt, %rem3A_1382, %lt3A_1385 : i32
        %lt3A_1387 = arith.constant 0 : i32
        %lt3A_1388 = arith.cmpi slt, %select_n3A_1381, %lt3A_1387 : i32
        %ne3A_1389 = arith.xori %lt3A_1386, %lt3A_1388 : i1
        %and3A_1390 = arith.andi %ne3A_1389, %ne3A_1384 : i1
        %add3A_1391 = arith.addi %rem3A_1382, %select_n3A_1381 : i32
        %select_n3A_1392 = arith.select %and3A_1390, %add3A_1391, %rem3A_1382 : i32
        %jit3A_1393 = arith.constant 2 : i32
        %eq3A_1394 = arith.constant 0 : i32
        %eq3A_1395 = arith.cmpi eq, %jit3A_1393, %eq3A_1394 : i32
        %jit3A_1396 = arith.constant 1 : i32
        %select_n3A_1397 = arith.select %eq3A_1395, %jit3A_1396, %jit3A_1393 : i32
        %rem3A_1398 = arith.remsi %sub3A_1352, %select_n3A_1397 : i32
        %ne3A_1399 = arith.constant 0 : i32
        %ne3A_1400 = arith.cmpi ne, %rem3A_1398, %ne3A_1399 : i32
        %lt3A_1401 = arith.constant 0 : i32
        %lt3A_1402 = arith.cmpi slt, %rem3A_1398, %lt3A_1401 : i32
        %lt3A_1403 = arith.constant 0 : i32
        %lt3A_1404 = arith.cmpi slt, %select_n3A_1397, %lt3A_1403 : i32
        %ne3A_1405 = arith.xori %lt3A_1402, %lt3A_1404 : i1
        %and3A_1406 = arith.andi %ne3A_1405, %ne3A_1400 : i1
        %add3A_1407 = arith.addi %rem3A_1398, %select_n3A_1397 : i32
        %select_n3A_1408 = arith.select %and3A_1406, %add3A_1407, %rem3A_1398 : i32
        %mul3A_1409 = arith.constant 64 : i32
        %mul3A_1410 = arith.muli %select_n3A_1408, %mul3A_1409 : i32
        %dma_wait3A_1411 = tpu.memref_slice %arg9[%select_n3A_1392, %mul3A_1410] : memref<4x128xi32, #tpu.memory_space<vmem>> -> memref<1x64xi32, #tpu.memory_space<vmem>>
        %dma_wait3A_1412 = tpu.memref_squeeze %dma_wait3A_1411 : memref<1x64xi32, #tpu.memory_space<vmem>> -> memref<64xi32, #tpu.memory_space<vmem>>
        %dma_wait3A_1413 = arith.constant 0 : i32
        %dma_wait3A_1414 = arith.constant 0 : i32
        %dma_wait3A_1415 = tpu.memref_slice %arg18[%dma_wait3A_1413, %dma_wait3A_1414] : memref<10240x128xf32, #tpu.memory_space<vmem_shared>> -> memref<10240x128xf32, #tpu.memory_space<vmem_shared>>
        tpu.wait_indirect_dma semaphore(%arg26 : memref<!tpu.dma_semaphore, #tpu.memory_space<semaphore_mem>>) src(%arg12 : memref<64x128xf32, #tpu.memory_space<vmem>>) dst(%dma_wait3A_1415 : memref<10240x128xf32, #tpu.memory_space<vmem_shared>>)
      } else {
      }
      %jit3A_522 = arith.constant 2 : i32
      %eq3A_523 = arith.constant 0 : i32
      %eq3A_524 = arith.cmpi eq, %jit3A_522, %eq3A_523 : i32
      %jit3A_525 = arith.constant 1 : i32
      %select_n3A_526 = arith.select %eq3A_524, %jit3A_525, %jit3A_522 : i32
      %rem3A_527 = arith.remsi %add3A_366, %select_n3A_526 : i32
      %ne3A_528 = arith.constant 0 : i32
      %ne3A_529 = arith.cmpi ne, %rem3A_527, %ne3A_528 : i32
      %lt3A_530 = arith.constant 0 : i32
      %lt3A_531 = arith.cmpi slt, %rem3A_527, %lt3A_530 : i32
      %lt3A_532 = arith.constant 0 : i32
      %lt3A_533 = arith.cmpi slt, %select_n3A_526, %lt3A_532 : i32
      %ne3A_534 = arith.xori %lt3A_531, %lt3A_533 : i1
      %and3A_535 = arith.andi %ne3A_534, %ne3A_529 : i1
      %add3A_536 = arith.addi %rem3A_527, %select_n3A_526 : i32
      %select_n3A_537 = arith.select %and3A_535, %add3A_536, %rem3A_527 : i32
      %eq3A_538 = arith.constant 0 : i32
      %eq3A_539 = arith.cmpi eq, %select_n3A_537, %eq3A_538 : i32
      %convert_element_type3A_540 = arith.extui %eq3A_539 : i1 to i32
      %cond3A_541 = arith.constant 0 : i32
      %cond3A_542 = arith.cmpi ne, %convert_element_type3A_540, %cond3A_541 : i32
      scf.if %cond3A_542 {
        %ge3A_1351 = arith.constant 2 : i32
        %ge3A_1352 = arith.cmpi sge, %add3A_366, %ge3A_1351 : i32
        %convert_element_type3A_1353 = arith.extui %ge3A_1352 : i1 to i32
        %cond3A_1354 = arith.constant 0 : i32
        %cond3A_1355 = arith.cmpi ne, %convert_element_type3A_1353, %cond3A_1354 : i32
        scf.if %cond3A_1355 {
          %add3A_1416 = arith.constant 2 : i32
          %add3A_1417 = arith.addi %select_n3A_390, %add3A_1416 : i32
          %min3A_1418 = arith.constant 77 : i32
          %min3A_1419 = arith.minsi %add3A_1417, %min3A_1418 : i32
          %jit3A_1420 = arith.constant 4 : i32
          %eq3A_1421 = arith.constant 0 : i32
          %eq3A_1422 = arith.cmpi eq, %jit3A_1420, %eq3A_1421 : i32
          %jit3A_1423 = arith.constant 1 : i32
          %select_n3A_1424 = arith.select %eq3A_1422, %jit3A_1423, %jit3A_1420 : i32
          %rem3A_1425 = arith.remsi %add3A_1417, %select_n3A_1424 : i32
          %ne3A_1426 = arith.constant 0 : i32
          %ne3A_1427 = arith.cmpi ne, %rem3A_1425, %ne3A_1426 : i32
          %lt3A_1428 = arith.constant 0 : i32
          %lt3A_1429 = arith.cmpi slt, %rem3A_1425, %lt3A_1428 : i32
          %lt3A_1430 = arith.constant 0 : i32
          %lt3A_1431 = arith.cmpi slt, %select_n3A_1424, %lt3A_1430 : i32
          %ne3A_1432 = arith.xori %lt3A_1429, %lt3A_1431 : i1
          %and3A_1433 = arith.andi %ne3A_1432, %ne3A_1427 : i1
          %add3A_1434 = arith.addi %rem3A_1425, %select_n3A_1424 : i32
          %select_n3A_1435 = arith.select %and3A_1433, %add3A_1434, %rem3A_1425 : i32
          %jit3A_1436 = arith.constant 4 : i32
          %eq3A_1437 = arith.constant 0 : i32
          %eq3A_1438 = arith.cmpi eq, %jit3A_1436, %eq3A_1437 : i32
          %jit3A_1439 = arith.constant 1 : i32
          %select_n3A_1440 = arith.select %eq3A_1438, %jit3A_1439, %jit3A_1436 : i32
          %rem3A_1441 = arith.remsi %add3A_1417, %select_n3A_1440 : i32
          %ne3A_1442 = arith.constant 0 : i32
          %ne3A_1443 = arith.cmpi ne, %rem3A_1441, %ne3A_1442 : i32
          %lt3A_1444 = arith.constant 0 : i32
          %lt3A_1445 = arith.cmpi slt, %rem3A_1441, %lt3A_1444 : i32
          %lt3A_1446 = arith.constant 0 : i32
          %lt3A_1447 = arith.cmpi slt, %select_n3A_1440, %lt3A_1446 : i32
          %ne3A_1448 = arith.xori %lt3A_1445, %lt3A_1447 : i1
          %and3A_1449 = arith.andi %ne3A_1448, %ne3A_1443 : i1
          %add3A_1450 = arith.addi %rem3A_1441, %select_n3A_1440 : i32
          %select_n3A_1451 = arith.select %and3A_1449, %add3A_1450, %rem3A_1441 : i32
          %dma_wait3A_1452 = arith.constant 0 : i32
          %dma_wait3A_1453 = tpu.memref_slice %arg8[%select_n3A_1435, %dma_wait3A_1452] : memref<4x128xi32, #tpu.memory_space<vmem>> -> memref<1x128xi32, #tpu.memory_space<vmem>>
          %dma_wait3A_1454 = tpu.memref_squeeze %dma_wait3A_1453 : memref<1x128xi32, #tpu.memory_space<vmem>> -> memref<128xi32, #tpu.memory_space<vmem>>
          %dma_wait3A_1455 = arith.constant 0 : i32
          %dma_wait3A_1456 = tpu.memref_slice %arg3[%add3A, %min3A_1419, %dma_wait3A_1455] : memref<32x78x128xi32, #tpu.memory_space<hbm>> -> memref<1x1x128xi32, #tpu.memory_space<hbm>>
          %dma_wait3A_1457 = tpu.memref_squeeze %dma_wait3A_1456 : memref<1x1x128xi32, #tpu.memory_space<hbm>> -> memref<128xi32, #tpu.memory_space<hbm>>
          %dma_wait3A_1458 = arith.constant 0 : i32
          %dma_wait3A_1459 = tpu.memref_slice %arg8[%select_n3A_1435, %dma_wait3A_1458] : memref<4x128xi32, #tpu.memory_space<vmem>> -> memref<1x128xi32, #tpu.memory_space<vmem>>
          %dma_wait3A_1460 = tpu.memref_squeeze %dma_wait3A_1459 : memref<1x128xi32, #tpu.memory_space<vmem>> -> memref<128xi32, #tpu.memory_space<vmem>>
          %dma_wait3A_1461 = arith.constant 0 : i32
          %dma_wait3A_1462 = tpu.memref_slice %arg3[%add3A, %min3A_1419, %dma_wait3A_1461] : memref<32x78x128xi32, #tpu.memory_space<hbm>> -> memref<1x1x128xi32, #tpu.memory_space<hbm>>
          %dma_wait3A_1463 = tpu.memref_squeeze %dma_wait3A_1462 : memref<1x1x128xi32, #tpu.memory_space<hbm>> -> memref<128xi32, #tpu.memory_space<hbm>>
          tpu.wait_dma2 semaphore(%arg19 : memref<!tpu.dma_semaphore, #tpu.memory_space<semaphore_mem>>) src(%dma_wait3A_1463 : memref<128xi32, #tpu.memory_space<hbm>>) dst(%dma_wait3A_1460 : memref<128xi32, #tpu.memory_space<vmem>>)
          %dma_wait3A_1464 = arith.constant 0 : i32
          %dma_wait3A_1465 = tpu.memref_slice %arg9[%select_n3A_1451, %dma_wait3A_1464] : memref<4x128xi32, #tpu.memory_space<vmem>> -> memref<1x128xi32, #tpu.memory_space<vmem>>
          %dma_wait3A_1466 = tpu.memref_squeeze %dma_wait3A_1465 : memref<1x128xi32, #tpu.memory_space<vmem>> -> memref<128xi32, #tpu.memory_space<vmem>>
          %dma_wait3A_1467 = arith.constant 0 : i32
          %dma_wait3A_1468 = tpu.memref_slice %arg5[%add3A, %min3A_1419, %dma_wait3A_1467] : memref<32x78x128xi32, #tpu.memory_space<hbm>> -> memref<1x1x128xi32, #tpu.memory_space<hbm>>
          %dma_wait3A_1469 = tpu.memref_squeeze %dma_wait3A_1468 : memref<1x1x128xi32, #tpu.memory_space<hbm>> -> memref<128xi32, #tpu.memory_space<hbm>>
          %dma_wait3A_1470 = arith.constant 0 : i32
          %dma_wait3A_1471 = tpu.memref_slice %arg9[%select_n3A_1451, %dma_wait3A_1470] : memref<4x128xi32, #tpu.memory_space<vmem>> -> memref<1x128xi32, #tpu.memory_space<vmem>>
          %dma_wait3A_1472 = tpu.memref_squeeze %dma_wait3A_1471 : memref<1x128xi32, #tpu.memory_space<vmem>> -> memref<128xi32, #tpu.memory_space<vmem>>
          %dma_wait3A_1473 = arith.constant 0 : i32
          %dma_wait3A_1474 = tpu.memref_slice %arg5[%add3A, %min3A_1419, %dma_wait3A_1473] : memref<32x78x128xi32, #tpu.memory_space<hbm>> -> memref<1x1x128xi32, #tpu.memory_space<hbm>>
          %dma_wait3A_1475 = tpu.memref_squeeze %dma_wait3A_1474 : memref<1x1x128xi32, #tpu.memory_space<hbm>> -> memref<128xi32, #tpu.memory_space<hbm>>
          tpu.wait_dma2 semaphore(%arg20 : memref<!tpu.dma_semaphore, #tpu.memory_space<semaphore_mem>>) src(%dma_wait3A_1475 : memref<128xi32, #tpu.memory_space<hbm>>) dst(%dma_wait3A_1472 : memref<128xi32, #tpu.memory_space<vmem>>)
        } else {
        }
        %add3A_1356 = arith.constant 3 : i32
        %add3A_1357 = arith.addi %select_n3A_390, %add3A_1356 : i32
        %min3A_1358 = arith.constant 77 : i32
        %min3A_1359 = arith.minsi %add3A_1357, %min3A_1358 : i32
        %jit3A_1360 = arith.constant 4 : i32
        %eq3A_1361 = arith.constant 0 : i32
        %eq3A_1362 = arith.cmpi eq, %jit3A_1360, %eq3A_1361 : i32
        %jit3A_1363 = arith.constant 1 : i32
        %select_n3A_1364 = arith.select %eq3A_1362, %jit3A_1363, %jit3A_1360 : i32
        %rem3A_1365 = arith.remsi %add3A_1357, %select_n3A_1364 : i32
        %ne3A_1366 = arith.constant 0 : i32
        %ne3A_1367 = arith.cmpi ne, %rem3A_1365, %ne3A_1366 : i32
        %lt3A_1368 = arith.constant 0 : i32
        %lt3A_1369 = arith.cmpi slt, %rem3A_1365, %lt3A_1368 : i32
        %lt3A_1370 = arith.constant 0 : i32
        %lt3A_1371 = arith.cmpi slt, %select_n3A_1364, %lt3A_1370 : i32
        %ne3A_1372 = arith.xori %lt3A_1369, %lt3A_1371 : i1
        %and3A_1373 = arith.andi %ne3A_1372, %ne3A_1367 : i1
        %add3A_1374 = arith.addi %rem3A_1365, %select_n3A_1364 : i32
        %select_n3A_1375 = arith.select %and3A_1373, %add3A_1374, %rem3A_1365 : i32
        %jit3A_1376 = arith.constant 4 : i32
        %eq3A_1377 = arith.constant 0 : i32
        %eq3A_1378 = arith.cmpi eq, %jit3A_1376, %eq3A_1377 : i32
        %jit3A_1379 = arith.constant 1 : i32
        %select_n3A_1380 = arith.select %eq3A_1378, %jit3A_1379, %jit3A_1376 : i32
        %rem3A_1381 = arith.remsi %add3A_1357, %select_n3A_1380 : i32
        %ne3A_1382 = arith.constant 0 : i32
        %ne3A_1383 = arith.cmpi ne, %rem3A_1381, %ne3A_1382 : i32
        %lt3A_1384 = arith.constant 0 : i32
        %lt3A_1385 = arith.cmpi slt, %rem3A_1381, %lt3A_1384 : i32
        %lt3A_1386 = arith.constant 0 : i32
        %lt3A_1387 = arith.cmpi slt, %select_n3A_1380, %lt3A_1386 : i32
        %ne3A_1388 = arith.xori %lt3A_1385, %lt3A_1387 : i1
        %and3A_1389 = arith.andi %ne3A_1388, %ne3A_1383 : i1
        %add3A_1390 = arith.addi %rem3A_1381, %select_n3A_1380 : i32
        %select_n3A_1391 = arith.select %and3A_1389, %add3A_1390, %rem3A_1381 : i32
        %dma_start3A_1392 = arith.constant 0 : i32
        %dma_start3A_1393 = tpu.memref_slice %arg8[%select_n3A_1375, %dma_start3A_1392] : memref<4x128xi32, #tpu.memory_space<vmem>> -> memref<1x128xi32, #tpu.memory_space<vmem>>
        %dma_start3A_1394 = tpu.memref_squeeze %dma_start3A_1393 : memref<1x128xi32, #tpu.memory_space<vmem>> -> memref<128xi32, #tpu.memory_space<vmem>>
        %dma_start3A_1395 = arith.constant 0 : i32
        %dma_start3A_1396 = tpu.memref_slice %arg3[%add3A, %min3A_1359, %dma_start3A_1395] : memref<32x78x128xi32, #tpu.memory_space<hbm>> -> memref<1x1x128xi32, #tpu.memory_space<hbm>>
        %dma_start3A_1397 = tpu.memref_squeeze %dma_start3A_1396 : memref<1x1x128xi32, #tpu.memory_space<hbm>> -> memref<128xi32, #tpu.memory_space<hbm>>
        %dma_start3A_1398 = arith.constant 0 : i32
        %dma_start3A_1399 = tpu.memref_slice %arg8[%select_n3A_1375, %dma_start3A_1398] : memref<4x128xi32, #tpu.memory_space<vmem>> -> memref<1x128xi32, #tpu.memory_space<vmem>>
        %dma_start3A_1400 = tpu.memref_squeeze %dma_start3A_1399 : memref<1x128xi32, #tpu.memory_space<vmem>> -> memref<128xi32, #tpu.memory_space<vmem>>
        %dma_start3A_1401 = arith.constant 0 : i32
        %dma_start3A_1402 = tpu.memref_slice %arg3[%add3A, %min3A_1359, %dma_start3A_1401] : memref<32x78x128xi32, #tpu.memory_space<hbm>> -> memref<1x1x128xi32, #tpu.memory_space<hbm>>
        %dma_start3A_1403 = tpu.memref_squeeze %dma_start3A_1402 : memref<1x1x128xi32, #tpu.memory_space<hbm>> -> memref<128xi32, #tpu.memory_space<hbm>>
        tpu.enqueue_dma source(%dma_start3A_1403 : memref<128xi32, #tpu.memory_space<hbm>>) target(%dma_start3A_1400 : memref<128xi32, #tpu.memory_space<vmem>>) target_semaphore(%arg19 : memref<!tpu.dma_semaphore, #tpu.memory_space<semaphore_mem>>)
        %dma_start3A_1404 = arith.constant 0 : i32
        %dma_start3A_1405 = tpu.memref_slice %arg9[%select_n3A_1391, %dma_start3A_1404] : memref<4x128xi32, #tpu.memory_space<vmem>> -> memref<1x128xi32, #tpu.memory_space<vmem>>
        %dma_start3A_1406 = tpu.memref_squeeze %dma_start3A_1405 : memref<1x128xi32, #tpu.memory_space<vmem>> -> memref<128xi32, #tpu.memory_space<vmem>>
        %dma_start3A_1407 = arith.constant 0 : i32
        %dma_start3A_1408 = tpu.memref_slice %arg5[%add3A, %min3A_1359, %dma_start3A_1407] : memref<32x78x128xi32, #tpu.memory_space<hbm>> -> memref<1x1x128xi32, #tpu.memory_space<hbm>>
        %dma_start3A_1409 = tpu.memref_squeeze %dma_start3A_1408 : memref<1x1x128xi32, #tpu.memory_space<hbm>> -> memref<128xi32, #tpu.memory_space<hbm>>
        %dma_start3A_1410 = arith.constant 0 : i32
        %dma_start3A_1411 = tpu.memref_slice %arg9[%select_n3A_1391, %dma_start3A_1410] : memref<4x128xi32, #tpu.memory_space<vmem>> -> memref<1x128xi32, #tpu.memory_space<vmem>>
        %dma_start3A_1412 = tpu.memref_squeeze %dma_start3A_1411 : memref<1x128xi32, #tpu.memory_space<vmem>> -> memref<128xi32, #tpu.memory_space<vmem>>
        %dma_start3A_1413 = arith.constant 0 : i32
        %dma_start3A_1414 = tpu.memref_slice %arg5[%add3A, %min3A_1359, %dma_start3A_1413] : memref<32x78x128xi32, #tpu.memory_space<hbm>> -> memref<1x1x128xi32, #tpu.memory_space<hbm>>
        %dma_start3A_1415 = tpu.memref_squeeze %dma_start3A_1414 : memref<1x1x128xi32, #tpu.memory_space<hbm>> -> memref<128xi32, #tpu.memory_space<hbm>>
        tpu.enqueue_dma source(%dma_start3A_1415 : memref<128xi32, #tpu.memory_space<hbm>>) target(%dma_start3A_1412 : memref<128xi32, #tpu.memory_space<vmem>>) target_semaphore(%arg20 : memref<!tpu.dma_semaphore, #tpu.memory_space<semaphore_mem>>)
      } else {
      }
      %add3A_543 = arith.constant 4 : i32
      %add3A_544 = arith.addi %add3A_366, %add3A_543 : i32
      %min3A_545 = arith.constant 155 : i32
      %min3A_546 = arith.minsi %add3A_544, %min3A_545 : i32
      %jit3A_547 = arith.constant 2 : i32
      %div3A_548 = arith.divsi %min3A_546, %jit3A_547 : i32
      %sign3A_549 = arith.constant 0 : i32
      %sign3A_550 = arith.cmpi sgt, %min3A_546, %sign3A_549 : i32
      %sign3A_551 = arith.extui %sign3A_550 : i1 to i32
      %sign3A_552 = arith.constant 0 : i32
      %sign3A_553 = arith.cmpi slt, %min3A_546, %sign3A_552 : i32
      %sign3A_554 = arith.extui %sign3A_553 : i1 to i32
      %sign3A_555 = arith.subi %sign3A_551, %sign3A_554 : i32
      %sign3A_556 = arith.constant 0 : i32
      %sign3A_557 = arith.cmpi sgt, %jit3A_547, %sign3A_556 : i32
      %sign3A_558 = arith.extui %sign3A_557 : i1 to i32
      %sign3A_559 = arith.constant 0 : i32
      %sign3A_560 = arith.cmpi slt, %jit3A_547, %sign3A_559 : i32
      %sign3A_561 = arith.extui %sign3A_560 : i1 to i32
      %sign3A_562 = arith.subi %sign3A_558, %sign3A_561 : i32
      %ne3A_563 = arith.cmpi ne, %sign3A_555, %sign3A_562 : i32
      %rem3A_564 = arith.remsi %min3A_546, %jit3A_547 : i32
      %ne3A_565 = arith.constant 0 : i32
      %ne3A_566 = arith.cmpi ne, %rem3A_564, %ne3A_565 : i32
      %and3A_567 = arith.andi %ne3A_563, %ne3A_566 : i1
      %sub3A_568 = arith.constant 1 : i32
      %sub3A_569 = arith.subi %div3A_548, %sub3A_568 : i32
      %select_n3A_570 = arith.select %and3A_567, %sub3A_569, %div3A_548 : i32
      %jit3A_571 = arith.constant 4 : i32
      %eq3A_572 = arith.constant 0 : i32
      %eq3A_573 = arith.cmpi eq, %jit3A_571, %eq3A_572 : i32
      %jit3A_574 = arith.constant 1 : i32
      %select_n3A_575 = arith.select %eq3A_573, %jit3A_574, %jit3A_571 : i32
      %rem3A_576 = arith.remsi %select_n3A_570, %select_n3A_575 : i32
      %ne3A_577 = arith.constant 0 : i32
      %ne3A_578 = arith.cmpi ne, %rem3A_576, %ne3A_577 : i32
      %lt3A_579 = arith.constant 0 : i32
      %lt3A_580 = arith.cmpi slt, %rem3A_576, %lt3A_579 : i32
      %lt3A_581 = arith.constant 0 : i32
      %lt3A_582 = arith.cmpi slt, %select_n3A_575, %lt3A_581 : i32
      %ne3A_583 = arith.xori %lt3A_580, %lt3A_582 : i1
      %and3A_584 = arith.andi %ne3A_583, %ne3A_578 : i1
      %add3A_585 = arith.addi %rem3A_576, %select_n3A_575 : i32
      %select_n3A_586 = arith.select %and3A_584, %add3A_585, %rem3A_576 : i32
      %jit3A_587 = arith.constant 2 : i32
      %eq3A_588 = arith.constant 0 : i32
      %eq3A_589 = arith.cmpi eq, %jit3A_587, %eq3A_588 : i32
      %jit3A_590 = arith.constant 1 : i32
      %select_n3A_591 = arith.select %eq3A_589, %jit3A_590, %jit3A_587 : i32
      %rem3A_592 = arith.remsi %min3A_546, %select_n3A_591 : i32
      %ne3A_593 = arith.constant 0 : i32
      %ne3A_594 = arith.cmpi ne, %rem3A_592, %ne3A_593 : i32
      %lt3A_595 = arith.constant 0 : i32
      %lt3A_596 = arith.cmpi slt, %rem3A_592, %lt3A_595 : i32
      %lt3A_597 = arith.constant 0 : i32
      %lt3A_598 = arith.cmpi slt, %select_n3A_591, %lt3A_597 : i32
      %ne3A_599 = arith.xori %lt3A_596, %lt3A_598 : i1
      %and3A_600 = arith.andi %ne3A_599, %ne3A_594 : i1
      %add3A_601 = arith.addi %rem3A_592, %select_n3A_591 : i32
      %select_n3A_602 = arith.select %and3A_600, %add3A_601, %rem3A_592 : i32
      %mul3A_603 = arith.constant 64 : i32
      %mul3A_604 = arith.muli %select_n3A_602, %mul3A_603 : i32
      %dma_start3A_605 = tpu.memref_slice %arg8[%select_n3A_586, %mul3A_604] : memref<4x128xi32, #tpu.memory_space<vmem>> -> memref<1x64xi32, #tpu.memory_space<vmem>>
      %dma_start3A_606 = tpu.memref_squeeze %dma_start3A_605 : memref<1x64xi32, #tpu.memory_space<vmem>> -> memref<64xi32, #tpu.memory_space<vmem>>
      %dma_start3A_607 = arith.constant 0 : i32
      %dma_start3A_608 = arith.constant 0 : i32
      %dma_start3A_609 = tpu.memref_slice %arg2[%dma_start3A_607, %dma_start3A_608] : memref<10000x128xf32, #tpu.memory_space<hbm>> -> memref<10000x128xf32, #tpu.memory_space<hbm>>
      tpu.enqueue_indirect_dma source(%dma_start3A_609 : memref<10000x128xf32, #tpu.memory_space<hbm>>) target(%arg12 : memref<64x128xf32, #tpu.memory_space<vmem>>) offsets(%dma_start3A_606 : memref<64xi32, #tpu.memory_space<vmem>>) semaphore(%arg21 : memref<!tpu.dma_semaphore, #tpu.memory_space<semaphore_mem>>)
      %mul3A_610 = arith.constant 5 : i32
      %mul3A_611 = arith.muli %mul3A_610, %add3A_128 : i32
      %add3A_612 = arith.constant 2 : i32
      %add3A_613 = arith.addi %mul3A_611, %add3A_612 : i32
      %jit3A_614 = arith.constant 2 : i32
      %div3A_615 = arith.divsi %add3A_613, %jit3A_614 : i32
      %sign3A_616 = arith.constant 0 : i32
      %sign3A_617 = arith.cmpi sgt, %add3A_613, %sign3A_616 : i32
      %sign3A_618 = arith.extui %sign3A_617 : i1 to i32
      %sign3A_619 = arith.constant 0 : i32
      %sign3A_620 = arith.cmpi slt, %add3A_613, %sign3A_619 : i32
      %sign3A_621 = arith.extui %sign3A_620 : i1 to i32
      %sign3A_622 = arith.subi %sign3A_618, %sign3A_621 : i32
      %sign3A_623 = arith.constant 0 : i32
      %sign3A_624 = arith.cmpi sgt, %jit3A_614, %sign3A_623 : i32
      %sign3A_625 = arith.extui %sign3A_624 : i1 to i32
      %sign3A_626 = arith.constant 0 : i32
      %sign3A_627 = arith.cmpi slt, %jit3A_614, %sign3A_626 : i32
      %sign3A_628 = arith.extui %sign3A_627 : i1 to i32
      %sign3A_629 = arith.subi %sign3A_625, %sign3A_628 : i32
      %ne3A_630 = arith.cmpi ne, %sign3A_622, %sign3A_629 : i32
      %rem3A_631 = arith.remsi %add3A_613, %jit3A_614 : i32
      %ne3A_632 = arith.constant 0 : i32
      %ne3A_633 = arith.cmpi ne, %rem3A_631, %ne3A_632 : i32
      %and3A_634 = arith.andi %ne3A_630, %ne3A_633 : i1
      %sub3A_635 = arith.constant 1 : i32
      %sub3A_636 = arith.subi %div3A_615, %sub3A_635 : i32
      %select_n3A_637 = arith.select %and3A_634, %sub3A_636, %div3A_615 : i32
      %jit3A_638 = arith.constant 2 : i32
      %div3A_639 = arith.divsi %add3A_613, %jit3A_638 : i32
      %sign3A_640 = arith.constant 0 : i32
      %sign3A_641 = arith.cmpi sgt, %add3A_613, %sign3A_640 : i32
      %sign3A_642 = arith.extui %sign3A_641 : i1 to i32
      %sign3A_643 = arith.constant 0 : i32
      %sign3A_644 = arith.cmpi slt, %add3A_613, %sign3A_643 : i32
      %sign3A_645 = arith.extui %sign3A_644 : i1 to i32
      %sign3A_646 = arith.subi %sign3A_642, %sign3A_645 : i32
      %sign3A_647 = arith.constant 0 : i32
      %sign3A_648 = arith.cmpi sgt, %jit3A_638, %sign3A_647 : i32
      %sign3A_649 = arith.extui %sign3A_648 : i1 to i32
      %sign3A_650 = arith.constant 0 : i32
      %sign3A_651 = arith.cmpi slt, %jit3A_638, %sign3A_650 : i32
      %sign3A_652 = arith.extui %sign3A_651 : i1 to i32
      %sign3A_653 = arith.subi %sign3A_649, %sign3A_652 : i32
      %ne3A_654 = arith.cmpi ne, %sign3A_646, %sign3A_653 : i32
      %rem3A_655 = arith.remsi %add3A_613, %jit3A_638 : i32
      %ne3A_656 = arith.constant 0 : i32
      %ne3A_657 = arith.cmpi ne, %rem3A_655, %ne3A_656 : i32
      %and3A_658 = arith.andi %ne3A_654, %ne3A_657 : i1
      %sub3A_659 = arith.constant 1 : i32
      %sub3A_660 = arith.subi %div3A_639, %sub3A_659 : i32
      %select_n3A_661 = arith.select %and3A_658, %sub3A_660, %div3A_639 : i32
      %jit3A_662 = arith.constant 4 : i32
      %eq3A_663 = arith.constant 0 : i32
      %eq3A_664 = arith.cmpi eq, %jit3A_662, %eq3A_663 : i32
      %jit3A_665 = arith.constant 1 : i32
      %select_n3A_666 = arith.select %eq3A_664, %jit3A_665, %jit3A_662 : i32
      %rem3A_667 = arith.remsi %select_n3A_661, %select_n3A_666 : i32
      %ne3A_668 = arith.constant 0 : i32
      %ne3A_669 = arith.cmpi ne, %rem3A_667, %ne3A_668 : i32
      %lt3A_670 = arith.constant 0 : i32
      %lt3A_671 = arith.cmpi slt, %rem3A_667, %lt3A_670 : i32
      %lt3A_672 = arith.constant 0 : i32
      %lt3A_673 = arith.cmpi slt, %select_n3A_666, %lt3A_672 : i32
      %ne3A_674 = arith.xori %lt3A_671, %lt3A_673 : i1
      %and3A_675 = arith.andi %ne3A_674, %ne3A_669 : i1
      %add3A_676 = arith.addi %rem3A_667, %select_n3A_666 : i32
      %select_n3A_677 = arith.select %and3A_675, %add3A_676, %rem3A_667 : i32
      %jit3A_678 = arith.constant 2 : i32
      %eq3A_679 = arith.constant 0 : i32
      %eq3A_680 = arith.cmpi eq, %jit3A_678, %eq3A_679 : i32
      %jit3A_681 = arith.constant 1 : i32
      %select_n3A_682 = arith.select %eq3A_680, %jit3A_681, %jit3A_678 : i32
      %rem3A_683 = arith.remsi %add3A_613, %select_n3A_682 : i32
      %ne3A_684 = arith.constant 0 : i32
      %ne3A_685 = arith.cmpi ne, %rem3A_683, %ne3A_684 : i32
      %lt3A_686 = arith.constant 0 : i32
      %lt3A_687 = arith.cmpi slt, %rem3A_683, %lt3A_686 : i32
      %lt3A_688 = arith.constant 0 : i32
      %lt3A_689 = arith.cmpi slt, %select_n3A_682, %lt3A_688 : i32
      %ne3A_690 = arith.xori %lt3A_687, %lt3A_689 : i1
      %and3A_691 = arith.andi %ne3A_690, %ne3A_685 : i1
      %add3A_692 = arith.addi %rem3A_683, %select_n3A_682 : i32
      %select_n3A_693 = arith.select %and3A_691, %add3A_692, %rem3A_683 : i32
      %mul3A_694 = arith.constant 64 : i32
      %mul3A_695 = arith.muli %select_n3A_693, %mul3A_694 : i32
      %dma_wait3A_696 = tpu.memref_slice %arg8[%select_n3A_677, %mul3A_695] : memref<4x128xi32, #tpu.memory_space<vmem>> -> memref<1x64xi32, #tpu.memory_space<vmem>>
      %dma_wait3A_697 = tpu.memref_squeeze %dma_wait3A_696 : memref<1x64xi32, #tpu.memory_space<vmem>> -> memref<64xi32, #tpu.memory_space<vmem>>
      %dma_wait3A_698 = arith.constant 0 : i32
      %dma_wait3A_699 = arith.constant 0 : i32
      %dma_wait3A_700 = tpu.memref_slice %arg2[%dma_wait3A_698, %dma_wait3A_699] : memref<10000x128xf32, #tpu.memory_space<hbm>> -> memref<10000x128xf32, #tpu.memory_space<hbm>>
      tpu.wait_indirect_dma semaphore(%arg23 : memref<!tpu.dma_semaphore, #tpu.memory_space<semaphore_mem>>) src(%dma_wait3A_700 : memref<10000x128xf32, #tpu.memory_space<hbm>>) dst(%arg14 : memref<64x128xf32, #tpu.memory_space<vmem>>)
      %jit3A_701 = arith.constant 2 : i32
      %div3A_702 = arith.divsi %add3A_613, %jit3A_701 : i32
      %sign3A_703 = arith.constant 0 : i32
      %sign3A_704 = arith.cmpi sgt, %add3A_613, %sign3A_703 : i32
      %sign3A_705 = arith.extui %sign3A_704 : i1 to i32
      %sign3A_706 = arith.constant 0 : i32
      %sign3A_707 = arith.cmpi slt, %add3A_613, %sign3A_706 : i32
      %sign3A_708 = arith.extui %sign3A_707 : i1 to i32
      %sign3A_709 = arith.subi %sign3A_705, %sign3A_708 : i32
      %sign3A_710 = arith.constant 0 : i32
      %sign3A_711 = arith.cmpi sgt, %jit3A_701, %sign3A_710 : i32
      %sign3A_712 = arith.extui %sign3A_711 : i1 to i32
      %sign3A_713 = arith.constant 0 : i32
      %sign3A_714 = arith.cmpi slt, %jit3A_701, %sign3A_713 : i32
      %sign3A_715 = arith.extui %sign3A_714 : i1 to i32
      %sign3A_716 = arith.subi %sign3A_712, %sign3A_715 : i32
      %ne3A_717 = arith.cmpi ne, %sign3A_709, %sign3A_716 : i32
      %rem3A_718 = arith.remsi %add3A_613, %jit3A_701 : i32
      %ne3A_719 = arith.constant 0 : i32
      %ne3A_720 = arith.cmpi ne, %rem3A_718, %ne3A_719 : i32
      %and3A_721 = arith.andi %ne3A_717, %ne3A_720 : i1
      %sub3A_722 = arith.constant 1 : i32
      %sub3A_723 = arith.subi %div3A_702, %sub3A_722 : i32
      %select_n3A_724 = arith.select %and3A_721, %sub3A_723, %div3A_702 : i32
      %jit3A_725 = arith.constant 4 : i32
      %eq3A_726 = arith.constant 0 : i32
      %eq3A_727 = arith.cmpi eq, %jit3A_725, %eq3A_726 : i32
      %jit3A_728 = arith.constant 1 : i32
      %select_n3A_729 = arith.select %eq3A_727, %jit3A_728, %jit3A_725 : i32
      %rem3A_730 = arith.remsi %select_n3A_724, %select_n3A_729 : i32
      %ne3A_731 = arith.constant 0 : i32
      %ne3A_732 = arith.cmpi ne, %rem3A_730, %ne3A_731 : i32
      %lt3A_733 = arith.constant 0 : i32
      %lt3A_734 = arith.cmpi slt, %rem3A_730, %lt3A_733 : i32
      %lt3A_735 = arith.constant 0 : i32
      %lt3A_736 = arith.cmpi slt, %select_n3A_729, %lt3A_735 : i32
      %ne3A_737 = arith.xori %lt3A_734, %lt3A_736 : i1
      %and3A_738 = arith.andi %ne3A_737, %ne3A_732 : i1
      %add3A_739 = arith.addi %rem3A_730, %select_n3A_729 : i32
      %select_n3A_740 = arith.select %and3A_738, %add3A_739, %rem3A_730 : i32
      %jit3A_741 = arith.constant 2 : i32
      %eq3A_742 = arith.constant 0 : i32
      %eq3A_743 = arith.cmpi eq, %jit3A_741, %eq3A_742 : i32
      %jit3A_744 = arith.constant 1 : i32
      %select_n3A_745 = arith.select %eq3A_743, %jit3A_744, %jit3A_741 : i32
      %rem3A_746 = arith.remsi %add3A_613, %select_n3A_745 : i32
      %ne3A_747 = arith.constant 0 : i32
      %ne3A_748 = arith.cmpi ne, %rem3A_746, %ne3A_747 : i32
      %lt3A_749 = arith.constant 0 : i32
      %lt3A_750 = arith.cmpi slt, %rem3A_746, %lt3A_749 : i32
      %lt3A_751 = arith.constant 0 : i32
      %lt3A_752 = arith.cmpi slt, %select_n3A_745, %lt3A_751 : i32
      %ne3A_753 = arith.xori %lt3A_750, %lt3A_752 : i1
      %and3A_754 = arith.andi %ne3A_753, %ne3A_748 : i1
      %add3A_755 = arith.addi %rem3A_746, %select_n3A_745 : i32
      %select_n3A_756 = arith.select %and3A_754, %add3A_755, %rem3A_746 : i32
      %mul3A_757 = arith.constant 64 : i32
      %mul3A_758 = arith.muli %select_n3A_756, %mul3A_757 : i32
      %dma_start3A_759 = tpu.memref_slice %arg9[%select_n3A_740, %mul3A_758] : memref<4x128xi32, #tpu.memory_space<vmem>> -> memref<1x64xi32, #tpu.memory_space<vmem>>
      %dma_start3A_760 = tpu.memref_squeeze %dma_start3A_759 : memref<1x64xi32, #tpu.memory_space<vmem>> -> memref<64xi32, #tpu.memory_space<vmem>>
      %dma_start3A_761 = arith.constant 0 : i32
      %dma_start3A_762 = arith.constant 0 : i32
      %dma_start3A_763 = tpu.memref_slice %arg18[%dma_start3A_761, %dma_start3A_762] : memref<10240x128xf32, #tpu.memory_space<vmem_shared>> -> memref<10240x128xf32, #tpu.memory_space<vmem_shared>>
      tpu.enqueue_indirect_dma source(%arg14 : memref<64x128xf32, #tpu.memory_space<vmem>>) target(%dma_start3A_763 : memref<10240x128xf32, #tpu.memory_space<vmem_shared>>) offsets(%dma_start3A_760 : memref<64xi32, #tpu.memory_space<vmem>>) semaphore(%arg28 : memref<!tpu.dma_semaphore, #tpu.memory_space<semaphore_mem>>) {add = true}
      %ge3A_764 = arith.constant 1 : i32
      %ge3A_765 = arith.cmpi sge, %add3A_613, %ge3A_764 : i32
      %convert_element_type3A_766 = arith.extui %ge3A_765 : i1 to i32
      %cond3A_767 = arith.constant 0 : i32
      %cond3A_768 = arith.cmpi ne, %convert_element_type3A_766, %cond3A_767 : i32
      scf.if %cond3A_768 {
        %sub3A_1351 = arith.constant 1 : i32
        %sub3A_1352 = arith.subi %add3A_613, %sub3A_1351 : i32
        %jit3A_1353 = arith.constant 2 : i32
        %div3A_1354 = arith.divsi %sub3A_1352, %jit3A_1353 : i32
        %sign3A_1355 = arith.constant 0 : i32
        %sign3A_1356 = arith.cmpi sgt, %sub3A_1352, %sign3A_1355 : i32
        %sign3A_1357 = arith.extui %sign3A_1356 : i1 to i32
        %sign3A_1358 = arith.constant 0 : i32
        %sign3A_1359 = arith.cmpi slt, %sub3A_1352, %sign3A_1358 : i32
        %sign3A_1360 = arith.extui %sign3A_1359 : i1 to i32
        %sign3A_1361 = arith.subi %sign3A_1357, %sign3A_1360 : i32
        %sign3A_1362 = arith.constant 0 : i32
        %sign3A_1363 = arith.cmpi sgt, %jit3A_1353, %sign3A_1362 : i32
        %sign3A_1364 = arith.extui %sign3A_1363 : i1 to i32
        %sign3A_1365 = arith.constant 0 : i32
        %sign3A_1366 = arith.cmpi slt, %jit3A_1353, %sign3A_1365 : i32
        %sign3A_1367 = arith.extui %sign3A_1366 : i1 to i32
        %sign3A_1368 = arith.subi %sign3A_1364, %sign3A_1367 : i32
        %ne3A_1369 = arith.cmpi ne, %sign3A_1361, %sign3A_1368 : i32
        %rem3A_1370 = arith.remsi %sub3A_1352, %jit3A_1353 : i32
        %ne3A_1371 = arith.constant 0 : i32
        %ne3A_1372 = arith.cmpi ne, %rem3A_1370, %ne3A_1371 : i32
        %and3A_1373 = arith.andi %ne3A_1369, %ne3A_1372 : i1
        %sub3A_1374 = arith.constant 1 : i32
        %sub3A_1375 = arith.subi %div3A_1354, %sub3A_1374 : i32
        %select_n3A_1376 = arith.select %and3A_1373, %sub3A_1375, %div3A_1354 : i32
        %jit3A_1377 = arith.constant 4 : i32
        %eq3A_1378 = arith.constant 0 : i32
        %eq3A_1379 = arith.cmpi eq, %jit3A_1377, %eq3A_1378 : i32
        %jit3A_1380 = arith.constant 1 : i32
        %select_n3A_1381 = arith.select %eq3A_1379, %jit3A_1380, %jit3A_1377 : i32
        %rem3A_1382 = arith.remsi %select_n3A_1376, %select_n3A_1381 : i32
        %ne3A_1383 = arith.constant 0 : i32
        %ne3A_1384 = arith.cmpi ne, %rem3A_1382, %ne3A_1383 : i32
        %lt3A_1385 = arith.constant 0 : i32
        %lt3A_1386 = arith.cmpi slt, %rem3A_1382, %lt3A_1385 : i32
        %lt3A_1387 = arith.constant 0 : i32
        %lt3A_1388 = arith.cmpi slt, %select_n3A_1381, %lt3A_1387 : i32
        %ne3A_1389 = arith.xori %lt3A_1386, %lt3A_1388 : i1
        %and3A_1390 = arith.andi %ne3A_1389, %ne3A_1384 : i1
        %add3A_1391 = arith.addi %rem3A_1382, %select_n3A_1381 : i32
        %select_n3A_1392 = arith.select %and3A_1390, %add3A_1391, %rem3A_1382 : i32
        %jit3A_1393 = arith.constant 2 : i32
        %eq3A_1394 = arith.constant 0 : i32
        %eq3A_1395 = arith.cmpi eq, %jit3A_1393, %eq3A_1394 : i32
        %jit3A_1396 = arith.constant 1 : i32
        %select_n3A_1397 = arith.select %eq3A_1395, %jit3A_1396, %jit3A_1393 : i32
        %rem3A_1398 = arith.remsi %sub3A_1352, %select_n3A_1397 : i32
        %ne3A_1399 = arith.constant 0 : i32
        %ne3A_1400 = arith.cmpi ne, %rem3A_1398, %ne3A_1399 : i32
        %lt3A_1401 = arith.constant 0 : i32
        %lt3A_1402 = arith.cmpi slt, %rem3A_1398, %lt3A_1401 : i32
        %lt3A_1403 = arith.constant 0 : i32
        %lt3A_1404 = arith.cmpi slt, %select_n3A_1397, %lt3A_1403 : i32
        %ne3A_1405 = arith.xori %lt3A_1402, %lt3A_1404 : i1
        %and3A_1406 = arith.andi %ne3A_1405, %ne3A_1400 : i1
        %add3A_1407 = arith.addi %rem3A_1398, %select_n3A_1397 : i32
        %select_n3A_1408 = arith.select %and3A_1406, %add3A_1407, %rem3A_1398 : i32
        %mul3A_1409 = arith.constant 64 : i32
        %mul3A_1410 = arith.muli %select_n3A_1408, %mul3A_1409 : i32
        %dma_wait3A_1411 = tpu.memref_slice %arg9[%select_n3A_1392, %mul3A_1410] : memref<4x128xi32, #tpu.memory_space<vmem>> -> memref<1x64xi32, #tpu.memory_space<vmem>>
        %dma_wait3A_1412 = tpu.memref_squeeze %dma_wait3A_1411 : memref<1x64xi32, #tpu.memory_space<vmem>> -> memref<64xi32, #tpu.memory_space<vmem>>
        %dma_wait3A_1413 = arith.constant 0 : i32
        %dma_wait3A_1414 = arith.constant 0 : i32
        %dma_wait3A_1415 = tpu.memref_slice %arg18[%dma_wait3A_1413, %dma_wait3A_1414] : memref<10240x128xf32, #tpu.memory_space<vmem_shared>> -> memref<10240x128xf32, #tpu.memory_space<vmem_shared>>
        tpu.wait_indirect_dma semaphore(%arg27 : memref<!tpu.dma_semaphore, #tpu.memory_space<semaphore_mem>>) src(%arg13 : memref<64x128xf32, #tpu.memory_space<vmem>>) dst(%dma_wait3A_1415 : memref<10240x128xf32, #tpu.memory_space<vmem_shared>>)
      } else {
      }
      %jit3A_769 = arith.constant 2 : i32
      %eq3A_770 = arith.constant 0 : i32
      %eq3A_771 = arith.cmpi eq, %jit3A_769, %eq3A_770 : i32
      %jit3A_772 = arith.constant 1 : i32
      %select_n3A_773 = arith.select %eq3A_771, %jit3A_772, %jit3A_769 : i32
      %rem3A_774 = arith.remsi %add3A_613, %select_n3A_773 : i32
      %ne3A_775 = arith.constant 0 : i32
      %ne3A_776 = arith.cmpi ne, %rem3A_774, %ne3A_775 : i32
      %lt3A_777 = arith.constant 0 : i32
      %lt3A_778 = arith.cmpi slt, %rem3A_774, %lt3A_777 : i32
      %lt3A_779 = arith.constant 0 : i32
      %lt3A_780 = arith.cmpi slt, %select_n3A_773, %lt3A_779 : i32
      %ne3A_781 = arith.xori %lt3A_778, %lt3A_780 : i1
      %and3A_782 = arith.andi %ne3A_781, %ne3A_776 : i1
      %add3A_783 = arith.addi %rem3A_774, %select_n3A_773 : i32
      %select_n3A_784 = arith.select %and3A_782, %add3A_783, %rem3A_774 : i32
      %eq3A_785 = arith.constant 0 : i32
      %eq3A_786 = arith.cmpi eq, %select_n3A_784, %eq3A_785 : i32
      %convert_element_type3A_787 = arith.extui %eq3A_786 : i1 to i32
      %cond3A_788 = arith.constant 0 : i32
      %cond3A_789 = arith.cmpi ne, %convert_element_type3A_787, %cond3A_788 : i32
      scf.if %cond3A_789 {
        %ge3A_1351 = arith.constant 2 : i32
        %ge3A_1352 = arith.cmpi sge, %add3A_613, %ge3A_1351 : i32
        %convert_element_type3A_1353 = arith.extui %ge3A_1352 : i1 to i32
        %cond3A_1354 = arith.constant 0 : i32
        %cond3A_1355 = arith.cmpi ne, %convert_element_type3A_1353, %cond3A_1354 : i32
        scf.if %cond3A_1355 {
          %add3A_1416 = arith.constant 2 : i32
          %add3A_1417 = arith.addi %select_n3A_637, %add3A_1416 : i32
          %min3A_1418 = arith.constant 77 : i32
          %min3A_1419 = arith.minsi %add3A_1417, %min3A_1418 : i32
          %jit3A_1420 = arith.constant 4 : i32
          %eq3A_1421 = arith.constant 0 : i32
          %eq3A_1422 = arith.cmpi eq, %jit3A_1420, %eq3A_1421 : i32
          %jit3A_1423 = arith.constant 1 : i32
          %select_n3A_1424 = arith.select %eq3A_1422, %jit3A_1423, %jit3A_1420 : i32
          %rem3A_1425 = arith.remsi %add3A_1417, %select_n3A_1424 : i32
          %ne3A_1426 = arith.constant 0 : i32
          %ne3A_1427 = arith.cmpi ne, %rem3A_1425, %ne3A_1426 : i32
          %lt3A_1428 = arith.constant 0 : i32
          %lt3A_1429 = arith.cmpi slt, %rem3A_1425, %lt3A_1428 : i32
          %lt3A_1430 = arith.constant 0 : i32
          %lt3A_1431 = arith.cmpi slt, %select_n3A_1424, %lt3A_1430 : i32
          %ne3A_1432 = arith.xori %lt3A_1429, %lt3A_1431 : i1
          %and3A_1433 = arith.andi %ne3A_1432, %ne3A_1427 : i1
          %add3A_1434 = arith.addi %rem3A_1425, %select_n3A_1424 : i32
          %select_n3A_1435 = arith.select %and3A_1433, %add3A_1434, %rem3A_1425 : i32
          %jit3A_1436 = arith.constant 4 : i32
          %eq3A_1437 = arith.constant 0 : i32
          %eq3A_1438 = arith.cmpi eq, %jit3A_1436, %eq3A_1437 : i32
          %jit3A_1439 = arith.constant 1 : i32
          %select_n3A_1440 = arith.select %eq3A_1438, %jit3A_1439, %jit3A_1436 : i32
          %rem3A_1441 = arith.remsi %add3A_1417, %select_n3A_1440 : i32
          %ne3A_1442 = arith.constant 0 : i32
          %ne3A_1443 = arith.cmpi ne, %rem3A_1441, %ne3A_1442 : i32
          %lt3A_1444 = arith.constant 0 : i32
          %lt3A_1445 = arith.cmpi slt, %rem3A_1441, %lt3A_1444 : i32
          %lt3A_1446 = arith.constant 0 : i32
          %lt3A_1447 = arith.cmpi slt, %select_n3A_1440, %lt3A_1446 : i32
          %ne3A_1448 = arith.xori %lt3A_1445, %lt3A_1447 : i1
          %and3A_1449 = arith.andi %ne3A_1448, %ne3A_1443 : i1
          %add3A_1450 = arith.addi %rem3A_1441, %select_n3A_1440 : i32
          %select_n3A_1451 = arith.select %and3A_1449, %add3A_1450, %rem3A_1441 : i32
          %dma_wait3A_1452 = arith.constant 0 : i32
          %dma_wait3A_1453 = tpu.memref_slice %arg8[%select_n3A_1435, %dma_wait3A_1452] : memref<4x128xi32, #tpu.memory_space<vmem>> -> memref<1x128xi32, #tpu.memory_space<vmem>>
          %dma_wait3A_1454 = tpu.memref_squeeze %dma_wait3A_1453 : memref<1x128xi32, #tpu.memory_space<vmem>> -> memref<128xi32, #tpu.memory_space<vmem>>
          %dma_wait3A_1455 = arith.constant 0 : i32
          %dma_wait3A_1456 = tpu.memref_slice %arg3[%add3A, %min3A_1419, %dma_wait3A_1455] : memref<32x78x128xi32, #tpu.memory_space<hbm>> -> memref<1x1x128xi32, #tpu.memory_space<hbm>>
          %dma_wait3A_1457 = tpu.memref_squeeze %dma_wait3A_1456 : memref<1x1x128xi32, #tpu.memory_space<hbm>> -> memref<128xi32, #tpu.memory_space<hbm>>
          %dma_wait3A_1458 = arith.constant 0 : i32
          %dma_wait3A_1459 = tpu.memref_slice %arg8[%select_n3A_1435, %dma_wait3A_1458] : memref<4x128xi32, #tpu.memory_space<vmem>> -> memref<1x128xi32, #tpu.memory_space<vmem>>
          %dma_wait3A_1460 = tpu.memref_squeeze %dma_wait3A_1459 : memref<1x128xi32, #tpu.memory_space<vmem>> -> memref<128xi32, #tpu.memory_space<vmem>>
          %dma_wait3A_1461 = arith.constant 0 : i32
          %dma_wait3A_1462 = tpu.memref_slice %arg3[%add3A, %min3A_1419, %dma_wait3A_1461] : memref<32x78x128xi32, #tpu.memory_space<hbm>> -> memref<1x1x128xi32, #tpu.memory_space<hbm>>
          %dma_wait3A_1463 = tpu.memref_squeeze %dma_wait3A_1462 : memref<1x1x128xi32, #tpu.memory_space<hbm>> -> memref<128xi32, #tpu.memory_space<hbm>>
          tpu.wait_dma2 semaphore(%arg19 : memref<!tpu.dma_semaphore, #tpu.memory_space<semaphore_mem>>) src(%dma_wait3A_1463 : memref<128xi32, #tpu.memory_space<hbm>>) dst(%dma_wait3A_1460 : memref<128xi32, #tpu.memory_space<vmem>>)
          %dma_wait3A_1464 = arith.constant 0 : i32
          %dma_wait3A_1465 = tpu.memref_slice %arg9[%select_n3A_1451, %dma_wait3A_1464] : memref<4x128xi32, #tpu.memory_space<vmem>> -> memref<1x128xi32, #tpu.memory_space<vmem>>
          %dma_wait3A_1466 = tpu.memref_squeeze %dma_wait3A_1465 : memref<1x128xi32, #tpu.memory_space<vmem>> -> memref<128xi32, #tpu.memory_space<vmem>>
          %dma_wait3A_1467 = arith.constant 0 : i32
          %dma_wait3A_1468 = tpu.memref_slice %arg5[%add3A, %min3A_1419, %dma_wait3A_1467] : memref<32x78x128xi32, #tpu.memory_space<hbm>> -> memref<1x1x128xi32, #tpu.memory_space<hbm>>
          %dma_wait3A_1469 = tpu.memref_squeeze %dma_wait3A_1468 : memref<1x1x128xi32, #tpu.memory_space<hbm>> -> memref<128xi32, #tpu.memory_space<hbm>>
          %dma_wait3A_1470 = arith.constant 0 : i32
          %dma_wait3A_1471 = tpu.memref_slice %arg9[%select_n3A_1451, %dma_wait3A_1470] : memref<4x128xi32, #tpu.memory_space<vmem>> -> memref<1x128xi32, #tpu.memory_space<vmem>>
          %dma_wait3A_1472 = tpu.memref_squeeze %dma_wait3A_1471 : memref<1x128xi32, #tpu.memory_space<vmem>> -> memref<128xi32, #tpu.memory_space<vmem>>
          %dma_wait3A_1473 = arith.constant 0 : i32
          %dma_wait3A_1474 = tpu.memref_slice %arg5[%add3A, %min3A_1419, %dma_wait3A_1473] : memref<32x78x128xi32, #tpu.memory_space<hbm>> -> memref<1x1x128xi32, #tpu.memory_space<hbm>>
          %dma_wait3A_1475 = tpu.memref_squeeze %dma_wait3A_1474 : memref<1x1x128xi32, #tpu.memory_space<hbm>> -> memref<128xi32, #tpu.memory_space<hbm>>
          tpu.wait_dma2 semaphore(%arg20 : memref<!tpu.dma_semaphore, #tpu.memory_space<semaphore_mem>>) src(%dma_wait3A_1475 : memref<128xi32, #tpu.memory_space<hbm>>) dst(%dma_wait3A_1472 : memref<128xi32, #tpu.memory_space<vmem>>)
        } else {
        }
        %add3A_1356 = arith.constant 3 : i32
        %add3A_1357 = arith.addi %select_n3A_637, %add3A_1356 : i32
        %min3A_1358 = arith.constant 77 : i32
        %min3A_1359 = arith.minsi %add3A_1357, %min3A_1358 : i32
        %jit3A_1360 = arith.constant 4 : i32
        %eq3A_1361 = arith.constant 0 : i32
        %eq3A_1362 = arith.cmpi eq, %jit3A_1360, %eq3A_1361 : i32
        %jit3A_1363 = arith.constant 1 : i32
        %select_n3A_1364 = arith.select %eq3A_1362, %jit3A_1363, %jit3A_1360 : i32
        %rem3A_1365 = arith.remsi %add3A_1357, %select_n3A_1364 : i32
        %ne3A_1366 = arith.constant 0 : i32
        %ne3A_1367 = arith.cmpi ne, %rem3A_1365, %ne3A_1366 : i32
        %lt3A_1368 = arith.constant 0 : i32
        %lt3A_1369 = arith.cmpi slt, %rem3A_1365, %lt3A_1368 : i32
        %lt3A_1370 = arith.constant 0 : i32
        %lt3A_1371 = arith.cmpi slt, %select_n3A_1364, %lt3A_1370 : i32
        %ne3A_1372 = arith.xori %lt3A_1369, %lt3A_1371 : i1
        %and3A_1373 = arith.andi %ne3A_1372, %ne3A_1367 : i1
        %add3A_1374 = arith.addi %rem3A_1365, %select_n3A_1364 : i32
        %select_n3A_1375 = arith.select %and3A_1373, %add3A_1374, %rem3A_1365 : i32
        %jit3A_1376 = arith.constant 4 : i32
        %eq3A_1377 = arith.constant 0 : i32
        %eq3A_1378 = arith.cmpi eq, %jit3A_1376, %eq3A_1377 : i32
        %jit3A_1379 = arith.constant 1 : i32
        %select_n3A_1380 = arith.select %eq3A_1378, %jit3A_1379, %jit3A_1376 : i32
        %rem3A_1381 = arith.remsi %add3A_1357, %select_n3A_1380 : i32
        %ne3A_1382 = arith.constant 0 : i32
        %ne3A_1383 = arith.cmpi ne, %rem3A_1381, %ne3A_1382 : i32
        %lt3A_1384 = arith.constant 0 : i32
        %lt3A_1385 = arith.cmpi slt, %rem3A_1381, %lt3A_1384 : i32
        %lt3A_1386 = arith.constant 0 : i32
        %lt3A_1387 = arith.cmpi slt, %select_n3A_1380, %lt3A_1386 : i32
        %ne3A_1388 = arith.xori %lt3A_1385, %lt3A_1387 : i1
        %and3A_1389 = arith.andi %ne3A_1388, %ne3A_1383 : i1
        %add3A_1390 = arith.addi %rem3A_1381, %select_n3A_1380 : i32
        %select_n3A_1391 = arith.select %and3A_1389, %add3A_1390, %rem3A_1381 : i32
        %dma_start3A_1392 = arith.constant 0 : i32
        %dma_start3A_1393 = tpu.memref_slice %arg8[%select_n3A_1375, %dma_start3A_1392] : memref<4x128xi32, #tpu.memory_space<vmem>> -> memref<1x128xi32, #tpu.memory_space<vmem>>
        %dma_start3A_1394 = tpu.memref_squeeze %dma_start3A_1393 : memref<1x128xi32, #tpu.memory_space<vmem>> -> memref<128xi32, #tpu.memory_space<vmem>>
        %dma_start3A_1395 = arith.constant 0 : i32
        %dma_start3A_1396 = tpu.memref_slice %arg3[%add3A, %min3A_1359, %dma_start3A_1395] : memref<32x78x128xi32, #tpu.memory_space<hbm>> -> memref<1x1x128xi32, #tpu.memory_space<hbm>>
        %dma_start3A_1397 = tpu.memref_squeeze %dma_start3A_1396 : memref<1x1x128xi32, #tpu.memory_space<hbm>> -> memref<128xi32, #tpu.memory_space<hbm>>
        %dma_start3A_1398 = arith.constant 0 : i32
        %dma_start3A_1399 = tpu.memref_slice %arg8[%select_n3A_1375, %dma_start3A_1398] : memref<4x128xi32, #tpu.memory_space<vmem>> -> memref<1x128xi32, #tpu.memory_space<vmem>>
        %dma_start3A_1400 = tpu.memref_squeeze %dma_start3A_1399 : memref<1x128xi32, #tpu.memory_space<vmem>> -> memref<128xi32, #tpu.memory_space<vmem>>
        %dma_start3A_1401 = arith.constant 0 : i32
        %dma_start3A_1402 = tpu.memref_slice %arg3[%add3A, %min3A_1359, %dma_start3A_1401] : memref<32x78x128xi32, #tpu.memory_space<hbm>> -> memref<1x1x128xi32, #tpu.memory_space<hbm>>
        %dma_start3A_1403 = tpu.memref_squeeze %dma_start3A_1402 : memref<1x1x128xi32, #tpu.memory_space<hbm>> -> memref<128xi32, #tpu.memory_space<hbm>>
        tpu.enqueue_dma source(%dma_start3A_1403 : memref<128xi32, #tpu.memory_space<hbm>>) target(%dma_start3A_1400 : memref<128xi32, #tpu.memory_space<vmem>>) target_semaphore(%arg19 : memref<!tpu.dma_semaphore, #tpu.memory_space<semaphore_mem>>)
        %dma_start3A_1404 = arith.constant 0 : i32
        %dma_start3A_1405 = tpu.memref_slice %arg9[%select_n3A_1391, %dma_start3A_1404] : memref<4x128xi32, #tpu.memory_space<vmem>> -> memref<1x128xi32, #tpu.memory_space<vmem>>
        %dma_start3A_1406 = tpu.memref_squeeze %dma_start3A_1405 : memref<1x128xi32, #tpu.memory_space<vmem>> -> memref<128xi32, #tpu.memory_space<vmem>>
        %dma_start3A_1407 = arith.constant 0 : i32
        %dma_start3A_1408 = tpu.memref_slice %arg5[%add3A, %min3A_1359, %dma_start3A_1407] : memref<32x78x128xi32, #tpu.memory_space<hbm>> -> memref<1x1x128xi32, #tpu.memory_space<hbm>>
        %dma_start3A_1409 = tpu.memref_squeeze %dma_start3A_1408 : memref<1x1x128xi32, #tpu.memory_space<hbm>> -> memref<128xi32, #tpu.memory_space<hbm>>
        %dma_start3A_1410 = arith.constant 0 : i32
        %dma_start3A_1411 = tpu.memref_slice %arg9[%select_n3A_1391, %dma_start3A_1410] : memref<4x128xi32, #tpu.memory_space<vmem>> -> memref<1x128xi32, #tpu.memory_space<vmem>>
        %dma_start3A_1412 = tpu.memref_squeeze %dma_start3A_1411 : memref<1x128xi32, #tpu.memory_space<vmem>> -> memref<128xi32, #tpu.memory_space<vmem>>
        %dma_start3A_1413 = arith.constant 0 : i32
        %dma_start3A_1414 = tpu.memref_slice %arg5[%add3A, %min3A_1359, %dma_start3A_1413] : memref<32x78x128xi32, #tpu.memory_space<hbm>> -> memref<1x1x128xi32, #tpu.memory_space<hbm>>
        %dma_start3A_1415 = tpu.memref_squeeze %dma_start3A_1414 : memref<1x1x128xi32, #tpu.memory_space<hbm>> -> memref<128xi32, #tpu.memory_space<hbm>>
        tpu.enqueue_dma source(%dma_start3A_1415 : memref<128xi32, #tpu.memory_space<hbm>>) target(%dma_start3A_1412 : memref<128xi32, #tpu.memory_space<vmem>>) target_semaphore(%arg20 : memref<!tpu.dma_semaphore, #tpu.memory_space<semaphore_mem>>)
      } else {
      }
      %add3A_790 = arith.constant 4 : i32
      %add3A_791 = arith.addi %add3A_613, %add3A_790 : i32
      %min3A_792 = arith.constant 155 : i32
      %min3A_793 = arith.minsi %add3A_791, %min3A_792 : i32
      %jit3A_794 = arith.constant 2 : i32
      %div3A_795 = arith.divsi %min3A_793, %jit3A_794 : i32
      %sign3A_796 = arith.constant 0 : i32
      %sign3A_797 = arith.cmpi sgt, %min3A_793, %sign3A_796 : i32
      %sign3A_798 = arith.extui %sign3A_797 : i1 to i32
      %sign3A_799 = arith.constant 0 : i32
      %sign3A_800 = arith.cmpi slt, %min3A_793, %sign3A_799 : i32
      %sign3A_801 = arith.extui %sign3A_800 : i1 to i32
      %sign3A_802 = arith.subi %sign3A_798, %sign3A_801 : i32
      %sign3A_803 = arith.constant 0 : i32
      %sign3A_804 = arith.cmpi sgt, %jit3A_794, %sign3A_803 : i32
      %sign3A_805 = arith.extui %sign3A_804 : i1 to i32
      %sign3A_806 = arith.constant 0 : i32
      %sign3A_807 = arith.cmpi slt, %jit3A_794, %sign3A_806 : i32
      %sign3A_808 = arith.extui %sign3A_807 : i1 to i32
      %sign3A_809 = arith.subi %sign3A_805, %sign3A_808 : i32
      %ne3A_810 = arith.cmpi ne, %sign3A_802, %sign3A_809 : i32
      %rem3A_811 = arith.remsi %min3A_793, %jit3A_794 : i32
      %ne3A_812 = arith.constant 0 : i32
      %ne3A_813 = arith.cmpi ne, %rem3A_811, %ne3A_812 : i32
      %and3A_814 = arith.andi %ne3A_810, %ne3A_813 : i1
      %sub3A_815 = arith.constant 1 : i32
      %sub3A_816 = arith.subi %div3A_795, %sub3A_815 : i32
      %select_n3A_817 = arith.select %and3A_814, %sub3A_816, %div3A_795 : i32
      %jit3A_818 = arith.constant 4 : i32
      %eq3A_819 = arith.constant 0 : i32
      %eq3A_820 = arith.cmpi eq, %jit3A_818, %eq3A_819 : i32
      %jit3A_821 = arith.constant 1 : i32
      %select_n3A_822 = arith.select %eq3A_820, %jit3A_821, %jit3A_818 : i32
      %rem3A_823 = arith.remsi %select_n3A_817, %select_n3A_822 : i32
      %ne3A_824 = arith.constant 0 : i32
      %ne3A_825 = arith.cmpi ne, %rem3A_823, %ne3A_824 : i32
      %lt3A_826 = arith.constant 0 : i32
      %lt3A_827 = arith.cmpi slt, %rem3A_823, %lt3A_826 : i32
      %lt3A_828 = arith.constant 0 : i32
      %lt3A_829 = arith.cmpi slt, %select_n3A_822, %lt3A_828 : i32
      %ne3A_830 = arith.xori %lt3A_827, %lt3A_829 : i1
      %and3A_831 = arith.andi %ne3A_830, %ne3A_825 : i1
      %add3A_832 = arith.addi %rem3A_823, %select_n3A_822 : i32
      %select_n3A_833 = arith.select %and3A_831, %add3A_832, %rem3A_823 : i32
      %jit3A_834 = arith.constant 2 : i32
      %eq3A_835 = arith.constant 0 : i32
      %eq3A_836 = arith.cmpi eq, %jit3A_834, %eq3A_835 : i32
      %jit3A_837 = arith.constant 1 : i32
      %select_n3A_838 = arith.select %eq3A_836, %jit3A_837, %jit3A_834 : i32
      %rem3A_839 = arith.remsi %min3A_793, %select_n3A_838 : i32
      %ne3A_840 = arith.constant 0 : i32
      %ne3A_841 = arith.cmpi ne, %rem3A_839, %ne3A_840 : i32
      %lt3A_842 = arith.constant 0 : i32
      %lt3A_843 = arith.cmpi slt, %rem3A_839, %lt3A_842 : i32
      %lt3A_844 = arith.constant 0 : i32
      %lt3A_845 = arith.cmpi slt, %select_n3A_838, %lt3A_844 : i32
      %ne3A_846 = arith.xori %lt3A_843, %lt3A_845 : i1
      %and3A_847 = arith.andi %ne3A_846, %ne3A_841 : i1
      %add3A_848 = arith.addi %rem3A_839, %select_n3A_838 : i32
      %select_n3A_849 = arith.select %and3A_847, %add3A_848, %rem3A_839 : i32
      %mul3A_850 = arith.constant 64 : i32
      %mul3A_851 = arith.muli %select_n3A_849, %mul3A_850 : i32
      %dma_start3A_852 = tpu.memref_slice %arg8[%select_n3A_833, %mul3A_851] : memref<4x128xi32, #tpu.memory_space<vmem>> -> memref<1x64xi32, #tpu.memory_space<vmem>>
      %dma_start3A_853 = tpu.memref_squeeze %dma_start3A_852 : memref<1x64xi32, #tpu.memory_space<vmem>> -> memref<64xi32, #tpu.memory_space<vmem>>
      %dma_start3A_854 = arith.constant 0 : i32
      %dma_start3A_855 = arith.constant 0 : i32
      %dma_start3A_856 = tpu.memref_slice %arg2[%dma_start3A_854, %dma_start3A_855] : memref<10000x128xf32, #tpu.memory_space<hbm>> -> memref<10000x128xf32, #tpu.memory_space<hbm>>
      tpu.enqueue_indirect_dma source(%dma_start3A_856 : memref<10000x128xf32, #tpu.memory_space<hbm>>) target(%arg13 : memref<64x128xf32, #tpu.memory_space<vmem>>) offsets(%dma_start3A_853 : memref<64xi32, #tpu.memory_space<vmem>>) semaphore(%arg22 : memref<!tpu.dma_semaphore, #tpu.memory_space<semaphore_mem>>)
      %mul3A_857 = arith.constant 5 : i32
      %mul3A_858 = arith.muli %mul3A_857, %add3A_128 : i32
      %add3A_859 = arith.constant 3 : i32
      %add3A_860 = arith.addi %mul3A_858, %add3A_859 : i32
      %jit3A_861 = arith.constant 2 : i32
      %div3A_862 = arith.divsi %add3A_860, %jit3A_861 : i32
      %sign3A_863 = arith.constant 0 : i32
      %sign3A_864 = arith.cmpi sgt, %add3A_860, %sign3A_863 : i32
      %sign3A_865 = arith.extui %sign3A_864 : i1 to i32
      %sign3A_866 = arith.constant 0 : i32
      %sign3A_867 = arith.cmpi slt, %add3A_860, %sign3A_866 : i32
      %sign3A_868 = arith.extui %sign3A_867 : i1 to i32
      %sign3A_869 = arith.subi %sign3A_865, %sign3A_868 : i32
      %sign3A_870 = arith.constant 0 : i32
      %sign3A_871 = arith.cmpi sgt, %jit3A_861, %sign3A_870 : i32
      %sign3A_872 = arith.extui %sign3A_871 : i1 to i32
      %sign3A_873 = arith.constant 0 : i32
      %sign3A_874 = arith.cmpi slt, %jit3A_861, %sign3A_873 : i32
      %sign3A_875 = arith.extui %sign3A_874 : i1 to i32
      %sign3A_876 = arith.subi %sign3A_872, %sign3A_875 : i32
      %ne3A_877 = arith.cmpi ne, %sign3A_869, %sign3A_876 : i32
      %rem3A_878 = arith.remsi %add3A_860, %jit3A_861 : i32
      %ne3A_879 = arith.constant 0 : i32
      %ne3A_880 = arith.cmpi ne, %rem3A_878, %ne3A_879 : i32
      %and3A_881 = arith.andi %ne3A_877, %ne3A_880 : i1
      %sub3A_882 = arith.constant 1 : i32
      %sub3A_883 = arith.subi %div3A_862, %sub3A_882 : i32
      %select_n3A_884 = arith.select %and3A_881, %sub3A_883, %div3A_862 : i32
      %jit3A_885 = arith.constant 2 : i32
      %div3A_886 = arith.divsi %add3A_860, %jit3A_885 : i32
      %sign3A_887 = arith.constant 0 : i32
      %sign3A_888 = arith.cmpi sgt, %add3A_860, %sign3A_887 : i32
      %sign3A_889 = arith.extui %sign3A_888 : i1 to i32
      %sign3A_890 = arith.constant 0 : i32
      %sign3A_891 = arith.cmpi slt, %add3A_860, %sign3A_890 : i32
      %sign3A_892 = arith.extui %sign3A_891 : i1 to i32
      %sign3A_893 = arith.subi %sign3A_889, %sign3A_892 : i32
      %sign3A_894 = arith.constant 0 : i32
      %sign3A_895 = arith.cmpi sgt, %jit3A_885, %sign3A_894 : i32
      %sign3A_896 = arith.extui %sign3A_895 : i1 to i32
      %sign3A_897 = arith.constant 0 : i32
      %sign3A_898 = arith.cmpi slt, %jit3A_885, %sign3A_897 : i32
      %sign3A_899 = arith.extui %sign3A_898 : i1 to i32
      %sign3A_900 = arith.subi %sign3A_896, %sign3A_899 : i32
      %ne3A_901 = arith.cmpi ne, %sign3A_893, %sign3A_900 : i32
      %rem3A_902 = arith.remsi %add3A_860, %jit3A_885 : i32
      %ne3A_903 = arith.constant 0 : i32
      %ne3A_904 = arith.cmpi ne, %rem3A_902, %ne3A_903 : i32
      %and3A_905 = arith.andi %ne3A_901, %ne3A_904 : i1
      %sub3A_906 = arith.constant 1 : i32
      %sub3A_907 = arith.subi %div3A_886, %sub3A_906 : i32
      %select_n3A_908 = arith.select %and3A_905, %sub3A_907, %div3A_886 : i32
      %jit3A_909 = arith.constant 4 : i32
      %eq3A_910 = arith.constant 0 : i32
      %eq3A_911 = arith.cmpi eq, %jit3A_909, %eq3A_910 : i32
      %jit3A_912 = arith.constant 1 : i32
      %select_n3A_913 = arith.select %eq3A_911, %jit3A_912, %jit3A_909 : i32
      %rem3A_914 = arith.remsi %select_n3A_908, %select_n3A_913 : i32
      %ne3A_915 = arith.constant 0 : i32
      %ne3A_916 = arith.cmpi ne, %rem3A_914, %ne3A_915 : i32
      %lt3A_917 = arith.constant 0 : i32
      %lt3A_918 = arith.cmpi slt, %rem3A_914, %lt3A_917 : i32
      %lt3A_919 = arith.constant 0 : i32
      %lt3A_920 = arith.cmpi slt, %select_n3A_913, %lt3A_919 : i32
      %ne3A_921 = arith.xori %lt3A_918, %lt3A_920 : i1
      %and3A_922 = arith.andi %ne3A_921, %ne3A_916 : i1
      %add3A_923 = arith.addi %rem3A_914, %select_n3A_913 : i32
      %select_n3A_924 = arith.select %and3A_922, %add3A_923, %rem3A_914 : i32
      %jit3A_925 = arith.constant 2 : i32
      %eq3A_926 = arith.constant 0 : i32
      %eq3A_927 = arith.cmpi eq, %jit3A_925, %eq3A_926 : i32
      %jit3A_928 = arith.constant 1 : i32
      %select_n3A_929 = arith.select %eq3A_927, %jit3A_928, %jit3A_925 : i32
      %rem3A_930 = arith.remsi %add3A_860, %select_n3A_929 : i32
      %ne3A_931 = arith.constant 0 : i32
      %ne3A_932 = arith.cmpi ne, %rem3A_930, %ne3A_931 : i32
      %lt3A_933 = arith.constant 0 : i32
      %lt3A_934 = arith.cmpi slt, %rem3A_930, %lt3A_933 : i32
      %lt3A_935 = arith.constant 0 : i32
      %lt3A_936 = arith.cmpi slt, %select_n3A_929, %lt3A_935 : i32
      %ne3A_937 = arith.xori %lt3A_934, %lt3A_936 : i1
      %and3A_938 = arith.andi %ne3A_937, %ne3A_932 : i1
      %add3A_939 = arith.addi %rem3A_930, %select_n3A_929 : i32
      %select_n3A_940 = arith.select %and3A_938, %add3A_939, %rem3A_930 : i32
      %mul3A_941 = arith.constant 64 : i32
      %mul3A_942 = arith.muli %select_n3A_940, %mul3A_941 : i32
      %dma_wait3A_943 = tpu.memref_slice %arg8[%select_n3A_924, %mul3A_942] : memref<4x128xi32, #tpu.memory_space<vmem>> -> memref<1x64xi32, #tpu.memory_space<vmem>>
      %dma_wait3A_944 = tpu.memref_squeeze %dma_wait3A_943 : memref<1x64xi32, #tpu.memory_space<vmem>> -> memref<64xi32, #tpu.memory_space<vmem>>
      %dma_wait3A_945 = arith.constant 0 : i32
      %dma_wait3A_946 = arith.constant 0 : i32
      %dma_wait3A_947 = tpu.memref_slice %arg2[%dma_wait3A_945, %dma_wait3A_946] : memref<10000x128xf32, #tpu.memory_space<hbm>> -> memref<10000x128xf32, #tpu.memory_space<hbm>>
      tpu.wait_indirect_dma semaphore(%arg24 : memref<!tpu.dma_semaphore, #tpu.memory_space<semaphore_mem>>) src(%dma_wait3A_947 : memref<10000x128xf32, #tpu.memory_space<hbm>>) dst(%arg15 : memref<64x128xf32, #tpu.memory_space<vmem>>)
      %jit3A_948 = arith.constant 2 : i32
      %div3A_949 = arith.divsi %add3A_860, %jit3A_948 : i32
      %sign3A_950 = arith.constant 0 : i32
      %sign3A_951 = arith.cmpi sgt, %add3A_860, %sign3A_950 : i32
      %sign3A_952 = arith.extui %sign3A_951 : i1 to i32
      %sign3A_953 = arith.constant 0 : i32
      %sign3A_954 = arith.cmpi slt, %add3A_860, %sign3A_953 : i32
      %sign3A_955 = arith.extui %sign3A_954 : i1 to i32
      %sign3A_956 = arith.subi %sign3A_952, %sign3A_955 : i32
      %sign3A_957 = arith.constant 0 : i32
      %sign3A_958 = arith.cmpi sgt, %jit3A_948, %sign3A_957 : i32
      %sign3A_959 = arith.extui %sign3A_958 : i1 to i32
      %sign3A_960 = arith.constant 0 : i32
      %sign3A_961 = arith.cmpi slt, %jit3A_948, %sign3A_960 : i32
      %sign3A_962 = arith.extui %sign3A_961 : i1 to i32
      %sign3A_963 = arith.subi %sign3A_959, %sign3A_962 : i32
      %ne3A_964 = arith.cmpi ne, %sign3A_956, %sign3A_963 : i32
      %rem3A_965 = arith.remsi %add3A_860, %jit3A_948 : i32
      %ne3A_966 = arith.constant 0 : i32
      %ne3A_967 = arith.cmpi ne, %rem3A_965, %ne3A_966 : i32
      %and3A_968 = arith.andi %ne3A_964, %ne3A_967 : i1
      %sub3A_969 = arith.constant 1 : i32
      %sub3A_970 = arith.subi %div3A_949, %sub3A_969 : i32
      %select_n3A_971 = arith.select %and3A_968, %sub3A_970, %div3A_949 : i32
      %jit3A_972 = arith.constant 4 : i32
      %eq3A_973 = arith.constant 0 : i32
      %eq3A_974 = arith.cmpi eq, %jit3A_972, %eq3A_973 : i32
      %jit3A_975 = arith.constant 1 : i32
      %select_n3A_976 = arith.select %eq3A_974, %jit3A_975, %jit3A_972 : i32
      %rem3A_977 = arith.remsi %select_n3A_971, %select_n3A_976 : i32
      %ne3A_978 = arith.constant 0 : i32
      %ne3A_979 = arith.cmpi ne, %rem3A_977, %ne3A_978 : i32
      %lt3A_980 = arith.constant 0 : i32
      %lt3A_981 = arith.cmpi slt, %rem3A_977, %lt3A_980 : i32
      %lt3A_982 = arith.constant 0 : i32
      %lt3A_983 = arith.cmpi slt, %select_n3A_976, %lt3A_982 : i32
      %ne3A_984 = arith.xori %lt3A_981, %lt3A_983 : i1
      %and3A_985 = arith.andi %ne3A_984, %ne3A_979 : i1
      %add3A_986 = arith.addi %rem3A_977, %select_n3A_976 : i32
      %select_n3A_987 = arith.select %and3A_985, %add3A_986, %rem3A_977 : i32
      %jit3A_988 = arith.constant 2 : i32
      %eq3A_989 = arith.constant 0 : i32
      %eq3A_990 = arith.cmpi eq, %jit3A_988, %eq3A_989 : i32
      %jit3A_991 = arith.constant 1 : i32
      %select_n3A_992 = arith.select %eq3A_990, %jit3A_991, %jit3A_988 : i32
      %rem3A_993 = arith.remsi %add3A_860, %select_n3A_992 : i32
      %ne3A_994 = arith.constant 0 : i32
      %ne3A_995 = arith.cmpi ne, %rem3A_993, %ne3A_994 : i32
      %lt3A_996 = arith.constant 0 : i32
      %lt3A_997 = arith.cmpi slt, %rem3A_993, %lt3A_996 : i32
      %lt3A_998 = arith.constant 0 : i32
      %lt3A_999 = arith.cmpi slt, %select_n3A_992, %lt3A_998 : i32
      %ne3A_1000 = arith.xori %lt3A_997, %lt3A_999 : i1
      %and3A_1001 = arith.andi %ne3A_1000, %ne3A_995 : i1
      %add3A_1002 = arith.addi %rem3A_993, %select_n3A_992 : i32
      %select_n3A_1003 = arith.select %and3A_1001, %add3A_1002, %rem3A_993 : i32
      %mul3A_1004 = arith.constant 64 : i32
      %mul3A_1005 = arith.muli %select_n3A_1003, %mul3A_1004 : i32
      %dma_start3A_1006 = tpu.memref_slice %arg9[%select_n3A_987, %mul3A_1005] : memref<4x128xi32, #tpu.memory_space<vmem>> -> memref<1x64xi32, #tpu.memory_space<vmem>>
      %dma_start3A_1007 = tpu.memref_squeeze %dma_start3A_1006 : memref<1x64xi32, #tpu.memory_space<vmem>> -> memref<64xi32, #tpu.memory_space<vmem>>
      %dma_start3A_1008 = arith.constant 0 : i32
      %dma_start3A_1009 = arith.constant 0 : i32
      %dma_start3A_1010 = tpu.memref_slice %arg18[%dma_start3A_1008, %dma_start3A_1009] : memref<10240x128xf32, #tpu.memory_space<vmem_shared>> -> memref<10240x128xf32, #tpu.memory_space<vmem_shared>>
      tpu.enqueue_indirect_dma source(%arg15 : memref<64x128xf32, #tpu.memory_space<vmem>>) target(%dma_start3A_1010 : memref<10240x128xf32, #tpu.memory_space<vmem_shared>>) offsets(%dma_start3A_1007 : memref<64xi32, #tpu.memory_space<vmem>>) semaphore(%arg29 : memref<!tpu.dma_semaphore, #tpu.memory_space<semaphore_mem>>) {add = true}
      %ge3A_1011 = arith.constant 1 : i32
      %ge3A_1012 = arith.cmpi sge, %add3A_860, %ge3A_1011 : i32
      %convert_element_type3A_1013 = arith.extui %ge3A_1012 : i1 to i32
      %cond3A_1014 = arith.constant 0 : i32
      %cond3A_1015 = arith.cmpi ne, %convert_element_type3A_1013, %cond3A_1014 : i32
      scf.if %cond3A_1015 {
        %sub3A_1351 = arith.constant 1 : i32
        %sub3A_1352 = arith.subi %add3A_860, %sub3A_1351 : i32
        %jit3A_1353 = arith.constant 2 : i32
        %div3A_1354 = arith.divsi %sub3A_1352, %jit3A_1353 : i32
        %sign3A_1355 = arith.constant 0 : i32
        %sign3A_1356 = arith.cmpi sgt, %sub3A_1352, %sign3A_1355 : i32
        %sign3A_1357 = arith.extui %sign3A_1356 : i1 to i32
        %sign3A_1358 = arith.constant 0 : i32
        %sign3A_1359 = arith.cmpi slt, %sub3A_1352, %sign3A_1358 : i32
        %sign3A_1360 = arith.extui %sign3A_1359 : i1 to i32
        %sign3A_1361 = arith.subi %sign3A_1357, %sign3A_1360 : i32
        %sign3A_1362 = arith.constant 0 : i32
        %sign3A_1363 = arith.cmpi sgt, %jit3A_1353, %sign3A_1362 : i32
        %sign3A_1364 = arith.extui %sign3A_1363 : i1 to i32
        %sign3A_1365 = arith.constant 0 : i32
        %sign3A_1366 = arith.cmpi slt, %jit3A_1353, %sign3A_1365 : i32
        %sign3A_1367 = arith.extui %sign3A_1366 : i1 to i32
        %sign3A_1368 = arith.subi %sign3A_1364, %sign3A_1367 : i32
        %ne3A_1369 = arith.cmpi ne, %sign3A_1361, %sign3A_1368 : i32
        %rem3A_1370 = arith.remsi %sub3A_1352, %jit3A_1353 : i32
        %ne3A_1371 = arith.constant 0 : i32
        %ne3A_1372 = arith.cmpi ne, %rem3A_1370, %ne3A_1371 : i32
        %and3A_1373 = arith.andi %ne3A_1369, %ne3A_1372 : i1
        %sub3A_1374 = arith.constant 1 : i32
        %sub3A_1375 = arith.subi %div3A_1354, %sub3A_1374 : i32
        %select_n3A_1376 = arith.select %and3A_1373, %sub3A_1375, %div3A_1354 : i32
        %jit3A_1377 = arith.constant 4 : i32
        %eq3A_1378 = arith.constant 0 : i32
        %eq3A_1379 = arith.cmpi eq, %jit3A_1377, %eq3A_1378 : i32
        %jit3A_1380 = arith.constant 1 : i32
        %select_n3A_1381 = arith.select %eq3A_1379, %jit3A_1380, %jit3A_1377 : i32
        %rem3A_1382 = arith.remsi %select_n3A_1376, %select_n3A_1381 : i32
        %ne3A_1383 = arith.constant 0 : i32
        %ne3A_1384 = arith.cmpi ne, %rem3A_1382, %ne3A_1383 : i32
        %lt3A_1385 = arith.constant 0 : i32
        %lt3A_1386 = arith.cmpi slt, %rem3A_1382, %lt3A_1385 : i32
        %lt3A_1387 = arith.constant 0 : i32
        %lt3A_1388 = arith.cmpi slt, %select_n3A_1381, %lt3A_1387 : i32
        %ne3A_1389 = arith.xori %lt3A_1386, %lt3A_1388 : i1
        %and3A_1390 = arith.andi %ne3A_1389, %ne3A_1384 : i1
        %add3A_1391 = arith.addi %rem3A_1382, %select_n3A_1381 : i32
        %select_n3A_1392 = arith.select %and3A_1390, %add3A_1391, %rem3A_1382 : i32
        %jit3A_1393 = arith.constant 2 : i32
        %eq3A_1394 = arith.constant 0 : i32
        %eq3A_1395 = arith.cmpi eq, %jit3A_1393, %eq3A_1394 : i32
        %jit3A_1396 = arith.constant 1 : i32
        %select_n3A_1397 = arith.select %eq3A_1395, %jit3A_1396, %jit3A_1393 : i32
        %rem3A_1398 = arith.remsi %sub3A_1352, %select_n3A_1397 : i32
        %ne3A_1399 = arith.constant 0 : i32
        %ne3A_1400 = arith.cmpi ne, %rem3A_1398, %ne3A_1399 : i32
        %lt3A_1401 = arith.constant 0 : i32
        %lt3A_1402 = arith.cmpi slt, %rem3A_1398, %lt3A_1401 : i32
        %lt3A_1403 = arith.constant 0 : i32
        %lt3A_1404 = arith.cmpi slt, %select_n3A_1397, %lt3A_1403 : i32
        %ne3A_1405 = arith.xori %lt3A_1402, %lt3A_1404 : i1
        %and3A_1406 = arith.andi %ne3A_1405, %ne3A_1400 : i1
        %add3A_1407 = arith.addi %rem3A_1398, %select_n3A_1397 : i32
        %select_n3A_1408 = arith.select %and3A_1406, %add3A_1407, %rem3A_1398 : i32
        %mul3A_1409 = arith.constant 64 : i32
        %mul3A_1410 = arith.muli %select_n3A_1408, %mul3A_1409 : i32
        %dma_wait3A_1411 = tpu.memref_slice %arg9[%select_n3A_1392, %mul3A_1410] : memref<4x128xi32, #tpu.memory_space<vmem>> -> memref<1x64xi32, #tpu.memory_space<vmem>>
        %dma_wait3A_1412 = tpu.memref_squeeze %dma_wait3A_1411 : memref<1x64xi32, #tpu.memory_space<vmem>> -> memref<64xi32, #tpu.memory_space<vmem>>
        %dma_wait3A_1413 = arith.constant 0 : i32
        %dma_wait3A_1414 = arith.constant 0 : i32
        %dma_wait3A_1415 = tpu.memref_slice %arg18[%dma_wait3A_1413, %dma_wait3A_1414] : memref<10240x128xf32, #tpu.memory_space<vmem_shared>> -> memref<10240x128xf32, #tpu.memory_space<vmem_shared>>
        tpu.wait_indirect_dma semaphore(%arg28 : memref<!tpu.dma_semaphore, #tpu.memory_space<semaphore_mem>>) src(%arg14 : memref<64x128xf32, #tpu.memory_space<vmem>>) dst(%dma_wait3A_1415 : memref<10240x128xf32, #tpu.memory_space<vmem_shared>>)
      } else {
      }
      %jit3A_1016 = arith.constant 2 : i32
      %eq3A_1017 = arith.constant 0 : i32
      %eq3A_1018 = arith.cmpi eq, %jit3A_1016, %eq3A_1017 : i32
      %jit3A_1019 = arith.constant 1 : i32
      %select_n3A_1020 = arith.select %eq3A_1018, %jit3A_1019, %jit3A_1016 : i32
      %rem3A_1021 = arith.remsi %add3A_860, %select_n3A_1020 : i32
      %ne3A_1022 = arith.constant 0 : i32
      %ne3A_1023 = arith.cmpi ne, %rem3A_1021, %ne3A_1022 : i32
      %lt3A_1024 = arith.constant 0 : i32
      %lt3A_1025 = arith.cmpi slt, %rem3A_1021, %lt3A_1024 : i32
      %lt3A_1026 = arith.constant 0 : i32
      %lt3A_1027 = arith.cmpi slt, %select_n3A_1020, %lt3A_1026 : i32
      %ne3A_1028 = arith.xori %lt3A_1025, %lt3A_1027 : i1
      %and3A_1029 = arith.andi %ne3A_1028, %ne3A_1023 : i1
      %add3A_1030 = arith.addi %rem3A_1021, %select_n3A_1020 : i32
      %select_n3A_1031 = arith.select %and3A_1029, %add3A_1030, %rem3A_1021 : i32
      %eq3A_1032 = arith.constant 0 : i32
      %eq3A_1033 = arith.cmpi eq, %select_n3A_1031, %eq3A_1032 : i32
      %convert_element_type3A_1034 = arith.extui %eq3A_1033 : i1 to i32
      %cond3A_1035 = arith.constant 0 : i32
      %cond3A_1036 = arith.cmpi ne, %convert_element_type3A_1034, %cond3A_1035 : i32
      scf.if %cond3A_1036 {
        %ge3A_1351 = arith.constant 2 : i32
        %ge3A_1352 = arith.cmpi sge, %add3A_860, %ge3A_1351 : i32
        %convert_element_type3A_1353 = arith.extui %ge3A_1352 : i1 to i32
        %cond3A_1354 = arith.constant 0 : i32
        %cond3A_1355 = arith.cmpi ne, %convert_element_type3A_1353, %cond3A_1354 : i32
        scf.if %cond3A_1355 {
          %add3A_1416 = arith.constant 2 : i32
          %add3A_1417 = arith.addi %select_n3A_884, %add3A_1416 : i32
          %min3A_1418 = arith.constant 77 : i32
          %min3A_1419 = arith.minsi %add3A_1417, %min3A_1418 : i32
          %jit3A_1420 = arith.constant 4 : i32
          %eq3A_1421 = arith.constant 0 : i32
          %eq3A_1422 = arith.cmpi eq, %jit3A_1420, %eq3A_1421 : i32
          %jit3A_1423 = arith.constant 1 : i32
          %select_n3A_1424 = arith.select %eq3A_1422, %jit3A_1423, %jit3A_1420 : i32
          %rem3A_1425 = arith.remsi %add3A_1417, %select_n3A_1424 : i32
          %ne3A_1426 = arith.constant 0 : i32
          %ne3A_1427 = arith.cmpi ne, %rem3A_1425, %ne3A_1426 : i32
          %lt3A_1428 = arith.constant 0 : i32
          %lt3A_1429 = arith.cmpi slt, %rem3A_1425, %lt3A_1428 : i32
          %lt3A_1430 = arith.constant 0 : i32
          %lt3A_1431 = arith.cmpi slt, %select_n3A_1424, %lt3A_1430 : i32
          %ne3A_1432 = arith.xori %lt3A_1429, %lt3A_1431 : i1
          %and3A_1433 = arith.andi %ne3A_1432, %ne3A_1427 : i1
          %add3A_1434 = arith.addi %rem3A_1425, %select_n3A_1424 : i32
          %select_n3A_1435 = arith.select %and3A_1433, %add3A_1434, %rem3A_1425 : i32
          %jit3A_1436 = arith.constant 4 : i32
          %eq3A_1437 = arith.constant 0 : i32
          %eq3A_1438 = arith.cmpi eq, %jit3A_1436, %eq3A_1437 : i32
          %jit3A_1439 = arith.constant 1 : i32
          %select_n3A_1440 = arith.select %eq3A_1438, %jit3A_1439, %jit3A_1436 : i32
          %rem3A_1441 = arith.remsi %add3A_1417, %select_n3A_1440 : i32
          %ne3A_1442 = arith.constant 0 : i32
          %ne3A_1443 = arith.cmpi ne, %rem3A_1441, %ne3A_1442 : i32
          %lt3A_1444 = arith.constant 0 : i32
          %lt3A_1445 = arith.cmpi slt, %rem3A_1441, %lt3A_1444 : i32
          %lt3A_1446 = arith.constant 0 : i32
          %lt3A_1447 = arith.cmpi slt, %select_n3A_1440, %lt3A_1446 : i32
          %ne3A_1448 = arith.xori %lt3A_1445, %lt3A_1447 : i1
          %and3A_1449 = arith.andi %ne3A_1448, %ne3A_1443 : i1
          %add3A_1450 = arith.addi %rem3A_1441, %select_n3A_1440 : i32
          %select_n3A_1451 = arith.select %and3A_1449, %add3A_1450, %rem3A_1441 : i32
          %dma_wait3A_1452 = arith.constant 0 : i32
          %dma_wait3A_1453 = tpu.memref_slice %arg8[%select_n3A_1435, %dma_wait3A_1452] : memref<4x128xi32, #tpu.memory_space<vmem>> -> memref<1x128xi32, #tpu.memory_space<vmem>>
          %dma_wait3A_1454 = tpu.memref_squeeze %dma_wait3A_1453 : memref<1x128xi32, #tpu.memory_space<vmem>> -> memref<128xi32, #tpu.memory_space<vmem>>
          %dma_wait3A_1455 = arith.constant 0 : i32
          %dma_wait3A_1456 = tpu.memref_slice %arg3[%add3A, %min3A_1419, %dma_wait3A_1455] : memref<32x78x128xi32, #tpu.memory_space<hbm>> -> memref<1x1x128xi32, #tpu.memory_space<hbm>>
          %dma_wait3A_1457 = tpu.memref_squeeze %dma_wait3A_1456 : memref<1x1x128xi32, #tpu.memory_space<hbm>> -> memref<128xi32, #tpu.memory_space<hbm>>
          %dma_wait3A_1458 = arith.constant 0 : i32
          %dma_wait3A_1459 = tpu.memref_slice %arg8[%select_n3A_1435, %dma_wait3A_1458] : memref<4x128xi32, #tpu.memory_space<vmem>> -> memref<1x128xi32, #tpu.memory_space<vmem>>
          %dma_wait3A_1460 = tpu.memref_squeeze %dma_wait3A_1459 : memref<1x128xi32, #tpu.memory_space<vmem>> -> memref<128xi32, #tpu.memory_space<vmem>>
          %dma_wait3A_1461 = arith.constant 0 : i32
          %dma_wait3A_1462 = tpu.memref_slice %arg3[%add3A, %min3A_1419, %dma_wait3A_1461] : memref<32x78x128xi32, #tpu.memory_space<hbm>> -> memref<1x1x128xi32, #tpu.memory_space<hbm>>
          %dma_wait3A_1463 = tpu.memref_squeeze %dma_wait3A_1462 : memref<1x1x128xi32, #tpu.memory_space<hbm>> -> memref<128xi32, #tpu.memory_space<hbm>>
          tpu.wait_dma2 semaphore(%arg19 : memref<!tpu.dma_semaphore, #tpu.memory_space<semaphore_mem>>) src(%dma_wait3A_1463 : memref<128xi32, #tpu.memory_space<hbm>>) dst(%dma_wait3A_1460 : memref<128xi32, #tpu.memory_space<vmem>>)
          %dma_wait3A_1464 = arith.constant 0 : i32
          %dma_wait3A_1465 = tpu.memref_slice %arg9[%select_n3A_1451, %dma_wait3A_1464] : memref<4x128xi32, #tpu.memory_space<vmem>> -> memref<1x128xi32, #tpu.memory_space<vmem>>
          %dma_wait3A_1466 = tpu.memref_squeeze %dma_wait3A_1465 : memref<1x128xi32, #tpu.memory_space<vmem>> -> memref<128xi32, #tpu.memory_space<vmem>>
          %dma_wait3A_1467 = arith.constant 0 : i32
          %dma_wait3A_1468 = tpu.memref_slice %arg5[%add3A, %min3A_1419, %dma_wait3A_1467] : memref<32x78x128xi32, #tpu.memory_space<hbm>> -> memref<1x1x128xi32, #tpu.memory_space<hbm>>
          %dma_wait3A_1469 = tpu.memref_squeeze %dma_wait3A_1468 : memref<1x1x128xi32, #tpu.memory_space<hbm>> -> memref<128xi32, #tpu.memory_space<hbm>>
          %dma_wait3A_1470 = arith.constant 0 : i32
          %dma_wait3A_1471 = tpu.memref_slice %arg9[%select_n3A_1451, %dma_wait3A_1470] : memref<4x128xi32, #tpu.memory_space<vmem>> -> memref<1x128xi32, #tpu.memory_space<vmem>>
          %dma_wait3A_1472 = tpu.memref_squeeze %dma_wait3A_1471 : memref<1x128xi32, #tpu.memory_space<vmem>> -> memref<128xi32, #tpu.memory_space<vmem>>
          %dma_wait3A_1473 = arith.constant 0 : i32
          %dma_wait3A_1474 = tpu.memref_slice %arg5[%add3A, %min3A_1419, %dma_wait3A_1473] : memref<32x78x128xi32, #tpu.memory_space<hbm>> -> memref<1x1x128xi32, #tpu.memory_space<hbm>>
          %dma_wait3A_1475 = tpu.memref_squeeze %dma_wait3A_1474 : memref<1x1x128xi32, #tpu.memory_space<hbm>> -> memref<128xi32, #tpu.memory_space<hbm>>
          tpu.wait_dma2 semaphore(%arg20 : memref<!tpu.dma_semaphore, #tpu.memory_space<semaphore_mem>>) src(%dma_wait3A_1475 : memref<128xi32, #tpu.memory_space<hbm>>) dst(%dma_wait3A_1472 : memref<128xi32, #tpu.memory_space<vmem>>)
        } else {
        }
        %add3A_1356 = arith.constant 3 : i32
        %add3A_1357 = arith.addi %select_n3A_884, %add3A_1356 : i32
        %min3A_1358 = arith.constant 77 : i32
        %min3A_1359 = arith.minsi %add3A_1357, %min3A_1358 : i32
        %jit3A_1360 = arith.constant 4 : i32
        %eq3A_1361 = arith.constant 0 : i32
        %eq3A_1362 = arith.cmpi eq, %jit3A_1360, %eq3A_1361 : i32
        %jit3A_1363 = arith.constant 1 : i32
        %select_n3A_1364 = arith.select %eq3A_1362, %jit3A_1363, %jit3A_1360 : i32
        %rem3A_1365 = arith.remsi %add3A_1357, %select_n3A_1364 : i32
        %ne3A_1366 = arith.constant 0 : i32
        %ne3A_1367 = arith.cmpi ne, %rem3A_1365, %ne3A_1366 : i32
        %lt3A_1368 = arith.constant 0 : i32
        %lt3A_1369 = arith.cmpi slt, %rem3A_1365, %lt3A_1368 : i32
        %lt3A_1370 = arith.constant 0 : i32
        %lt3A_1371 = arith.cmpi slt, %select_n3A_1364, %lt3A_1370 : i32
        %ne3A_1372 = arith.xori %lt3A_1369, %lt3A_1371 : i1
        %and3A_1373 = arith.andi %ne3A_1372, %ne3A_1367 : i1
        %add3A_1374 = arith.addi %rem3A_1365, %select_n3A_1364 : i32
        %select_n3A_1375 = arith.select %and3A_1373, %add3A_1374, %rem3A_1365 : i32
        %jit3A_1376 = arith.constant 4 : i32
        %eq3A_1377 = arith.constant 0 : i32
        %eq3A_1378 = arith.cmpi eq, %jit3A_1376, %eq3A_1377 : i32
        %jit3A_1379 = arith.constant 1 : i32
        %select_n3A_1380 = arith.select %eq3A_1378, %jit3A_1379, %jit3A_1376 : i32
        %rem3A_1381 = arith.remsi %add3A_1357, %select_n3A_1380 : i32
        %ne3A_1382 = arith.constant 0 : i32
        %ne3A_1383 = arith.cmpi ne, %rem3A_1381, %ne3A_1382 : i32
        %lt3A_1384 = arith.constant 0 : i32
        %lt3A_1385 = arith.cmpi slt, %rem3A_1381, %lt3A_1384 : i32
        %lt3A_1386 = arith.constant 0 : i32
        %lt3A_1387 = arith.cmpi slt, %select_n3A_1380, %lt3A_1386 : i32
        %ne3A_1388 = arith.xori %lt3A_1385, %lt3A_1387 : i1
        %and3A_1389 = arith.andi %ne3A_1388, %ne3A_1383 : i1
        %add3A_1390 = arith.addi %rem3A_1381, %select_n3A_1380 : i32
        %select_n3A_1391 = arith.select %and3A_1389, %add3A_1390, %rem3A_1381 : i32
        %dma_start3A_1392 = arith.constant 0 : i32
        %dma_start3A_1393 = tpu.memref_slice %arg8[%select_n3A_1375, %dma_start3A_1392] : memref<4x128xi32, #tpu.memory_space<vmem>> -> memref<1x128xi32, #tpu.memory_space<vmem>>
        %dma_start3A_1394 = tpu.memref_squeeze %dma_start3A_1393 : memref<1x128xi32, #tpu.memory_space<vmem>> -> memref<128xi32, #tpu.memory_space<vmem>>
        %dma_start3A_1395 = arith.constant 0 : i32
        %dma_start3A_1396 = tpu.memref_slice %arg3[%add3A, %min3A_1359, %dma_start3A_1395] : memref<32x78x128xi32, #tpu.memory_space<hbm>> -> memref<1x1x128xi32, #tpu.memory_space<hbm>>
        %dma_start3A_1397 = tpu.memref_squeeze %dma_start3A_1396 : memref<1x1x128xi32, #tpu.memory_space<hbm>> -> memref<128xi32, #tpu.memory_space<hbm>>
        %dma_start3A_1398 = arith.constant 0 : i32
        %dma_start3A_1399 = tpu.memref_slice %arg8[%select_n3A_1375, %dma_start3A_1398] : memref<4x128xi32, #tpu.memory_space<vmem>> -> memref<1x128xi32, #tpu.memory_space<vmem>>
        %dma_start3A_1400 = tpu.memref_squeeze %dma_start3A_1399 : memref<1x128xi32, #tpu.memory_space<vmem>> -> memref<128xi32, #tpu.memory_space<vmem>>
        %dma_start3A_1401 = arith.constant 0 : i32
        %dma_start3A_1402 = tpu.memref_slice %arg3[%add3A, %min3A_1359, %dma_start3A_1401] : memref<32x78x128xi32, #tpu.memory_space<hbm>> -> memref<1x1x128xi32, #tpu.memory_space<hbm>>
        %dma_start3A_1403 = tpu.memref_squeeze %dma_start3A_1402 : memref<1x1x128xi32, #tpu.memory_space<hbm>> -> memref<128xi32, #tpu.memory_space<hbm>>
        tpu.enqueue_dma source(%dma_start3A_1403 : memref<128xi32, #tpu.memory_space<hbm>>) target(%dma_start3A_1400 : memref<128xi32, #tpu.memory_space<vmem>>) target_semaphore(%arg19 : memref<!tpu.dma_semaphore, #tpu.memory_space<semaphore_mem>>)
        %dma_start3A_1404 = arith.constant 0 : i32
        %dma_start3A_1405 = tpu.memref_slice %arg9[%select_n3A_1391, %dma_start3A_1404] : memref<4x128xi32, #tpu.memory_space<vmem>> -> memref<1x128xi32, #tpu.memory_space<vmem>>
        %dma_start3A_1406 = tpu.memref_squeeze %dma_start3A_1405 : memref<1x128xi32, #tpu.memory_space<vmem>> -> memref<128xi32, #tpu.memory_space<vmem>>
        %dma_start3A_1407 = arith.constant 0 : i32
        %dma_start3A_1408 = tpu.memref_slice %arg5[%add3A, %min3A_1359, %dma_start3A_1407] : memref<32x78x128xi32, #tpu.memory_space<hbm>> -> memref<1x1x128xi32, #tpu.memory_space<hbm>>
        %dma_start3A_1409 = tpu.memref_squeeze %dma_start3A_1408 : memref<1x1x128xi32, #tpu.memory_space<hbm>> -> memref<128xi32, #tpu.memory_space<hbm>>
        %dma_start3A_1410 = arith.constant 0 : i32
        %dma_start3A_1411 = tpu.memref_slice %arg9[%select_n3A_1391, %dma_start3A_1410] : memref<4x128xi32, #tpu.memory_space<vmem>> -> memref<1x128xi32, #tpu.memory_space<vmem>>
        %dma_start3A_1412 = tpu.memref_squeeze %dma_start3A_1411 : memref<1x128xi32, #tpu.memory_space<vmem>> -> memref<128xi32, #tpu.memory_space<vmem>>
        %dma_start3A_1413 = arith.constant 0 : i32
        %dma_start3A_1414 = tpu.memref_slice %arg5[%add3A, %min3A_1359, %dma_start3A_1413] : memref<32x78x128xi32, #tpu.memory_space<hbm>> -> memref<1x1x128xi32, #tpu.memory_space<hbm>>
        %dma_start3A_1415 = tpu.memref_squeeze %dma_start3A_1414 : memref<1x1x128xi32, #tpu.memory_space<hbm>> -> memref<128xi32, #tpu.memory_space<hbm>>
        tpu.enqueue_dma source(%dma_start3A_1415 : memref<128xi32, #tpu.memory_space<hbm>>) target(%dma_start3A_1412 : memref<128xi32, #tpu.memory_space<vmem>>) target_semaphore(%arg20 : memref<!tpu.dma_semaphore, #tpu.memory_space<semaphore_mem>>)
      } else {
      }
      %add3A_1037 = arith.constant 4 : i32
      %add3A_1038 = arith.addi %add3A_860, %add3A_1037 : i32
      %min3A_1039 = arith.constant 155 : i32
      %min3A_1040 = arith.minsi %add3A_1038, %min3A_1039 : i32
      %jit3A_1041 = arith.constant 2 : i32
      %div3A_1042 = arith.divsi %min3A_1040, %jit3A_1041 : i32
      %sign3A_1043 = arith.constant 0 : i32
      %sign3A_1044 = arith.cmpi sgt, %min3A_1040, %sign3A_1043 : i32
      %sign3A_1045 = arith.extui %sign3A_1044 : i1 to i32
      %sign3A_1046 = arith.constant 0 : i32
      %sign3A_1047 = arith.cmpi slt, %min3A_1040, %sign3A_1046 : i32
      %sign3A_1048 = arith.extui %sign3A_1047 : i1 to i32
      %sign3A_1049 = arith.subi %sign3A_1045, %sign3A_1048 : i32
      %sign3A_1050 = arith.constant 0 : i32
      %sign3A_1051 = arith.cmpi sgt, %jit3A_1041, %sign3A_1050 : i32
      %sign3A_1052 = arith.extui %sign3A_1051 : i1 to i32
      %sign3A_1053 = arith.constant 0 : i32
      %sign3A_1054 = arith.cmpi slt, %jit3A_1041, %sign3A_1053 : i32
      %sign3A_1055 = arith.extui %sign3A_1054 : i1 to i32
      %sign3A_1056 = arith.subi %sign3A_1052, %sign3A_1055 : i32
      %ne3A_1057 = arith.cmpi ne, %sign3A_1049, %sign3A_1056 : i32
      %rem3A_1058 = arith.remsi %min3A_1040, %jit3A_1041 : i32
      %ne3A_1059 = arith.constant 0 : i32
      %ne3A_1060 = arith.cmpi ne, %rem3A_1058, %ne3A_1059 : i32
      %and3A_1061 = arith.andi %ne3A_1057, %ne3A_1060 : i1
      %sub3A_1062 = arith.constant 1 : i32
      %sub3A_1063 = arith.subi %div3A_1042, %sub3A_1062 : i32
      %select_n3A_1064 = arith.select %and3A_1061, %sub3A_1063, %div3A_1042 : i32
      %jit3A_1065 = arith.constant 4 : i32
      %eq3A_1066 = arith.constant 0 : i32
      %eq3A_1067 = arith.cmpi eq, %jit3A_1065, %eq3A_1066 : i32
      %jit3A_1068 = arith.constant 1 : i32
      %select_n3A_1069 = arith.select %eq3A_1067, %jit3A_1068, %jit3A_1065 : i32
      %rem3A_1070 = arith.remsi %select_n3A_1064, %select_n3A_1069 : i32
      %ne3A_1071 = arith.constant 0 : i32
      %ne3A_1072 = arith.cmpi ne, %rem3A_1070, %ne3A_1071 : i32
      %lt3A_1073 = arith.constant 0 : i32
      %lt3A_1074 = arith.cmpi slt, %rem3A_1070, %lt3A_1073 : i32
      %lt3A_1075 = arith.constant 0 : i32
      %lt3A_1076 = arith.cmpi slt, %select_n3A_1069, %lt3A_1075 : i32
      %ne3A_1077 = arith.xori %lt3A_1074, %lt3A_1076 : i1
      %and3A_1078 = arith.andi %ne3A_1077, %ne3A_1072 : i1
      %add3A_1079 = arith.addi %rem3A_1070, %select_n3A_1069 : i32
      %select_n3A_1080 = arith.select %and3A_1078, %add3A_1079, %rem3A_1070 : i32
      %jit3A_1081 = arith.constant 2 : i32
      %eq3A_1082 = arith.constant 0 : i32
      %eq3A_1083 = arith.cmpi eq, %jit3A_1081, %eq3A_1082 : i32
      %jit3A_1084 = arith.constant 1 : i32
      %select_n3A_1085 = arith.select %eq3A_1083, %jit3A_1084, %jit3A_1081 : i32
      %rem3A_1086 = arith.remsi %min3A_1040, %select_n3A_1085 : i32
      %ne3A_1087 = arith.constant 0 : i32
      %ne3A_1088 = arith.cmpi ne, %rem3A_1086, %ne3A_1087 : i32
      %lt3A_1089 = arith.constant 0 : i32
      %lt3A_1090 = arith.cmpi slt, %rem3A_1086, %lt3A_1089 : i32
      %lt3A_1091 = arith.constant 0 : i32
      %lt3A_1092 = arith.cmpi slt, %select_n3A_1085, %lt3A_1091 : i32
      %ne3A_1093 = arith.xori %lt3A_1090, %lt3A_1092 : i1
      %and3A_1094 = arith.andi %ne3A_1093, %ne3A_1088 : i1
      %add3A_1095 = arith.addi %rem3A_1086, %select_n3A_1085 : i32
      %select_n3A_1096 = arith.select %and3A_1094, %add3A_1095, %rem3A_1086 : i32
      %mul3A_1097 = arith.constant 64 : i32
      %mul3A_1098 = arith.muli %select_n3A_1096, %mul3A_1097 : i32
      %dma_start3A_1099 = tpu.memref_slice %arg8[%select_n3A_1080, %mul3A_1098] : memref<4x128xi32, #tpu.memory_space<vmem>> -> memref<1x64xi32, #tpu.memory_space<vmem>>
      %dma_start3A_1100 = tpu.memref_squeeze %dma_start3A_1099 : memref<1x64xi32, #tpu.memory_space<vmem>> -> memref<64xi32, #tpu.memory_space<vmem>>
      %dma_start3A_1101 = arith.constant 0 : i32
      %dma_start3A_1102 = arith.constant 0 : i32
      %dma_start3A_1103 = tpu.memref_slice %arg2[%dma_start3A_1101, %dma_start3A_1102] : memref<10000x128xf32, #tpu.memory_space<hbm>> -> memref<10000x128xf32, #tpu.memory_space<hbm>>
      tpu.enqueue_indirect_dma source(%dma_start3A_1103 : memref<10000x128xf32, #tpu.memory_space<hbm>>) target(%arg14 : memref<64x128xf32, #tpu.memory_space<vmem>>) offsets(%dma_start3A_1100 : memref<64xi32, #tpu.memory_space<vmem>>) semaphore(%arg23 : memref<!tpu.dma_semaphore, #tpu.memory_space<semaphore_mem>>)
      %mul3A_1104 = arith.constant 5 : i32
      %mul3A_1105 = arith.muli %mul3A_1104, %add3A_128 : i32
      %add3A_1106 = arith.constant 4 : i32
      %add3A_1107 = arith.addi %mul3A_1105, %add3A_1106 : i32
      %jit3A_1108 = arith.constant 2 : i32
      %div3A_1109 = arith.divsi %add3A_1107, %jit3A_1108 : i32
      %sign3A_1110 = arith.constant 0 : i32
      %sign3A_1111 = arith.cmpi sgt, %add3A_1107, %sign3A_1110 : i32
      %sign3A_1112 = arith.extui %sign3A_1111 : i1 to i32
      %sign3A_1113 = arith.constant 0 : i32
      %sign3A_1114 = arith.cmpi slt, %add3A_1107, %sign3A_1113 : i32
      %sign3A_1115 = arith.extui %sign3A_1114 : i1 to i32
      %sign3A_1116 = arith.subi %sign3A_1112, %sign3A_1115 : i32
      %sign3A_1117 = arith.constant 0 : i32
      %sign3A_1118 = arith.cmpi sgt, %jit3A_1108, %sign3A_1117 : i32
      %sign3A_1119 = arith.extui %sign3A_1118 : i1 to i32
      %sign3A_1120 = arith.constant 0 : i32
      %sign3A_1121 = arith.cmpi slt, %jit3A_1108, %sign3A_1120 : i32
      %sign3A_1122 = arith.extui %sign3A_1121 : i1 to i32
      %sign3A_1123 = arith.subi %sign3A_1119, %sign3A_1122 : i32
      %ne3A_1124 = arith.cmpi ne, %sign3A_1116, %sign3A_1123 : i32
      %rem3A_1125 = arith.remsi %add3A_1107, %jit3A_1108 : i32
      %ne3A_1126 = arith.constant 0 : i32
      %ne3A_1127 = arith.cmpi ne, %rem3A_1125, %ne3A_1126 : i32
      %and3A_1128 = arith.andi %ne3A_1124, %ne3A_1127 : i1
      %sub3A_1129 = arith.constant 1 : i32
      %sub3A_1130 = arith.subi %div3A_1109, %sub3A_1129 : i32
      %select_n3A_1131 = arith.select %and3A_1128, %sub3A_1130, %div3A_1109 : i32
      %jit3A_1132 = arith.constant 2 : i32
      %div3A_1133 = arith.divsi %add3A_1107, %jit3A_1132 : i32
      %sign3A_1134 = arith.constant 0 : i32
      %sign3A_1135 = arith.cmpi sgt, %add3A_1107, %sign3A_1134 : i32
      %sign3A_1136 = arith.extui %sign3A_1135 : i1 to i32
      %sign3A_1137 = arith.constant 0 : i32
      %sign3A_1138 = arith.cmpi slt, %add3A_1107, %sign3A_1137 : i32
      %sign3A_1139 = arith.extui %sign3A_1138 : i1 to i32
      %sign3A_1140 = arith.subi %sign3A_1136, %sign3A_1139 : i32
      %sign3A_1141 = arith.constant 0 : i32
      %sign3A_1142 = arith.cmpi sgt, %jit3A_1132, %sign3A_1141 : i32
      %sign3A_1143 = arith.extui %sign3A_1142 : i1 to i32
      %sign3A_1144 = arith.constant 0 : i32
      %sign3A_1145 = arith.cmpi slt, %jit3A_1132, %sign3A_1144 : i32
      %sign3A_1146 = arith.extui %sign3A_1145 : i1 to i32
      %sign3A_1147 = arith.subi %sign3A_1143, %sign3A_1146 : i32
      %ne3A_1148 = arith.cmpi ne, %sign3A_1140, %sign3A_1147 : i32
      %rem3A_1149 = arith.remsi %add3A_1107, %jit3A_1132 : i32
      %ne3A_1150 = arith.constant 0 : i32
      %ne3A_1151 = arith.cmpi ne, %rem3A_1149, %ne3A_1150 : i32
      %and3A_1152 = arith.andi %ne3A_1148, %ne3A_1151 : i1
      %sub3A_1153 = arith.constant 1 : i32
      %sub3A_1154 = arith.subi %div3A_1133, %sub3A_1153 : i32
      %select_n3A_1155 = arith.select %and3A_1152, %sub3A_1154, %div3A_1133 : i32
      %jit3A_1156 = arith.constant 4 : i32
      %eq3A_1157 = arith.constant 0 : i32
      %eq3A_1158 = arith.cmpi eq, %jit3A_1156, %eq3A_1157 : i32
      %jit3A_1159 = arith.constant 1 : i32
      %select_n3A_1160 = arith.select %eq3A_1158, %jit3A_1159, %jit3A_1156 : i32
      %rem3A_1161 = arith.remsi %select_n3A_1155, %select_n3A_1160 : i32
      %ne3A_1162 = arith.constant 0 : i32
      %ne3A_1163 = arith.cmpi ne, %rem3A_1161, %ne3A_1162 : i32
      %lt3A_1164 = arith.constant 0 : i32
      %lt3A_1165 = arith.cmpi slt, %rem3A_1161, %lt3A_1164 : i32
      %lt3A_1166 = arith.constant 0 : i32
      %lt3A_1167 = arith.cmpi slt, %select_n3A_1160, %lt3A_1166 : i32
      %ne3A_1168 = arith.xori %lt3A_1165, %lt3A_1167 : i1
      %and3A_1169 = arith.andi %ne3A_1168, %ne3A_1163 : i1
      %add3A_1170 = arith.addi %rem3A_1161, %select_n3A_1160 : i32
      %select_n3A_1171 = arith.select %and3A_1169, %add3A_1170, %rem3A_1161 : i32
      %jit3A_1172 = arith.constant 2 : i32
      %eq3A_1173 = arith.constant 0 : i32
      %eq3A_1174 = arith.cmpi eq, %jit3A_1172, %eq3A_1173 : i32
      %jit3A_1175 = arith.constant 1 : i32
      %select_n3A_1176 = arith.select %eq3A_1174, %jit3A_1175, %jit3A_1172 : i32
      %rem3A_1177 = arith.remsi %add3A_1107, %select_n3A_1176 : i32
      %ne3A_1178 = arith.constant 0 : i32
      %ne3A_1179 = arith.cmpi ne, %rem3A_1177, %ne3A_1178 : i32
      %lt3A_1180 = arith.constant 0 : i32
      %lt3A_1181 = arith.cmpi slt, %rem3A_1177, %lt3A_1180 : i32
      %lt3A_1182 = arith.constant 0 : i32
      %lt3A_1183 = arith.cmpi slt, %select_n3A_1176, %lt3A_1182 : i32
      %ne3A_1184 = arith.xori %lt3A_1181, %lt3A_1183 : i1
      %and3A_1185 = arith.andi %ne3A_1184, %ne3A_1179 : i1
      %add3A_1186 = arith.addi %rem3A_1177, %select_n3A_1176 : i32
      %select_n3A_1187 = arith.select %and3A_1185, %add3A_1186, %rem3A_1177 : i32
      %mul3A_1188 = arith.constant 64 : i32
      %mul3A_1189 = arith.muli %select_n3A_1187, %mul3A_1188 : i32
      %dma_wait3A_1190 = tpu.memref_slice %arg8[%select_n3A_1171, %mul3A_1189] : memref<4x128xi32, #tpu.memory_space<vmem>> -> memref<1x64xi32, #tpu.memory_space<vmem>>
      %dma_wait3A_1191 = tpu.memref_squeeze %dma_wait3A_1190 : memref<1x64xi32, #tpu.memory_space<vmem>> -> memref<64xi32, #tpu.memory_space<vmem>>
      %dma_wait3A_1192 = arith.constant 0 : i32
      %dma_wait3A_1193 = arith.constant 0 : i32
      %dma_wait3A_1194 = tpu.memref_slice %arg2[%dma_wait3A_1192, %dma_wait3A_1193] : memref<10000x128xf32, #tpu.memory_space<hbm>> -> memref<10000x128xf32, #tpu.memory_space<hbm>>
      tpu.wait_indirect_dma semaphore(%arg25 : memref<!tpu.dma_semaphore, #tpu.memory_space<semaphore_mem>>) src(%dma_wait3A_1194 : memref<10000x128xf32, #tpu.memory_space<hbm>>) dst(%arg16 : memref<64x128xf32, #tpu.memory_space<vmem>>)
      %jit3A_1195 = arith.constant 2 : i32
      %div3A_1196 = arith.divsi %add3A_1107, %jit3A_1195 : i32
      %sign3A_1197 = arith.constant 0 : i32
      %sign3A_1198 = arith.cmpi sgt, %add3A_1107, %sign3A_1197 : i32
      %sign3A_1199 = arith.extui %sign3A_1198 : i1 to i32
      %sign3A_1200 = arith.constant 0 : i32
      %sign3A_1201 = arith.cmpi slt, %add3A_1107, %sign3A_1200 : i32
      %sign3A_1202 = arith.extui %sign3A_1201 : i1 to i32
      %sign3A_1203 = arith.subi %sign3A_1199, %sign3A_1202 : i32
      %sign3A_1204 = arith.constant 0 : i32
      %sign3A_1205 = arith.cmpi sgt, %jit3A_1195, %sign3A_1204 : i32
      %sign3A_1206 = arith.extui %sign3A_1205 : i1 to i32
      %sign3A_1207 = arith.constant 0 : i32
      %sign3A_1208 = arith.cmpi slt, %jit3A_1195, %sign3A_1207 : i32
      %sign3A_1209 = arith.extui %sign3A_1208 : i1 to i32
      %sign3A_1210 = arith.subi %sign3A_1206, %sign3A_1209 : i32
      %ne3A_1211 = arith.cmpi ne, %sign3A_1203, %sign3A_1210 : i32
      %rem3A_1212 = arith.remsi %add3A_1107, %jit3A_1195 : i32
      %ne3A_1213 = arith.constant 0 : i32
      %ne3A_1214 = arith.cmpi ne, %rem3A_1212, %ne3A_1213 : i32
      %and3A_1215 = arith.andi %ne3A_1211, %ne3A_1214 : i1
      %sub3A_1216 = arith.constant 1 : i32
      %sub3A_1217 = arith.subi %div3A_1196, %sub3A_1216 : i32
      %select_n3A_1218 = arith.select %and3A_1215, %sub3A_1217, %div3A_1196 : i32
      %jit3A_1219 = arith.constant 4 : i32
      %eq3A_1220 = arith.constant 0 : i32
      %eq3A_1221 = arith.cmpi eq, %jit3A_1219, %eq3A_1220 : i32
      %jit3A_1222 = arith.constant 1 : i32
      %select_n3A_1223 = arith.select %eq3A_1221, %jit3A_1222, %jit3A_1219 : i32
      %rem3A_1224 = arith.remsi %select_n3A_1218, %select_n3A_1223 : i32
      %ne3A_1225 = arith.constant 0 : i32
      %ne3A_1226 = arith.cmpi ne, %rem3A_1224, %ne3A_1225 : i32
      %lt3A_1227 = arith.constant 0 : i32
      %lt3A_1228 = arith.cmpi slt, %rem3A_1224, %lt3A_1227 : i32
      %lt3A_1229 = arith.constant 0 : i32
      %lt3A_1230 = arith.cmpi slt, %select_n3A_1223, %lt3A_1229 : i32
      %ne3A_1231 = arith.xori %lt3A_1228, %lt3A_1230 : i1
      %and3A_1232 = arith.andi %ne3A_1231, %ne3A_1226 : i1
      %add3A_1233 = arith.addi %rem3A_1224, %select_n3A_1223 : i32
      %select_n3A_1234 = arith.select %and3A_1232, %add3A_1233, %rem3A_1224 : i32
      %jit3A_1235 = arith.constant 2 : i32
      %eq3A_1236 = arith.constant 0 : i32
      %eq3A_1237 = arith.cmpi eq, %jit3A_1235, %eq3A_1236 : i32
      %jit3A_1238 = arith.constant 1 : i32
      %select_n3A_1239 = arith.select %eq3A_1237, %jit3A_1238, %jit3A_1235 : i32
      %rem3A_1240 = arith.remsi %add3A_1107, %select_n3A_1239 : i32
      %ne3A_1241 = arith.constant 0 : i32
      %ne3A_1242 = arith.cmpi ne, %rem3A_1240, %ne3A_1241 : i32
      %lt3A_1243 = arith.constant 0 : i32
      %lt3A_1244 = arith.cmpi slt, %rem3A_1240, %lt3A_1243 : i32
      %lt3A_1245 = arith.constant 0 : i32
      %lt3A_1246 = arith.cmpi slt, %select_n3A_1239, %lt3A_1245 : i32
      %ne3A_1247 = arith.xori %lt3A_1244, %lt3A_1246 : i1
      %and3A_1248 = arith.andi %ne3A_1247, %ne3A_1242 : i1
      %add3A_1249 = arith.addi %rem3A_1240, %select_n3A_1239 : i32
      %select_n3A_1250 = arith.select %and3A_1248, %add3A_1249, %rem3A_1240 : i32
      %mul3A_1251 = arith.constant 64 : i32
      %mul3A_1252 = arith.muli %select_n3A_1250, %mul3A_1251 : i32
      %dma_start3A_1253 = tpu.memref_slice %arg9[%select_n3A_1234, %mul3A_1252] : memref<4x128xi32, #tpu.memory_space<vmem>> -> memref<1x64xi32, #tpu.memory_space<vmem>>
      %dma_start3A_1254 = tpu.memref_squeeze %dma_start3A_1253 : memref<1x64xi32, #tpu.memory_space<vmem>> -> memref<64xi32, #tpu.memory_space<vmem>>
      %dma_start3A_1255 = arith.constant 0 : i32
      %dma_start3A_1256 = arith.constant 0 : i32
      %dma_start3A_1257 = tpu.memref_slice %arg18[%dma_start3A_1255, %dma_start3A_1256] : memref<10240x128xf32, #tpu.memory_space<vmem_shared>> -> memref<10240x128xf32, #tpu.memory_space<vmem_shared>>
      tpu.enqueue_indirect_dma source(%arg16 : memref<64x128xf32, #tpu.memory_space<vmem>>) target(%dma_start3A_1257 : memref<10240x128xf32, #tpu.memory_space<vmem_shared>>) offsets(%dma_start3A_1254 : memref<64xi32, #tpu.memory_space<vmem>>) semaphore(%arg30 : memref<!tpu.dma_semaphore, #tpu.memory_space<semaphore_mem>>) {add = true}
      %ge3A_1258 = arith.constant 1 : i32
      %ge3A_1259 = arith.cmpi sge, %add3A_1107, %ge3A_1258 : i32
      %convert_element_type3A_1260 = arith.extui %ge3A_1259 : i1 to i32
      %cond3A_1261 = arith.constant 0 : i32
      %cond3A_1262 = arith.cmpi ne, %convert_element_type3A_1260, %cond3A_1261 : i32
      scf.if %cond3A_1262 {
        %sub3A_1351 = arith.constant 1 : i32
        %sub3A_1352 = arith.subi %add3A_1107, %sub3A_1351 : i32
        %jit3A_1353 = arith.constant 2 : i32
        %div3A_1354 = arith.divsi %sub3A_1352, %jit3A_1353 : i32
        %sign3A_1355 = arith.constant 0 : i32
        %sign3A_1356 = arith.cmpi sgt, %sub3A_1352, %sign3A_1355 : i32
        %sign3A_1357 = arith.extui %sign3A_1356 : i1 to i32
        %sign3A_1358 = arith.constant 0 : i32
        %sign3A_1359 = arith.cmpi slt, %sub3A_1352, %sign3A_1358 : i32
        %sign3A_1360 = arith.extui %sign3A_1359 : i1 to i32
        %sign3A_1361 = arith.subi %sign3A_1357, %sign3A_1360 : i32
        %sign3A_1362 = arith.constant 0 : i32
        %sign3A_1363 = arith.cmpi sgt, %jit3A_1353, %sign3A_1362 : i32
        %sign3A_1364 = arith.extui %sign3A_1363 : i1 to i32
        %sign3A_1365 = arith.constant 0 : i32
        %sign3A_1366 = arith.cmpi slt, %jit3A_1353, %sign3A_1365 : i32
        %sign3A_1367 = arith.extui %sign3A_1366 : i1 to i32
        %sign3A_1368 = arith.subi %sign3A_1364, %sign3A_1367 : i32
        %ne3A_1369 = arith.cmpi ne, %sign3A_1361, %sign3A_1368 : i32
        %rem3A_1370 = arith.remsi %sub3A_1352, %jit3A_1353 : i32
        %ne3A_1371 = arith.constant 0 : i32
        %ne3A_1372 = arith.cmpi ne, %rem3A_1370, %ne3A_1371 : i32
        %and3A_1373 = arith.andi %ne3A_1369, %ne3A_1372 : i1
        %sub3A_1374 = arith.constant 1 : i32
        %sub3A_1375 = arith.subi %div3A_1354, %sub3A_1374 : i32
        %select_n3A_1376 = arith.select %and3A_1373, %sub3A_1375, %div3A_1354 : i32
        %jit3A_1377 = arith.constant 4 : i32
        %eq3A_1378 = arith.constant 0 : i32
        %eq3A_1379 = arith.cmpi eq, %jit3A_1377, %eq3A_1378 : i32
        %jit3A_1380 = arith.constant 1 : i32
        %select_n3A_1381 = arith.select %eq3A_1379, %jit3A_1380, %jit3A_1377 : i32
        %rem3A_1382 = arith.remsi %select_n3A_1376, %select_n3A_1381 : i32
        %ne3A_1383 = arith.constant 0 : i32
        %ne3A_1384 = arith.cmpi ne, %rem3A_1382, %ne3A_1383 : i32
        %lt3A_1385 = arith.constant 0 : i32
        %lt3A_1386 = arith.cmpi slt, %rem3A_1382, %lt3A_1385 : i32
        %lt3A_1387 = arith.constant 0 : i32
        %lt3A_1388 = arith.cmpi slt, %select_n3A_1381, %lt3A_1387 : i32
        %ne3A_1389 = arith.xori %lt3A_1386, %lt3A_1388 : i1
        %and3A_1390 = arith.andi %ne3A_1389, %ne3A_1384 : i1
        %add3A_1391 = arith.addi %rem3A_1382, %select_n3A_1381 : i32
        %select_n3A_1392 = arith.select %and3A_1390, %add3A_1391, %rem3A_1382 : i32
        %jit3A_1393 = arith.constant 2 : i32
        %eq3A_1394 = arith.constant 0 : i32
        %eq3A_1395 = arith.cmpi eq, %jit3A_1393, %eq3A_1394 : i32
        %jit3A_1396 = arith.constant 1 : i32
        %select_n3A_1397 = arith.select %eq3A_1395, %jit3A_1396, %jit3A_1393 : i32
        %rem3A_1398 = arith.remsi %sub3A_1352, %select_n3A_1397 : i32
        %ne3A_1399 = arith.constant 0 : i32
        %ne3A_1400 = arith.cmpi ne, %rem3A_1398, %ne3A_1399 : i32
        %lt3A_1401 = arith.constant 0 : i32
        %lt3A_1402 = arith.cmpi slt, %rem3A_1398, %lt3A_1401 : i32
        %lt3A_1403 = arith.constant 0 : i32
        %lt3A_1404 = arith.cmpi slt, %select_n3A_1397, %lt3A_1403 : i32
        %ne3A_1405 = arith.xori %lt3A_1402, %lt3A_1404 : i1
        %and3A_1406 = arith.andi %ne3A_1405, %ne3A_1400 : i1
        %add3A_1407 = arith.addi %rem3A_1398, %select_n3A_1397 : i32
        %select_n3A_1408 = arith.select %and3A_1406, %add3A_1407, %rem3A_1398 : i32
        %mul3A_1409 = arith.constant 64 : i32
        %mul3A_1410 = arith.muli %select_n3A_1408, %mul3A_1409 : i32
        %dma_wait3A_1411 = tpu.memref_slice %arg9[%select_n3A_1392, %mul3A_1410] : memref<4x128xi32, #tpu.memory_space<vmem>> -> memref<1x64xi32, #tpu.memory_space<vmem>>
        %dma_wait3A_1412 = tpu.memref_squeeze %dma_wait3A_1411 : memref<1x64xi32, #tpu.memory_space<vmem>> -> memref<64xi32, #tpu.memory_space<vmem>>
        %dma_wait3A_1413 = arith.constant 0 : i32
        %dma_wait3A_1414 = arith.constant 0 : i32
        %dma_wait3A_1415 = tpu.memref_slice %arg18[%dma_wait3A_1413, %dma_wait3A_1414] : memref<10240x128xf32, #tpu.memory_space<vmem_shared>> -> memref<10240x128xf32, #tpu.memory_space<vmem_shared>>
        tpu.wait_indirect_dma semaphore(%arg29 : memref<!tpu.dma_semaphore, #tpu.memory_space<semaphore_mem>>) src(%arg15 : memref<64x128xf32, #tpu.memory_space<vmem>>) dst(%dma_wait3A_1415 : memref<10240x128xf32, #tpu.memory_space<vmem_shared>>)
      } else {
      }
      %jit3A_1263 = arith.constant 2 : i32
      %eq3A_1264 = arith.constant 0 : i32
      %eq3A_1265 = arith.cmpi eq, %jit3A_1263, %eq3A_1264 : i32
      %jit3A_1266 = arith.constant 1 : i32
      %select_n3A_1267 = arith.select %eq3A_1265, %jit3A_1266, %jit3A_1263 : i32
      %rem3A_1268 = arith.remsi %add3A_1107, %select_n3A_1267 : i32
      %ne3A_1269 = arith.constant 0 : i32
      %ne3A_1270 = arith.cmpi ne, %rem3A_1268, %ne3A_1269 : i32
      %lt3A_1271 = arith.constant 0 : i32
      %lt3A_1272 = arith.cmpi slt, %rem3A_1268, %lt3A_1271 : i32
      %lt3A_1273 = arith.constant 0 : i32
      %lt3A_1274 = arith.cmpi slt, %select_n3A_1267, %lt3A_1273 : i32
      %ne3A_1275 = arith.xori %lt3A_1272, %lt3A_1274 : i1
      %and3A_1276 = arith.andi %ne3A_1275, %ne3A_1270 : i1
      %add3A_1277 = arith.addi %rem3A_1268, %select_n3A_1267 : i32
      %select_n3A_1278 = arith.select %and3A_1276, %add3A_1277, %rem3A_1268 : i32
      %eq3A_1279 = arith.constant 0 : i32
      %eq3A_1280 = arith.cmpi eq, %select_n3A_1278, %eq3A_1279 : i32
      %convert_element_type3A_1281 = arith.extui %eq3A_1280 : i1 to i32
      %cond3A_1282 = arith.constant 0 : i32
      %cond3A_1283 = arith.cmpi ne, %convert_element_type3A_1281, %cond3A_1282 : i32
      scf.if %cond3A_1283 {
        %ge3A_1351 = arith.constant 2 : i32
        %ge3A_1352 = arith.cmpi sge, %add3A_1107, %ge3A_1351 : i32
        %convert_element_type3A_1353 = arith.extui %ge3A_1352 : i1 to i32
        %cond3A_1354 = arith.constant 0 : i32
        %cond3A_1355 = arith.cmpi ne, %convert_element_type3A_1353, %cond3A_1354 : i32
        scf.if %cond3A_1355 {
          %add3A_1416 = arith.constant 2 : i32
          %add3A_1417 = arith.addi %select_n3A_1131, %add3A_1416 : i32
          %min3A_1418 = arith.constant 77 : i32
          %min3A_1419 = arith.minsi %add3A_1417, %min3A_1418 : i32
          %jit3A_1420 = arith.constant 4 : i32
          %eq3A_1421 = arith.constant 0 : i32
          %eq3A_1422 = arith.cmpi eq, %jit3A_1420, %eq3A_1421 : i32
          %jit3A_1423 = arith.constant 1 : i32
          %select_n3A_1424 = arith.select %eq3A_1422, %jit3A_1423, %jit3A_1420 : i32
          %rem3A_1425 = arith.remsi %add3A_1417, %select_n3A_1424 : i32
          %ne3A_1426 = arith.constant 0 : i32
          %ne3A_1427 = arith.cmpi ne, %rem3A_1425, %ne3A_1426 : i32
          %lt3A_1428 = arith.constant 0 : i32
          %lt3A_1429 = arith.cmpi slt, %rem3A_1425, %lt3A_1428 : i32
          %lt3A_1430 = arith.constant 0 : i32
          %lt3A_1431 = arith.cmpi slt, %select_n3A_1424, %lt3A_1430 : i32
          %ne3A_1432 = arith.xori %lt3A_1429, %lt3A_1431 : i1
          %and3A_1433 = arith.andi %ne3A_1432, %ne3A_1427 : i1
          %add3A_1434 = arith.addi %rem3A_1425, %select_n3A_1424 : i32
          %select_n3A_1435 = arith.select %and3A_1433, %add3A_1434, %rem3A_1425 : i32
          %jit3A_1436 = arith.constant 4 : i32
          %eq3A_1437 = arith.constant 0 : i32
          %eq3A_1438 = arith.cmpi eq, %jit3A_1436, %eq3A_1437 : i32
          %jit3A_1439 = arith.constant 1 : i32
          %select_n3A_1440 = arith.select %eq3A_1438, %jit3A_1439, %jit3A_1436 : i32
          %rem3A_1441 = arith.remsi %add3A_1417, %select_n3A_1440 : i32
          %ne3A_1442 = arith.constant 0 : i32
          %ne3A_1443 = arith.cmpi ne, %rem3A_1441, %ne3A_1442 : i32
          %lt3A_1444 = arith.constant 0 : i32
          %lt3A_1445 = arith.cmpi slt, %rem3A_1441, %lt3A_1444 : i32
          %lt3A_1446 = arith.constant 0 : i32
          %lt3A_1447 = arith.cmpi slt, %select_n3A_1440, %lt3A_1446 : i32
          %ne3A_1448 = arith.xori %lt3A_1445, %lt3A_1447 : i1
          %and3A_1449 = arith.andi %ne3A_1448, %ne3A_1443 : i1
          %add3A_1450 = arith.addi %rem3A_1441, %select_n3A_1440 : i32
          %select_n3A_1451 = arith.select %and3A_1449, %add3A_1450, %rem3A_1441 : i32
          %dma_wait3A_1452 = arith.constant 0 : i32
          %dma_wait3A_1453 = tpu.memref_slice %arg8[%select_n3A_1435, %dma_wait3A_1452] : memref<4x128xi32, #tpu.memory_space<vmem>> -> memref<1x128xi32, #tpu.memory_space<vmem>>
          %dma_wait3A_1454 = tpu.memref_squeeze %dma_wait3A_1453 : memref<1x128xi32, #tpu.memory_space<vmem>> -> memref<128xi32, #tpu.memory_space<vmem>>
          %dma_wait3A_1455 = arith.constant 0 : i32
          %dma_wait3A_1456 = tpu.memref_slice %arg3[%add3A, %min3A_1419, %dma_wait3A_1455] : memref<32x78x128xi32, #tpu.memory_space<hbm>> -> memref<1x1x128xi32, #tpu.memory_space<hbm>>
          %dma_wait3A_1457 = tpu.memref_squeeze %dma_wait3A_1456 : memref<1x1x128xi32, #tpu.memory_space<hbm>> -> memref<128xi32, #tpu.memory_space<hbm>>
          %dma_wait3A_1458 = arith.constant 0 : i32
          %dma_wait3A_1459 = tpu.memref_slice %arg8[%select_n3A_1435, %dma_wait3A_1458] : memref<4x128xi32, #tpu.memory_space<vmem>> -> memref<1x128xi32, #tpu.memory_space<vmem>>
          %dma_wait3A_1460 = tpu.memref_squeeze %dma_wait3A_1459 : memref<1x128xi32, #tpu.memory_space<vmem>> -> memref<128xi32, #tpu.memory_space<vmem>>
          %dma_wait3A_1461 = arith.constant 0 : i32
          %dma_wait3A_1462 = tpu.memref_slice %arg3[%add3A, %min3A_1419, %dma_wait3A_1461] : memref<32x78x128xi32, #tpu.memory_space<hbm>> -> memref<1x1x128xi32, #tpu.memory_space<hbm>>
          %dma_wait3A_1463 = tpu.memref_squeeze %dma_wait3A_1462 : memref<1x1x128xi32, #tpu.memory_space<hbm>> -> memref<128xi32, #tpu.memory_space<hbm>>
          tpu.wait_dma2 semaphore(%arg19 : memref<!tpu.dma_semaphore, #tpu.memory_space<semaphore_mem>>) src(%dma_wait3A_1463 : memref<128xi32, #tpu.memory_space<hbm>>) dst(%dma_wait3A_1460 : memref<128xi32, #tpu.memory_space<vmem>>)
          %dma_wait3A_1464 = arith.constant 0 : i32
          %dma_wait3A_1465 = tpu.memref_slice %arg9[%select_n3A_1451, %dma_wait3A_1464] : memref<4x128xi32, #tpu.memory_space<vmem>> -> memref<1x128xi32, #tpu.memory_space<vmem>>
          %dma_wait3A_1466 = tpu.memref_squeeze %dma_wait3A_1465 : memref<1x128xi32, #tpu.memory_space<vmem>> -> memref<128xi32, #tpu.memory_space<vmem>>
          %dma_wait3A_1467 = arith.constant 0 : i32
          %dma_wait3A_1468 = tpu.memref_slice %arg5[%add3A, %min3A_1419, %dma_wait3A_1467] : memref<32x78x128xi32, #tpu.memory_space<hbm>> -> memref<1x1x128xi32, #tpu.memory_space<hbm>>
          %dma_wait3A_1469 = tpu.memref_squeeze %dma_wait3A_1468 : memref<1x1x128xi32, #tpu.memory_space<hbm>> -> memref<128xi32, #tpu.memory_space<hbm>>
          %dma_wait3A_1470 = arith.constant 0 : i32
          %dma_wait3A_1471 = tpu.memref_slice %arg9[%select_n3A_1451, %dma_wait3A_1470] : memref<4x128xi32, #tpu.memory_space<vmem>> -> memref<1x128xi32, #tpu.memory_space<vmem>>
          %dma_wait3A_1472 = tpu.memref_squeeze %dma_wait3A_1471 : memref<1x128xi32, #tpu.memory_space<vmem>> -> memref<128xi32, #tpu.memory_space<vmem>>
          %dma_wait3A_1473 = arith.constant 0 : i32
          %dma_wait3A_1474 = tpu.memref_slice %arg5[%add3A, %min3A_1419, %dma_wait3A_1473] : memref<32x78x128xi32, #tpu.memory_space<hbm>> -> memref<1x1x128xi32, #tpu.memory_space<hbm>>
          %dma_wait3A_1475 = tpu.memref_squeeze %dma_wait3A_1474 : memref<1x1x128xi32, #tpu.memory_space<hbm>> -> memref<128xi32, #tpu.memory_space<hbm>>
          tpu.wait_dma2 semaphore(%arg20 : memref<!tpu.dma_semaphore, #tpu.memory_space<semaphore_mem>>) src(%dma_wait3A_1475 : memref<128xi32, #tpu.memory_space<hbm>>) dst(%dma_wait3A_1472 : memref<128xi32, #tpu.memory_space<vmem>>)
        } else {
        }
        %add3A_1356 = arith.constant 3 : i32
        %add3A_1357 = arith.addi %select_n3A_1131, %add3A_1356 : i32
        %min3A_1358 = arith.constant 77 : i32
        %min3A_1359 = arith.minsi %add3A_1357, %min3A_1358 : i32
        %jit3A_1360 = arith.constant 4 : i32
        %eq3A_1361 = arith.constant 0 : i32
        %eq3A_1362 = arith.cmpi eq, %jit3A_1360, %eq3A_1361 : i32
        %jit3A_1363 = arith.constant 1 : i32
        %select_n3A_1364 = arith.select %eq3A_1362, %jit3A_1363, %jit3A_1360 : i32
        %rem3A_1365 = arith.remsi %add3A_1357, %select_n3A_1364 : i32
        %ne3A_1366 = arith.constant 0 : i32
        %ne3A_1367 = arith.cmpi ne, %rem3A_1365, %ne3A_1366 : i32
        %lt3A_1368 = arith.constant 0 : i32
        %lt3A_1369 = arith.cmpi slt, %rem3A_1365, %lt3A_1368 : i32
        %lt3A_1370 = arith.constant 0 : i32
        %lt3A_1371 = arith.cmpi slt, %select_n3A_1364, %lt3A_1370 : i32
        %ne3A_1372 = arith.xori %lt3A_1369, %lt3A_1371 : i1
        %and3A_1373 = arith.andi %ne3A_1372, %ne3A_1367 : i1
        %add3A_1374 = arith.addi %rem3A_1365, %select_n3A_1364 : i32
        %select_n3A_1375 = arith.select %and3A_1373, %add3A_1374, %rem3A_1365 : i32
        %jit3A_1376 = arith.constant 4 : i32
        %eq3A_1377 = arith.constant 0 : i32
        %eq3A_1378 = arith.cmpi eq, %jit3A_1376, %eq3A_1377 : i32
        %jit3A_1379 = arith.constant 1 : i32
        %select_n3A_1380 = arith.select %eq3A_1378, %jit3A_1379, %jit3A_1376 : i32
        %rem3A_1381 = arith.remsi %add3A_1357, %select_n3A_1380 : i32
        %ne3A_1382 = arith.constant 0 : i32
        %ne3A_1383 = arith.cmpi ne, %rem3A_1381, %ne3A_1382 : i32
        %lt3A_1384 = arith.constant 0 : i32
        %lt3A_1385 = arith.cmpi slt, %rem3A_1381, %lt3A_1384 : i32
        %lt3A_1386 = arith.constant 0 : i32
        %lt3A_1387 = arith.cmpi slt, %select_n3A_1380, %lt3A_1386 : i32
        %ne3A_1388 = arith.xori %lt3A_1385, %lt3A_1387 : i1
        %and3A_1389 = arith.andi %ne3A_1388, %ne3A_1383 : i1
        %add3A_1390 = arith.addi %rem3A_1381, %select_n3A_1380 : i32
        %select_n3A_1391 = arith.select %and3A_1389, %add3A_1390, %rem3A_1381 : i32
        %dma_start3A_1392 = arith.constant 0 : i32
        %dma_start3A_1393 = tpu.memref_slice %arg8[%select_n3A_1375, %dma_start3A_1392] : memref<4x128xi32, #tpu.memory_space<vmem>> -> memref<1x128xi32, #tpu.memory_space<vmem>>
        %dma_start3A_1394 = tpu.memref_squeeze %dma_start3A_1393 : memref<1x128xi32, #tpu.memory_space<vmem>> -> memref<128xi32, #tpu.memory_space<vmem>>
        %dma_start3A_1395 = arith.constant 0 : i32
        %dma_start3A_1396 = tpu.memref_slice %arg3[%add3A, %min3A_1359, %dma_start3A_1395] : memref<32x78x128xi32, #tpu.memory_space<hbm>> -> memref<1x1x128xi32, #tpu.memory_space<hbm>>
        %dma_start3A_1397 = tpu.memref_squeeze %dma_start3A_1396 : memref<1x1x128xi32, #tpu.memory_space<hbm>> -> memref<128xi32, #tpu.memory_space<hbm>>
        %dma_start3A_1398 = arith.constant 0 : i32
        %dma_start3A_1399 = tpu.memref_slice %arg8[%select_n3A_1375, %dma_start3A_1398] : memref<4x128xi32, #tpu.memory_space<vmem>> -> memref<1x128xi32, #tpu.memory_space<vmem>>
        %dma_start3A_1400 = tpu.memref_squeeze %dma_start3A_1399 : memref<1x128xi32, #tpu.memory_space<vmem>> -> memref<128xi32, #tpu.memory_space<vmem>>
        %dma_start3A_1401 = arith.constant 0 : i32
        %dma_start3A_1402 = tpu.memref_slice %arg3[%add3A, %min3A_1359, %dma_start3A_1401] : memref<32x78x128xi32, #tpu.memory_space<hbm>> -> memref<1x1x128xi32, #tpu.memory_space<hbm>>
        %dma_start3A_1403 = tpu.memref_squeeze %dma_start3A_1402 : memref<1x1x128xi32, #tpu.memory_space<hbm>> -> memref<128xi32, #tpu.memory_space<hbm>>
        tpu.enqueue_dma source(%dma_start3A_1403 : memref<128xi32, #tpu.memory_space<hbm>>) target(%dma_start3A_1400 : memref<128xi32, #tpu.memory_space<vmem>>) target_semaphore(%arg19 : memref<!tpu.dma_semaphore, #tpu.memory_space<semaphore_mem>>)
        %dma_start3A_1404 = arith.constant 0 : i32
        %dma_start3A_1405 = tpu.memref_slice %arg9[%select_n3A_1391, %dma_start3A_1404] : memref<4x128xi32, #tpu.memory_space<vmem>> -> memref<1x128xi32, #tpu.memory_space<vmem>>
        %dma_start3A_1406 = tpu.memref_squeeze %dma_start3A_1405 : memref<1x128xi32, #tpu.memory_space<vmem>> -> memref<128xi32, #tpu.memory_space<vmem>>
        %dma_start3A_1407 = arith.constant 0 : i32
        %dma_start3A_1408 = tpu.memref_slice %arg5[%add3A, %min3A_1359, %dma_start3A_1407] : memref<32x78x128xi32, #tpu.memory_space<hbm>> -> memref<1x1x128xi32, #tpu.memory_space<hbm>>
        %dma_start3A_1409 = tpu.memref_squeeze %dma_start3A_1408 : memref<1x1x128xi32, #tpu.memory_space<hbm>> -> memref<128xi32, #tpu.memory_space<hbm>>
        %dma_start3A_1410 = arith.constant 0 : i32
        %dma_start3A_1411 = tpu.memref_slice %arg9[%select_n3A_1391, %dma_start3A_1410] : memref<4x128xi32, #tpu.memory_space<vmem>> -> memref<1x128xi32, #tpu.memory_space<vmem>>
        %dma_start3A_1412 = tpu.memref_squeeze %dma_start3A_1411 : memref<1x128xi32, #tpu.memory_space<vmem>> -> memref<128xi32, #tpu.memory_space<vmem>>
        %dma_start3A_1413 = arith.constant 0 : i32
        %dma_start3A_1414 = tpu.memref_slice %arg5[%add3A, %min3A_1359, %dma_start3A_1413] : memref<32x78x128xi32, #tpu.memory_space<hbm>> -> memref<1x1x128xi32, #tpu.memory_space<hbm>>
        %dma_start3A_1415 = tpu.memref_squeeze %dma_start3A_1414 : memref<1x1x128xi32, #tpu.memory_space<hbm>> -> memref<128xi32, #tpu.memory_space<hbm>>
        tpu.enqueue_dma source(%dma_start3A_1415 : memref<128xi32, #tpu.memory_space<hbm>>) target(%dma_start3A_1412 : memref<128xi32, #tpu.memory_space<vmem>>) target_semaphore(%arg20 : memref<!tpu.dma_semaphore, #tpu.memory_space<semaphore_mem>>)
      } else {
      }
      %add3A_1284 = arith.constant 4 : i32
      %add3A_1285 = arith.addi %add3A_1107, %add3A_1284 : i32
      %min3A_1286 = arith.constant 155 : i32
      %min3A_1287 = arith.minsi %add3A_1285, %min3A_1286 : i32
      %jit3A_1288 = arith.constant 2 : i32
      %div3A_1289 = arith.divsi %min3A_1287, %jit3A_1288 : i32
      %sign3A_1290 = arith.constant 0 : i32
      %sign3A_1291 = arith.cmpi sgt, %min3A_1287, %sign3A_1290 : i32
      %sign3A_1292 = arith.extui %sign3A_1291 : i1 to i32
      %sign3A_1293 = arith.constant 0 : i32
      %sign3A_1294 = arith.cmpi slt, %min3A_1287, %sign3A_1293 : i32
      %sign3A_1295 = arith.extui %sign3A_1294 : i1 to i32
      %sign3A_1296 = arith.subi %sign3A_1292, %sign3A_1295 : i32
      %sign3A_1297 = arith.constant 0 : i32
      %sign3A_1298 = arith.cmpi sgt, %jit3A_1288, %sign3A_1297 : i32
      %sign3A_1299 = arith.extui %sign3A_1298 : i1 to i32
      %sign3A_1300 = arith.constant 0 : i32
      %sign3A_1301 = arith.cmpi slt, %jit3A_1288, %sign3A_1300 : i32
      %sign3A_1302 = arith.extui %sign3A_1301 : i1 to i32
      %sign3A_1303 = arith.subi %sign3A_1299, %sign3A_1302 : i32
      %ne3A_1304 = arith.cmpi ne, %sign3A_1296, %sign3A_1303 : i32
      %rem3A_1305 = arith.remsi %min3A_1287, %jit3A_1288 : i32
      %ne3A_1306 = arith.constant 0 : i32
      %ne3A_1307 = arith.cmpi ne, %rem3A_1305, %ne3A_1306 : i32
      %and3A_1308 = arith.andi %ne3A_1304, %ne3A_1307 : i1
      %sub3A_1309 = arith.constant 1 : i32
      %sub3A_1310 = arith.subi %div3A_1289, %sub3A_1309 : i32
      %select_n3A_1311 = arith.select %and3A_1308, %sub3A_1310, %div3A_1289 : i32
      %jit3A_1312 = arith.constant 4 : i32
      %eq3A_1313 = arith.constant 0 : i32
      %eq3A_1314 = arith.cmpi eq, %jit3A_1312, %eq3A_1313 : i32
      %jit3A_1315 = arith.constant 1 : i32
      %select_n3A_1316 = arith.select %eq3A_1314, %jit3A_1315, %jit3A_1312 : i32
      %rem3A_1317 = arith.remsi %select_n3A_1311, %select_n3A_1316 : i32
      %ne3A_1318 = arith.constant 0 : i32
      %ne3A_1319 = arith.cmpi ne, %rem3A_1317, %ne3A_1318 : i32
      %lt3A_1320 = arith.constant 0 : i32
      %lt3A_1321 = arith.cmpi slt, %rem3A_1317, %lt3A_1320 : i32
      %lt3A_1322 = arith.constant 0 : i32
      %lt3A_1323 = arith.cmpi slt, %select_n3A_1316, %lt3A_1322 : i32
      %ne3A_1324 = arith.xori %lt3A_1321, %lt3A_1323 : i1
      %and3A_1325 = arith.andi %ne3A_1324, %ne3A_1319 : i1
      %add3A_1326 = arith.addi %rem3A_1317, %select_n3A_1316 : i32
      %select_n3A_1327 = arith.select %and3A_1325, %add3A_1326, %rem3A_1317 : i32
      %jit3A_1328 = arith.constant 2 : i32
      %eq3A_1329 = arith.constant 0 : i32
      %eq3A_1330 = arith.cmpi eq, %jit3A_1328, %eq3A_1329 : i32
      %jit3A_1331 = arith.constant 1 : i32
      %select_n3A_1332 = arith.select %eq3A_1330, %jit3A_1331, %jit3A_1328 : i32
      %rem3A_1333 = arith.remsi %min3A_1287, %select_n3A_1332 : i32
      %ne3A_1334 = arith.constant 0 : i32
      %ne3A_1335 = arith.cmpi ne, %rem3A_1333, %ne3A_1334 : i32
      %lt3A_1336 = arith.constant 0 : i32
      %lt3A_1337 = arith.cmpi slt, %rem3A_1333, %lt3A_1336 : i32
      %lt3A_1338 = arith.constant 0 : i32
      %lt3A_1339 = arith.cmpi slt, %select_n3A_1332, %lt3A_1338 : i32
      %ne3A_1340 = arith.xori %lt3A_1337, %lt3A_1339 : i1
      %and3A_1341 = arith.andi %ne3A_1340, %ne3A_1335 : i1
      %add3A_1342 = arith.addi %rem3A_1333, %select_n3A_1332 : i32
      %select_n3A_1343 = arith.select %and3A_1341, %add3A_1342, %rem3A_1333 : i32
      %mul3A_1344 = arith.constant 64 : i32
      %mul3A_1345 = arith.muli %select_n3A_1343, %mul3A_1344 : i32
      %dma_start3A_1346 = tpu.memref_slice %arg8[%select_n3A_1327, %mul3A_1345] : memref<4x128xi32, #tpu.memory_space<vmem>> -> memref<1x64xi32, #tpu.memory_space<vmem>>
      %dma_start3A_1347 = tpu.memref_squeeze %dma_start3A_1346 : memref<1x64xi32, #tpu.memory_space<vmem>> -> memref<64xi32, #tpu.memory_space<vmem>>
      %dma_start3A_1348 = arith.constant 0 : i32
      %dma_start3A_1349 = arith.constant 0 : i32
      %dma_start3A_1350 = tpu.memref_slice %arg2[%dma_start3A_1348, %dma_start3A_1349] : memref<10000x128xf32, #tpu.memory_space<hbm>> -> memref<10000x128xf32, #tpu.memory_space<hbm>>
      tpu.enqueue_indirect_dma source(%dma_start3A_1350 : memref<10000x128xf32, #tpu.memory_space<hbm>>) target(%arg15 : memref<64x128xf32, #tpu.memory_space<vmem>>) offsets(%dma_start3A_1347 : memref<64xi32, #tpu.memory_space<vmem>>) semaphore(%arg24 : memref<!tpu.dma_semaphore, #tpu.memory_space<semaphore_mem>>)
    }
    %scan3A_42 = arith.constant 31 : i32
    %dma_wait3A = arith.constant 1 : i32
    %dma_wait3A_43 = arith.constant 64 : i32
    %dma_wait3A_44 = tpu.memref_slice %arg8[%dma_wait3A, %dma_wait3A_43] : memref<4x128xi32, #tpu.memory_space<vmem>> -> memref<1x64xi32, #tpu.memory_space<vmem>>
    %dma_wait3A_45 = tpu.memref_squeeze %dma_wait3A_44 : memref<1x64xi32, #tpu.memory_space<vmem>> -> memref<64xi32, #tpu.memory_space<vmem>>
    %dma_wait3A_46 = arith.constant 0 : i32
    %dma_wait3A_47 = arith.constant 0 : i32
    %dma_wait3A_48 = tpu.memref_slice %arg2[%dma_wait3A_46, %dma_wait3A_47] : memref<10000x128xf32, #tpu.memory_space<hbm>> -> memref<10000x128xf32, #tpu.memory_space<hbm>>
    tpu.wait_indirect_dma semaphore(%arg21 : memref<!tpu.dma_semaphore, #tpu.memory_space<semaphore_mem>>) src(%dma_wait3A_48 : memref<10000x128xf32, #tpu.memory_space<hbm>>) dst(%arg12 : memref<64x128xf32, #tpu.memory_space<vmem>>)
    %dma_start3A_49 = arith.constant 1 : i32
    %dma_start3A_50 = arith.constant 64 : i32
    %dma_start3A_51 = tpu.memref_slice %arg9[%dma_start3A_49, %dma_start3A_50] : memref<4x128xi32, #tpu.memory_space<vmem>> -> memref<1x64xi32, #tpu.memory_space<vmem>>
    %dma_start3A_52 = tpu.memref_squeeze %dma_start3A_51 : memref<1x64xi32, #tpu.memory_space<vmem>> -> memref<64xi32, #tpu.memory_space<vmem>>
    %dma_start3A_53 = arith.constant 0 : i32
    %dma_start3A_54 = arith.constant 0 : i32
    %dma_start3A_55 = tpu.memref_slice %arg18[%dma_start3A_53, %dma_start3A_54] : memref<10240x128xf32, #tpu.memory_space<vmem_shared>> -> memref<10240x128xf32, #tpu.memory_space<vmem_shared>>
    tpu.enqueue_indirect_dma source(%arg12 : memref<64x128xf32, #tpu.memory_space<vmem>>) target(%dma_start3A_55 : memref<10240x128xf32, #tpu.memory_space<vmem_shared>>) offsets(%dma_start3A_52 : memref<64xi32, #tpu.memory_space<vmem>>) semaphore(%arg26 : memref<!tpu.dma_semaphore, #tpu.memory_space<semaphore_mem>>) {add = true}
    %dma_wait3A_56 = arith.constant 1 : i32
    %dma_wait3A_57 = arith.constant 0 : i32
    %dma_wait3A_58 = tpu.memref_slice %arg9[%dma_wait3A_56, %dma_wait3A_57] : memref<4x128xi32, #tpu.memory_space<vmem>> -> memref<1x64xi32, #tpu.memory_space<vmem>>
    %dma_wait3A_59 = tpu.memref_squeeze %dma_wait3A_58 : memref<1x64xi32, #tpu.memory_space<vmem>> -> memref<64xi32, #tpu.memory_space<vmem>>
    %dma_wait3A_60 = arith.constant 0 : i32
    %dma_wait3A_61 = arith.constant 0 : i32
    %dma_wait3A_62 = tpu.memref_slice %arg18[%dma_wait3A_60, %dma_wait3A_61] : memref<10240x128xf32, #tpu.memory_space<vmem_shared>> -> memref<10240x128xf32, #tpu.memory_space<vmem_shared>>
    tpu.wait_indirect_dma semaphore(%arg30 : memref<!tpu.dma_semaphore, #tpu.memory_space<semaphore_mem>>) src(%arg16 : memref<64x128xf32, #tpu.memory_space<vmem>>) dst(%dma_wait3A_62 : memref<10240x128xf32, #tpu.memory_space<vmem_shared>>)
    %dma_wait3A_63 = arith.constant 1 : i32
    %dma_wait3A_64 = arith.constant 64 : i32
    %dma_wait3A_65 = tpu.memref_slice %arg9[%dma_wait3A_63, %dma_wait3A_64] : memref<4x128xi32, #tpu.memory_space<vmem>> -> memref<1x64xi32, #tpu.memory_space<vmem>>
    %dma_wait3A_66 = tpu.memref_squeeze %dma_wait3A_65 : memref<1x64xi32, #tpu.memory_space<vmem>> -> memref<64xi32, #tpu.memory_space<vmem>>
    %dma_wait3A_67 = arith.constant 0 : i32
    %dma_wait3A_68 = arith.constant 0 : i32
    %dma_wait3A_69 = tpu.memref_slice %arg18[%dma_wait3A_67, %dma_wait3A_68] : memref<10240x128xf32, #tpu.memory_space<vmem_shared>> -> memref<10240x128xf32, #tpu.memory_space<vmem_shared>>
    tpu.wait_indirect_dma semaphore(%arg26 : memref<!tpu.dma_semaphore, #tpu.memory_space<semaphore_mem>>) src(%arg12 : memref<64x128xf32, #tpu.memory_space<vmem>>) dst(%dma_wait3A_69 : memref<10240x128xf32, #tpu.memory_space<vmem_shared>>)
    %dma_wait3A_70 = arith.constant 1 : i32
    %dma_wait3A_71 = arith.constant 64 : i32
    %dma_wait3A_72 = tpu.memref_slice %arg8[%dma_wait3A_70, %dma_wait3A_71] : memref<4x128xi32, #tpu.memory_space<vmem>> -> memref<1x64xi32, #tpu.memory_space<vmem>>
    %dma_wait3A_73 = tpu.memref_squeeze %dma_wait3A_72 : memref<1x64xi32, #tpu.memory_space<vmem>> -> memref<64xi32, #tpu.memory_space<vmem>>
    %dma_wait3A_74 = arith.constant 0 : i32
    %dma_wait3A_75 = arith.constant 0 : i32
    %dma_wait3A_76 = tpu.memref_slice %arg2[%dma_wait3A_74, %dma_wait3A_75] : memref<10000x128xf32, #tpu.memory_space<hbm>> -> memref<10000x128xf32, #tpu.memory_space<hbm>>
    tpu.wait_indirect_dma semaphore(%arg22 : memref<!tpu.dma_semaphore, #tpu.memory_space<semaphore_mem>>) src(%dma_wait3A_76 : memref<10000x128xf32, #tpu.memory_space<hbm>>) dst(%arg13 : memref<64x128xf32, #tpu.memory_space<vmem>>)
    %dma_wait3A_77 = arith.constant 1 : i32
    %dma_wait3A_78 = arith.constant 64 : i32
    %dma_wait3A_79 = tpu.memref_slice %arg8[%dma_wait3A_77, %dma_wait3A_78] : memref<4x128xi32, #tpu.memory_space<vmem>> -> memref<1x64xi32, #tpu.memory_space<vmem>>
    %dma_wait3A_80 = tpu.memref_squeeze %dma_wait3A_79 : memref<1x64xi32, #tpu.memory_space<vmem>> -> memref<64xi32, #tpu.memory_space<vmem>>
    %dma_wait3A_81 = arith.constant 0 : i32
    %dma_wait3A_82 = arith.constant 0 : i32
    %dma_wait3A_83 = tpu.memref_slice %arg2[%dma_wait3A_81, %dma_wait3A_82] : memref<10000x128xf32, #tpu.memory_space<hbm>> -> memref<10000x128xf32, #tpu.memory_space<hbm>>
    tpu.wait_indirect_dma semaphore(%arg23 : memref<!tpu.dma_semaphore, #tpu.memory_space<semaphore_mem>>) src(%dma_wait3A_83 : memref<10000x128xf32, #tpu.memory_space<hbm>>) dst(%arg14 : memref<64x128xf32, #tpu.memory_space<vmem>>)
    %dma_wait3A_84 = arith.constant 1 : i32
    %dma_wait3A_85 = arith.constant 64 : i32
    %dma_wait3A_86 = tpu.memref_slice %arg8[%dma_wait3A_84, %dma_wait3A_85] : memref<4x128xi32, #tpu.memory_space<vmem>> -> memref<1x64xi32, #tpu.memory_space<vmem>>
    %dma_wait3A_87 = tpu.memref_squeeze %dma_wait3A_86 : memref<1x64xi32, #tpu.memory_space<vmem>> -> memref<64xi32, #tpu.memory_space<vmem>>
    %dma_wait3A_88 = arith.constant 0 : i32
    %dma_wait3A_89 = arith.constant 0 : i32
    %dma_wait3A_90 = tpu.memref_slice %arg2[%dma_wait3A_88, %dma_wait3A_89] : memref<10000x128xf32, #tpu.memory_space<hbm>> -> memref<10000x128xf32, #tpu.memory_space<hbm>>
    tpu.wait_indirect_dma semaphore(%arg24 : memref<!tpu.dma_semaphore, #tpu.memory_space<semaphore_mem>>) src(%dma_wait3A_90 : memref<10000x128xf32, #tpu.memory_space<hbm>>) dst(%arg15 : memref<64x128xf32, #tpu.memory_space<vmem>>)
    %min3A = arith.constant 77 : i32
    %min3A_91 = arith.constant 77 : i32
    %min3A_92 = arith.minsi %min3A, %min3A_91 : i32
    %dma_wait3A_93 = arith.constant 1 : i32
    %dma_wait3A_94 = arith.constant 0 : i32
    %dma_wait3A_95 = tpu.memref_slice %arg8[%dma_wait3A_93, %dma_wait3A_94] : memref<4x128xi32, #tpu.memory_space<vmem>> -> memref<1x128xi32, #tpu.memory_space<vmem>>
    %dma_wait3A_96 = tpu.memref_squeeze %dma_wait3A_95 : memref<1x128xi32, #tpu.memory_space<vmem>> -> memref<128xi32, #tpu.memory_space<vmem>>
    %dma_wait3A_97 = arith.constant 0 : i32
    %dma_wait3A_98 = tpu.memref_slice %arg3[%add3A, %min3A_92, %dma_wait3A_97] : memref<32x78x128xi32, #tpu.memory_space<hbm>> -> memref<1x1x128xi32, #tpu.memory_space<hbm>>
    %dma_wait3A_99 = tpu.memref_squeeze %dma_wait3A_98 : memref<1x1x128xi32, #tpu.memory_space<hbm>> -> memref<128xi32, #tpu.memory_space<hbm>>
    %dma_wait3A_100 = arith.constant 0 : i32
    %dma_wait3A_101 = tpu.memref_slice %arg8[%dma_wait3A_93, %dma_wait3A_100] : memref<4x128xi32, #tpu.memory_space<vmem>> -> memref<1x128xi32, #tpu.memory_space<vmem>>
    %dma_wait3A_102 = tpu.memref_squeeze %dma_wait3A_101 : memref<1x128xi32, #tpu.memory_space<vmem>> -> memref<128xi32, #tpu.memory_space<vmem>>
    %dma_wait3A_103 = arith.constant 0 : i32
    %dma_wait3A_104 = tpu.memref_slice %arg3[%add3A, %min3A_92, %dma_wait3A_103] : memref<32x78x128xi32, #tpu.memory_space<hbm>> -> memref<1x1x128xi32, #tpu.memory_space<hbm>>
    %dma_wait3A_105 = tpu.memref_squeeze %dma_wait3A_104 : memref<1x1x128xi32, #tpu.memory_space<hbm>> -> memref<128xi32, #tpu.memory_space<hbm>>
    tpu.wait_dma2 semaphore(%arg19 : memref<!tpu.dma_semaphore, #tpu.memory_space<semaphore_mem>>) src(%dma_wait3A_105 : memref<128xi32, #tpu.memory_space<hbm>>) dst(%dma_wait3A_102 : memref<128xi32, #tpu.memory_space<vmem>>)
    %dma_wait3A_106 = arith.constant 1 : i32
    %dma_wait3A_107 = arith.constant 0 : i32
    %dma_wait3A_108 = tpu.memref_slice %arg9[%dma_wait3A_106, %dma_wait3A_107] : memref<4x128xi32, #tpu.memory_space<vmem>> -> memref<1x128xi32, #tpu.memory_space<vmem>>
    %dma_wait3A_109 = tpu.memref_squeeze %dma_wait3A_108 : memref<1x128xi32, #tpu.memory_space<vmem>> -> memref<128xi32, #tpu.memory_space<vmem>>
    %dma_wait3A_110 = arith.constant 0 : i32
    %dma_wait3A_111 = tpu.memref_slice %arg5[%add3A, %min3A_92, %dma_wait3A_110] : memref<32x78x128xi32, #tpu.memory_space<hbm>> -> memref<1x1x128xi32, #tpu.memory_space<hbm>>
    %dma_wait3A_112 = tpu.memref_squeeze %dma_wait3A_111 : memref<1x1x128xi32, #tpu.memory_space<hbm>> -> memref<128xi32, #tpu.memory_space<hbm>>
    %dma_wait3A_113 = arith.constant 0 : i32
    %dma_wait3A_114 = tpu.memref_slice %arg9[%dma_wait3A_106, %dma_wait3A_113] : memref<4x128xi32, #tpu.memory_space<vmem>> -> memref<1x128xi32, #tpu.memory_space<vmem>>
    %dma_wait3A_115 = tpu.memref_squeeze %dma_wait3A_114 : memref<1x128xi32, #tpu.memory_space<vmem>> -> memref<128xi32, #tpu.memory_space<vmem>>
    %dma_wait3A_116 = arith.constant 0 : i32
    %dma_wait3A_117 = tpu.memref_slice %arg5[%add3A, %min3A_92, %dma_wait3A_116] : memref<32x78x128xi32, #tpu.memory_space<hbm>> -> memref<1x1x128xi32, #tpu.memory_space<hbm>>
    %dma_wait3A_118 = tpu.memref_squeeze %dma_wait3A_117 : memref<1x1x128xi32, #tpu.memory_space<hbm>> -> memref<128xi32, #tpu.memory_space<hbm>>
    tpu.wait_dma2 semaphore(%arg20 : memref<!tpu.dma_semaphore, #tpu.memory_space<semaphore_mem>>) src(%dma_wait3A_118 : memref<128xi32, #tpu.memory_space<hbm>>) dst(%dma_wait3A_115 : memref<128xi32, #tpu.memory_space<vmem>>)
    "tpu.region"() ({
      %run_scoped3A = tpu.sem_alloc : memref<!tpu.dma_semaphore, #tpu.memory_space<semaphore_mem>>
      %dma_start3A_124 = arith.constant 0 : i32
      %dma_start3A_125 = arith.constant 0 : i32
      %dma_start3A_126 = tpu.memref_slice %arg2[%dma_start3A_124, %dma_start3A_125] : memref<10000x128xf32, #tpu.memory_space<hbm>> -> memref<10000x128xf32, #tpu.memory_space<hbm>>
      tpu.enqueue_indirect_dma source(%dma_start3A_126 : memref<10000x128xf32, #tpu.memory_space<hbm>>) target(%arg17 : memref<16x128xf32, #tpu.memory_space<vmem>>) offsets(%arg10 : memref<16xi32, #tpu.memory_space<vmem>>) semaphore(%run_scoped3A : memref<!tpu.dma_semaphore, #tpu.memory_space<semaphore_mem>>)
      %dma_wait3A_127 = arith.constant 0 : i32
      %dma_wait3A_128 = arith.constant 0 : i32
      %dma_wait3A_129 = tpu.memref_slice %arg2[%dma_wait3A_127, %dma_wait3A_128] : memref<10000x128xf32, #tpu.memory_space<hbm>> -> memref<10000x128xf32, #tpu.memory_space<hbm>>
      tpu.wait_indirect_dma semaphore(%run_scoped3A : memref<!tpu.dma_semaphore, #tpu.memory_space<semaphore_mem>>) src(%dma_wait3A_129 : memref<10000x128xf32, #tpu.memory_space<hbm>>) dst(%arg17 : memref<16x128xf32, #tpu.memory_space<vmem>>)
      tpu.yield
    }) : () -> ()
    "tpu.region"() ({
      %run_scoped3A = tpu.sem_alloc : memref<!tpu.dma_semaphore, #tpu.memory_space<semaphore_mem>>
      %dma_start3A_124 = arith.constant 0 : i32
      %dma_start3A_125 = arith.constant 0 : i32
      %dma_start3A_126 = tpu.memref_slice %arg18[%dma_start3A_124, %dma_start3A_125] : memref<10240x128xf32, #tpu.memory_space<vmem_shared>> -> memref<10240x128xf32, #tpu.memory_space<vmem_shared>>
      tpu.enqueue_indirect_dma source(%arg17 : memref<16x128xf32, #tpu.memory_space<vmem>>) target(%dma_start3A_126 : memref<10240x128xf32, #tpu.memory_space<vmem_shared>>) offsets(%arg11 : memref<16xi32, #tpu.memory_space<vmem>>) semaphore(%run_scoped3A : memref<!tpu.dma_semaphore, #tpu.memory_space<semaphore_mem>>) {add = true}
      %dma_wait3A_127 = arith.constant 0 : i32
      %dma_wait3A_128 = arith.constant 0 : i32
      %dma_wait3A_129 = tpu.memref_slice %arg18[%dma_wait3A_127, %dma_wait3A_128] : memref<10240x128xf32, #tpu.memory_space<vmem_shared>> -> memref<10240x128xf32, #tpu.memory_space<vmem_shared>>
      tpu.wait_indirect_dma semaphore(%run_scoped3A : memref<!tpu.dma_semaphore, #tpu.memory_space<semaphore_mem>>) src(%arg17 : memref<16x128xf32, #tpu.memory_space<vmem>>) dst(%dma_wait3A_129 : memref<10240x128xf32, #tpu.memory_space<vmem_shared>>)
      tpu.yield
    }) : () -> ()
    %barrier3A_119 = arith.constant 0 : index
    tpu.barrier barrier_id(%barrier3A_119)
    %mul3A_120 = arith.constant 640 : i32
    %mul3A_121 = arith.muli %arg1, %mul3A_120 : i32
    %mul3A_122 = arith.constant 640 : i32
    %mul3A_123 = arith.muli %arg1, %mul3A_122 : i32
    "tpu.region"() ({
      %run_scoped3A = tpu.sem_alloc : memref<!tpu.dma_semaphore, #tpu.memory_space<semaphore_mem>>
      %dma_start3A_124 = arith.constant 0 : i32
      %dma_start3A_125 = arith.constant 0 : i32
      %dma_start3A_126 = tpu.memref_slice %arg7[%arg0, %dma_start3A_124, %dma_start3A_125] : memref<2x10240x128xf32, #tpu.memory_space<hbm>> -> memref<1x10240x128xf32, #tpu.memory_space<hbm>>
      %dma_start3A_127 = tpu.memref_squeeze %dma_start3A_126 : memref<1x10240x128xf32, #tpu.memory_space<hbm>> -> memref<10240x128xf32, #tpu.memory_space<hbm>>
      %dma_start3A_128 = arith.constant 0 : i32
      %dma_start3A_129 = tpu.memref_slice %dma_start3A_127[%mul3A_123, %dma_start3A_128] : memref<10240x128xf32, #tpu.memory_space<hbm>> -> memref<640x128xf32, #tpu.memory_space<hbm>>
      %dma_start3A_130 = arith.constant 0 : i32
      %dma_start3A_131 = tpu.memref_slice %arg18[%mul3A_121, %dma_start3A_130] : memref<10240x128xf32, #tpu.memory_space<vmem_shared>> -> memref<640x128xf32, #tpu.memory_space<vmem_shared>>
      tpu.enqueue_dma source(%dma_start3A_131 : memref<640x128xf32, #tpu.memory_space<vmem_shared>>) target(%dma_start3A_129 : memref<640x128xf32, #tpu.memory_space<hbm>>) target_semaphore(%run_scoped3A : memref<!tpu.dma_semaphore, #tpu.memory_space<semaphore_mem>>)
      %dma_wait3A_132 = arith.constant 0 : i32
      %dma_wait3A_133 = arith.constant 0 : i32
      %dma_wait3A_134 = tpu.memref_slice %arg7[%arg0, %dma_wait3A_132, %dma_wait3A_133] : memref<2x10240x128xf32, #tpu.memory_space<hbm>> -> memref<1x10240x128xf32, #tpu.memory_space<hbm>>
      %dma_wait3A_135 = tpu.memref_squeeze %dma_wait3A_134 : memref<1x10240x128xf32, #tpu.memory_space<hbm>> -> memref<10240x128xf32, #tpu.memory_space<hbm>>
      %dma_wait3A_136 = arith.constant 0 : i32
      %dma_wait3A_137 = tpu.memref_slice %dma_wait3A_135[%mul3A_123, %dma_wait3A_136] : memref<10240x128xf32, #tpu.memory_space<hbm>> -> memref<640x128xf32, #tpu.memory_space<hbm>>
      %dma_wait3A_138 = arith.constant 0 : i32
      %dma_wait3A_139 = tpu.memref_slice %arg18[%mul3A_121, %dma_wait3A_138] : memref<10240x128xf32, #tpu.memory_space<vmem_shared>> -> memref<640x128xf32, #tpu.memory_space<vmem_shared>>
      tpu.wait_dma2 semaphore(%run_scoped3A : memref<!tpu.dma_semaphore, #tpu.memory_space<semaphore_mem>>) src(%dma_wait3A_139 : memref<640x128xf32, #tpu.memory_space<vmem_shared>>) dst(%dma_wait3A_137 : memref<640x128xf32, #tpu.memory_space<hbm>>)
      tpu.yield
    }) : () -> ()
    return
  }
}

#map = affine_map<(d0, d1) -> (0, 0)>
#map1 = affine_map<(d0, d1) -> (0, 0, 0)>
module attributes {stable_mosaic.version = 14 : i64} {
  func.func @k(%arg0: i32, %arg1: i32, %arg2: memref<10000x128xf32, #tpu.memory_space<hbm>>, %arg3: memref<32x78x128xi32, #tpu.memory_space<hbm>>, %arg4: memref<32x16xi32, #tpu.memory_space<hbm>>, %arg5: memref<32x78x128xi32, #tpu.memory_space<hbm>>, %arg6: memref<32x16xi32, #tpu.memory_space<hbm>>, %arg7: memref<2x10240x128xf32, #tpu.memory_space<hbm>>, %arg8: memref<4x128xi32, #tpu.memory_space<vmem>>, %arg9: memref<4x128xi32, #tpu.memory_space<vmem>>, %arg10: memref<16xi32, #tpu.memory_space<vmem>>, %arg11: memref<16xi32, #tpu.memory_space<vmem>>, %arg12: memref<64x128xf32, #tpu.memory_space<vmem>>, %arg13: memref<64x128xf32, #tpu.memory_space<vmem>>, %arg14: memref<64x128xf32, #tpu.memory_space<vmem>>, %arg15: memref<64x128xf32, #tpu.memory_space<vmem>>, %arg16: memref<64x128xf32, #tpu.memory_space<vmem>>, %arg17: memref<16x128xf32, #tpu.memory_space<vmem>>, %arg18: memref<10240x128xf32, #tpu.memory_space<vmem_shared>>, %arg19: memref<!tpu.dma_semaphore, #tpu.memory_space<semaphore_mem>>, %arg20: memref<!tpu.dma_semaphore, #tpu.memory_space<semaphore_mem>>, %arg21: memref<!tpu.dma_semaphore, #tpu.memory_space<semaphore_mem>>, %arg22: memref<!tpu.dma_semaphore, #tpu.memory_space<semaphore_mem>>, %arg23: memref<!tpu.dma_semaphore, #tpu.memory_space<semaphore_mem>>, %arg24: memref<!tpu.dma_semaphore, #tpu.memory_space<semaphore_mem>>, %arg25: memref<!tpu.dma_semaphore, #tpu.memory_space<semaphore_mem>>, %arg26: memref<!tpu.dma_semaphore, #tpu.memory_space<semaphore_mem>>, %arg27: memref<!tpu.dma_semaphore, #tpu.memory_space<semaphore_mem>>, %arg28: memref<!tpu.dma_semaphore, #tpu.memory_space<semaphore_mem>>, %arg29: memref<!tpu.dma_semaphore, #tpu.memory_space<semaphore_mem>>, %arg30: memref<!tpu.dma_semaphore, #tpu.memory_space<semaphore_mem>>) attributes {dimension_semantics = [#tpu.dimension_semantics<core_parallel>, #tpu.dimension_semantics<subcore_parallel>], iteration_bounds = array<i64: 2, 16>, scalar_prefetch = 0 : i64, scratch_operands = 23 : i64, tpu.core_type = #tpu.core_type<sc_vector_subcore>, window_params = [{transform_indices = #map}, {transform_indices = #map1}, {transform_indices = #map}, {transform_indices = #map1}, {transform_indices = #map}, {transform_indices = #map1}]} {
    %mul3A = arith.constant 16 : i32
    %mul3A_0 = arith.muli %arg0, %mul3A : i32
    %add3A = arith.addi %mul3A_0, %arg1 : i32
    "tpu.region"() ({
      %run_scoped3A = tpu.sem_alloc : memref<!tpu.dma_semaphore, #tpu.memory_space<semaphore_mem>>
      %dma_start3A_124 = arith.constant 0 : i32
      %dma_start3A_125 = arith.constant 0 : i32
      %dma_start3A_126 = tpu.memref_slice %arg8[%dma_start3A_124, %dma_start3A_125] : memref<4x128xi32, #tpu.memory_space<vmem>> -> memref<3x128xi32, #tpu.memory_space<vmem>>
      %dma_start3A_127 = arith.constant 0 : i32
      %dma_start3A_128 = arith.constant 0 : i32
      %dma_start3A_129 = tpu.memref_slice %arg3[%add3A, %dma_start3A_127, %dma_start3A_128] : memref<32x78x128xi32, #tpu.memory_space<hbm>> -> memref<1x3x128xi32, #tpu.memory_space<hbm>>
      %dma_start3A_130 = tpu.memref_squeeze %dma_start3A_129 : memref<1x3x128xi32, #tpu.memory_space<hbm>> -> memref<3x128xi32, #tpu.memory_space<hbm>>
      %dma_start3A_131 = arith.constant 0 : i32
      %dma_start3A_132 = arith.constant 0 : i32
      %dma_start3A_133 = tpu.memref_slice %arg8[%dma_start3A_131, %dma_start3A_132] : memref<4x128xi32, #tpu.memory_space<vmem>> -> memref<3x128xi32, #tpu.memory_space<vmem>>
      %dma_start3A_134 = arith.constant 0 : i32
      %dma_start3A_135 = arith.constant 0 : i32
      %dma_start3A_136 = tpu.memref_slice %arg3[%add3A, %dma_start3A_134, %dma_start3A_135] : memref<32x78x128xi32, #tpu.memory_space<hbm>> -> memref<1x3x128xi32, #tpu.memory_space<hbm>>
      %dma_start3A_137 = tpu.memref_squeeze %dma_start3A_136 : memref<1x3x128xi32, #tpu.memory_space<hbm>> -> memref<3x128xi32, #tpu.memory_space<hbm>>
      tpu.enqueue_dma source(%dma_start3A_137 : memref<3x128xi32, #tpu.memory_space<hbm>>) target(%dma_start3A_133 : memref<3x128xi32, #tpu.memory_space<vmem>>) target_semaphore(%run_scoped3A : memref<!tpu.dma_semaphore, #tpu.memory_space<semaphore_mem>>)
      %dma_wait3A_138 = arith.constant 0 : i32
      %dma_wait3A_139 = arith.constant 0 : i32
      %dma_wait3A_140 = tpu.memref_slice %arg8[%dma_wait3A_138, %dma_wait3A_139] : memref<4x128xi32, #tpu.memory_space<vmem>> -> memref<3x128xi32, #tpu.memory_space<vmem>>
      %dma_wait3A_141 = arith.constant 0 : i32
      %dma_wait3A_142 = arith.constant 0 : i32
      %dma_wait3A_143 = tpu.memref_slice %arg3[%add3A, %dma_wait3A_141, %dma_wait3A_142] : memref<32x78x128xi32, #tpu.memory_space<hbm>> -> memref<1x3x128xi32, #tpu.memory_space<hbm>>
      %dma_wait3A_144 = tpu.memref_squeeze %dma_wait3A_143 : memref<1x3x128xi32, #tpu.memory_space<hbm>> -> memref<3x128xi32, #tpu.memory_space<hbm>>
      %dma_wait3A_145 = arith.constant 0 : i32
      %dma_wait3A_146 = arith.constant 0 : i32
      %dma_wait3A_147 = tpu.memref_slice %arg8[%dma_wait3A_145, %dma_wait3A_146] : memref<4x128xi32, #tpu.memory_space<vmem>> -> memref<3x128xi32, #tpu.memory_space<vmem>>
      %dma_wait3A_148 = arith.constant 0 : i32
      %dma_wait3A_149 = arith.constant 0 : i32
      %dma_wait3A_150 = tpu.memref_slice %arg3[%add3A, %dma_wait3A_148, %dma_wait3A_149] : memref<32x78x128xi32, #tpu.memory_space<hbm>> -> memref<1x3x128xi32, #tpu.memory_space<hbm>>
      %dma_wait3A_151 = tpu.memref_squeeze %dma_wait3A_150 : memref<1x3x128xi32, #tpu.memory_space<hbm>> -> memref<3x128xi32, #tpu.memory_space<hbm>>
      tpu.wait_dma2 semaphore(%run_scoped3A : memref<!tpu.dma_semaphore, #tpu.memory_space<semaphore_mem>>) src(%dma_wait3A_151 : memref<3x128xi32, #tpu.memory_space<hbm>>) dst(%dma_wait3A_147 : memref<3x128xi32, #tpu.memory_space<vmem>>)
      tpu.yield
    }) : () -> ()
    "tpu.region"() ({
      %run_scoped3A = tpu.sem_alloc : memref<!tpu.dma_semaphore, #tpu.memory_space<semaphore_mem>>
      %dma_start3A_124 = arith.constant 0 : i32
      %dma_start3A_125 = arith.constant 0 : i32
      %dma_start3A_126 = tpu.memref_slice %arg9[%dma_start3A_124, %dma_start3A_125] : memref<4x128xi32, #tpu.memory_space<vmem>> -> memref<3x128xi32, #tpu.memory_space<vmem>>
      %dma_start3A_127 = arith.constant 0 : i32
      %dma_start3A_128 = arith.constant 0 : i32
      %dma_start3A_129 = tpu.memref_slice %arg5[%add3A, %dma_start3A_127, %dma_start3A_128] : memref<32x78x128xi32, #tpu.memory_space<hbm>> -> memref<1x3x128xi32, #tpu.memory_space<hbm>>
      %dma_start3A_130 = tpu.memref_squeeze %dma_start3A_129 : memref<1x3x128xi32, #tpu.memory_space<hbm>> -> memref<3x128xi32, #tpu.memory_space<hbm>>
      %dma_start3A_131 = arith.constant 0 : i32
      %dma_start3A_132 = arith.constant 0 : i32
      %dma_start3A_133 = tpu.memref_slice %arg9[%dma_start3A_131, %dma_start3A_132] : memref<4x128xi32, #tpu.memory_space<vmem>> -> memref<3x128xi32, #tpu.memory_space<vmem>>
      %dma_start3A_134 = arith.constant 0 : i32
      %dma_start3A_135 = arith.constant 0 : i32
      %dma_start3A_136 = tpu.memref_slice %arg5[%add3A, %dma_start3A_134, %dma_start3A_135] : memref<32x78x128xi32, #tpu.memory_space<hbm>> -> memref<1x3x128xi32, #tpu.memory_space<hbm>>
      %dma_start3A_137 = tpu.memref_squeeze %dma_start3A_136 : memref<1x3x128xi32, #tpu.memory_space<hbm>> -> memref<3x128xi32, #tpu.memory_space<hbm>>
      tpu.enqueue_dma source(%dma_start3A_137 : memref<3x128xi32, #tpu.memory_space<hbm>>) target(%dma_start3A_133 : memref<3x128xi32, #tpu.memory_space<vmem>>) target_semaphore(%run_scoped3A : memref<!tpu.dma_semaphore, #tpu.memory_space<semaphore_mem>>)
      %dma_wait3A_138 = arith.constant 0 : i32
      %dma_wait3A_139 = arith.constant 0 : i32
      %dma_wait3A_140 = tpu.memref_slice %arg9[%dma_wait3A_138, %dma_wait3A_139] : memref<4x128xi32, #tpu.memory_space<vmem>> -> memref<3x128xi32, #tpu.memory_space<vmem>>
      %dma_wait3A_141 = arith.constant 0 : i32
      %dma_wait3A_142 = arith.constant 0 : i32
      %dma_wait3A_143 = tpu.memref_slice %arg5[%add3A, %dma_wait3A_141, %dma_wait3A_142] : memref<32x78x128xi32, #tpu.memory_space<hbm>> -> memref<1x3x128xi32, #tpu.memory_space<hbm>>
      %dma_wait3A_144 = tpu.memref_squeeze %dma_wait3A_143 : memref<1x3x128xi32, #tpu.memory_space<hbm>> -> memref<3x128xi32, #tpu.memory_space<hbm>>
      %dma_wait3A_145 = arith.constant 0 : i32
      %dma_wait3A_146 = arith.constant 0 : i32
      %dma_wait3A_147 = tpu.memref_slice %arg9[%dma_wait3A_145, %dma_wait3A_146] : memref<4x128xi32, #tpu.memory_space<vmem>> -> memref<3x128xi32, #tpu.memory_space<vmem>>
      %dma_wait3A_148 = arith.constant 0 : i32
      %dma_wait3A_149 = arith.constant 0 : i32
      %dma_wait3A_150 = tpu.memref_slice %arg5[%add3A, %dma_wait3A_148, %dma_wait3A_149] : memref<32x78x128xi32, #tpu.memory_space<hbm>> -> memref<1x3x128xi32, #tpu.memory_space<hbm>>
      %dma_wait3A_151 = tpu.memref_squeeze %dma_wait3A_150 : memref<1x3x128xi32, #tpu.memory_space<hbm>> -> memref<3x128xi32, #tpu.memory_space<hbm>>
      tpu.wait_dma2 semaphore(%run_scoped3A : memref<!tpu.dma_semaphore, #tpu.memory_space<semaphore_mem>>) src(%dma_wait3A_151 : memref<3x128xi32, #tpu.memory_space<hbm>>) dst(%dma_wait3A_147 : memref<3x128xi32, #tpu.memory_space<vmem>>)
      tpu.yield
    }) : () -> ()
    "tpu.region"() ({
      %run_scoped3A = tpu.sem_alloc : memref<!tpu.dma_semaphore, #tpu.memory_space<semaphore_mem>>
      %dma_start3A_124 = arith.constant 0 : i32
      %dma_start3A_125 = tpu.memref_slice %arg4[%add3A, %dma_start3A_124] : memref<32x16xi32, #tpu.memory_space<hbm>> -> memref<1x16xi32, #tpu.memory_space<hbm>>
      %dma_start3A_126 = tpu.memref_squeeze %dma_start3A_125 : memref<1x16xi32, #tpu.memory_space<hbm>> -> memref<16xi32, #tpu.memory_space<hbm>>
      %dma_start3A_127 = arith.constant 0 : i32
      %dma_start3A_128 = tpu.memref_slice %arg4[%add3A, %dma_start3A_127] : memref<32x16xi32, #tpu.memory_space<hbm>> -> memref<1x16xi32, #tpu.memory_space<hbm>>
      %dma_start3A_129 = tpu.memref_squeeze %dma_start3A_128 : memref<1x16xi32, #tpu.memory_space<hbm>> -> memref<16xi32, #tpu.memory_space<hbm>>
      tpu.enqueue_dma source(%dma_start3A_129 : memref<16xi32, #tpu.memory_space<hbm>>) target(%arg10 : memref<16xi32, #tpu.memory_space<vmem>>) target_semaphore(%run_scoped3A : memref<!tpu.dma_semaphore, #tpu.memory_space<semaphore_mem>>)
      %dma_wait3A_130 = arith.constant 0 : i32
      %dma_wait3A_131 = tpu.memref_slice %arg4[%add3A, %dma_wait3A_130] : memref<32x16xi32, #tpu.memory_space<hbm>> -> memref<1x16xi32, #tpu.memory_space<hbm>>
      %dma_wait3A_132 = tpu.memref_squeeze %dma_wait3A_131 : memref<1x16xi32, #tpu.memory_space<hbm>> -> memref<16xi32, #tpu.memory_space<hbm>>
      %dma_wait3A_133 = arith.constant 0 : i32
      %dma_wait3A_134 = tpu.memref_slice %arg4[%add3A, %dma_wait3A_133] : memref<32x16xi32, #tpu.memory_space<hbm>> -> memref<1x16xi32, #tpu.memory_space<hbm>>
      %dma_wait3A_135 = tpu.memref_squeeze %dma_wait3A_134 : memref<1x16xi32, #tpu.memory_space<hbm>> -> memref<16xi32, #tpu.memory_space<hbm>>
      tpu.wait_dma2 semaphore(%run_scoped3A : memref<!tpu.dma_semaphore, #tpu.memory_space<semaphore_mem>>) src(%dma_wait3A_135 : memref<16xi32, #tpu.memory_space<hbm>>) dst(%arg10 : memref<16xi32, #tpu.memory_space<vmem>>)
      tpu.yield
    }) : () -> ()
    "tpu.region"() ({
      %run_scoped3A = tpu.sem_alloc : memref<!tpu.dma_semaphore, #tpu.memory_space<semaphore_mem>>
      %dma_start3A_124 = arith.constant 0 : i32
      %dma_start3A_125 = tpu.memref_slice %arg6[%add3A, %dma_start3A_124] : memref<32x16xi32, #tpu.memory_space<hbm>> -> memref<1x16xi32, #tpu.memory_space<hbm>>
      %dma_start3A_126 = tpu.memref_squeeze %dma_start3A_125 : memref<1x16xi32, #tpu.memory_space<hbm>> -> memref<16xi32, #tpu.memory_space<hbm>>
      %dma_start3A_127 = arith.constant 0 : i32
      %dma_start3A_128 = tpu.memref_slice %arg6[%add3A, %dma_start3A_127] : memref<32x16xi32, #tpu.memory_space<hbm>> -> memref<1x16xi32, #tpu.memory_space<hbm>>
      %dma_start3A_129 = tpu.memref_squeeze %dma_start3A_128 : memref<1x16xi32, #tpu.memory_space<hbm>> -> memref<16xi32, #tpu.memory_space<hbm>>
      tpu.enqueue_dma source(%dma_start3A_129 : memref<16xi32, #tpu.memory_space<hbm>>) target(%arg11 : memref<16xi32, #tpu.memory_space<vmem>>) target_semaphore(%run_scoped3A : memref<!tpu.dma_semaphore, #tpu.memory_space<semaphore_mem>>)
      %dma_wait3A_130 = arith.constant 0 : i32
      %dma_wait3A_131 = tpu.memref_slice %arg6[%add3A, %dma_wait3A_130] : memref<32x16xi32, #tpu.memory_space<hbm>> -> memref<1x16xi32, #tpu.memory_space<hbm>>
      %dma_wait3A_132 = tpu.memref_squeeze %dma_wait3A_131 : memref<1x16xi32, #tpu.memory_space<hbm>> -> memref<16xi32, #tpu.memory_space<hbm>>
      %dma_wait3A_133 = arith.constant 0 : i32
      %dma_wait3A_134 = tpu.memref_slice %arg6[%add3A, %dma_wait3A_133] : memref<32x16xi32, #tpu.memory_space<hbm>> -> memref<1x16xi32, #tpu.memory_space<hbm>>
      %dma_wait3A_135 = tpu.memref_squeeze %dma_wait3A_134 : memref<1x16xi32, #tpu.memory_space<hbm>> -> memref<16xi32, #tpu.memory_space<hbm>>
      tpu.wait_dma2 semaphore(%run_scoped3A : memref<!tpu.dma_semaphore, #tpu.memory_space<semaphore_mem>>) src(%dma_wait3A_135 : memref<16xi32, #tpu.memory_space<hbm>>) dst(%arg11 : memref<16xi32, #tpu.memory_space<vmem>>)
      tpu.yield
    }) : () -> ()
    %dma_start3A = arith.constant 0 : i32
    %dma_start3A_1 = arith.constant 0 : i32
    %dma_start3A_2 = tpu.memref_slice %arg8[%dma_start3A, %dma_start3A_1] : memref<4x128xi32, #tpu.memory_space<vmem>> -> memref<1x64xi32, #tpu.memory_space<vmem>>
    %dma_start3A_3 = tpu.memref_squeeze %dma_start3A_2 : memref<1x64xi32, #tpu.memory_space<vmem>> -> memref<64xi32, #tpu.memory_space<vmem>>
    %dma_start3A_4 = arith.constant 0 : i32
    %dma_start3A_5 = arith.constant 0 : i32
    %dma_start3A_6 = tpu.memref_slice %arg2[%dma_start3A_4, %dma_start3A_5] : memref<10000x128xf32, #tpu.memory_space<hbm>> -> memref<10000x128xf32, #tpu.memory_space<hbm>>
    tpu.enqueue_indirect_dma source(%dma_start3A_6 : memref<10000x128xf32, #tpu.memory_space<hbm>>) target(%arg12 : memref<64x128xf32, #tpu.memory_space<vmem>>) offsets(%dma_start3A_3 : memref<64xi32, #tpu.memory_space<vmem>>) semaphore(%arg21 : memref<!tpu.dma_semaphore, #tpu.memory_space<semaphore_mem>>)
    %dma_start3A_7 = arith.constant 0 : i32
    %dma_start3A_8 = arith.constant 64 : i32
    %dma_start3A_9 = tpu.memref_slice %arg8[%dma_start3A_7, %dma_start3A_8] : memref<4x128xi32, #tpu.memory_space<vmem>> -> memref<1x64xi32, #tpu.memory_space<vmem>>
    %dma_start3A_10 = tpu.memref_squeeze %dma_start3A_9 : memref<1x64xi32, #tpu.memory_space<vmem>> -> memref<64xi32, #tpu.memory_space<vmem>>
    %dma_start3A_11 = arith.constant 0 : i32
    %dma_start3A_12 = arith.constant 0 : i32
    %dma_start3A_13 = tpu.memref_slice %arg2[%dma_start3A_11, %dma_start3A_12] : memref<10000x128xf32, #tpu.memory_space<hbm>> -> memref<10000x128xf32, #tpu.memory_space<hbm>>
    tpu.enqueue_indirect_dma source(%dma_start3A_13 : memref<10000x128xf32, #tpu.memory_space<hbm>>) target(%arg13 : memref<64x128xf32, #tpu.memory_space<vmem>>) offsets(%dma_start3A_10 : memref<64xi32, #tpu.memory_space<vmem>>) semaphore(%arg22 : memref<!tpu.dma_semaphore, #tpu.memory_space<semaphore_mem>>)
    %dma_start3A_14 = arith.constant 1 : i32
    %dma_start3A_15 = arith.constant 0 : i32
    %dma_start3A_16 = tpu.memref_slice %arg8[%dma_start3A_14, %dma_start3A_15] : memref<4x128xi32, #tpu.memory_space<vmem>> -> memref<1x64xi32, #tpu.memory_space<vmem>>
    %dma_start3A_17 = tpu.memref_squeeze %dma_start3A_16 : memref<1x64xi32, #tpu.memory_space<vmem>> -> memref<64xi32, #tpu.memory_space<vmem>>
    %dma_start3A_18 = arith.constant 0 : i32
    %dma_start3A_19 = arith.constant 0 : i32
    %dma_start3A_20 = tpu.memref_slice %arg2[%dma_start3A_18, %dma_start3A_19] : memref<10000x128xf32, #tpu.memory_space<hbm>> -> memref<10000x128xf32, #tpu.memory_space<hbm>>
    tpu.enqueue_indirect_dma source(%dma_start3A_20 : memref<10000x128xf32, #tpu.memory_space<hbm>>) target(%arg14 : memref<64x128xf32, #tpu.memory_space<vmem>>) offsets(%dma_start3A_17 : memref<64xi32, #tpu.memory_space<vmem>>) semaphore(%arg23 : memref<!tpu.dma_semaphore, #tpu.memory_space<semaphore_mem>>)
    %dma_start3A_21 = arith.constant 1 : i32
    %dma_start3A_22 = arith.constant 64 : i32
    %dma_start3A_23 = tpu.memref_slice %arg8[%dma_start3A_21, %dma_start3A_22] : memref<4x128xi32, #tpu.memory_space<vmem>> -> memref<1x64xi32, #tpu.memory_space<vmem>>
    %dma_start3A_24 = tpu.memref_squeeze %dma_start3A_23 : memref<1x64xi32, #tpu.memory_space<vmem>> -> memref<64xi32, #tpu.memory_space<vmem>>
    %dma_start3A_25 = arith.constant 0 : i32
    %dma_start3A_26 = arith.constant 0 : i32
    %dma_start3A_27 = tpu.memref_slice %arg2[%dma_start3A_25, %dma_start3A_26] : memref<10000x128xf32, #tpu.memory_space<hbm>> -> memref<10000x128xf32, #tpu.memory_space<hbm>>
    tpu.enqueue_indirect_dma source(%dma_start3A_27 : memref<10000x128xf32, #tpu.memory_space<hbm>>) target(%arg15 : memref<64x128xf32, #tpu.memory_space<vmem>>) offsets(%dma_start3A_24 : memref<64xi32, #tpu.memory_space<vmem>>) semaphore(%arg24 : memref<!tpu.dma_semaphore, #tpu.memory_space<semaphore_mem>>)
    %broadcast_in_dim3A = arith.constant 0.000000e+00 : f32
    %broadcast_in_dim3A_28 = vector.broadcast %broadcast_in_dim3A : f32 to vector<16xf32>
    %scan3A = arith.constant 0 : i32
    %scan3A_29 = arith.constant 64 : i32
    %scan3A_30 = arith.addi %scan3A, %scan3A_29 : i32
    %scan3A_31 = arith.constant 1 : i32
    scf.for %scan3A_124 = %scan3A to %scan3A_30 step %scan3A_31  : i32 {
      %mul3A_125 = arith.constant 1 : i32
      %mul3A_126 = arith.muli %scan3A_124, %mul3A_125 : i32
      %add3A_127 = arith.constant 0 : i32
      %add3A_128 = arith.addi %add3A_127, %mul3A_126 : i32
      %swap3A = arith.index_cast %add3A_128 : i32 to index
      %swap3A_129 = arith.constant 0 : index
      %swap3A_130 = tpu.vector_load %arg16[%swap3A, %swap3A_129] {strides = array<i32>} : memref<64x128xf32, #tpu.memory_space<vmem>>, vector<1x16xf32>,
      %swap3A_131 = vector.shape_cast %swap3A_130 : vector<1x16xf32> to vector<16xf32>
      %swap3A_132 = vector.shape_cast %broadcast_in_dim3A_28 : vector<16xf32> to vector<1x16xf32>
      tpu.vector_store %arg16[%swap3A, %swap3A_129], %swap3A_132 {strides = array<i32>} : memref<64x128xf32, #tpu.memory_space<vmem>>, vector<1x16xf32>,
      %swap3A_133 = arith.index_cast %add3A_128 : i32 to index
      %swap3A_134 = arith.constant 16 : index
      %swap3A_135 = tpu.vector_load %arg16[%swap3A_133, %swap3A_134] {strides = array<i32>} : memref<64x128xf32, #tpu.memory_space<vmem>>, vector<1x16xf32>,
      %swap3A_136 = vector.shape_cast %swap3A_135 : vector<1x16xf32> to vector<16xf32>
      %swap3A_137 = vector.shape_cast %broadcast_in_dim3A_28 : vector<16xf32> to vector<1x16xf32>
      tpu.vector_store %arg16[%swap3A_133, %swap3A_134], %swap3A_137 {strides = array<i32>} : memref<64x128xf32, #tpu.memory_space<vmem>>, vector<1x16xf32>,
      %swap3A_138 = arith.index_cast %add3A_128 : i32 to index
      %swap3A_139 = arith.constant 32 : index
      %swap3A_140 = tpu.vector_load %arg16[%swap3A_138, %swap3A_139] {strides = array<i32>} : memref<64x128xf32, #tpu.memory_space<vmem>>, vector<1x16xf32>,
      %swap3A_141 = vector.shape_cast %swap3A_140 : vector<1x16xf32> to vector<16xf32>
      %swap3A_142 = vector.shape_cast %broadcast_in_dim3A_28 : vector<16xf32> to vector<1x16xf32>
      tpu.vector_store %arg16[%swap3A_138, %swap3A_139], %swap3A_142 {strides = array<i32>} : memref<64x128xf32, #tpu.memory_space<vmem>>, vector<1x16xf32>,
      %swap3A_143 = arith.index_cast %add3A_128 : i32 to index
      %swap3A_144 = arith.constant 48 : index
      %swap3A_145 = tpu.vector_load %arg16[%swap3A_143, %swap3A_144] {strides = array<i32>} : memref<64x128xf32, #tpu.memory_space<vmem>>, vector<1x16xf32>,
      %swap3A_146 = vector.shape_cast %swap3A_145 : vector<1x16xf32> to vector<16xf32>
      %swap3A_147 = vector.shape_cast %broadcast_in_dim3A_28 : vector<16xf32> to vector<1x16xf32>
      tpu.vector_store %arg16[%swap3A_143, %swap3A_144], %swap3A_147 {strides = array<i32>} : memref<64x128xf32, #tpu.memory_space<vmem>>, vector<1x16xf32>,
      %swap3A_148 = arith.index_cast %add3A_128 : i32 to index
      %swap3A_149 = arith.constant 64 : index
      %swap3A_150 = tpu.vector_load %arg16[%swap3A_148, %swap3A_149] {strides = array<i32>} : memref<64x128xf32, #tpu.memory_space<vmem>>, vector<1x16xf32>,
      %swap3A_151 = vector.shape_cast %swap3A_150 : vector<1x16xf32> to vector<16xf32>
      %swap3A_152 = vector.shape_cast %broadcast_in_dim3A_28 : vector<16xf32> to vector<1x16xf32>
      tpu.vector_store %arg16[%swap3A_148, %swap3A_149], %swap3A_152 {strides = array<i32>} : memref<64x128xf32, #tpu.memory_space<vmem>>, vector<1x16xf32>,
      %swap3A_153 = arith.index_cast %add3A_128 : i32 to index
      %swap3A_154 = arith.constant 80 : index
      %swap3A_155 = tpu.vector_load %arg16[%swap3A_153, %swap3A_154] {strides = array<i32>} : memref<64x128xf32, #tpu.memory_space<vmem>>, vector<1x16xf32>,
      %swap3A_156 = vector.shape_cast %swap3A_155 : vector<1x16xf32> to vector<16xf32>
      %swap3A_157 = vector.shape_cast %broadcast_in_dim3A_28 : vector<16xf32> to vector<1x16xf32>
      tpu.vector_store %arg16[%swap3A_153, %swap3A_154], %swap3A_157 {strides = array<i32>} : memref<64x128xf32, #tpu.memory_space<vmem>>, vector<1x16xf32>,
      %swap3A_158 = arith.index_cast %add3A_128 : i32 to index
      %swap3A_159 = arith.constant 96 : index
      %swap3A_160 = tpu.vector_load %arg16[%swap3A_158, %swap3A_159] {strides = array<i32>} : memref<64x128xf32, #tpu.memory_space<vmem>>, vector<1x16xf32>,
      %swap3A_161 = vector.shape_cast %swap3A_160 : vector<1x16xf32> to vector<16xf32>
      %swap3A_162 = vector.shape_cast %broadcast_in_dim3A_28 : vector<16xf32> to vector<1x16xf32>
      tpu.vector_store %arg16[%swap3A_158, %swap3A_159], %swap3A_162 {strides = array<i32>} : memref<64x128xf32, #tpu.memory_space<vmem>>, vector<1x16xf32>,
      %swap3A_163 = arith.index_cast %add3A_128 : i32 to index
      %swap3A_164 = arith.constant 112 : index
      %swap3A_165 = tpu.vector_load %arg16[%swap3A_163, %swap3A_164] {strides = array<i32>} : memref<64x128xf32, #tpu.memory_space<vmem>>, vector<1x16xf32>,
      %swap3A_166 = vector.shape_cast %swap3A_165 : vector<1x16xf32> to vector<16xf32>
      %swap3A_167 = vector.shape_cast %broadcast_in_dim3A_28 : vector<16xf32> to vector<1x16xf32>
      tpu.vector_store %arg16[%swap3A_163, %swap3A_164], %swap3A_167 {strides = array<i32>} : memref<64x128xf32, #tpu.memory_space<vmem>>, vector<1x16xf32>,
    }
    %scan3A_32 = arith.constant 64 : i32
    %scan3A_33 = arith.constant 0 : i32
    %scan3A_34 = arith.constant 10 : i32
    %scan3A_35 = arith.addi %scan3A_33, %scan3A_34 : i32
    %scan3A_36 = arith.constant 1 : i32
    scf.for %scan3A_124 = %scan3A_33 to %scan3A_35 step %scan3A_36  : i32 {
      %mul3A_125 = arith.constant 1 : i32
      %mul3A_126 = arith.muli %scan3A_124, %mul3A_125 : i32
      %add3A_127 = arith.constant 0 : i32
      %add3A_128 = arith.addi %add3A_127, %mul3A_126 : i32
      %mul3A_129 = arith.constant 640 : i32
      %mul3A_130 = arith.muli %arg1, %mul3A_129 : i32
      %mul3A_131 = arith.constant 64 : i32
      %mul3A_132 = arith.muli %add3A_128, %mul3A_131 : i32
      %add3A_133 = arith.addi %mul3A_130, %mul3A_132 : i32
      "tpu.region"() ({
        %run_scoped3A = tpu.sem_alloc : memref<!tpu.dma_semaphore, #tpu.memory_space<semaphore_mem>>
        %dma_start3A_134 = arith.constant 0 : i32
        %dma_start3A_135 = tpu.memref_slice %arg18[%add3A_133, %dma_start3A_134] : memref<10240x128xf32, #tpu.memory_space<vmem_shared>> -> memref<64x128xf32, #tpu.memory_space<vmem_shared>>
        %dma_start3A_136 = arith.constant 0 : i32
        %dma_start3A_137 = tpu.memref_slice %arg18[%add3A_133, %dma_start3A_136] : memref<10240x128xf32, #tpu.memory_space<vmem_shared>> -> memref<64x128xf32, #tpu.memory_space<vmem_shared>>
        tpu.enqueue_dma source(%arg16 : memref<64x128xf32, #tpu.memory_space<vmem>>) target(%dma_start3A_137 : memref<64x128xf32, #tpu.memory_space<vmem_shared>>) target_semaphore(%run_scoped3A : memref<!tpu.dma_semaphore, #tpu.memory_space<semaphore_mem>>)
        %dma_wait3A_138 = arith.constant 0 : i32
        %dma_wait3A_139 = tpu.memref_slice %arg18[%add3A_133, %dma_wait3A_138] : memref<10240x128xf32, #tpu.memory_space<vmem_shared>> -> memref<64x128xf32, #tpu.memory_space<vmem_shared>>
        %dma_wait3A_140 = arith.constant 0 : i32
        %dma_wait3A_141 = tpu.memref_slice %arg18[%add3A_133, %dma_wait3A_140] : memref<10240x128xf32, #tpu.memory_space<vmem_shared>> -> memref<64x128xf32, #tpu.memory_space<vmem_shared>>
        tpu.wait_dma2 semaphore(%run_scoped3A : memref<!tpu.dma_semaphore, #tpu.memory_space<semaphore_mem>>) src(%arg16 : memref<64x128xf32, #tpu.memory_space<vmem>>) dst(%dma_wait3A_141 : memref<64x128xf32, #tpu.memory_space<vmem_shared>>)
        tpu.yield
      }) : () -> ()
    }
    %scan3A_37 = arith.constant 10 : i32
    %barrier3A = arith.constant 0 : index
    tpu.barrier barrier_id(%barrier3A)
    %scan3A_38 = arith.constant 0 : i32
    %scan3A_39 = arith.constant 31 : i32
    %scan3A_40 = arith.addi %scan3A_38, %scan3A_39 : i32
    %scan3A_41 = arith.constant 1 : i32
    scf.for %scan3A_124 = %scan3A_38 to %scan3A_40 step %scan3A_41  : i32 {
      %mul3A_125 = arith.constant 1 : i32
      %mul3A_126 = arith.muli %scan3A_124, %mul3A_125 : i32
      %add3A_127 = arith.constant 0 : i32
      %add3A_128 = arith.addi %add3A_127, %mul3A_126 : i32
      %mul3A_129 = arith.constant 5 : i32
      %mul3A_130 = arith.muli %mul3A_129, %add3A_128 : i32
      %add3A_131 = arith.constant 0 : i32
      %add3A_132 = arith.addi %mul3A_130, %add3A_131 : i32
      %jit3A = arith.constant 2 : i32
      %div3A = arith.divsi %add3A_132, %jit3A : i32
      %sign3A = arith.constant 0 : i32
      %sign3A_133 = arith.cmpi sgt, %add3A_132, %sign3A : i32
      %sign3A_134 = arith.extui %sign3A_133 : i1 to i32
      %sign3A_135 = arith.constant 0 : i32
      %sign3A_136 = arith.cmpi slt, %add3A_132, %sign3A_135 : i32
      %sign3A_137 = arith.extui %sign3A_136 : i1 to i32
      %sign3A_138 = arith.subi %sign3A_134, %sign3A_137 : i32
      %sign3A_139 = arith.constant 0 : i32
      %sign3A_140 = arith.cmpi sgt, %jit3A, %sign3A_139 : i32
      %sign3A_141 = arith.extui %sign3A_140 : i1 to i32
      %sign3A_142 = arith.constant 0 : i32
      %sign3A_143 = arith.cmpi slt, %jit3A, %sign3A_142 : i32
      %sign3A_144 = arith.extui %sign3A_143 : i1 to i32
      %sign3A_145 = arith.subi %sign3A_141, %sign3A_144 : i32
      %ne3A = arith.cmpi ne, %sign3A_138, %sign3A_145 : i32
      %rem3A = arith.remsi %add3A_132, %jit3A : i32
      %ne3A_146 = arith.constant 0 : i32
      %ne3A_147 = arith.cmpi ne, %rem3A, %ne3A_146 : i32
      %and3A = arith.andi %ne3A, %ne3A_147 : i1
      %sub3A = arith.constant 1 : i32
      %sub3A_148 = arith.subi %div3A, %sub3A : i32
      %select_n3A = arith.select %and3A, %sub3A_148, %div3A : i32
      %jit3A_149 = arith.constant 2 : i32
      %div3A_150 = arith.divsi %add3A_132, %jit3A_149 : i32
      %sign3A_151 = arith.constant 0 : i32
      %sign3A_152 = arith.cmpi sgt, %add3A_132, %sign3A_151 : i32
      %sign3A_153 = arith.extui %sign3A_152 : i1 to i32
      %sign3A_154 = arith.constant 0 : i32
      %sign3A_155 = arith.cmpi slt, %add3A_132, %sign3A_154 : i32
      %sign3A_156 = arith.extui %sign3A_155 : i1 to i32
      %sign3A_157 = arith.subi %sign3A_153, %sign3A_156 : i32
      %sign3A_158 = arith.constant 0 : i32
      %sign3A_159 = arith.cmpi sgt, %jit3A_149, %sign3A_158 : i32
      %sign3A_160 = arith.extui %sign3A_159 : i1 to i32
      %sign3A_161 = arith.constant 0 : i32
      %sign3A_162 = arith.cmpi slt, %jit3A_149, %sign3A_161 : i32
      %sign3A_163 = arith.extui %sign3A_162 : i1 to i32
      %sign3A_164 = arith.subi %sign3A_160, %sign3A_163 : i32
      %ne3A_165 = arith.cmpi ne, %sign3A_157, %sign3A_164 : i32
      %rem3A_166 = arith.remsi %add3A_132, %jit3A_149 : i32
      %ne3A_167 = arith.constant 0 : i32
      %ne3A_168 = arith.cmpi ne, %rem3A_166, %ne3A_167 : i32
      %and3A_169 = arith.andi %ne3A_165, %ne3A_168 : i1
      %sub3A_170 = arith.constant 1 : i32
      %sub3A_171 = arith.subi %div3A_150, %sub3A_170 : i32
      %select_n3A_172 = arith.select %and3A_169, %sub3A_171, %div3A_150 : i32
      %jit3A_173 = arith.constant 4 : i32
      %eq3A = arith.constant 0 : i32
      %eq3A_174 = arith.cmpi eq, %jit3A_173, %eq3A : i32
      %jit3A_175 = arith.constant 1 : i32
      %select_n3A_176 = arith.select %eq3A_174, %jit3A_175, %jit3A_173 : i32
      %rem3A_177 = arith.remsi %select_n3A_172, %select_n3A_176 : i32
      %ne3A_178 = arith.constant 0 : i32
      %ne3A_179 = arith.cmpi ne, %rem3A_177, %ne3A_178 : i32
      %lt3A = arith.constant 0 : i32
      %lt3A_180 = arith.cmpi slt, %rem3A_177, %lt3A : i32
      %lt3A_181 = arith.constant 0 : i32
      %lt3A_182 = arith.cmpi slt, %select_n3A_176, %lt3A_181 : i32
      %ne3A_183 = arith.xori %lt3A_180, %lt3A_182 : i1
      %and3A_184 = arith.andi %ne3A_183, %ne3A_179 : i1
      %add3A_185 = arith.addi %rem3A_177, %select_n3A_176 : i32
      %select_n3A_186 = arith.select %and3A_184, %add3A_185, %rem3A_177 : i32
      %jit3A_187 = arith.constant 2 : i32
      %eq3A_188 = arith.constant 0 : i32
      %eq3A_189 = arith.cmpi eq, %jit3A_187, %eq3A_188 : i32
      %jit3A_190 = arith.constant 1 : i32
      %select_n3A_191 = arith.select %eq3A_189, %jit3A_190, %jit3A_187 : i32
      %rem3A_192 = arith.remsi %add3A_132, %select_n3A_191 : i32
      %ne3A_193 = arith.constant 0 : i32
      %ne3A_194 = arith.cmpi ne, %rem3A_192, %ne3A_193 : i32
      %lt3A_195 = arith.constant 0 : i32
      %lt3A_196 = arith.cmpi slt, %rem3A_192, %lt3A_195 : i32
      %lt3A_197 = arith.constant 0 : i32
      %lt3A_198 = arith.cmpi slt, %select_n3A_191, %lt3A_197 : i32
      %ne3A_199 = arith.xori %lt3A_196, %lt3A_198 : i1
      %and3A_200 = arith.andi %ne3A_199, %ne3A_194 : i1
      %add3A_201 = arith.addi %rem3A_192, %select_n3A_191 : i32
      %select_n3A_202 = arith.select %and3A_200, %add3A_201, %rem3A_192 : i32
      %mul3A_203 = arith.constant 64 : i32
      %mul3A_204 = arith.muli %select_n3A_202, %mul3A_203 : i32
      %dma_wait3A_205 = tpu.memref_slice %arg8[%select_n3A_186, %mul3A_204] : memref<4x128xi32, #tpu.memory_space<vmem>> -> memref<1x64xi32, #tpu.memory_space<vmem>>
      %dma_wait3A_206 = tpu.memref_squeeze %dma_wait3A_205 : memref<1x64xi32, #tpu.memory_space<vmem>> -> memref<64xi32, #tpu.memory_space<vmem>>
      %dma_wait3A_207 = arith.constant 0 : i32
      %dma_wait3A_208 = arith.constant 0 : i32
      %dma_wait3A_209 = tpu.memref_slice %arg2[%dma_wait3A_207, %dma_wait3A_208] : memref<10000x128xf32, #tpu.memory_space<hbm>> -> memref<10000x128xf32, #tpu.memory_space<hbm>>
      tpu.wait_indirect_dma semaphore(%arg21 : memref<!tpu.dma_semaphore, #tpu.memory_space<semaphore_mem>>) src(%dma_wait3A_209 : memref<10000x128xf32, #tpu.memory_space<hbm>>) dst(%arg12 : memref<64x128xf32, #tpu.memory_space<vmem>>)
      %jit3A_210 = arith.constant 2 : i32
      %div3A_211 = arith.divsi %add3A_132, %jit3A_210 : i32
      %sign3A_212 = arith.constant 0 : i32
      %sign3A_213 = arith.cmpi sgt, %add3A_132, %sign3A_212 : i32
      %sign3A_214 = arith.extui %sign3A_213 : i1 to i32
      %sign3A_215 = arith.constant 0 : i32
      %sign3A_216 = arith.cmpi slt, %add3A_132, %sign3A_215 : i32
      %sign3A_217 = arith.extui %sign3A_216 : i1 to i32
      %sign3A_218 = arith.subi %sign3A_214, %sign3A_217 : i32
      %sign3A_219 = arith.constant 0 : i32
      %sign3A_220 = arith.cmpi sgt, %jit3A_210, %sign3A_219 : i32
      %sign3A_221 = arith.extui %sign3A_220 : i1 to i32
      %sign3A_222 = arith.constant 0 : i32
      %sign3A_223 = arith.cmpi slt, %jit3A_210, %sign3A_222 : i32
      %sign3A_224 = arith.extui %sign3A_223 : i1 to i32
      %sign3A_225 = arith.subi %sign3A_221, %sign3A_224 : i32
      %ne3A_226 = arith.cmpi ne, %sign3A_218, %sign3A_225 : i32
      %rem3A_227 = arith.remsi %add3A_132, %jit3A_210 : i32
      %ne3A_228 = arith.constant 0 : i32
      %ne3A_229 = arith.cmpi ne, %rem3A_227, %ne3A_228 : i32
      %and3A_230 = arith.andi %ne3A_226, %ne3A_229 : i1
      %sub3A_231 = arith.constant 1 : i32
      %sub3A_232 = arith.subi %div3A_211, %sub3A_231 : i32
      %select_n3A_233 = arith.select %and3A_230, %sub3A_232, %div3A_211 : i32
      %jit3A_234 = arith.constant 4 : i32
      %eq3A_235 = arith.constant 0 : i32
      %eq3A_236 = arith.cmpi eq, %jit3A_234, %eq3A_235 : i32
      %jit3A_237 = arith.constant 1 : i32
      %select_n3A_238 = arith.select %eq3A_236, %jit3A_237, %jit3A_234 : i32
      %rem3A_239 = arith.remsi %select_n3A_233, %select_n3A_238 : i32
      %ne3A_240 = arith.constant 0 : i32
      %ne3A_241 = arith.cmpi ne, %rem3A_239, %ne3A_240 : i32
      %lt3A_242 = arith.constant 0 : i32
      %lt3A_243 = arith.cmpi slt, %rem3A_239, %lt3A_242 : i32
      %lt3A_244 = arith.constant 0 : i32
      %lt3A_245 = arith.cmpi slt, %select_n3A_238, %lt3A_244 : i32
      %ne3A_246 = arith.xori %lt3A_243, %lt3A_245 : i1
      %and3A_247 = arith.andi %ne3A_246, %ne3A_241 : i1
      %add3A_248 = arith.addi %rem3A_239, %select_n3A_238 : i32
      %select_n3A_249 = arith.select %and3A_247, %add3A_248, %rem3A_239 : i32
      %jit3A_250 = arith.constant 2 : i32
      %eq3A_251 = arith.constant 0 : i32
      %eq3A_252 = arith.cmpi eq, %jit3A_250, %eq3A_251 : i32
      %jit3A_253 = arith.constant 1 : i32
      %select_n3A_254 = arith.select %eq3A_252, %jit3A_253, %jit3A_250 : i32
      %rem3A_255 = arith.remsi %add3A_132, %select_n3A_254 : i32
      %ne3A_256 = arith.constant 0 : i32
      %ne3A_257 = arith.cmpi ne, %rem3A_255, %ne3A_256 : i32
      %lt3A_258 = arith.constant 0 : i32
      %lt3A_259 = arith.cmpi slt, %rem3A_255, %lt3A_258 : i32
      %lt3A_260 = arith.constant 0 : i32
      %lt3A_261 = arith.cmpi slt, %select_n3A_254, %lt3A_260 : i32
      %ne3A_262 = arith.xori %lt3A_259, %lt3A_261 : i1
      %and3A_263 = arith.andi %ne3A_262, %ne3A_257 : i1
      %add3A_264 = arith.addi %rem3A_255, %select_n3A_254 : i32
      %select_n3A_265 = arith.select %and3A_263, %add3A_264, %rem3A_255 : i32
      %mul3A_266 = arith.constant 64 : i32
      %mul3A_267 = arith.muli %select_n3A_265, %mul3A_266 : i32
      %dma_start3A_268 = tpu.memref_slice %arg9[%select_n3A_249, %mul3A_267] : memref<4x128xi32, #tpu.memory_space<vmem>> -> memref<1x64xi32, #tpu.memory_space<vmem>>
      %dma_start3A_269 = tpu.memref_squeeze %dma_start3A_268 : memref<1x64xi32, #tpu.memory_space<vmem>> -> memref<64xi32, #tpu.memory_space<vmem>>
      %dma_start3A_270 = arith.constant 0 : i32
      %dma_start3A_271 = arith.constant 0 : i32
      %dma_start3A_272 = tpu.memref_slice %arg18[%dma_start3A_270, %dma_start3A_271] : memref<10240x128xf32, #tpu.memory_space<vmem_shared>> -> memref<10240x128xf32, #tpu.memory_space<vmem_shared>>
      tpu.enqueue_indirect_dma source(%arg12 : memref<64x128xf32, #tpu.memory_space<vmem>>) target(%dma_start3A_272 : memref<10240x128xf32, #tpu.memory_space<vmem_shared>>) offsets(%dma_start3A_269 : memref<64xi32, #tpu.memory_space<vmem>>) semaphore(%arg26 : memref<!tpu.dma_semaphore, #tpu.memory_space<semaphore_mem>>) {add = true}
      %ge3A = arith.constant 1 : i32
      %ge3A_273 = arith.cmpi sge, %add3A_132, %ge3A : i32
      %convert_element_type3A = arith.extui %ge3A_273 : i1 to i32
      %cond3A = arith.constant 0 : i32
      %cond3A_274 = arith.cmpi ne, %convert_element_type3A, %cond3A : i32
      scf.if %cond3A_274 {
        %sub3A_1351 = arith.constant 1 : i32
        %sub3A_1352 = arith.subi %add3A_132, %sub3A_1351 : i32
        %jit3A_1353 = arith.constant 2 : i32
        %div3A_1354 = arith.divsi %sub3A_1352, %jit3A_1353 : i32
        %sign3A_1355 = arith.constant 0 : i32
        %sign3A_1356 = arith.cmpi sgt, %sub3A_1352, %sign3A_1355 : i32
        %sign3A_1357 = arith.extui %sign3A_1356 : i1 to i32
        %sign3A_1358 = arith.constant 0 : i32
        %sign3A_1359 = arith.cmpi slt, %sub3A_1352, %sign3A_1358 : i32
        %sign3A_1360 = arith.extui %sign3A_1359 : i1 to i32
        %sign3A_1361 = arith.subi %sign3A_1357, %sign3A_1360 : i32
        %sign3A_1362 = arith.constant 0 : i32
        %sign3A_1363 = arith.cmpi sgt, %jit3A_1353, %sign3A_1362 : i32
        %sign3A_1364 = arith.extui %sign3A_1363 : i1 to i32
        %sign3A_1365 = arith.constant 0 : i32
        %sign3A_1366 = arith.cmpi slt, %jit3A_1353, %sign3A_1365 : i32
        %sign3A_1367 = arith.extui %sign3A_1366 : i1 to i32
        %sign3A_1368 = arith.subi %sign3A_1364, %sign3A_1367 : i32
        %ne3A_1369 = arith.cmpi ne, %sign3A_1361, %sign3A_1368 : i32
        %rem3A_1370 = arith.remsi %sub3A_1352, %jit3A_1353 : i32
        %ne3A_1371 = arith.constant 0 : i32
        %ne3A_1372 = arith.cmpi ne, %rem3A_1370, %ne3A_1371 : i32
        %and3A_1373 = arith.andi %ne3A_1369, %ne3A_1372 : i1
        %sub3A_1374 = arith.constant 1 : i32
        %sub3A_1375 = arith.subi %div3A_1354, %sub3A_1374 : i32
        %select_n3A_1376 = arith.select %and3A_1373, %sub3A_1375, %div3A_1354 : i32
        %jit3A_1377 = arith.constant 4 : i32
        %eq3A_1378 = arith.constant 0 : i32
        %eq3A_1379 = arith.cmpi eq, %jit3A_1377, %eq3A_1378 : i32
        %jit3A_1380 = arith.constant 1 : i32
        %select_n3A_1381 = arith.select %eq3A_1379, %jit3A_1380, %jit3A_1377 : i32
        %rem3A_1382 = arith.remsi %select_n3A_1376, %select_n3A_1381 : i32
        %ne3A_1383 = arith.constant 0 : i32
        %ne3A_1384 = arith.cmpi ne, %rem3A_1382, %ne3A_1383 : i32
        %lt3A_1385 = arith.constant 0 : i32
        %lt3A_1386 = arith.cmpi slt, %rem3A_1382, %lt3A_1385 : i32
        %lt3A_1387 = arith.constant 0 : i32
        %lt3A_1388 = arith.cmpi slt, %select_n3A_1381, %lt3A_1387 : i32
        %ne3A_1389 = arith.xori %lt3A_1386, %lt3A_1388 : i1
        %and3A_1390 = arith.andi %ne3A_1389, %ne3A_1384 : i1
        %add3A_1391 = arith.addi %rem3A_1382, %select_n3A_1381 : i32
        %select_n3A_1392 = arith.select %and3A_1390, %add3A_1391, %rem3A_1382 : i32
        %jit3A_1393 = arith.constant 2 : i32
        %eq3A_1394 = arith.constant 0 : i32
        %eq3A_1395 = arith.cmpi eq, %jit3A_1393, %eq3A_1394 : i32
        %jit3A_1396 = arith.constant 1 : i32
        %select_n3A_1397 = arith.select %eq3A_1395, %jit3A_1396, %jit3A_1393 : i32
        %rem3A_1398 = arith.remsi %sub3A_1352, %select_n3A_1397 : i32
        %ne3A_1399 = arith.constant 0 : i32
        %ne3A_1400 = arith.cmpi ne, %rem3A_1398, %ne3A_1399 : i32
        %lt3A_1401 = arith.constant 0 : i32
        %lt3A_1402 = arith.cmpi slt, %rem3A_1398, %lt3A_1401 : i32
        %lt3A_1403 = arith.constant 0 : i32
        %lt3A_1404 = arith.cmpi slt, %select_n3A_1397, %lt3A_1403 : i32
        %ne3A_1405 = arith.xori %lt3A_1402, %lt3A_1404 : i1
        %and3A_1406 = arith.andi %ne3A_1405, %ne3A_1400 : i1
        %add3A_1407 = arith.addi %rem3A_1398, %select_n3A_1397 : i32
        %select_n3A_1408 = arith.select %and3A_1406, %add3A_1407, %rem3A_1398 : i32
        %mul3A_1409 = arith.constant 64 : i32
        %mul3A_1410 = arith.muli %select_n3A_1408, %mul3A_1409 : i32
        %dma_wait3A_1411 = tpu.memref_slice %arg9[%select_n3A_1392, %mul3A_1410] : memref<4x128xi32, #tpu.memory_space<vmem>> -> memref<1x64xi32, #tpu.memory_space<vmem>>
        %dma_wait3A_1412 = tpu.memref_squeeze %dma_wait3A_1411 : memref<1x64xi32, #tpu.memory_space<vmem>> -> memref<64xi32, #tpu.memory_space<vmem>>
        %dma_wait3A_1413 = arith.constant 0 : i32
        %dma_wait3A_1414 = arith.constant 0 : i32
        %dma_wait3A_1415 = tpu.memref_slice %arg18[%dma_wait3A_1413, %dma_wait3A_1414] : memref<10240x128xf32, #tpu.memory_space<vmem_shared>> -> memref<10240x128xf32, #tpu.memory_space<vmem_shared>>
        tpu.wait_indirect_dma semaphore(%arg30 : memref<!tpu.dma_semaphore, #tpu.memory_space<semaphore_mem>>) src(%arg16 : memref<64x128xf32, #tpu.memory_space<vmem>>) dst(%dma_wait3A_1415 : memref<10240x128xf32, #tpu.memory_space<vmem_shared>>)
      } else {
      }
      %jit3A_275 = arith.constant 2 : i32
      %eq3A_276 = arith.constant 0 : i32
      %eq3A_277 = arith.cmpi eq, %jit3A_275, %eq3A_276 : i32
      %jit3A_278 = arith.constant 1 : i32
      %select_n3A_279 = arith.select %eq3A_277, %jit3A_278, %jit3A_275 : i32
      %rem3A_280 = arith.remsi %add3A_132, %select_n3A_279 : i32
      %ne3A_281 = arith.constant 0 : i32
      %ne3A_282 = arith.cmpi ne, %rem3A_280, %ne3A_281 : i32
      %lt3A_283 = arith.constant 0 : i32
      %lt3A_284 = arith.cmpi slt, %rem3A_280, %lt3A_283 : i32
      %lt3A_285 = arith.constant 0 : i32
      %lt3A_286 = arith.cmpi slt, %select_n3A_279, %lt3A_285 : i32
      %ne3A_287 = arith.xori %lt3A_284, %lt3A_286 : i1
      %and3A_288 = arith.andi %ne3A_287, %ne3A_282 : i1
      %add3A_289 = arith.addi %rem3A_280, %select_n3A_279 : i32
      %select_n3A_290 = arith.select %and3A_288, %add3A_289, %rem3A_280 : i32
      %eq3A_291 = arith.constant 0 : i32
      %eq3A_292 = arith.cmpi eq, %select_n3A_290, %eq3A_291 : i32
      %convert_element_type3A_293 = arith.extui %eq3A_292 : i1 to i32
      %cond3A_294 = arith.constant 0 : i32
      %cond3A_295 = arith.cmpi ne, %convert_element_type3A_293, %cond3A_294 : i32
      scf.if %cond3A_295 {
        %ge3A_1351 = arith.constant 2 : i32
        %ge3A_1352 = arith.cmpi sge, %add3A_132, %ge3A_1351 : i32
        %convert_element_type3A_1353 = arith.extui %ge3A_1352 : i1 to i32
        %cond3A_1354 = arith.constant 0 : i32
        %cond3A_1355 = arith.cmpi ne, %convert_element_type3A_1353, %cond3A_1354 : i32
        scf.if %cond3A_1355 {
          %add3A_1416 = arith.constant 2 : i32
          %add3A_1417 = arith.addi %select_n3A, %add3A_1416 : i32
          %min3A_1418 = arith.constant 77 : i32
          %min3A_1419 = arith.minsi %add3A_1417, %min3A_1418 : i32
          %jit3A_1420 = arith.constant 4 : i32
          %eq3A_1421 = arith.constant 0 : i32
          %eq3A_1422 = arith.cmpi eq, %jit3A_1420, %eq3A_1421 : i32
          %jit3A_1423 = arith.constant 1 : i32
          %select_n3A_1424 = arith.select %eq3A_1422, %jit3A_1423, %jit3A_1420 : i32
          %rem3A_1425 = arith.remsi %add3A_1417, %select_n3A_1424 : i32
          %ne3A_1426 = arith.constant 0 : i32
          %ne3A_1427 = arith.cmpi ne, %rem3A_1425, %ne3A_1426 : i32
          %lt3A_1428 = arith.constant 0 : i32
          %lt3A_1429 = arith.cmpi slt, %rem3A_1425, %lt3A_1428 : i32
          %lt3A_1430 = arith.constant 0 : i32
          %lt3A_1431 = arith.cmpi slt, %select_n3A_1424, %lt3A_1430 : i32
          %ne3A_1432 = arith.xori %lt3A_1429, %lt3A_1431 : i1
          %and3A_1433 = arith.andi %ne3A_1432, %ne3A_1427 : i1
          %add3A_1434 = arith.addi %rem3A_1425, %select_n3A_1424 : i32
          %select_n3A_1435 = arith.select %and3A_1433, %add3A_1434, %rem3A_1425 : i32
          %jit3A_1436 = arith.constant 4 : i32
          %eq3A_1437 = arith.constant 0 : i32
          %eq3A_1438 = arith.cmpi eq, %jit3A_1436, %eq3A_1437 : i32
          %jit3A_1439 = arith.constant 1 : i32
          %select_n3A_1440 = arith.select %eq3A_1438, %jit3A_1439, %jit3A_1436 : i32
          %rem3A_1441 = arith.remsi %add3A_1417, %select_n3A_1440 : i32
          %ne3A_1442 = arith.constant 0 : i32
          %ne3A_1443 = arith.cmpi ne, %rem3A_1441, %ne3A_1442 : i32
          %lt3A_1444 = arith.constant 0 : i32
          %lt3A_1445 = arith.cmpi slt, %rem3A_1441, %lt3A_1444 : i32
          %lt3A_1446 = arith.constant 0 : i32
          %lt3A_1447 = arith.cmpi slt, %select_n3A_1440, %lt3A_1446 : i32
          %ne3A_1448 = arith.xori %lt3A_1445, %lt3A_1447 : i1
          %and3A_1449 = arith.andi %ne3A_1448, %ne3A_1443 : i1
          %add3A_1450 = arith.addi %rem3A_1441, %select_n3A_1440 : i32
          %select_n3A_1451 = arith.select %and3A_1449, %add3A_1450, %rem3A_1441 : i32
          %dma_wait3A_1452 = arith.constant 0 : i32
          %dma_wait3A_1453 = tpu.memref_slice %arg8[%select_n3A_1435, %dma_wait3A_1452] : memref<4x128xi32, #tpu.memory_space<vmem>> -> memref<1x128xi32, #tpu.memory_space<vmem>>
          %dma_wait3A_1454 = tpu.memref_squeeze %dma_wait3A_1453 : memref<1x128xi32, #tpu.memory_space<vmem>> -> memref<128xi32, #tpu.memory_space<vmem>>
          %dma_wait3A_1455 = arith.constant 0 : i32
          %dma_wait3A_1456 = tpu.memref_slice %arg3[%add3A, %min3A_1419, %dma_wait3A_1455] : memref<32x78x128xi32, #tpu.memory_space<hbm>> -> memref<1x1x128xi32, #tpu.memory_space<hbm>>
          %dma_wait3A_1457 = tpu.memref_squeeze %dma_wait3A_1456 : memref<1x1x128xi32, #tpu.memory_space<hbm>> -> memref<128xi32, #tpu.memory_space<hbm>>
          %dma_wait3A_1458 = arith.constant 0 : i32
          %dma_wait3A_1459 = tpu.memref_slice %arg8[%select_n3A_1435, %dma_wait3A_1458] : memref<4x128xi32, #tpu.memory_space<vmem>> -> memref<1x128xi32, #tpu.memory_space<vmem>>
          %dma_wait3A_1460 = tpu.memref_squeeze %dma_wait3A_1459 : memref<1x128xi32, #tpu.memory_space<vmem>> -> memref<128xi32, #tpu.memory_space<vmem>>
          %dma_wait3A_1461 = arith.constant 0 : i32
          %dma_wait3A_1462 = tpu.memref_slice %arg3[%add3A, %min3A_1419, %dma_wait3A_1461] : memref<32x78x128xi32, #tpu.memory_space<hbm>> -> memref<1x1x128xi32, #tpu.memory_space<hbm>>
          %dma_wait3A_1463 = tpu.memref_squeeze %dma_wait3A_1462 : memref<1x1x128xi32, #tpu.memory_space<hbm>> -> memref<128xi32, #tpu.memory_space<hbm>>
          tpu.wait_dma2 semaphore(%arg19 : memref<!tpu.dma_semaphore, #tpu.memory_space<semaphore_mem>>) src(%dma_wait3A_1463 : memref<128xi32, #tpu.memory_space<hbm>>) dst(%dma_wait3A_1460 : memref<128xi32, #tpu.memory_space<vmem>>)
          %dma_wait3A_1464 = arith.constant 0 : i32
          %dma_wait3A_1465 = tpu.memref_slice %arg9[%select_n3A_1451, %dma_wait3A_1464] : memref<4x128xi32, #tpu.memory_space<vmem>> -> memref<1x128xi32, #tpu.memory_space<vmem>>
          %dma_wait3A_1466 = tpu.memref_squeeze %dma_wait3A_1465 : memref<1x128xi32, #tpu.memory_space<vmem>> -> memref<128xi32, #tpu.memory_space<vmem>>
          %dma_wait3A_1467 = arith.constant 0 : i32
          %dma_wait3A_1468 = tpu.memref_slice %arg5[%add3A, %min3A_1419, %dma_wait3A_1467] : memref<32x78x128xi32, #tpu.memory_space<hbm>> -> memref<1x1x128xi32, #tpu.memory_space<hbm>>
          %dma_wait3A_1469 = tpu.memref_squeeze %dma_wait3A_1468 : memref<1x1x128xi32, #tpu.memory_space<hbm>> -> memref<128xi32, #tpu.memory_space<hbm>>
          %dma_wait3A_1470 = arith.constant 0 : i32
          %dma_wait3A_1471 = tpu.memref_slice %arg9[%select_n3A_1451, %dma_wait3A_1470] : memref<4x128xi32, #tpu.memory_space<vmem>> -> memref<1x128xi32, #tpu.memory_space<vmem>>
          %dma_wait3A_1472 = tpu.memref_squeeze %dma_wait3A_1471 : memref<1x128xi32, #tpu.memory_space<vmem>> -> memref<128xi32, #tpu.memory_space<vmem>>
          %dma_wait3A_1473 = arith.constant 0 : i32
          %dma_wait3A_1474 = tpu.memref_slice %arg5[%add3A, %min3A_1419, %dma_wait3A_1473] : memref<32x78x128xi32, #tpu.memory_space<hbm>> -> memref<1x1x128xi32, #tpu.memory_space<hbm>>
          %dma_wait3A_1475 = tpu.memref_squeeze %dma_wait3A_1474 : memref<1x1x128xi32, #tpu.memory_space<hbm>> -> memref<128xi32, #tpu.memory_space<hbm>>
          tpu.wait_dma2 semaphore(%arg20 : memref<!tpu.dma_semaphore, #tpu.memory_space<semaphore_mem>>) src(%dma_wait3A_1475 : memref<128xi32, #tpu.memory_space<hbm>>) dst(%dma_wait3A_1472 : memref<128xi32, #tpu.memory_space<vmem>>)
        } else {
        }
        %add3A_1356 = arith.constant 3 : i32
        %add3A_1357 = arith.addi %select_n3A, %add3A_1356 : i32
        %min3A_1358 = arith.constant 77 : i32
        %min3A_1359 = arith.minsi %add3A_1357, %min3A_1358 : i32
        %jit3A_1360 = arith.constant 4 : i32
        %eq3A_1361 = arith.constant 0 : i32
        %eq3A_1362 = arith.cmpi eq, %jit3A_1360, %eq3A_1361 : i32
        %jit3A_1363 = arith.constant 1 : i32
        %select_n3A_1364 = arith.select %eq3A_1362, %jit3A_1363, %jit3A_1360 : i32
        %rem3A_1365 = arith.remsi %add3A_1357, %select_n3A_1364 : i32
        %ne3A_1366 = arith.constant 0 : i32
        %ne3A_1367 = arith.cmpi ne, %rem3A_1365, %ne3A_1366 : i32
        %lt3A_1368 = arith.constant 0 : i32
        %lt3A_1369 = arith.cmpi slt, %rem3A_1365, %lt3A_1368 : i32
        %lt3A_1370 = arith.constant 0 : i32
        %lt3A_1371 = arith.cmpi slt, %select_n3A_1364, %lt3A_1370 : i32
        %ne3A_1372 = arith.xori %lt3A_1369, %lt3A_1371 : i1
        %and3A_1373 = arith.andi %ne3A_1372, %ne3A_1367 : i1
        %add3A_1374 = arith.addi %rem3A_1365, %select_n3A_1364 : i32
        %select_n3A_1375 = arith.select %and3A_1373, %add3A_1374, %rem3A_1365 : i32
        %jit3A_1376 = arith.constant 4 : i32
        %eq3A_1377 = arith.constant 0 : i32
        %eq3A_1378 = arith.cmpi eq, %jit3A_1376, %eq3A_1377 : i32
        %jit3A_1379 = arith.constant 1 : i32
        %select_n3A_1380 = arith.select %eq3A_1378, %jit3A_1379, %jit3A_1376 : i32
        %rem3A_1381 = arith.remsi %add3A_1357, %select_n3A_1380 : i32
        %ne3A_1382 = arith.constant 0 : i32
        %ne3A_1383 = arith.cmpi ne, %rem3A_1381, %ne3A_1382 : i32
        %lt3A_1384 = arith.constant 0 : i32
        %lt3A_1385 = arith.cmpi slt, %rem3A_1381, %lt3A_1384 : i32
        %lt3A_1386 = arith.constant 0 : i32
        %lt3A_1387 = arith.cmpi slt, %select_n3A_1380, %lt3A_1386 : i32
        %ne3A_1388 = arith.xori %lt3A_1385, %lt3A_1387 : i1
        %and3A_1389 = arith.andi %ne3A_1388, %ne3A_1383 : i1
        %add3A_1390 = arith.addi %rem3A_1381, %select_n3A_1380 : i32
        %select_n3A_1391 = arith.select %and3A_1389, %add3A_1390, %rem3A_1381 : i32
        %dma_start3A_1392 = arith.constant 0 : i32
        %dma_start3A_1393 = tpu.memref_slice %arg8[%select_n3A_1375, %dma_start3A_1392] : memref<4x128xi32, #tpu.memory_space<vmem>> -> memref<1x128xi32, #tpu.memory_space<vmem>>
        %dma_start3A_1394 = tpu.memref_squeeze %dma_start3A_1393 : memref<1x128xi32, #tpu.memory_space<vmem>> -> memref<128xi32, #tpu.memory_space<vmem>>
        %dma_start3A_1395 = arith.constant 0 : i32
        %dma_start3A_1396 = tpu.memref_slice %arg3[%add3A, %min3A_1359, %dma_start3A_1395] : memref<32x78x128xi32, #tpu.memory_space<hbm>> -> memref<1x1x128xi32, #tpu.memory_space<hbm>>
        %dma_start3A_1397 = tpu.memref_squeeze %dma_start3A_1396 : memref<1x1x128xi32, #tpu.memory_space<hbm>> -> memref<128xi32, #tpu.memory_space<hbm>>
        %dma_start3A_1398 = arith.constant 0 : i32
        %dma_start3A_1399 = tpu.memref_slice %arg8[%select_n3A_1375, %dma_start3A_1398] : memref<4x128xi32, #tpu.memory_space<vmem>> -> memref<1x128xi32, #tpu.memory_space<vmem>>
        %dma_start3A_1400 = tpu.memref_squeeze %dma_start3A_1399 : memref<1x128xi32, #tpu.memory_space<vmem>> -> memref<128xi32, #tpu.memory_space<vmem>>
        %dma_start3A_1401 = arith.constant 0 : i32
        %dma_start3A_1402 = tpu.memref_slice %arg3[%add3A, %min3A_1359, %dma_start3A_1401] : memref<32x78x128xi32, #tpu.memory_space<hbm>> -> memref<1x1x128xi32, #tpu.memory_space<hbm>>
        %dma_start3A_1403 = tpu.memref_squeeze %dma_start3A_1402 : memref<1x1x128xi32, #tpu.memory_space<hbm>> -> memref<128xi32, #tpu.memory_space<hbm>>
        tpu.enqueue_dma source(%dma_start3A_1403 : memref<128xi32, #tpu.memory_space<hbm>>) target(%dma_start3A_1400 : memref<128xi32, #tpu.memory_space<vmem>>) target_semaphore(%arg19 : memref<!tpu.dma_semaphore, #tpu.memory_space<semaphore_mem>>)
        %dma_start3A_1404 = arith.constant 0 : i32
        %dma_start3A_1405 = tpu.memref_slice %arg9[%select_n3A_1391, %dma_start3A_1404] : memref<4x128xi32, #tpu.memory_space<vmem>> -> memref<1x128xi32, #tpu.memory_space<vmem>>
        %dma_start3A_1406 = tpu.memref_squeeze %dma_start3A_1405 : memref<1x128xi32, #tpu.memory_space<vmem>> -> memref<128xi32, #tpu.memory_space<vmem>>
        %dma_start3A_1407 = arith.constant 0 : i32
        %dma_start3A_1408 = tpu.memref_slice %arg5[%add3A, %min3A_1359, %dma_start3A_1407] : memref<32x78x128xi32, #tpu.memory_space<hbm>> -> memref<1x1x128xi32, #tpu.memory_space<hbm>>
        %dma_start3A_1409 = tpu.memref_squeeze %dma_start3A_1408 : memref<1x1x128xi32, #tpu.memory_space<hbm>> -> memref<128xi32, #tpu.memory_space<hbm>>
        %dma_start3A_1410 = arith.constant 0 : i32
        %dma_start3A_1411 = tpu.memref_slice %arg9[%select_n3A_1391, %dma_start3A_1410] : memref<4x128xi32, #tpu.memory_space<vmem>> -> memref<1x128xi32, #tpu.memory_space<vmem>>
        %dma_start3A_1412 = tpu.memref_squeeze %dma_start3A_1411 : memref<1x128xi32, #tpu.memory_space<vmem>> -> memref<128xi32, #tpu.memory_space<vmem>>
        %dma_start3A_1413 = arith.constant 0 : i32
        %dma_start3A_1414 = tpu.memref_slice %arg5[%add3A, %min3A_1359, %dma_start3A_1413] : memref<32x78x128xi32, #tpu.memory_space<hbm>> -> memref<1x1x128xi32, #tpu.memory_space<hbm>>
        %dma_start3A_1415 = tpu.memref_squeeze %dma_start3A_1414 : memref<1x1x128xi32, #tpu.memory_space<hbm>> -> memref<128xi32, #tpu.memory_space<hbm>>
        tpu.enqueue_dma source(%dma_start3A_1415 : memref<128xi32, #tpu.memory_space<hbm>>) target(%dma_start3A_1412 : memref<128xi32, #tpu.memory_space<vmem>>) target_semaphore(%arg20 : memref<!tpu.dma_semaphore, #tpu.memory_space<semaphore_mem>>)
      } else {
      }
      %add3A_296 = arith.constant 4 : i32
      %add3A_297 = arith.addi %add3A_132, %add3A_296 : i32
      %min3A_298 = arith.constant 155 : i32
      %min3A_299 = arith.minsi %add3A_297, %min3A_298 : i32
      %jit3A_300 = arith.constant 2 : i32
      %div3A_301 = arith.divsi %min3A_299, %jit3A_300 : i32
      %sign3A_302 = arith.constant 0 : i32
      %sign3A_303 = arith.cmpi sgt, %min3A_299, %sign3A_302 : i32
      %sign3A_304 = arith.extui %sign3A_303 : i1 to i32
      %sign3A_305 = arith.constant 0 : i32
      %sign3A_306 = arith.cmpi slt, %min3A_299, %sign3A_305 : i32
      %sign3A_307 = arith.extui %sign3A_306 : i1 to i32
      %sign3A_308 = arith.subi %sign3A_304, %sign3A_307 : i32
      %sign3A_309 = arith.constant 0 : i32
      %sign3A_310 = arith.cmpi sgt, %jit3A_300, %sign3A_309 : i32
      %sign3A_311 = arith.extui %sign3A_310 : i1 to i32
      %sign3A_312 = arith.constant 0 : i32
      %sign3A_313 = arith.cmpi slt, %jit3A_300, %sign3A_312 : i32
      %sign3A_314 = arith.extui %sign3A_313 : i1 to i32
      %sign3A_315 = arith.subi %sign3A_311, %sign3A_314 : i32
      %ne3A_316 = arith.cmpi ne, %sign3A_308, %sign3A_315 : i32
      %rem3A_317 = arith.remsi %min3A_299, %jit3A_300 : i32
      %ne3A_318 = arith.constant 0 : i32
      %ne3A_319 = arith.cmpi ne, %rem3A_317, %ne3A_318 : i32
      %and3A_320 = arith.andi %ne3A_316, %ne3A_319 : i1
      %sub3A_321 = arith.constant 1 : i32
      %sub3A_322 = arith.subi %div3A_301, %sub3A_321 : i32
      %select_n3A_323 = arith.select %and3A_320, %sub3A_322, %div3A_301 : i32
      %jit3A_324 = arith.constant 4 : i32
      %eq3A_325 = arith.constant 0 : i32
      %eq3A_326 = arith.cmpi eq, %jit3A_324, %eq3A_325 : i32
      %jit3A_327 = arith.constant 1 : i32
      %select_n3A_328 = arith.select %eq3A_326, %jit3A_327, %jit3A_324 : i32
      %rem3A_329 = arith.remsi %select_n3A_323, %select_n3A_328 : i32
      %ne3A_330 = arith.constant 0 : i32
      %ne3A_331 = arith.cmpi ne, %rem3A_329, %ne3A_330 : i32
      %lt3A_332 = arith.constant 0 : i32
      %lt3A_333 = arith.cmpi slt, %rem3A_329, %lt3A_332 : i32
      %lt3A_334 = arith.constant 0 : i32
      %lt3A_335 = arith.cmpi slt, %select_n3A_328, %lt3A_334 : i32
      %ne3A_336 = arith.xori %lt3A_333, %lt3A_335 : i1
      %and3A_337 = arith.andi %ne3A_336, %ne3A_331 : i1
      %add3A_338 = arith.addi %rem3A_329, %select_n3A_328 : i32
      %select_n3A_339 = arith.select %and3A_337, %add3A_338, %rem3A_329 : i32
      %jit3A_340 = arith.constant 2 : i32
      %eq3A_341 = arith.constant 0 : i32
      %eq3A_342 = arith.cmpi eq, %jit3A_340, %eq3A_341 : i32
      %jit3A_343 = arith.constant 1 : i32
      %select_n3A_344 = arith.select %eq3A_342, %jit3A_343, %jit3A_340 : i32
      %rem3A_345 = arith.remsi %min3A_299, %select_n3A_344 : i32
      %ne3A_346 = arith.constant 0 : i32
      %ne3A_347 = arith.cmpi ne, %rem3A_345, %ne3A_346 : i32
      %lt3A_348 = arith.constant 0 : i32
      %lt3A_349 = arith.cmpi slt, %rem3A_345, %lt3A_348 : i32
      %lt3A_350 = arith.constant 0 : i32
      %lt3A_351 = arith.cmpi slt, %select_n3A_344, %lt3A_350 : i32
      %ne3A_352 = arith.xori %lt3A_349, %lt3A_351 : i1
      %and3A_353 = arith.andi %ne3A_352, %ne3A_347 : i1
      %add3A_354 = arith.addi %rem3A_345, %select_n3A_344 : i32
      %select_n3A_355 = arith.select %and3A_353, %add3A_354, %rem3A_345 : i32
      %mul3A_356 = arith.constant 64 : i32
      %mul3A_357 = arith.muli %select_n3A_355, %mul3A_356 : i32
      %dma_start3A_358 = tpu.memref_slice %arg8[%select_n3A_339, %mul3A_357] : memref<4x128xi32, #tpu.memory_space<vmem>> -> memref<1x64xi32, #tpu.memory_space<vmem>>
      %dma_start3A_359 = tpu.memref_squeeze %dma_start3A_358 : memref<1x64xi32, #tpu.memory_space<vmem>> -> memref<64xi32, #tpu.memory_space<vmem>>
      %dma_start3A_360 = arith.constant 0 : i32
      %dma_start3A_361 = arith.constant 0 : i32
      %dma_start3A_362 = tpu.memref_slice %arg2[%dma_start3A_360, %dma_start3A_361] : memref<10000x128xf32, #tpu.memory_space<hbm>> -> memref<10000x128xf32, #tpu.memory_space<hbm>>
      tpu.enqueue_indirect_dma source(%dma_start3A_362 : memref<10000x128xf32, #tpu.memory_space<hbm>>) target(%arg16 : memref<64x128xf32, #tpu.memory_space<vmem>>) offsets(%dma_start3A_359 : memref<64xi32, #tpu.memory_space<vmem>>) semaphore(%arg25 : memref<!tpu.dma_semaphore, #tpu.memory_space<semaphore_mem>>)
      %mul3A_363 = arith.constant 5 : i32
      %mul3A_364 = arith.muli %mul3A_363, %add3A_128 : i32
      %add3A_365 = arith.constant 1 : i32
      %add3A_366 = arith.addi %mul3A_364, %add3A_365 : i32
      %jit3A_367 = arith.constant 2 : i32
      %div3A_368 = arith.divsi %add3A_366, %jit3A_367 : i32
      %sign3A_369 = arith.constant 0 : i32
      %sign3A_370 = arith.cmpi sgt, %add3A_366, %sign3A_369 : i32
      %sign3A_371 = arith.extui %sign3A_370 : i1 to i32
      %sign3A_372 = arith.constant 0 : i32
      %sign3A_373 = arith.cmpi slt, %add3A_366, %sign3A_372 : i32
      %sign3A_374 = arith.extui %sign3A_373 : i1 to i32
      %sign3A_375 = arith.subi %sign3A_371, %sign3A_374 : i32
      %sign3A_376 = arith.constant 0 : i32
      %sign3A_377 = arith.cmpi sgt, %jit3A_367, %sign3A_376 : i32
      %sign3A_378 = arith.extui %sign3A_377 : i1 to i32
      %sign3A_379 = arith.constant 0 : i32
      %sign3A_380 = arith.cmpi slt, %jit3A_367, %sign3A_379 : i32
      %sign3A_381 = arith.extui %sign3A_380 : i1 to i32
      %sign3A_382 = arith.subi %sign3A_378, %sign3A_381 : i32
      %ne3A_383 = arith.cmpi ne, %sign3A_375, %sign3A_382 : i32
      %rem3A_384 = arith.remsi %add3A_366, %jit3A_367 : i32
      %ne3A_385 = arith.constant 0 : i32
      %ne3A_386 = arith.cmpi ne, %rem3A_384, %ne3A_385 : i32
      %and3A_387 = arith.andi %ne3A_383, %ne3A_386 : i1
      %sub3A_388 = arith.constant 1 : i32
      %sub3A_389 = arith.subi %div3A_368, %sub3A_388 : i32
      %select_n3A_390 = arith.select %and3A_387, %sub3A_389, %div3A_368 : i32
      %jit3A_391 = arith.constant 2 : i32
      %div3A_392 = arith.divsi %add3A_366, %jit3A_391 : i32
      %sign3A_393 = arith.constant 0 : i32
      %sign3A_394 = arith.cmpi sgt, %add3A_366, %sign3A_393 : i32
      %sign3A_395 = arith.extui %sign3A_394 : i1 to i32
      %sign3A_396 = arith.constant 0 : i32
      %sign3A_397 = arith.cmpi slt, %add3A_366, %sign3A_396 : i32
      %sign3A_398 = arith.extui %sign3A_397 : i1 to i32
      %sign3A_399 = arith.subi %sign3A_395, %sign3A_398 : i32
      %sign3A_400 = arith.constant 0 : i32
      %sign3A_401 = arith.cmpi sgt, %jit3A_391, %sign3A_400 : i32
      %sign3A_402 = arith.extui %sign3A_401 : i1 to i32
      %sign3A_403 = arith.constant 0 : i32
      %sign3A_404 = arith.cmpi slt, %jit3A_391, %sign3A_403 : i32
      %sign3A_405 = arith.extui %sign3A_404 : i1 to i32
      %sign3A_406 = arith.subi %sign3A_402, %sign3A_405 : i32
      %ne3A_407 = arith.cmpi ne, %sign3A_399, %sign3A_406 : i32
      %rem3A_408 = arith.remsi %add3A_366, %jit3A_391 : i32
      %ne3A_409 = arith.constant 0 : i32
      %ne3A_410 = arith.cmpi ne, %rem3A_408, %ne3A_409 : i32
      %and3A_411 = arith.andi %ne3A_407, %ne3A_410 : i1
      %sub3A_412 = arith.constant 1 : i32
      %sub3A_413 = arith.subi %div3A_392, %sub3A_412 : i32
      %select_n3A_414 = arith.select %and3A_411, %sub3A_413, %div3A_392 : i32
      %jit3A_415 = arith.constant 4 : i32
      %eq3A_416 = arith.constant 0 : i32
      %eq3A_417 = arith.cmpi eq, %jit3A_415, %eq3A_416 : i32
      %jit3A_418 = arith.constant 1 : i32
      %select_n3A_419 = arith.select %eq3A_417, %jit3A_418, %jit3A_415 : i32
      %rem3A_420 = arith.remsi %select_n3A_414, %select_n3A_419 : i32
      %ne3A_421 = arith.constant 0 : i32
      %ne3A_422 = arith.cmpi ne, %rem3A_420, %ne3A_421 : i32
      %lt3A_423 = arith.constant 0 : i32
      %lt3A_424 = arith.cmpi slt, %rem3A_420, %lt3A_423 : i32
      %lt3A_425 = arith.constant 0 : i32
      %lt3A_426 = arith.cmpi slt, %select_n3A_419, %lt3A_425 : i32
      %ne3A_427 = arith.xori %lt3A_424, %lt3A_426 : i1
      %and3A_428 = arith.andi %ne3A_427, %ne3A_422 : i1
      %add3A_429 = arith.addi %rem3A_420, %select_n3A_419 : i32
      %select_n3A_430 = arith.select %and3A_428, %add3A_429, %rem3A_420 : i32
      %jit3A_431 = arith.constant 2 : i32
      %eq3A_432 = arith.constant 0 : i32
      %eq3A_433 = arith.cmpi eq, %jit3A_431, %eq3A_432 : i32
      %jit3A_434 = arith.constant 1 : i32
      %select_n3A_435 = arith.select %eq3A_433, %jit3A_434, %jit3A_431 : i32
      %rem3A_436 = arith.remsi %add3A_366, %select_n3A_435 : i32
      %ne3A_437 = arith.constant 0 : i32
      %ne3A_438 = arith.cmpi ne, %rem3A_436, %ne3A_437 : i32
      %lt3A_439 = arith.constant 0 : i32
      %lt3A_440 = arith.cmpi slt, %rem3A_436, %lt3A_439 : i32
      %lt3A_441 = arith.constant 0 : i32
      %lt3A_442 = arith.cmpi slt, %select_n3A_435, %lt3A_441 : i32
      %ne3A_443 = arith.xori %lt3A_440, %lt3A_442 : i1
      %and3A_444 = arith.andi %ne3A_443, %ne3A_438 : i1
      %add3A_445 = arith.addi %rem3A_436, %select_n3A_435 : i32
      %select_n3A_446 = arith.select %and3A_444, %add3A_445, %rem3A_436 : i32
      %mul3A_447 = arith.constant 64 : i32
      %mul3A_448 = arith.muli %select_n3A_446, %mul3A_447 : i32
      %dma_wait3A_449 = tpu.memref_slice %arg8[%select_n3A_430, %mul3A_448] : memref<4x128xi32, #tpu.memory_space<vmem>> -> memref<1x64xi32, #tpu.memory_space<vmem>>
      %dma_wait3A_450 = tpu.memref_squeeze %dma_wait3A_449 : memref<1x64xi32, #tpu.memory_space<vmem>> -> memref<64xi32, #tpu.memory_space<vmem>>
      %dma_wait3A_451 = arith.constant 0 : i32
      %dma_wait3A_452 = arith.constant 0 : i32
      %dma_wait3A_453 = tpu.memref_slice %arg2[%dma_wait3A_451, %dma_wait3A_452] : memref<10000x128xf32, #tpu.memory_space<hbm>> -> memref<10000x128xf32, #tpu.memory_space<hbm>>
      tpu.wait_indirect_dma semaphore(%arg22 : memref<!tpu.dma_semaphore, #tpu.memory_space<semaphore_mem>>) src(%dma_wait3A_453 : memref<10000x128xf32, #tpu.memory_space<hbm>>) dst(%arg13 : memref<64x128xf32, #tpu.memory_space<vmem>>)
      %jit3A_454 = arith.constant 2 : i32
      %div3A_455 = arith.divsi %add3A_366, %jit3A_454 : i32
      %sign3A_456 = arith.constant 0 : i32
      %sign3A_457 = arith.cmpi sgt, %add3A_366, %sign3A_456 : i32
      %sign3A_458 = arith.extui %sign3A_457 : i1 to i32
      %sign3A_459 = arith.constant 0 : i32
      %sign3A_460 = arith.cmpi slt, %add3A_366, %sign3A_459 : i32
      %sign3A_461 = arith.extui %sign3A_460 : i1 to i32
      %sign3A_462 = arith.subi %sign3A_458, %sign3A_461 : i32
      %sign3A_463 = arith.constant 0 : i32
      %sign3A_464 = arith.cmpi sgt, %jit3A_454, %sign3A_463 : i32
      %sign3A_465 = arith.extui %sign3A_464 : i1 to i32
      %sign3A_466 = arith.constant 0 : i32
      %sign3A_467 = arith.cmpi slt, %jit3A_454, %sign3A_466 : i32
      %sign3A_468 = arith.extui %sign3A_467 : i1 to i32
      %sign3A_469 = arith.subi %sign3A_465, %sign3A_468 : i32
      %ne3A_470 = arith.cmpi ne, %sign3A_462, %sign3A_469 : i32
      %rem3A_471 = arith.remsi %add3A_366, %jit3A_454 : i32
      %ne3A_472 = arith.constant 0 : i32
      %ne3A_473 = arith.cmpi ne, %rem3A_471, %ne3A_472 : i32
      %and3A_474 = arith.andi %ne3A_470, %ne3A_473 : i1
      %sub3A_475 = arith.constant 1 : i32
      %sub3A_476 = arith.subi %div3A_455, %sub3A_475 : i32
      %select_n3A_477 = arith.select %and3A_474, %sub3A_476, %div3A_455 : i32
      %jit3A_478 = arith.constant 4 : i32
      %eq3A_479 = arith.constant 0 : i32
      %eq3A_480 = arith.cmpi eq, %jit3A_478, %eq3A_479 : i32
      %jit3A_481 = arith.constant 1 : i32
      %select_n3A_482 = arith.select %eq3A_480, %jit3A_481, %jit3A_478 : i32
      %rem3A_483 = arith.remsi %select_n3A_477, %select_n3A_482 : i32
      %ne3A_484 = arith.constant 0 : i32
      %ne3A_485 = arith.cmpi ne, %rem3A_483, %ne3A_484 : i32
      %lt3A_486 = arith.constant 0 : i32
      %lt3A_487 = arith.cmpi slt, %rem3A_483, %lt3A_486 : i32
      %lt3A_488 = arith.constant 0 : i32
      %lt3A_489 = arith.cmpi slt, %select_n3A_482, %lt3A_488 : i32
      %ne3A_490 = arith.xori %lt3A_487, %lt3A_489 : i1
      %and3A_491 = arith.andi %ne3A_490, %ne3A_485 : i1
      %add3A_492 = arith.addi %rem3A_483, %select_n3A_482 : i32
      %select_n3A_493 = arith.select %and3A_491, %add3A_492, %rem3A_483 : i32
      %jit3A_494 = arith.constant 2 : i32
      %eq3A_495 = arith.constant 0 : i32
      %eq3A_496 = arith.cmpi eq, %jit3A_494, %eq3A_495 : i32
      %jit3A_497 = arith.constant 1 : i32
      %select_n3A_498 = arith.select %eq3A_496, %jit3A_497, %jit3A_494 : i32
      %rem3A_499 = arith.remsi %add3A_366, %select_n3A_498 : i32
      %ne3A_500 = arith.constant 0 : i32
      %ne3A_501 = arith.cmpi ne, %rem3A_499, %ne3A_500 : i32
      %lt3A_502 = arith.constant 0 : i32
      %lt3A_503 = arith.cmpi slt, %rem3A_499, %lt3A_502 : i32
      %lt3A_504 = arith.constant 0 : i32
      %lt3A_505 = arith.cmpi slt, %select_n3A_498, %lt3A_504 : i32
      %ne3A_506 = arith.xori %lt3A_503, %lt3A_505 : i1
      %and3A_507 = arith.andi %ne3A_506, %ne3A_501 : i1
      %add3A_508 = arith.addi %rem3A_499, %select_n3A_498 : i32
      %select_n3A_509 = arith.select %and3A_507, %add3A_508, %rem3A_499 : i32
      %mul3A_510 = arith.constant 64 : i32
      %mul3A_511 = arith.muli %select_n3A_509, %mul3A_510 : i32
      %dma_start3A_512 = tpu.memref_slice %arg9[%select_n3A_493, %mul3A_511] : memref<4x128xi32, #tpu.memory_space<vmem>> -> memref<1x64xi32, #tpu.memory_space<vmem>>
      %dma_start3A_513 = tpu.memref_squeeze %dma_start3A_512 : memref<1x64xi32, #tpu.memory_space<vmem>> -> memref<64xi32, #tpu.memory_space<vmem>>
      %dma_start3A_514 = arith.constant 0 : i32
      %dma_start3A_515 = arith.constant 0 : i32
      %dma_start3A_516 = tpu.memref_slice %arg18[%dma_start3A_514, %dma_start3A_515] : memref<10240x128xf32, #tpu.memory_space<vmem_shared>> -> memref<10240x128xf32, #tpu.memory_space<vmem_shared>>
      tpu.enqueue_indirect_dma source(%arg13 : memref<64x128xf32, #tpu.memory_space<vmem>>) target(%dma_start3A_516 : memref<10240x128xf32, #tpu.memory_space<vmem_shared>>) offsets(%dma_start3A_513 : memref<64xi32, #tpu.memory_space<vmem>>) semaphore(%arg27 : memref<!tpu.dma_semaphore, #tpu.memory_space<semaphore_mem>>) {add = true}
      %ge3A_517 = arith.constant 1 : i32
      %ge3A_518 = arith.cmpi sge, %add3A_366, %ge3A_517 : i32
      %convert_element_type3A_519 = arith.extui %ge3A_518 : i1 to i32
      %cond3A_520 = arith.constant 0 : i32
      %cond3A_521 = arith.cmpi ne, %convert_element_type3A_519, %cond3A_520 : i32
      scf.if %cond3A_521 {
        %sub3A_1351 = arith.constant 1 : i32
        %sub3A_1352 = arith.subi %add3A_366, %sub3A_1351 : i32
        %jit3A_1353 = arith.constant 2 : i32
        %div3A_1354 = arith.divsi %sub3A_1352, %jit3A_1353 : i32
        %sign3A_1355 = arith.constant 0 : i32
        %sign3A_1356 = arith.cmpi sgt, %sub3A_1352, %sign3A_1355 : i32
        %sign3A_1357 = arith.extui %sign3A_1356 : i1 to i32
        %sign3A_1358 = arith.constant 0 : i32
        %sign3A_1359 = arith.cmpi slt, %sub3A_1352, %sign3A_1358 : i32
        %sign3A_1360 = arith.extui %sign3A_1359 : i1 to i32
        %sign3A_1361 = arith.subi %sign3A_1357, %sign3A_1360 : i32
        %sign3A_1362 = arith.constant 0 : i32
        %sign3A_1363 = arith.cmpi sgt, %jit3A_1353, %sign3A_1362 : i32
        %sign3A_1364 = arith.extui %sign3A_1363 : i1 to i32
        %sign3A_1365 = arith.constant 0 : i32
        %sign3A_1366 = arith.cmpi slt, %jit3A_1353, %sign3A_1365 : i32
        %sign3A_1367 = arith.extui %sign3A_1366 : i1 to i32
        %sign3A_1368 = arith.subi %sign3A_1364, %sign3A_1367 : i32
        %ne3A_1369 = arith.cmpi ne, %sign3A_1361, %sign3A_1368 : i32
        %rem3A_1370 = arith.remsi %sub3A_1352, %jit3A_1353 : i32
        %ne3A_1371 = arith.constant 0 : i32
        %ne3A_1372 = arith.cmpi ne, %rem3A_1370, %ne3A_1371 : i32
        %and3A_1373 = arith.andi %ne3A_1369, %ne3A_1372 : i1
        %sub3A_1374 = arith.constant 1 : i32
        %sub3A_1375 = arith.subi %div3A_1354, %sub3A_1374 : i32
        %select_n3A_1376 = arith.select %and3A_1373, %sub3A_1375, %div3A_1354 : i32
        %jit3A_1377 = arith.constant 4 : i32
        %eq3A_1378 = arith.constant 0 : i32
        %eq3A_1379 = arith.cmpi eq, %jit3A_1377, %eq3A_1378 : i32
        %jit3A_1380 = arith.constant 1 : i32
        %select_n3A_1381 = arith.select %eq3A_1379, %jit3A_1380, %jit3A_1377 : i32
        %rem3A_1382 = arith.remsi %select_n3A_1376, %select_n3A_1381 : i32
        %ne3A_1383 = arith.constant 0 : i32
        %ne3A_1384 = arith.cmpi ne, %rem3A_1382, %ne3A_1383 : i32
        %lt3A_1385 = arith.constant 0 : i32
        %lt3A_1386 = arith.cmpi slt, %rem3A_1382, %lt3A_1385 : i32
        %lt3A_1387 = arith.constant 0 : i32
        %lt3A_1388 = arith.cmpi slt, %select_n3A_1381, %lt3A_1387 : i32
        %ne3A_1389 = arith.xori %lt3A_1386, %lt3A_1388 : i1
        %and3A_1390 = arith.andi %ne3A_1389, %ne3A_1384 : i1
        %add3A_1391 = arith.addi %rem3A_1382, %select_n3A_1381 : i32
        %select_n3A_1392 = arith.select %and3A_1390, %add3A_1391, %rem3A_1382 : i32
        %jit3A_1393 = arith.constant 2 : i32
        %eq3A_1394 = arith.constant 0 : i32
        %eq3A_1395 = arith.cmpi eq, %jit3A_1393, %eq3A_1394 : i32
        %jit3A_1396 = arith.constant 1 : i32
        %select_n3A_1397 = arith.select %eq3A_1395, %jit3A_1396, %jit3A_1393 : i32
        %rem3A_1398 = arith.remsi %sub3A_1352, %select_n3A_1397 : i32
        %ne3A_1399 = arith.constant 0 : i32
        %ne3A_1400 = arith.cmpi ne, %rem3A_1398, %ne3A_1399 : i32
        %lt3A_1401 = arith.constant 0 : i32
        %lt3A_1402 = arith.cmpi slt, %rem3A_1398, %lt3A_1401 : i32
        %lt3A_1403 = arith.constant 0 : i32
        %lt3A_1404 = arith.cmpi slt, %select_n3A_1397, %lt3A_1403 : i32
        %ne3A_1405 = arith.xori %lt3A_1402, %lt3A_1404 : i1
        %and3A_1406 = arith.andi %ne3A_1405, %ne3A_1400 : i1
        %add3A_1407 = arith.addi %rem3A_1398, %select_n3A_1397 : i32
        %select_n3A_1408 = arith.select %and3A_1406, %add3A_1407, %rem3A_1398 : i32
        %mul3A_1409 = arith.constant 64 : i32
        %mul3A_1410 = arith.muli %select_n3A_1408, %mul3A_1409 : i32
        %dma_wait3A_1411 = tpu.memref_slice %arg9[%select_n3A_1392, %mul3A_1410] : memref<4x128xi32, #tpu.memory_space<vmem>> -> memref<1x64xi32, #tpu.memory_space<vmem>>
        %dma_wait3A_1412 = tpu.memref_squeeze %dma_wait3A_1411 : memref<1x64xi32, #tpu.memory_space<vmem>> -> memref<64xi32, #tpu.memory_space<vmem>>
        %dma_wait3A_1413 = arith.constant 0 : i32
        %dma_wait3A_1414 = arith.constant 0 : i32
        %dma_wait3A_1415 = tpu.memref_slice %arg18[%dma_wait3A_1413, %dma_wait3A_1414] : memref<10240x128xf32, #tpu.memory_space<vmem_shared>> -> memref<10240x128xf32, #tpu.memory_space<vmem_shared>>
        tpu.wait_indirect_dma semaphore(%arg26 : memref<!tpu.dma_semaphore, #tpu.memory_space<semaphore_mem>>) src(%arg12 : memref<64x128xf32, #tpu.memory_space<vmem>>) dst(%dma_wait3A_1415 : memref<10240x128xf32, #tpu.memory_space<vmem_shared>>)
      } else {
      }
      %jit3A_522 = arith.constant 2 : i32
      %eq3A_523 = arith.constant 0 : i32
      %eq3A_524 = arith.cmpi eq, %jit3A_522, %eq3A_523 : i32
      %jit3A_525 = arith.constant 1 : i32
      %select_n3A_526 = arith.select %eq3A_524, %jit3A_525, %jit3A_522 : i32
      %rem3A_527 = arith.remsi %add3A_366, %select_n3A_526 : i32
      %ne3A_528 = arith.constant 0 : i32
      %ne3A_529 = arith.cmpi ne, %rem3A_527, %ne3A_528 : i32
      %lt3A_530 = arith.constant 0 : i32
      %lt3A_531 = arith.cmpi slt, %rem3A_527, %lt3A_530 : i32
      %lt3A_532 = arith.constant 0 : i32
      %lt3A_533 = arith.cmpi slt, %select_n3A_526, %lt3A_532 : i32
      %ne3A_534 = arith.xori %lt3A_531, %lt3A_533 : i1
      %and3A_535 = arith.andi %ne3A_534, %ne3A_529 : i1
      %add3A_536 = arith.addi %rem3A_527, %select_n3A_526 : i32
      %select_n3A_537 = arith.select %and3A_535, %add3A_536, %rem3A_527 : i32
      %eq3A_538 = arith.constant 0 : i32
      %eq3A_539 = arith.cmpi eq, %select_n3A_537, %eq3A_538 : i32
      %convert_element_type3A_540 = arith.extui %eq3A_539 : i1 to i32
      %cond3A_541 = arith.constant 0 : i32
      %cond3A_542 = arith.cmpi ne, %convert_element_type3A_540, %cond3A_541 : i32
      scf.if %cond3A_542 {
        %ge3A_1351 = arith.constant 2 : i32
        %ge3A_1352 = arith.cmpi sge, %add3A_366, %ge3A_1351 : i32
        %convert_element_type3A_1353 = arith.extui %ge3A_1352 : i1 to i32
        %cond3A_1354 = arith.constant 0 : i32
        %cond3A_1355 = arith.cmpi ne, %convert_element_type3A_1353, %cond3A_1354 : i32
        scf.if %cond3A_1355 {
          %add3A_1416 = arith.constant 2 : i32
          %add3A_1417 = arith.addi %select_n3A_390, %add3A_1416 : i32
          %min3A_1418 = arith.constant 77 : i32
          %min3A_1419 = arith.minsi %add3A_1417, %min3A_1418 : i32
          %jit3A_1420 = arith.constant 4 : i32
          %eq3A_1421 = arith.constant 0 : i32
          %eq3A_1422 = arith.cmpi eq, %jit3A_1420, %eq3A_1421 : i32
          %jit3A_1423 = arith.constant 1 : i32
          %select_n3A_1424 = arith.select %eq3A_1422, %jit3A_1423, %jit3A_1420 : i32
          %rem3A_1425 = arith.remsi %add3A_1417, %select_n3A_1424 : i32
          %ne3A_1426 = arith.constant 0 : i32
          %ne3A_1427 = arith.cmpi ne, %rem3A_1425, %ne3A_1426 : i32
          %lt3A_1428 = arith.constant 0 : i32
          %lt3A_1429 = arith.cmpi slt, %rem3A_1425, %lt3A_1428 : i32
          %lt3A_1430 = arith.constant 0 : i32
          %lt3A_1431 = arith.cmpi slt, %select_n3A_1424, %lt3A_1430 : i32
          %ne3A_1432 = arith.xori %lt3A_1429, %lt3A_1431 : i1
          %and3A_1433 = arith.andi %ne3A_1432, %ne3A_1427 : i1
          %add3A_1434 = arith.addi %rem3A_1425, %select_n3A_1424 : i32
          %select_n3A_1435 = arith.select %and3A_1433, %add3A_1434, %rem3A_1425 : i32
          %jit3A_1436 = arith.constant 4 : i32
          %eq3A_1437 = arith.constant 0 : i32
          %eq3A_1438 = arith.cmpi eq, %jit3A_1436, %eq3A_1437 : i32
          %jit3A_1439 = arith.constant 1 : i32
          %select_n3A_1440 = arith.select %eq3A_1438, %jit3A_1439, %jit3A_1436 : i32
          %rem3A_1441 = arith.remsi %add3A_1417, %select_n3A_1440 : i32
          %ne3A_1442 = arith.constant 0 : i32
          %ne3A_1443 = arith.cmpi ne, %rem3A_1441, %ne3A_1442 : i32
          %lt3A_1444 = arith.constant 0 : i32
          %lt3A_1445 = arith.cmpi slt, %rem3A_1441, %lt3A_1444 : i32
          %lt3A_1446 = arith.constant 0 : i32
          %lt3A_1447 = arith.cmpi slt, %select_n3A_1440, %lt3A_1446 : i32
          %ne3A_1448 = arith.xori %lt3A_1445, %lt3A_1447 : i1
          %and3A_1449 = arith.andi %ne3A_1448, %ne3A_1443 : i1
          %add3A_1450 = arith.addi %rem3A_1441, %select_n3A_1440 : i32
          %select_n3A_1451 = arith.select %and3A_1449, %add3A_1450, %rem3A_1441 : i32
          %dma_wait3A_1452 = arith.constant 0 : i32
          %dma_wait3A_1453 = tpu.memref_slice %arg8[%select_n3A_1435, %dma_wait3A_1452] : memref<4x128xi32, #tpu.memory_space<vmem>> -> memref<1x128xi32, #tpu.memory_space<vmem>>
          %dma_wait3A_1454 = tpu.memref_squeeze %dma_wait3A_1453 : memref<1x128xi32, #tpu.memory_space<vmem>> -> memref<128xi32, #tpu.memory_space<vmem>>
          %dma_wait3A_1455 = arith.constant 0 : i32
          %dma_wait3A_1456 = tpu.memref_slice %arg3[%add3A, %min3A_1419, %dma_wait3A_1455] : memref<32x78x128xi32, #tpu.memory_space<hbm>> -> memref<1x1x128xi32, #tpu.memory_space<hbm>>
          %dma_wait3A_1457 = tpu.memref_squeeze %dma_wait3A_1456 : memref<1x1x128xi32, #tpu.memory_space<hbm>> -> memref<128xi32, #tpu.memory_space<hbm>>
          %dma_wait3A_1458 = arith.constant 0 : i32
          %dma_wait3A_1459 = tpu.memref_slice %arg8[%select_n3A_1435, %dma_wait3A_1458] : memref<4x128xi32, #tpu.memory_space<vmem>> -> memref<1x128xi32, #tpu.memory_space<vmem>>
          %dma_wait3A_1460 = tpu.memref_squeeze %dma_wait3A_1459 : memref<1x128xi32, #tpu.memory_space<vmem>> -> memref<128xi32, #tpu.memory_space<vmem>>
          %dma_wait3A_1461 = arith.constant 0 : i32
          %dma_wait3A_1462 = tpu.memref_slice %arg3[%add3A, %min3A_1419, %dma_wait3A_1461] : memref<32x78x128xi32, #tpu.memory_space<hbm>> -> memref<1x1x128xi32, #tpu.memory_space<hbm>>
          %dma_wait3A_1463 = tpu.memref_squeeze %dma_wait3A_1462 : memref<1x1x128xi32, #tpu.memory_space<hbm>> -> memref<128xi32, #tpu.memory_space<hbm>>
          tpu.wait_dma2 semaphore(%arg19 : memref<!tpu.dma_semaphore, #tpu.memory_space<semaphore_mem>>) src(%dma_wait3A_1463 : memref<128xi32, #tpu.memory_space<hbm>>) dst(%dma_wait3A_1460 : memref<128xi32, #tpu.memory_space<vmem>>)
          %dma_wait3A_1464 = arith.constant 0 : i32
          %dma_wait3A_1465 = tpu.memref_slice %arg9[%select_n3A_1451, %dma_wait3A_1464] : memref<4x128xi32, #tpu.memory_space<vmem>> -> memref<1x128xi32, #tpu.memory_space<vmem>>
          %dma_wait3A_1466 = tpu.memref_squeeze %dma_wait3A_1465 : memref<1x128xi32, #tpu.memory_space<vmem>> -> memref<128xi32, #tpu.memory_space<vmem>>
          %dma_wait3A_1467 = arith.constant 0 : i32
          %dma_wait3A_1468 = tpu.memref_slice %arg5[%add3A, %min3A_1419, %dma_wait3A_1467] : memref<32x78x128xi32, #tpu.memory_space<hbm>> -> memref<1x1x128xi32, #tpu.memory_space<hbm>>
          %dma_wait3A_1469 = tpu.memref_squeeze %dma_wait3A_1468 : memref<1x1x128xi32, #tpu.memory_space<hbm>> -> memref<128xi32, #tpu.memory_space<hbm>>
          %dma_wait3A_1470 = arith.constant 0 : i32
          %dma_wait3A_1471 = tpu.memref_slice %arg9[%select_n3A_1451, %dma_wait3A_1470] : memref<4x128xi32, #tpu.memory_space<vmem>> -> memref<1x128xi32, #tpu.memory_space<vmem>>
          %dma_wait3A_1472 = tpu.memref_squeeze %dma_wait3A_1471 : memref<1x128xi32, #tpu.memory_space<vmem>> -> memref<128xi32, #tpu.memory_space<vmem>>
          %dma_wait3A_1473 = arith.constant 0 : i32
          %dma_wait3A_1474 = tpu.memref_slice %arg5[%add3A, %min3A_1419, %dma_wait3A_1473] : memref<32x78x128xi32, #tpu.memory_space<hbm>> -> memref<1x1x128xi32, #tpu.memory_space<hbm>>
          %dma_wait3A_1475 = tpu.memref_squeeze %dma_wait3A_1474 : memref<1x1x128xi32, #tpu.memory_space<hbm>> -> memref<128xi32, #tpu.memory_space<hbm>>
          tpu.wait_dma2 semaphore(%arg20 : memref<!tpu.dma_semaphore, #tpu.memory_space<semaphore_mem>>) src(%dma_wait3A_1475 : memref<128xi32, #tpu.memory_space<hbm>>) dst(%dma_wait3A_1472 : memref<128xi32, #tpu.memory_space<vmem>>)
        } else {
        }
        %add3A_1356 = arith.constant 3 : i32
        %add3A_1357 = arith.addi %select_n3A_390, %add3A_1356 : i32
        %min3A_1358 = arith.constant 77 : i32
        %min3A_1359 = arith.minsi %add3A_1357, %min3A_1358 : i32
        %jit3A_1360 = arith.constant 4 : i32
        %eq3A_1361 = arith.constant 0 : i32
        %eq3A_1362 = arith.cmpi eq, %jit3A_1360, %eq3A_1361 : i32
        %jit3A_1363 = arith.constant 1 : i32
        %select_n3A_1364 = arith.select %eq3A_1362, %jit3A_1363, %jit3A_1360 : i32
        %rem3A_1365 = arith.remsi %add3A_1357, %select_n3A_1364 : i32
        %ne3A_1366 = arith.constant 0 : i32
        %ne3A_1367 = arith.cmpi ne, %rem3A_1365, %ne3A_1366 : i32
        %lt3A_1368 = arith.constant 0 : i32
        %lt3A_1369 = arith.cmpi slt, %rem3A_1365, %lt3A_1368 : i32
        %lt3A_1370 = arith.constant 0 : i32
        %lt3A_1371 = arith.cmpi slt, %select_n3A_1364, %lt3A_1370 : i32
        %ne3A_1372 = arith.xori %lt3A_1369, %lt3A_1371 : i1
        %and3A_1373 = arith.andi %ne3A_1372, %ne3A_1367 : i1
        %add3A_1374 = arith.addi %rem3A_1365, %select_n3A_1364 : i32
        %select_n3A_1375 = arith.select %and3A_1373, %add3A_1374, %rem3A_1365 : i32
        %jit3A_1376 = arith.constant 4 : i32
        %eq3A_1377 = arith.constant 0 : i32
        %eq3A_1378 = arith.cmpi eq, %jit3A_1376, %eq3A_1377 : i32
        %jit3A_1379 = arith.constant 1 : i32
        %select_n3A_1380 = arith.select %eq3A_1378, %jit3A_1379, %jit3A_1376 : i32
        %rem3A_1381 = arith.remsi %add3A_1357, %select_n3A_1380 : i32
        %ne3A_1382 = arith.constant 0 : i32
        %ne3A_1383 = arith.cmpi ne, %rem3A_1381, %ne3A_1382 : i32
        %lt3A_1384 = arith.constant 0 : i32
        %lt3A_1385 = arith.cmpi slt, %rem3A_1381, %lt3A_1384 : i32
        %lt3A_1386 = arith.constant 0 : i32
        %lt3A_1387 = arith.cmpi slt, %select_n3A_1380, %lt3A_1386 : i32
        %ne3A_1388 = arith.xori %lt3A_1385, %lt3A_1387 : i1
        %and3A_1389 = arith.andi %ne3A_1388, %ne3A_1383 : i1
        %add3A_1390 = arith.addi %rem3A_1381, %select_n3A_1380 : i32
        %select_n3A_1391 = arith.select %and3A_1389, %add3A_1390, %rem3A_1381 : i32
        %dma_start3A_1392 = arith.constant 0 : i32
        %dma_start3A_1393 = tpu.memref_slice %arg8[%select_n3A_1375, %dma_start3A_1392] : memref<4x128xi32, #tpu.memory_space<vmem>> -> memref<1x128xi32, #tpu.memory_space<vmem>>
        %dma_start3A_1394 = tpu.memref_squeeze %dma_start3A_1393 : memref<1x128xi32, #tpu.memory_space<vmem>> -> memref<128xi32, #tpu.memory_space<vmem>>
        %dma_start3A_1395 = arith.constant 0 : i32
        %dma_start3A_1396 = tpu.memref_slice %arg3[%add3A, %min3A_1359, %dma_start3A_1395] : memref<32x78x128xi32, #tpu.memory_space<hbm>> -> memref<1x1x128xi32, #tpu.memory_space<hbm>>
        %dma_start3A_1397 = tpu.memref_squeeze %dma_start3A_1396 : memref<1x1x128xi32, #tpu.memory_space<hbm>> -> memref<128xi32, #tpu.memory_space<hbm>>
        %dma_start3A_1398 = arith.constant 0 : i32
        %dma_start3A_1399 = tpu.memref_slice %arg8[%select_n3A_1375, %dma_start3A_1398] : memref<4x128xi32, #tpu.memory_space<vmem>> -> memref<1x128xi32, #tpu.memory_space<vmem>>
        %dma_start3A_1400 = tpu.memref_squeeze %dma_start3A_1399 : memref<1x128xi32, #tpu.memory_space<vmem>> -> memref<128xi32, #tpu.memory_space<vmem>>
        %dma_start3A_1401 = arith.constant 0 : i32
        %dma_start3A_1402 = tpu.memref_slice %arg3[%add3A, %min3A_1359, %dma_start3A_1401] : memref<32x78x128xi32, #tpu.memory_space<hbm>> -> memref<1x1x128xi32, #tpu.memory_space<hbm>>
        %dma_start3A_1403 = tpu.memref_squeeze %dma_start3A_1402 : memref<1x1x128xi32, #tpu.memory_space<hbm>> -> memref<128xi32, #tpu.memory_space<hbm>>
        tpu.enqueue_dma source(%dma_start3A_1403 : memref<128xi32, #tpu.memory_space<hbm>>) target(%dma_start3A_1400 : memref<128xi32, #tpu.memory_space<vmem>>) target_semaphore(%arg19 : memref<!tpu.dma_semaphore, #tpu.memory_space<semaphore_mem>>)
        %dma_start3A_1404 = arith.constant 0 : i32
        %dma_start3A_1405 = tpu.memref_slice %arg9[%select_n3A_1391, %dma_start3A_1404] : memref<4x128xi32, #tpu.memory_space<vmem>> -> memref<1x128xi32, #tpu.memory_space<vmem>>
        %dma_start3A_1406 = tpu.memref_squeeze %dma_start3A_1405 : memref<1x128xi32, #tpu.memory_space<vmem>> -> memref<128xi32, #tpu.memory_space<vmem>>
        %dma_start3A_1407 = arith.constant 0 : i32
        %dma_start3A_1408 = tpu.memref_slice %arg5[%add3A, %min3A_1359, %dma_start3A_1407] : memref<32x78x128xi32, #tpu.memory_space<hbm>> -> memref<1x1x128xi32, #tpu.memory_space<hbm>>
        %dma_start3A_1409 = tpu.memref_squeeze %dma_start3A_1408 : memref<1x1x128xi32, #tpu.memory_space<hbm>> -> memref<128xi32, #tpu.memory_space<hbm>>
        %dma_start3A_1410 = arith.constant 0 : i32
        %dma_start3A_1411 = tpu.memref_slice %arg9[%select_n3A_1391, %dma_start3A_1410] : memref<4x128xi32, #tpu.memory_space<vmem>> -> memref<1x128xi32, #tpu.memory_space<vmem>>
        %dma_start3A_1412 = tpu.memref_squeeze %dma_start3A_1411 : memref<1x128xi32, #tpu.memory_space<vmem>> -> memref<128xi32, #tpu.memory_space<vmem>>
        %dma_start3A_1413 = arith.constant 0 : i32
        %dma_start3A_1414 = tpu.memref_slice %arg5[%add3A, %min3A_1359, %dma_start3A_1413] : memref<32x78x128xi32, #tpu.memory_space<hbm>> -> memref<1x1x128xi32, #tpu.memory_space<hbm>>
        %dma_start3A_1415 = tpu.memref_squeeze %dma_start3A_1414 : memref<1x1x128xi32, #tpu.memory_space<hbm>> -> memref<128xi32, #tpu.memory_space<hbm>>
        tpu.enqueue_dma source(%dma_start3A_1415 : memref<128xi32, #tpu.memory_space<hbm>>) target(%dma_start3A_1412 : memref<128xi32, #tpu.memory_space<vmem>>) target_semaphore(%arg20 : memref<!tpu.dma_semaphore, #tpu.memory_space<semaphore_mem>>)
      } else {
      }
      %add3A_543 = arith.constant 4 : i32
      %add3A_544 = arith.addi %add3A_366, %add3A_543 : i32
      %min3A_545 = arith.constant 155 : i32
      %min3A_546 = arith.minsi %add3A_544, %min3A_545 : i32
      %jit3A_547 = arith.constant 2 : i32
      %div3A_548 = arith.divsi %min3A_546, %jit3A_547 : i32
      %sign3A_549 = arith.constant 0 : i32
      %sign3A_550 = arith.cmpi sgt, %min3A_546, %sign3A_549 : i32
      %sign3A_551 = arith.extui %sign3A_550 : i1 to i32
      %sign3A_552 = arith.constant 0 : i32
      %sign3A_553 = arith.cmpi slt, %min3A_546, %sign3A_552 : i32
      %sign3A_554 = arith.extui %sign3A_553 : i1 to i32
      %sign3A_555 = arith.subi %sign3A_551, %sign3A_554 : i32
      %sign3A_556 = arith.constant 0 : i32
      %sign3A_557 = arith.cmpi sgt, %jit3A_547, %sign3A_556 : i32
      %sign3A_558 = arith.extui %sign3A_557 : i1 to i32
      %sign3A_559 = arith.constant 0 : i32
      %sign3A_560 = arith.cmpi slt, %jit3A_547, %sign3A_559 : i32
      %sign3A_561 = arith.extui %sign3A_560 : i1 to i32
      %sign3A_562 = arith.subi %sign3A_558, %sign3A_561 : i32
      %ne3A_563 = arith.cmpi ne, %sign3A_555, %sign3A_562 : i32
      %rem3A_564 = arith.remsi %min3A_546, %jit3A_547 : i32
      %ne3A_565 = arith.constant 0 : i32
      %ne3A_566 = arith.cmpi ne, %rem3A_564, %ne3A_565 : i32
      %and3A_567 = arith.andi %ne3A_563, %ne3A_566 : i1
      %sub3A_568 = arith.constant 1 : i32
      %sub3A_569 = arith.subi %div3A_548, %sub3A_568 : i32
      %select_n3A_570 = arith.select %and3A_567, %sub3A_569, %div3A_548 : i32
      %jit3A_571 = arith.constant 4 : i32
      %eq3A_572 = arith.constant 0 : i32
      %eq3A_573 = arith.cmpi eq, %jit3A_571, %eq3A_572 : i32
      %jit3A_574 = arith.constant 1 : i32
      %select_n3A_575 = arith.select %eq3A_573, %jit3A_574, %jit3A_571 : i32
      %rem3A_576 = arith.remsi %select_n3A_570, %select_n3A_575 : i32
      %ne3A_577 = arith.constant 0 : i32
      %ne3A_578 = arith.cmpi ne, %rem3A_576, %ne3A_577 : i32
      %lt3A_579 = arith.constant 0 : i32
      %lt3A_580 = arith.cmpi slt, %rem3A_576, %lt3A_579 : i32
      %lt3A_581 = arith.constant 0 : i32
      %lt3A_582 = arith.cmpi slt, %select_n3A_575, %lt3A_581 : i32
      %ne3A_583 = arith.xori %lt3A_580, %lt3A_582 : i1
      %and3A_584 = arith.andi %ne3A_583, %ne3A_578 : i1
      %add3A_585 = arith.addi %rem3A_576, %select_n3A_575 : i32
      %select_n3A_586 = arith.select %and3A_584, %add3A_585, %rem3A_576 : i32
      %jit3A_587 = arith.constant 2 : i32
      %eq3A_588 = arith.constant 0 : i32
      %eq3A_589 = arith.cmpi eq, %jit3A_587, %eq3A_588 : i32
      %jit3A_590 = arith.constant 1 : i32
      %select_n3A_591 = arith.select %eq3A_589, %jit3A_590, %jit3A_587 : i32
      %rem3A_592 = arith.remsi %min3A_546, %select_n3A_591 : i32
      %ne3A_593 = arith.constant 0 : i32
      %ne3A_594 = arith.cmpi ne, %rem3A_592, %ne3A_593 : i32
      %lt3A_595 = arith.constant 0 : i32
      %lt3A_596 = arith.cmpi slt, %rem3A_592, %lt3A_595 : i32
      %lt3A_597 = arith.constant 0 : i32
      %lt3A_598 = arith.cmpi slt, %select_n3A_591, %lt3A_597 : i32
      %ne3A_599 = arith.xori %lt3A_596, %lt3A_598 : i1
      %and3A_600 = arith.andi %ne3A_599, %ne3A_594 : i1
      %add3A_601 = arith.addi %rem3A_592, %select_n3A_591 : i32
      %select_n3A_602 = arith.select %and3A_600, %add3A_601, %rem3A_592 : i32
      %mul3A_603 = arith.constant 64 : i32
      %mul3A_604 = arith.muli %select_n3A_602, %mul3A_603 : i32
      %dma_start3A_605 = tpu.memref_slice %arg8[%select_n3A_586, %mul3A_604] : memref<4x128xi32, #tpu.memory_space<vmem>> -> memref<1x64xi32, #tpu.memory_space<vmem>>
      %dma_start3A_606 = tpu.memref_squeeze %dma_start3A_605 : memref<1x64xi32, #tpu.memory_space<vmem>> -> memref<64xi32, #tpu.memory_space<vmem>>
      %dma_start3A_607 = arith.constant 0 : i32
      %dma_start3A_608 = arith.constant 0 : i32
      %dma_start3A_609 = tpu.memref_slice %arg2[%dma_start3A_607, %dma_start3A_608] : memref<10000x128xf32, #tpu.memory_space<hbm>> -> memref<10000x128xf32, #tpu.memory_space<hbm>>
      tpu.enqueue_indirect_dma source(%dma_start3A_609 : memref<10000x128xf32, #tpu.memory_space<hbm>>) target(%arg12 : memref<64x128xf32, #tpu.memory_space<vmem>>) offsets(%dma_start3A_606 : memref<64xi32, #tpu.memory_space<vmem>>) semaphore(%arg21 : memref<!tpu.dma_semaphore, #tpu.memory_space<semaphore_mem>>)
      %mul3A_610 = arith.constant 5 : i32
      %mul3A_611 = arith.muli %mul3A_610, %add3A_128 : i32
      %add3A_612 = arith.constant 2 : i32
      %add3A_613 = arith.addi %mul3A_611, %add3A_612 : i32
      %jit3A_614 = arith.constant 2 : i32
      %div3A_615 = arith.divsi %add3A_613, %jit3A_614 : i32
      %sign3A_616 = arith.constant 0 : i32
      %sign3A_617 = arith.cmpi sgt, %add3A_613, %sign3A_616 : i32
      %sign3A_618 = arith.extui %sign3A_617 : i1 to i32
      %sign3A_619 = arith.constant 0 : i32
      %sign3A_620 = arith.cmpi slt, %add3A_613, %sign3A_619 : i32
      %sign3A_621 = arith.extui %sign3A_620 : i1 to i32
      %sign3A_622 = arith.subi %sign3A_618, %sign3A_621 : i32
      %sign3A_623 = arith.constant 0 : i32
      %sign3A_624 = arith.cmpi sgt, %jit3A_614, %sign3A_623 : i32
      %sign3A_625 = arith.extui %sign3A_624 : i1 to i32
      %sign3A_626 = arith.constant 0 : i32
      %sign3A_627 = arith.cmpi slt, %jit3A_614, %sign3A_626 : i32
      %sign3A_628 = arith.extui %sign3A_627 : i1 to i32
      %sign3A_629 = arith.subi %sign3A_625, %sign3A_628 : i32
      %ne3A_630 = arith.cmpi ne, %sign3A_622, %sign3A_629 : i32
      %rem3A_631 = arith.remsi %add3A_613, %jit3A_614 : i32
      %ne3A_632 = arith.constant 0 : i32
      %ne3A_633 = arith.cmpi ne, %rem3A_631, %ne3A_632 : i32
      %and3A_634 = arith.andi %ne3A_630, %ne3A_633 : i1
      %sub3A_635 = arith.constant 1 : i32
      %sub3A_636 = arith.subi %div3A_615, %sub3A_635 : i32
      %select_n3A_637 = arith.select %and3A_634, %sub3A_636, %div3A_615 : i32
      %jit3A_638 = arith.constant 2 : i32
      %div3A_639 = arith.divsi %add3A_613, %jit3A_638 : i32
      %sign3A_640 = arith.constant 0 : i32
      %sign3A_641 = arith.cmpi sgt, %add3A_613, %sign3A_640 : i32
      %sign3A_642 = arith.extui %sign3A_641 : i1 to i32
      %sign3A_643 = arith.constant 0 : i32
      %sign3A_644 = arith.cmpi slt, %add3A_613, %sign3A_643 : i32
      %sign3A_645 = arith.extui %sign3A_644 : i1 to i32
      %sign3A_646 = arith.subi %sign3A_642, %sign3A_645 : i32
      %sign3A_647 = arith.constant 0 : i32
      %sign3A_648 = arith.cmpi sgt, %jit3A_638, %sign3A_647 : i32
      %sign3A_649 = arith.extui %sign3A_648 : i1 to i32
      %sign3A_650 = arith.constant 0 : i32
      %sign3A_651 = arith.cmpi slt, %jit3A_638, %sign3A_650 : i32
      %sign3A_652 = arith.extui %sign3A_651 : i1 to i32
      %sign3A_653 = arith.subi %sign3A_649, %sign3A_652 : i32
      %ne3A_654 = arith.cmpi ne, %sign3A_646, %sign3A_653 : i32
      %rem3A_655 = arith.remsi %add3A_613, %jit3A_638 : i32
      %ne3A_656 = arith.constant 0 : i32
      %ne3A_657 = arith.cmpi ne, %rem3A_655, %ne3A_656 : i32
      %and3A_658 = arith.andi %ne3A_654, %ne3A_657 : i1
      %sub3A_659 = arith.constant 1 : i32
      %sub3A_660 = arith.subi %div3A_639, %sub3A_659 : i32
      %select_n3A_661 = arith.select %and3A_658, %sub3A_660, %div3A_639 : i32
      %jit3A_662 = arith.constant 4 : i32
      %eq3A_663 = arith.constant 0 : i32
      %eq3A_664 = arith.cmpi eq, %jit3A_662, %eq3A_663 : i32
      %jit3A_665 = arith.constant 1 : i32
      %select_n3A_666 = arith.select %eq3A_664, %jit3A_665, %jit3A_662 : i32
      %rem3A_667 = arith.remsi %select_n3A_661, %select_n3A_666 : i32
      %ne3A_668 = arith.constant 0 : i32
      %ne3A_669 = arith.cmpi ne, %rem3A_667, %ne3A_668 : i32
      %lt3A_670 = arith.constant 0 : i32
      %lt3A_671 = arith.cmpi slt, %rem3A_667, %lt3A_670 : i32
      %lt3A_672 = arith.constant 0 : i32
      %lt3A_673 = arith.cmpi slt, %select_n3A_666, %lt3A_672 : i32
      %ne3A_674 = arith.xori %lt3A_671, %lt3A_673 : i1
      %and3A_675 = arith.andi %ne3A_674, %ne3A_669 : i1
      %add3A_676 = arith.addi %rem3A_667, %select_n3A_666 : i32
      %select_n3A_677 = arith.select %and3A_675, %add3A_676, %rem3A_667 : i32
      %jit3A_678 = arith.constant 2 : i32
      %eq3A_679 = arith.constant 0 : i32
      %eq3A_680 = arith.cmpi eq, %jit3A_678, %eq3A_679 : i32
      %jit3A_681 = arith.constant 1 : i32
      %select_n3A_682 = arith.select %eq3A_680, %jit3A_681, %jit3A_678 : i32
      %rem3A_683 = arith.remsi %add3A_613, %select_n3A_682 : i32
      %ne3A_684 = arith.constant 0 : i32
      %ne3A_685 = arith.cmpi ne, %rem3A_683, %ne3A_684 : i32
      %lt3A_686 = arith.constant 0 : i32
      %lt3A_687 = arith.cmpi slt, %rem3A_683, %lt3A_686 : i32
      %lt3A_688 = arith.constant 0 : i32
      %lt3A_689 = arith.cmpi slt, %select_n3A_682, %lt3A_688 : i32
      %ne3A_690 = arith.xori %lt3A_687, %lt3A_689 : i1
      %and3A_691 = arith.andi %ne3A_690, %ne3A_685 : i1
      %add3A_692 = arith.addi %rem3A_683, %select_n3A_682 : i32
      %select_n3A_693 = arith.select %and3A_691, %add3A_692, %rem3A_683 : i32
      %mul3A_694 = arith.constant 64 : i32
      %mul3A_695 = arith.muli %select_n3A_693, %mul3A_694 : i32
      %dma_wait3A_696 = tpu.memref_slice %arg8[%select_n3A_677, %mul3A_695] : memref<4x128xi32, #tpu.memory_space<vmem>> -> memref<1x64xi32, #tpu.memory_space<vmem>>
      %dma_wait3A_697 = tpu.memref_squeeze %dma_wait3A_696 : memref<1x64xi32, #tpu.memory_space<vmem>> -> memref<64xi32, #tpu.memory_space<vmem>>
      %dma_wait3A_698 = arith.constant 0 : i32
      %dma_wait3A_699 = arith.constant 0 : i32
      %dma_wait3A_700 = tpu.memref_slice %arg2[%dma_wait3A_698, %dma_wait3A_699] : memref<10000x128xf32, #tpu.memory_space<hbm>> -> memref<10000x128xf32, #tpu.memory_space<hbm>>
      tpu.wait_indirect_dma semaphore(%arg23 : memref<!tpu.dma_semaphore, #tpu.memory_space<semaphore_mem>>) src(%dma_wait3A_700 : memref<10000x128xf32, #tpu.memory_space<hbm>>) dst(%arg14 : memref<64x128xf32, #tpu.memory_space<vmem>>)
      %jit3A_701 = arith.constant 2 : i32
      %div3A_702 = arith.divsi %add3A_613, %jit3A_701 : i32
      %sign3A_703 = arith.constant 0 : i32
      %sign3A_704 = arith.cmpi sgt, %add3A_613, %sign3A_703 : i32
      %sign3A_705 = arith.extui %sign3A_704 : i1 to i32
      %sign3A_706 = arith.constant 0 : i32
      %sign3A_707 = arith.cmpi slt, %add3A_613, %sign3A_706 : i32
      %sign3A_708 = arith.extui %sign3A_707 : i1 to i32
      %sign3A_709 = arith.subi %sign3A_705, %sign3A_708 : i32
      %sign3A_710 = arith.constant 0 : i32
      %sign3A_711 = arith.cmpi sgt, %jit3A_701, %sign3A_710 : i32
      %sign3A_712 = arith.extui %sign3A_711 : i1 to i32
      %sign3A_713 = arith.constant 0 : i32
      %sign3A_714 = arith.cmpi slt, %jit3A_701, %sign3A_713 : i32
      %sign3A_715 = arith.extui %sign3A_714 : i1 to i32
      %sign3A_716 = arith.subi %sign3A_712, %sign3A_715 : i32
      %ne3A_717 = arith.cmpi ne, %sign3A_709, %sign3A_716 : i32
      %rem3A_718 = arith.remsi %add3A_613, %jit3A_701 : i32
      %ne3A_719 = arith.constant 0 : i32
      %ne3A_720 = arith.cmpi ne, %rem3A_718, %ne3A_719 : i32
      %and3A_721 = arith.andi %ne3A_717, %ne3A_720 : i1
      %sub3A_722 = arith.constant 1 : i32
      %sub3A_723 = arith.subi %div3A_702, %sub3A_722 : i32
      %select_n3A_724 = arith.select %and3A_721, %sub3A_723, %div3A_702 : i32
      %jit3A_725 = arith.constant 4 : i32
      %eq3A_726 = arith.constant 0 : i32
      %eq3A_727 = arith.cmpi eq, %jit3A_725, %eq3A_726 : i32
      %jit3A_728 = arith.constant 1 : i32
      %select_n3A_729 = arith.select %eq3A_727, %jit3A_728, %jit3A_725 : i32
      %rem3A_730 = arith.remsi %select_n3A_724, %select_n3A_729 : i32
      %ne3A_731 = arith.constant 0 : i32
      %ne3A_732 = arith.cmpi ne, %rem3A_730, %ne3A_731 : i32
      %lt3A_733 = arith.constant 0 : i32
      %lt3A_734 = arith.cmpi slt, %rem3A_730, %lt3A_733 : i32
      %lt3A_735 = arith.constant 0 : i32
      %lt3A_736 = arith.cmpi slt, %select_n3A_729, %lt3A_735 : i32
      %ne3A_737 = arith.xori %lt3A_734, %lt3A_736 : i1
      %and3A_738 = arith.andi %ne3A_737, %ne3A_732 : i1
      %add3A_739 = arith.addi %rem3A_730, %select_n3A_729 : i32
      %select_n3A_740 = arith.select %and3A_738, %add3A_739, %rem3A_730 : i32
      %jit3A_741 = arith.constant 2 : i32
      %eq3A_742 = arith.constant 0 : i32
      %eq3A_743 = arith.cmpi eq, %jit3A_741, %eq3A_742 : i32
      %jit3A_744 = arith.constant 1 : i32
      %select_n3A_745 = arith.select %eq3A_743, %jit3A_744, %jit3A_741 : i32
      %rem3A_746 = arith.remsi %add3A_613, %select_n3A_745 : i32
      %ne3A_747 = arith.constant 0 : i32
      %ne3A_748 = arith.cmpi ne, %rem3A_746, %ne3A_747 : i32
      %lt3A_749 = arith.constant 0 : i32
      %lt3A_750 = arith.cmpi slt, %rem3A_746, %lt3A_749 : i32
      %lt3A_751 = arith.constant 0 : i32
      %lt3A_752 = arith.cmpi slt, %select_n3A_745, %lt3A_751 : i32
      %ne3A_753 = arith.xori %lt3A_750, %lt3A_752 : i1
      %and3A_754 = arith.andi %ne3A_753, %ne3A_748 : i1
      %add3A_755 = arith.addi %rem3A_746, %select_n3A_745 : i32
      %select_n3A_756 = arith.select %and3A_754, %add3A_755, %rem3A_746 : i32
      %mul3A_757 = arith.constant 64 : i32
      %mul3A_758 = arith.muli %select_n3A_756, %mul3A_757 : i32
      %dma_start3A_759 = tpu.memref_slice %arg9[%select_n3A_740, %mul3A_758] : memref<4x128xi32, #tpu.memory_space<vmem>> -> memref<1x64xi32, #tpu.memory_space<vmem>>
      %dma_start3A_760 = tpu.memref_squeeze %dma_start3A_759 : memref<1x64xi32, #tpu.memory_space<vmem>> -> memref<64xi32, #tpu.memory_space<vmem>>
      %dma_start3A_761 = arith.constant 0 : i32
      %dma_start3A_762 = arith.constant 0 : i32
      %dma_start3A_763 = tpu.memref_slice %arg18[%dma_start3A_761, %dma_start3A_762] : memref<10240x128xf32, #tpu.memory_space<vmem_shared>> -> memref<10240x128xf32, #tpu.memory_space<vmem_shared>>
      tpu.enqueue_indirect_dma source(%arg14 : memref<64x128xf32, #tpu.memory_space<vmem>>) target(%dma_start3A_763 : memref<10240x128xf32, #tpu.memory_space<vmem_shared>>) offsets(%dma_start3A_760 : memref<64xi32, #tpu.memory_space<vmem>>) semaphore(%arg28 : memref<!tpu.dma_semaphore, #tpu.memory_space<semaphore_mem>>) {add = true}
      %ge3A_764 = arith.constant 1 : i32
      %ge3A_765 = arith.cmpi sge, %add3A_613, %ge3A_764 : i32
      %convert_element_type3A_766 = arith.extui %ge3A_765 : i1 to i32
      %cond3A_767 = arith.constant 0 : i32
      %cond3A_768 = arith.cmpi ne, %convert_element_type3A_766, %cond3A_767 : i32
      scf.if %cond3A_768 {
        %sub3A_1351 = arith.constant 1 : i32
        %sub3A_1352 = arith.subi %add3A_613, %sub3A_1351 : i32
        %jit3A_1353 = arith.constant 2 : i32
        %div3A_1354 = arith.divsi %sub3A_1352, %jit3A_1353 : i32
        %sign3A_1355 = arith.constant 0 : i32
        %sign3A_1356 = arith.cmpi sgt, %sub3A_1352, %sign3A_1355 : i32
        %sign3A_1357 = arith.extui %sign3A_1356 : i1 to i32
        %sign3A_1358 = arith.constant 0 : i32
        %sign3A_1359 = arith.cmpi slt, %sub3A_1352, %sign3A_1358 : i32
        %sign3A_1360 = arith.extui %sign3A_1359 : i1 to i32
        %sign3A_1361 = arith.subi %sign3A_1357, %sign3A_1360 : i32
        %sign3A_1362 = arith.constant 0 : i32
        %sign3A_1363 = arith.cmpi sgt, %jit3A_1353, %sign3A_1362 : i32
        %sign3A_1364 = arith.extui %sign3A_1363 : i1 to i32
        %sign3A_1365 = arith.constant 0 : i32
        %sign3A_1366 = arith.cmpi slt, %jit3A_1353, %sign3A_1365 : i32
        %sign3A_1367 = arith.extui %sign3A_1366 : i1 to i32
        %sign3A_1368 = arith.subi %sign3A_1364, %sign3A_1367 : i32
        %ne3A_1369 = arith.cmpi ne, %sign3A_1361, %sign3A_1368 : i32
        %rem3A_1370 = arith.remsi %sub3A_1352, %jit3A_1353 : i32
        %ne3A_1371 = arith.constant 0 : i32
        %ne3A_1372 = arith.cmpi ne, %rem3A_1370, %ne3A_1371 : i32
        %and3A_1373 = arith.andi %ne3A_1369, %ne3A_1372 : i1
        %sub3A_1374 = arith.constant 1 : i32
        %sub3A_1375 = arith.subi %div3A_1354, %sub3A_1374 : i32
        %select_n3A_1376 = arith.select %and3A_1373, %sub3A_1375, %div3A_1354 : i32
        %jit3A_1377 = arith.constant 4 : i32
        %eq3A_1378 = arith.constant 0 : i32
        %eq3A_1379 = arith.cmpi eq, %jit3A_1377, %eq3A_1378 : i32
        %jit3A_1380 = arith.constant 1 : i32
        %select_n3A_1381 = arith.select %eq3A_1379, %jit3A_1380, %jit3A_1377 : i32
        %rem3A_1382 = arith.remsi %select_n3A_1376, %select_n3A_1381 : i32
        %ne3A_1383 = arith.constant 0 : i32
        %ne3A_1384 = arith.cmpi ne, %rem3A_1382, %ne3A_1383 : i32
        %lt3A_1385 = arith.constant 0 : i32
        %lt3A_1386 = arith.cmpi slt, %rem3A_1382, %lt3A_1385 : i32
        %lt3A_1387 = arith.constant 0 : i32
        %lt3A_1388 = arith.cmpi slt, %select_n3A_1381, %lt3A_1387 : i32
        %ne3A_1389 = arith.xori %lt3A_1386, %lt3A_1388 : i1
        %and3A_1390 = arith.andi %ne3A_1389, %ne3A_1384 : i1
        %add3A_1391 = arith.addi %rem3A_1382, %select_n3A_1381 : i32
        %select_n3A_1392 = arith.select %and3A_1390, %add3A_1391, %rem3A_1382 : i32
        %jit3A_1393 = arith.constant 2 : i32
        %eq3A_1394 = arith.constant 0 : i32
        %eq3A_1395 = arith.cmpi eq, %jit3A_1393, %eq3A_1394 : i32
        %jit3A_1396 = arith.constant 1 : i32
        %select_n3A_1397 = arith.select %eq3A_1395, %jit3A_1396, %jit3A_1393 : i32
        %rem3A_1398 = arith.remsi %sub3A_1352, %select_n3A_1397 : i32
        %ne3A_1399 = arith.constant 0 : i32
        %ne3A_1400 = arith.cmpi ne, %rem3A_1398, %ne3A_1399 : i32
        %lt3A_1401 = arith.constant 0 : i32
        %lt3A_1402 = arith.cmpi slt, %rem3A_1398, %lt3A_1401 : i32
        %lt3A_1403 = arith.constant 0 : i32
        %lt3A_1404 = arith.cmpi slt, %select_n3A_1397, %lt3A_1403 : i32
        %ne3A_1405 = arith.xori %lt3A_1402, %lt3A_1404 : i1
        %and3A_1406 = arith.andi %ne3A_1405, %ne3A_1400 : i1
        %add3A_1407 = arith.addi %rem3A_1398, %select_n3A_1397 : i32
        %select_n3A_1408 = arith.select %and3A_1406, %add3A_1407, %rem3A_1398 : i32
        %mul3A_1409 = arith.constant 64 : i32
        %mul3A_1410 = arith.muli %select_n3A_1408, %mul3A_1409 : i32
        %dma_wait3A_1411 = tpu.memref_slice %arg9[%select_n3A_1392, %mul3A_1410] : memref<4x128xi32, #tpu.memory_space<vmem>> -> memref<1x64xi32, #tpu.memory_space<vmem>>
        %dma_wait3A_1412 = tpu.memref_squeeze %dma_wait3A_1411 : memref<1x64xi32, #tpu.memory_space<vmem>> -> memref<64xi32, #tpu.memory_space<vmem>>
        %dma_wait3A_1413 = arith.constant 0 : i32
        %dma_wait3A_1414 = arith.constant 0 : i32
        %dma_wait3A_1415 = tpu.memref_slice %arg18[%dma_wait3A_1413, %dma_wait3A_1414] : memref<10240x128xf32, #tpu.memory_space<vmem_shared>> -> memref<10240x128xf32, #tpu.memory_space<vmem_shared>>
        tpu.wait_indirect_dma semaphore(%arg27 : memref<!tpu.dma_semaphore, #tpu.memory_space<semaphore_mem>>) src(%arg13 : memref<64x128xf32, #tpu.memory_space<vmem>>) dst(%dma_wait3A_1415 : memref<10240x128xf32, #tpu.memory_space<vmem_shared>>)
      } else {
      }
      %jit3A_769 = arith.constant 2 : i32
      %eq3A_770 = arith.constant 0 : i32
      %eq3A_771 = arith.cmpi eq, %jit3A_769, %eq3A_770 : i32
      %jit3A_772 = arith.constant 1 : i32
      %select_n3A_773 = arith.select %eq3A_771, %jit3A_772, %jit3A_769 : i32
      %rem3A_774 = arith.remsi %add3A_613, %select_n3A_773 : i32
      %ne3A_775 = arith.constant 0 : i32
      %ne3A_776 = arith.cmpi ne, %rem3A_774, %ne3A_775 : i32
      %lt3A_777 = arith.constant 0 : i32
      %lt3A_778 = arith.cmpi slt, %rem3A_774, %lt3A_777 : i32
      %lt3A_779 = arith.constant 0 : i32
      %lt3A_780 = arith.cmpi slt, %select_n3A_773, %lt3A_779 : i32
      %ne3A_781 = arith.xori %lt3A_778, %lt3A_780 : i1
      %and3A_782 = arith.andi %ne3A_781, %ne3A_776 : i1
      %add3A_783 = arith.addi %rem3A_774, %select_n3A_773 : i32
      %select_n3A_784 = arith.select %and3A_782, %add3A_783, %rem3A_774 : i32
      %eq3A_785 = arith.constant 0 : i32
      %eq3A_786 = arith.cmpi eq, %select_n3A_784, %eq3A_785 : i32
      %convert_element_type3A_787 = arith.extui %eq3A_786 : i1 to i32
      %cond3A_788 = arith.constant 0 : i32
      %cond3A_789 = arith.cmpi ne, %convert_element_type3A_787, %cond3A_788 : i32
      scf.if %cond3A_789 {
        %ge3A_1351 = arith.constant 2 : i32
        %ge3A_1352 = arith.cmpi sge, %add3A_613, %ge3A_1351 : i32
        %convert_element_type3A_1353 = arith.extui %ge3A_1352 : i1 to i32
        %cond3A_1354 = arith.constant 0 : i32
        %cond3A_1355 = arith.cmpi ne, %convert_element_type3A_1353, %cond3A_1354 : i32
        scf.if %cond3A_1355 {
          %add3A_1416 = arith.constant 2 : i32
          %add3A_1417 = arith.addi %select_n3A_637, %add3A_1416 : i32
          %min3A_1418 = arith.constant 77 : i32
          %min3A_1419 = arith.minsi %add3A_1417, %min3A_1418 : i32
          %jit3A_1420 = arith.constant 4 : i32
          %eq3A_1421 = arith.constant 0 : i32
          %eq3A_1422 = arith.cmpi eq, %jit3A_1420, %eq3A_1421 : i32
          %jit3A_1423 = arith.constant 1 : i32
          %select_n3A_1424 = arith.select %eq3A_1422, %jit3A_1423, %jit3A_1420 : i32
          %rem3A_1425 = arith.remsi %add3A_1417, %select_n3A_1424 : i32
          %ne3A_1426 = arith.constant 0 : i32
          %ne3A_1427 = arith.cmpi ne, %rem3A_1425, %ne3A_1426 : i32
          %lt3A_1428 = arith.constant 0 : i32
          %lt3A_1429 = arith.cmpi slt, %rem3A_1425, %lt3A_1428 : i32
          %lt3A_1430 = arith.constant 0 : i32
          %lt3A_1431 = arith.cmpi slt, %select_n3A_1424, %lt3A_1430 : i32
          %ne3A_1432 = arith.xori %lt3A_1429, %lt3A_1431 : i1
          %and3A_1433 = arith.andi %ne3A_1432, %ne3A_1427 : i1
          %add3A_1434 = arith.addi %rem3A_1425, %select_n3A_1424 : i32
          %select_n3A_1435 = arith.select %and3A_1433, %add3A_1434, %rem3A_1425 : i32
          %jit3A_1436 = arith.constant 4 : i32
          %eq3A_1437 = arith.constant 0 : i32
          %eq3A_1438 = arith.cmpi eq, %jit3A_1436, %eq3A_1437 : i32
          %jit3A_1439 = arith.constant 1 : i32
          %select_n3A_1440 = arith.select %eq3A_1438, %jit3A_1439, %jit3A_1436 : i32
          %rem3A_1441 = arith.remsi %add3A_1417, %select_n3A_1440 : i32
          %ne3A_1442 = arith.constant 0 : i32
          %ne3A_1443 = arith.cmpi ne, %rem3A_1441, %ne3A_1442 : i32
          %lt3A_1444 = arith.constant 0 : i32
          %lt3A_1445 = arith.cmpi slt, %rem3A_1441, %lt3A_1444 : i32
          %lt3A_1446 = arith.constant 0 : i32
          %lt3A_1447 = arith.cmpi slt, %select_n3A_1440, %lt3A_1446 : i32
          %ne3A_1448 = arith.xori %lt3A_1445, %lt3A_1447 : i1
          %and3A_1449 = arith.andi %ne3A_1448, %ne3A_1443 : i1
          %add3A_1450 = arith.addi %rem3A_1441, %select_n3A_1440 : i32
          %select_n3A_1451 = arith.select %and3A_1449, %add3A_1450, %rem3A_1441 : i32
          %dma_wait3A_1452 = arith.constant 0 : i32
          %dma_wait3A_1453 = tpu.memref_slice %arg8[%select_n3A_1435, %dma_wait3A_1452] : memref<4x128xi32, #tpu.memory_space<vmem>> -> memref<1x128xi32, #tpu.memory_space<vmem>>
          %dma_wait3A_1454 = tpu.memref_squeeze %dma_wait3A_1453 : memref<1x128xi32, #tpu.memory_space<vmem>> -> memref<128xi32, #tpu.memory_space<vmem>>
          %dma_wait3A_1455 = arith.constant 0 : i32
          %dma_wait3A_1456 = tpu.memref_slice %arg3[%add3A, %min3A_1419, %dma_wait3A_1455] : memref<32x78x128xi32, #tpu.memory_space<hbm>> -> memref<1x1x128xi32, #tpu.memory_space<hbm>>
          %dma_wait3A_1457 = tpu.memref_squeeze %dma_wait3A_1456 : memref<1x1x128xi32, #tpu.memory_space<hbm>> -> memref<128xi32, #tpu.memory_space<hbm>>
          %dma_wait3A_1458 = arith.constant 0 : i32
          %dma_wait3A_1459 = tpu.memref_slice %arg8[%select_n3A_1435, %dma_wait3A_1458] : memref<4x128xi32, #tpu.memory_space<vmem>> -> memref<1x128xi32, #tpu.memory_space<vmem>>
          %dma_wait3A_1460 = tpu.memref_squeeze %dma_wait3A_1459 : memref<1x128xi32, #tpu.memory_space<vmem>> -> memref<128xi32, #tpu.memory_space<vmem>>
          %dma_wait3A_1461 = arith.constant 0 : i32
          %dma_wait3A_1462 = tpu.memref_slice %arg3[%add3A, %min3A_1419, %dma_wait3A_1461] : memref<32x78x128xi32, #tpu.memory_space<hbm>> -> memref<1x1x128xi32, #tpu.memory_space<hbm>>
          %dma_wait3A_1463 = tpu.memref_squeeze %dma_wait3A_1462 : memref<1x1x128xi32, #tpu.memory_space<hbm>> -> memref<128xi32, #tpu.memory_space<hbm>>
          tpu.wait_dma2 semaphore(%arg19 : memref<!tpu.dma_semaphore, #tpu.memory_space<semaphore_mem>>) src(%dma_wait3A_1463 : memref<128xi32, #tpu.memory_space<hbm>>) dst(%dma_wait3A_1460 : memref<128xi32, #tpu.memory_space<vmem>>)
          %dma_wait3A_1464 = arith.constant 0 : i32
          %dma_wait3A_1465 = tpu.memref_slice %arg9[%select_n3A_1451, %dma_wait3A_1464] : memref<4x128xi32, #tpu.memory_space<vmem>> -> memref<1x128xi32, #tpu.memory_space<vmem>>
          %dma_wait3A_1466 = tpu.memref_squeeze %dma_wait3A_1465 : memref<1x128xi32, #tpu.memory_space<vmem>> -> memref<128xi32, #tpu.memory_space<vmem>>
          %dma_wait3A_1467 = arith.constant 0 : i32
          %dma_wait3A_1468 = tpu.memref_slice %arg5[%add3A, %min3A_1419, %dma_wait3A_1467] : memref<32x78x128xi32, #tpu.memory_space<hbm>> -> memref<1x1x128xi32, #tpu.memory_space<hbm>>
          %dma_wait3A_1469 = tpu.memref_squeeze %dma_wait3A_1468 : memref<1x1x128xi32, #tpu.memory_space<hbm>> -> memref<128xi32, #tpu.memory_space<hbm>>
          %dma_wait3A_1470 = arith.constant 0 : i32
          %dma_wait3A_1471 = tpu.memref_slice %arg9[%select_n3A_1451, %dma_wait3A_1470] : memref<4x128xi32, #tpu.memory_space<vmem>> -> memref<1x128xi32, #tpu.memory_space<vmem>>
          %dma_wait3A_1472 = tpu.memref_squeeze %dma_wait3A_1471 : memref<1x128xi32, #tpu.memory_space<vmem>> -> memref<128xi32, #tpu.memory_space<vmem>>
          %dma_wait3A_1473 = arith.constant 0 : i32
          %dma_wait3A_1474 = tpu.memref_slice %arg5[%add3A, %min3A_1419, %dma_wait3A_1473] : memref<32x78x128xi32, #tpu.memory_space<hbm>> -> memref<1x1x128xi32, #tpu.memory_space<hbm>>
          %dma_wait3A_1475 = tpu.memref_squeeze %dma_wait3A_1474 : memref<1x1x128xi32, #tpu.memory_space<hbm>> -> memref<128xi32, #tpu.memory_space<hbm>>
          tpu.wait_dma2 semaphore(%arg20 : memref<!tpu.dma_semaphore, #tpu.memory_space<semaphore_mem>>) src(%dma_wait3A_1475 : memref<128xi32, #tpu.memory_space<hbm>>) dst(%dma_wait3A_1472 : memref<128xi32, #tpu.memory_space<vmem>>)
        } else {
        }
        %add3A_1356 = arith.constant 3 : i32
        %add3A_1357 = arith.addi %select_n3A_637, %add3A_1356 : i32
        %min3A_1358 = arith.constant 77 : i32
        %min3A_1359 = arith.minsi %add3A_1357, %min3A_1358 : i32
        %jit3A_1360 = arith.constant 4 : i32
        %eq3A_1361 = arith.constant 0 : i32
        %eq3A_1362 = arith.cmpi eq, %jit3A_1360, %eq3A_1361 : i32
        %jit3A_1363 = arith.constant 1 : i32
        %select_n3A_1364 = arith.select %eq3A_1362, %jit3A_1363, %jit3A_1360 : i32
        %rem3A_1365 = arith.remsi %add3A_1357, %select_n3A_1364 : i32
        %ne3A_1366 = arith.constant 0 : i32
        %ne3A_1367 = arith.cmpi ne, %rem3A_1365, %ne3A_1366 : i32
        %lt3A_1368 = arith.constant 0 : i32
        %lt3A_1369 = arith.cmpi slt, %rem3A_1365, %lt3A_1368 : i32
        %lt3A_1370 = arith.constant 0 : i32
        %lt3A_1371 = arith.cmpi slt, %select_n3A_1364, %lt3A_1370 : i32
        %ne3A_1372 = arith.xori %lt3A_1369, %lt3A_1371 : i1
        %and3A_1373 = arith.andi %ne3A_1372, %ne3A_1367 : i1
        %add3A_1374 = arith.addi %rem3A_1365, %select_n3A_1364 : i32
        %select_n3A_1375 = arith.select %and3A_1373, %add3A_1374, %rem3A_1365 : i32
        %jit3A_1376 = arith.constant 4 : i32
        %eq3A_1377 = arith.constant 0 : i32
        %eq3A_1378 = arith.cmpi eq, %jit3A_1376, %eq3A_1377 : i32
        %jit3A_1379 = arith.constant 1 : i32
        %select_n3A_1380 = arith.select %eq3A_1378, %jit3A_1379, %jit3A_1376 : i32
        %rem3A_1381 = arith.remsi %add3A_1357, %select_n3A_1380 : i32
        %ne3A_1382 = arith.constant 0 : i32
        %ne3A_1383 = arith.cmpi ne, %rem3A_1381, %ne3A_1382 : i32
        %lt3A_1384 = arith.constant 0 : i32
        %lt3A_1385 = arith.cmpi slt, %rem3A_1381, %lt3A_1384 : i32
        %lt3A_1386 = arith.constant 0 : i32
        %lt3A_1387 = arith.cmpi slt, %select_n3A_1380, %lt3A_1386 : i32
        %ne3A_1388 = arith.xori %lt3A_1385, %lt3A_1387 : i1
        %and3A_1389 = arith.andi %ne3A_1388, %ne3A_1383 : i1
        %add3A_1390 = arith.addi %rem3A_1381, %select_n3A_1380 : i32
        %select_n3A_1391 = arith.select %and3A_1389, %add3A_1390, %rem3A_1381 : i32
        %dma_start3A_1392 = arith.constant 0 : i32
        %dma_start3A_1393 = tpu.memref_slice %arg8[%select_n3A_1375, %dma_start3A_1392] : memref<4x128xi32, #tpu.memory_space<vmem>> -> memref<1x128xi32, #tpu.memory_space<vmem>>
        %dma_start3A_1394 = tpu.memref_squeeze %dma_start3A_1393 : memref<1x128xi32, #tpu.memory_space<vmem>> -> memref<128xi32, #tpu.memory_space<vmem>>
        %dma_start3A_1395 = arith.constant 0 : i32
        %dma_start3A_1396 = tpu.memref_slice %arg3[%add3A, %min3A_1359, %dma_start3A_1395] : memref<32x78x128xi32, #tpu.memory_space<hbm>> -> memref<1x1x128xi32, #tpu.memory_space<hbm>>
        %dma_start3A_1397 = tpu.memref_squeeze %dma_start3A_1396 : memref<1x1x128xi32, #tpu.memory_space<hbm>> -> memref<128xi32, #tpu.memory_space<hbm>>
        %dma_start3A_1398 = arith.constant 0 : i32
        %dma_start3A_1399 = tpu.memref_slice %arg8[%select_n3A_1375, %dma_start3A_1398] : memref<4x128xi32, #tpu.memory_space<vmem>> -> memref<1x128xi32, #tpu.memory_space<vmem>>
        %dma_start3A_1400 = tpu.memref_squeeze %dma_start3A_1399 : memref<1x128xi32, #tpu.memory_space<vmem>> -> memref<128xi32, #tpu.memory_space<vmem>>
        %dma_start3A_1401 = arith.constant 0 : i32
        %dma_start3A_1402 = tpu.memref_slice %arg3[%add3A, %min3A_1359, %dma_start3A_1401] : memref<32x78x128xi32, #tpu.memory_space<hbm>> -> memref<1x1x128xi32, #tpu.memory_space<hbm>>
        %dma_start3A_1403 = tpu.memref_squeeze %dma_start3A_1402 : memref<1x1x128xi32, #tpu.memory_space<hbm>> -> memref<128xi32, #tpu.memory_space<hbm>>
        tpu.enqueue_dma source(%dma_start3A_1403 : memref<128xi32, #tpu.memory_space<hbm>>) target(%dma_start3A_1400 : memref<128xi32, #tpu.memory_space<vmem>>) target_semaphore(%arg19 : memref<!tpu.dma_semaphore, #tpu.memory_space<semaphore_mem>>)
        %dma_start3A_1404 = arith.constant 0 : i32
        %dma_start3A_1405 = tpu.memref_slice %arg9[%select_n3A_1391, %dma_start3A_1404] : memref<4x128xi32, #tpu.memory_space<vmem>> -> memref<1x128xi32, #tpu.memory_space<vmem>>
        %dma_start3A_1406 = tpu.memref_squeeze %dma_start3A_1405 : memref<1x128xi32, #tpu.memory_space<vmem>> -> memref<128xi32, #tpu.memory_space<vmem>>
        %dma_start3A_1407 = arith.constant 0 : i32
        %dma_start3A_1408 = tpu.memref_slice %arg5[%add3A, %min3A_1359, %dma_start3A_1407] : memref<32x78x128xi32, #tpu.memory_space<hbm>> -> memref<1x1x128xi32, #tpu.memory_space<hbm>>
        %dma_start3A_1409 = tpu.memref_squeeze %dma_start3A_1408 : memref<1x1x128xi32, #tpu.memory_space<hbm>> -> memref<128xi32, #tpu.memory_space<hbm>>
        %dma_start3A_1410 = arith.constant 0 : i32
        %dma_start3A_1411 = tpu.memref_slice %arg9[%select_n3A_1391, %dma_start3A_1410] : memref<4x128xi32, #tpu.memory_space<vmem>> -> memref<1x128xi32, #tpu.memory_space<vmem>>
        %dma_start3A_1412 = tpu.memref_squeeze %dma_start3A_1411 : memref<1x128xi32, #tpu.memory_space<vmem>> -> memref<128xi32, #tpu.memory_space<vmem>>
        %dma_start3A_1413 = arith.constant 0 : i32
        %dma_start3A_1414 = tpu.memref_slice %arg5[%add3A, %min3A_1359, %dma_start3A_1413] : memref<32x78x128xi32, #tpu.memory_space<hbm>> -> memref<1x1x128xi32, #tpu.memory_space<hbm>>
        %dma_start3A_1415 = tpu.memref_squeeze %dma_start3A_1414 : memref<1x1x128xi32, #tpu.memory_space<hbm>> -> memref<128xi32, #tpu.memory_space<hbm>>
        tpu.enqueue_dma source(%dma_start3A_1415 : memref<128xi32, #tpu.memory_space<hbm>>) target(%dma_start3A_1412 : memref<128xi32, #tpu.memory_space<vmem>>) target_semaphore(%arg20 : memref<!tpu.dma_semaphore, #tpu.memory_space<semaphore_mem>>)
      } else {
      }
      %add3A_790 = arith.constant 4 : i32
      %add3A_791 = arith.addi %add3A_613, %add3A_790 : i32
      %min3A_792 = arith.constant 155 : i32
      %min3A_793 = arith.minsi %add3A_791, %min3A_792 : i32
      %jit3A_794 = arith.constant 2 : i32
      %div3A_795 = arith.divsi %min3A_793, %jit3A_794 : i32
      %sign3A_796 = arith.constant 0 : i32
      %sign3A_797 = arith.cmpi sgt, %min3A_793, %sign3A_796 : i32
      %sign3A_798 = arith.extui %sign3A_797 : i1 to i32
      %sign3A_799 = arith.constant 0 : i32
      %sign3A_800 = arith.cmpi slt, %min3A_793, %sign3A_799 : i32
      %sign3A_801 = arith.extui %sign3A_800 : i1 to i32
      %sign3A_802 = arith.subi %sign3A_798, %sign3A_801 : i32
      %sign3A_803 = arith.constant 0 : i32
      %sign3A_804 = arith.cmpi sgt, %jit3A_794, %sign3A_803 : i32
      %sign3A_805 = arith.extui %sign3A_804 : i1 to i32
      %sign3A_806 = arith.constant 0 : i32
      %sign3A_807 = arith.cmpi slt, %jit3A_794, %sign3A_806 : i32
      %sign3A_808 = arith.extui %sign3A_807 : i1 to i32
      %sign3A_809 = arith.subi %sign3A_805, %sign3A_808 : i32
      %ne3A_810 = arith.cmpi ne, %sign3A_802, %sign3A_809 : i32
      %rem3A_811 = arith.remsi %min3A_793, %jit3A_794 : i32
      %ne3A_812 = arith.constant 0 : i32
      %ne3A_813 = arith.cmpi ne, %rem3A_811, %ne3A_812 : i32
      %and3A_814 = arith.andi %ne3A_810, %ne3A_813 : i1
      %sub3A_815 = arith.constant 1 : i32
      %sub3A_816 = arith.subi %div3A_795, %sub3A_815 : i32
      %select_n3A_817 = arith.select %and3A_814, %sub3A_816, %div3A_795 : i32
      %jit3A_818 = arith.constant 4 : i32
      %eq3A_819 = arith.constant 0 : i32
      %eq3A_820 = arith.cmpi eq, %jit3A_818, %eq3A_819 : i32
      %jit3A_821 = arith.constant 1 : i32
      %select_n3A_822 = arith.select %eq3A_820, %jit3A_821, %jit3A_818 : i32
      %rem3A_823 = arith.remsi %select_n3A_817, %select_n3A_822 : i32
      %ne3A_824 = arith.constant 0 : i32
      %ne3A_825 = arith.cmpi ne, %rem3A_823, %ne3A_824 : i32
      %lt3A_826 = arith.constant 0 : i32
      %lt3A_827 = arith.cmpi slt, %rem3A_823, %lt3A_826 : i32
      %lt3A_828 = arith.constant 0 : i32
      %lt3A_829 = arith.cmpi slt, %select_n3A_822, %lt3A_828 : i32
      %ne3A_830 = arith.xori %lt3A_827, %lt3A_829 : i1
      %and3A_831 = arith.andi %ne3A_830, %ne3A_825 : i1
      %add3A_832 = arith.addi %rem3A_823, %select_n3A_822 : i32
      %select_n3A_833 = arith.select %and3A_831, %add3A_832, %rem3A_823 : i32
      %jit3A_834 = arith.constant 2 : i32
      %eq3A_835 = arith.constant 0 : i32
      %eq3A_836 = arith.cmpi eq, %jit3A_834, %eq3A_835 : i32
      %jit3A_837 = arith.constant 1 : i32
      %select_n3A_838 = arith.select %eq3A_836, %jit3A_837, %jit3A_834 : i32
      %rem3A_839 = arith.remsi %min3A_793, %select_n3A_838 : i32
      %ne3A_840 = arith.constant 0 : i32
      %ne3A_841 = arith.cmpi ne, %rem3A_839, %ne3A_840 : i32
      %lt3A_842 = arith.constant 0 : i32
      %lt3A_843 = arith.cmpi slt, %rem3A_839, %lt3A_842 : i32
      %lt3A_844 = arith.constant 0 : i32
      %lt3A_845 = arith.cmpi slt, %select_n3A_838, %lt3A_844 : i32
      %ne3A_846 = arith.xori %lt3A_843, %lt3A_845 : i1
      %and3A_847 = arith.andi %ne3A_846, %ne3A_841 : i1
      %add3A_848 = arith.addi %rem3A_839, %select_n3A_838 : i32
      %select_n3A_849 = arith.select %and3A_847, %add3A_848, %rem3A_839 : i32
      %mul3A_850 = arith.constant 64 : i32
      %mul3A_851 = arith.muli %select_n3A_849, %mul3A_850 : i32
      %dma_start3A_852 = tpu.memref_slice %arg8[%select_n3A_833, %mul3A_851] : memref<4x128xi32, #tpu.memory_space<vmem>> -> memref<1x64xi32, #tpu.memory_space<vmem>>
      %dma_start3A_853 = tpu.memref_squeeze %dma_start3A_852 : memref<1x64xi32, #tpu.memory_space<vmem>> -> memref<64xi32, #tpu.memory_space<vmem>>
      %dma_start3A_854 = arith.constant 0 : i32
      %dma_start3A_855 = arith.constant 0 : i32
      %dma_start3A_856 = tpu.memref_slice %arg2[%dma_start3A_854, %dma_start3A_855] : memref<10000x128xf32, #tpu.memory_space<hbm>> -> memref<10000x128xf32, #tpu.memory_space<hbm>>
      tpu.enqueue_indirect_dma source(%dma_start3A_856 : memref<10000x128xf32, #tpu.memory_space<hbm>>) target(%arg13 : memref<64x128xf32, #tpu.memory_space<vmem>>) offsets(%dma_start3A_853 : memref<64xi32, #tpu.memory_space<vmem>>) semaphore(%arg22 : memref<!tpu.dma_semaphore, #tpu.memory_space<semaphore_mem>>)
      %mul3A_857 = arith.constant 5 : i32
      %mul3A_858 = arith.muli %mul3A_857, %add3A_128 : i32
      %add3A_859 = arith.constant 3 : i32
      %add3A_860 = arith.addi %mul3A_858, %add3A_859 : i32
      %jit3A_861 = arith.constant 2 : i32
      %div3A_862 = arith.divsi %add3A_860, %jit3A_861 : i32
      %sign3A_863 = arith.constant 0 : i32
      %sign3A_864 = arith.cmpi sgt, %add3A_860, %sign3A_863 : i32
      %sign3A_865 = arith.extui %sign3A_864 : i1 to i32
      %sign3A_866 = arith.constant 0 : i32
      %sign3A_867 = arith.cmpi slt, %add3A_860, %sign3A_866 : i32
      %sign3A_868 = arith.extui %sign3A_867 : i1 to i32
      %sign3A_869 = arith.subi %sign3A_865, %sign3A_868 : i32
      %sign3A_870 = arith.constant 0 : i32
      %sign3A_871 = arith.cmpi sgt, %jit3A_861, %sign3A_870 : i32
      %sign3A_872 = arith.extui %sign3A_871 : i1 to i32
      %sign3A_873 = arith.constant 0 : i32
      %sign3A_874 = arith.cmpi slt, %jit3A_861, %sign3A_873 : i32
      %sign3A_875 = arith.extui %sign3A_874 : i1 to i32
      %sign3A_876 = arith.subi %sign3A_872, %sign3A_875 : i32
      %ne3A_877 = arith.cmpi ne, %sign3A_869, %sign3A_876 : i32
      %rem3A_878 = arith.remsi %add3A_860, %jit3A_861 : i32
      %ne3A_879 = arith.constant 0 : i32
      %ne3A_880 = arith.cmpi ne, %rem3A_878, %ne3A_879 : i32
      %and3A_881 = arith.andi %ne3A_877, %ne3A_880 : i1
      %sub3A_882 = arith.constant 1 : i32
      %sub3A_883 = arith.subi %div3A_862, %sub3A_882 : i32
      %select_n3A_884 = arith.select %and3A_881, %sub3A_883, %div3A_862 : i32
      %jit3A_885 = arith.constant 2 : i32
      %div3A_886 = arith.divsi %add3A_860, %jit3A_885 : i32
      %sign3A_887 = arith.constant 0 : i32
      %sign3A_888 = arith.cmpi sgt, %add3A_860, %sign3A_887 : i32
      %sign3A_889 = arith.extui %sign3A_888 : i1 to i32
      %sign3A_890 = arith.constant 0 : i32
      %sign3A_891 = arith.cmpi slt, %add3A_860, %sign3A_890 : i32
      %sign3A_892 = arith.extui %sign3A_891 : i1 to i32
      %sign3A_893 = arith.subi %sign3A_889, %sign3A_892 : i32
      %sign3A_894 = arith.constant 0 : i32
      %sign3A_895 = arith.cmpi sgt, %jit3A_885, %sign3A_894 : i32
      %sign3A_896 = arith.extui %sign3A_895 : i1 to i32
      %sign3A_897 = arith.constant 0 : i32
      %sign3A_898 = arith.cmpi slt, %jit3A_885, %sign3A_897 : i32
      %sign3A_899 = arith.extui %sign3A_898 : i1 to i32
      %sign3A_900 = arith.subi %sign3A_896, %sign3A_899 : i32
      %ne3A_901 = arith.cmpi ne, %sign3A_893, %sign3A_900 : i32
      %rem3A_902 = arith.remsi %add3A_860, %jit3A_885 : i32
      %ne3A_903 = arith.constant 0 : i32
      %ne3A_904 = arith.cmpi ne, %rem3A_902, %ne3A_903 : i32
      %and3A_905 = arith.andi %ne3A_901, %ne3A_904 : i1
      %sub3A_906 = arith.constant 1 : i32
      %sub3A_907 = arith.subi %div3A_886, %sub3A_906 : i32
      %select_n3A_908 = arith.select %and3A_905, %sub3A_907, %div3A_886 : i32
      %jit3A_909 = arith.constant 4 : i32
      %eq3A_910 = arith.constant 0 : i32
      %eq3A_911 = arith.cmpi eq, %jit3A_909, %eq3A_910 : i32
      %jit3A_912 = arith.constant 1 : i32
      %select_n3A_913 = arith.select %eq3A_911, %jit3A_912, %jit3A_909 : i32
      %rem3A_914 = arith.remsi %select_n3A_908, %select_n3A_913 : i32
      %ne3A_915 = arith.constant 0 : i32
      %ne3A_916 = arith.cmpi ne, %rem3A_914, %ne3A_915 : i32
      %lt3A_917 = arith.constant 0 : i32
      %lt3A_918 = arith.cmpi slt, %rem3A_914, %lt3A_917 : i32
      %lt3A_919 = arith.constant 0 : i32
      %lt3A_920 = arith.cmpi slt, %select_n3A_913, %lt3A_919 : i32
      %ne3A_921 = arith.xori %lt3A_918, %lt3A_920 : i1
      %and3A_922 = arith.andi %ne3A_921, %ne3A_916 : i1
      %add3A_923 = arith.addi %rem3A_914, %select_n3A_913 : i32
      %select_n3A_924 = arith.select %and3A_922, %add3A_923, %rem3A_914 : i32
      %jit3A_925 = arith.constant 2 : i32
      %eq3A_926 = arith.constant 0 : i32
      %eq3A_927 = arith.cmpi eq, %jit3A_925, %eq3A_926 : i32
      %jit3A_928 = arith.constant 1 : i32
      %select_n3A_929 = arith.select %eq3A_927, %jit3A_928, %jit3A_925 : i32
      %rem3A_930 = arith.remsi %add3A_860, %select_n3A_929 : i32
      %ne3A_931 = arith.constant 0 : i32
      %ne3A_932 = arith.cmpi ne, %rem3A_930, %ne3A_931 : i32
      %lt3A_933 = arith.constant 0 : i32
      %lt3A_934 = arith.cmpi slt, %rem3A_930, %lt3A_933 : i32
      %lt3A_935 = arith.constant 0 : i32
      %lt3A_936 = arith.cmpi slt, %select_n3A_929, %lt3A_935 : i32
      %ne3A_937 = arith.xori %lt3A_934, %lt3A_936 : i1
      %and3A_938 = arith.andi %ne3A_937, %ne3A_932 : i1
      %add3A_939 = arith.addi %rem3A_930, %select_n3A_929 : i32
      %select_n3A_940 = arith.select %and3A_938, %add3A_939, %rem3A_930 : i32
      %mul3A_941 = arith.constant 64 : i32
      %mul3A_942 = arith.muli %select_n3A_940, %mul3A_941 : i32
      %dma_wait3A_943 = tpu.memref_slice %arg8[%select_n3A_924, %mul3A_942] : memref<4x128xi32, #tpu.memory_space<vmem>> -> memref<1x64xi32, #tpu.memory_space<vmem>>
      %dma_wait3A_944 = tpu.memref_squeeze %dma_wait3A_943 : memref<1x64xi32, #tpu.memory_space<vmem>> -> memref<64xi32, #tpu.memory_space<vmem>>
      %dma_wait3A_945 = arith.constant 0 : i32
      %dma_wait3A_946 = arith.constant 0 : i32
      %dma_wait3A_947 = tpu.memref_slice %arg2[%dma_wait3A_945, %dma_wait3A_946] : memref<10000x128xf32, #tpu.memory_space<hbm>> -> memref<10000x128xf32, #tpu.memory_space<hbm>>
      tpu.wait_indirect_dma semaphore(%arg24 : memref<!tpu.dma_semaphore, #tpu.memory_space<semaphore_mem>>) src(%dma_wait3A_947 : memref<10000x128xf32, #tpu.memory_space<hbm>>) dst(%arg15 : memref<64x128xf32, #tpu.memory_space<vmem>>)
      %jit3A_948 = arith.constant 2 : i32
      %div3A_949 = arith.divsi %add3A_860, %jit3A_948 : i32
      %sign3A_950 = arith.constant 0 : i32
      %sign3A_951 = arith.cmpi sgt, %add3A_860, %sign3A_950 : i32
      %sign3A_952 = arith.extui %sign3A_951 : i1 to i32
      %sign3A_953 = arith.constant 0 : i32
      %sign3A_954 = arith.cmpi slt, %add3A_860, %sign3A_953 : i32
      %sign3A_955 = arith.extui %sign3A_954 : i1 to i32
      %sign3A_956 = arith.subi %sign3A_952, %sign3A_955 : i32
      %sign3A_957 = arith.constant 0 : i32
      %sign3A_958 = arith.cmpi sgt, %jit3A_948, %sign3A_957 : i32
      %sign3A_959 = arith.extui %sign3A_958 : i1 to i32
      %sign3A_960 = arith.constant 0 : i32
      %sign3A_961 = arith.cmpi slt, %jit3A_948, %sign3A_960 : i32
      %sign3A_962 = arith.extui %sign3A_961 : i1 to i32
      %sign3A_963 = arith.subi %sign3A_959, %sign3A_962 : i32
      %ne3A_964 = arith.cmpi ne, %sign3A_956, %sign3A_963 : i32
      %rem3A_965 = arith.remsi %add3A_860, %jit3A_948 : i32
      %ne3A_966 = arith.constant 0 : i32
      %ne3A_967 = arith.cmpi ne, %rem3A_965, %ne3A_966 : i32
      %and3A_968 = arith.andi %ne3A_964, %ne3A_967 : i1
      %sub3A_969 = arith.constant 1 : i32
      %sub3A_970 = arith.subi %div3A_949, %sub3A_969 : i32
      %select_n3A_971 = arith.select %and3A_968, %sub3A_970, %div3A_949 : i32
      %jit3A_972 = arith.constant 4 : i32
      %eq3A_973 = arith.constant 0 : i32
      %eq3A_974 = arith.cmpi eq, %jit3A_972, %eq3A_973 : i32
      %jit3A_975 = arith.constant 1 : i32
      %select_n3A_976 = arith.select %eq3A_974, %jit3A_975, %jit3A_972 : i32
      %rem3A_977 = arith.remsi %select_n3A_971, %select_n3A_976 : i32
      %ne3A_978 = arith.constant 0 : i32
      %ne3A_979 = arith.cmpi ne, %rem3A_977, %ne3A_978 : i32
      %lt3A_980 = arith.constant 0 : i32
      %lt3A_981 = arith.cmpi slt, %rem3A_977, %lt3A_980 : i32
      %lt3A_982 = arith.constant 0 : i32
      %lt3A_983 = arith.cmpi slt, %select_n3A_976, %lt3A_982 : i32
      %ne3A_984 = arith.xori %lt3A_981, %lt3A_983 : i1
      %and3A_985 = arith.andi %ne3A_984, %ne3A_979 : i1
      %add3A_986 = arith.addi %rem3A_977, %select_n3A_976 : i32
      %select_n3A_987 = arith.select %and3A_985, %add3A_986, %rem3A_977 : i32
      %jit3A_988 = arith.constant 2 : i32
      %eq3A_989 = arith.constant 0 : i32
      %eq3A_990 = arith.cmpi eq, %jit3A_988, %eq3A_989 : i32
      %jit3A_991 = arith.constant 1 : i32
      %select_n3A_992 = arith.select %eq3A_990, %jit3A_991, %jit3A_988 : i32
      %rem3A_993 = arith.remsi %add3A_860, %select_n3A_992 : i32
      %ne3A_994 = arith.constant 0 : i32
      %ne3A_995 = arith.cmpi ne, %rem3A_993, %ne3A_994 : i32
      %lt3A_996 = arith.constant 0 : i32
      %lt3A_997 = arith.cmpi slt, %rem3A_993, %lt3A_996 : i32
      %lt3A_998 = arith.constant 0 : i32
      %lt3A_999 = arith.cmpi slt, %select_n3A_992, %lt3A_998 : i32
      %ne3A_1000 = arith.xori %lt3A_997, %lt3A_999 : i1
      %and3A_1001 = arith.andi %ne3A_1000, %ne3A_995 : i1
      %add3A_1002 = arith.addi %rem3A_993, %select_n3A_992 : i32
      %select_n3A_1003 = arith.select %and3A_1001, %add3A_1002, %rem3A_993 : i32
      %mul3A_1004 = arith.constant 64 : i32
      %mul3A_1005 = arith.muli %select_n3A_1003, %mul3A_1004 : i32
      %dma_start3A_1006 = tpu.memref_slice %arg9[%select_n3A_987, %mul3A_1005] : memref<4x128xi32, #tpu.memory_space<vmem>> -> memref<1x64xi32, #tpu.memory_space<vmem>>
      %dma_start3A_1007 = tpu.memref_squeeze %dma_start3A_1006 : memref<1x64xi32, #tpu.memory_space<vmem>> -> memref<64xi32, #tpu.memory_space<vmem>>
      %dma_start3A_1008 = arith.constant 0 : i32
      %dma_start3A_1009 = arith.constant 0 : i32
      %dma_start3A_1010 = tpu.memref_slice %arg18[%dma_start3A_1008, %dma_start3A_1009] : memref<10240x128xf32, #tpu.memory_space<vmem_shared>> -> memref<10240x128xf32, #tpu.memory_space<vmem_shared>>
      tpu.enqueue_indirect_dma source(%arg15 : memref<64x128xf32, #tpu.memory_space<vmem>>) target(%dma_start3A_1010 : memref<10240x128xf32, #tpu.memory_space<vmem_shared>>) offsets(%dma_start3A_1007 : memref<64xi32, #tpu.memory_space<vmem>>) semaphore(%arg29 : memref<!tpu.dma_semaphore, #tpu.memory_space<semaphore_mem>>) {add = true}
      %ge3A_1011 = arith.constant 1 : i32
      %ge3A_1012 = arith.cmpi sge, %add3A_860, %ge3A_1011 : i32
      %convert_element_type3A_1013 = arith.extui %ge3A_1012 : i1 to i32
      %cond3A_1014 = arith.constant 0 : i32
      %cond3A_1015 = arith.cmpi ne, %convert_element_type3A_1013, %cond3A_1014 : i32
      scf.if %cond3A_1015 {
        %sub3A_1351 = arith.constant 1 : i32
        %sub3A_1352 = arith.subi %add3A_860, %sub3A_1351 : i32
        %jit3A_1353 = arith.constant 2 : i32
        %div3A_1354 = arith.divsi %sub3A_1352, %jit3A_1353 : i32
        %sign3A_1355 = arith.constant 0 : i32
        %sign3A_1356 = arith.cmpi sgt, %sub3A_1352, %sign3A_1355 : i32
        %sign3A_1357 = arith.extui %sign3A_1356 : i1 to i32
        %sign3A_1358 = arith.constant 0 : i32
        %sign3A_1359 = arith.cmpi slt, %sub3A_1352, %sign3A_1358 : i32
        %sign3A_1360 = arith.extui %sign3A_1359 : i1 to i32
        %sign3A_1361 = arith.subi %sign3A_1357, %sign3A_1360 : i32
        %sign3A_1362 = arith.constant 0 : i32
        %sign3A_1363 = arith.cmpi sgt, %jit3A_1353, %sign3A_1362 : i32
        %sign3A_1364 = arith.extui %sign3A_1363 : i1 to i32
        %sign3A_1365 = arith.constant 0 : i32
        %sign3A_1366 = arith.cmpi slt, %jit3A_1353, %sign3A_1365 : i32
        %sign3A_1367 = arith.extui %sign3A_1366 : i1 to i32
        %sign3A_1368 = arith.subi %sign3A_1364, %sign3A_1367 : i32
        %ne3A_1369 = arith.cmpi ne, %sign3A_1361, %sign3A_1368 : i32
        %rem3A_1370 = arith.remsi %sub3A_1352, %jit3A_1353 : i32
        %ne3A_1371 = arith.constant 0 : i32
        %ne3A_1372 = arith.cmpi ne, %rem3A_1370, %ne3A_1371 : i32
        %and3A_1373 = arith.andi %ne3A_1369, %ne3A_1372 : i1
        %sub3A_1374 = arith.constant 1 : i32
        %sub3A_1375 = arith.subi %div3A_1354, %sub3A_1374 : i32
        %select_n3A_1376 = arith.select %and3A_1373, %sub3A_1375, %div3A_1354 : i32
        %jit3A_1377 = arith.constant 4 : i32
        %eq3A_1378 = arith.constant 0 : i32
        %eq3A_1379 = arith.cmpi eq, %jit3A_1377, %eq3A_1378 : i32
        %jit3A_1380 = arith.constant 1 : i32
        %select_n3A_1381 = arith.select %eq3A_1379, %jit3A_1380, %jit3A_1377 : i32
        %rem3A_1382 = arith.remsi %select_n3A_1376, %select_n3A_1381 : i32
        %ne3A_1383 = arith.constant 0 : i32
        %ne3A_1384 = arith.cmpi ne, %rem3A_1382, %ne3A_1383 : i32
        %lt3A_1385 = arith.constant 0 : i32
        %lt3A_1386 = arith.cmpi slt, %rem3A_1382, %lt3A_1385 : i32
        %lt3A_1387 = arith.constant 0 : i32
        %lt3A_1388 = arith.cmpi slt, %select_n3A_1381, %lt3A_1387 : i32
        %ne3A_1389 = arith.xori %lt3A_1386, %lt3A_1388 : i1
        %and3A_1390 = arith.andi %ne3A_1389, %ne3A_1384 : i1
        %add3A_1391 = arith.addi %rem3A_1382, %select_n3A_1381 : i32
        %select_n3A_1392 = arith.select %and3A_1390, %add3A_1391, %rem3A_1382 : i32
        %jit3A_1393 = arith.constant 2 : i32
        %eq3A_1394 = arith.constant 0 : i32
        %eq3A_1395 = arith.cmpi eq, %jit3A_1393, %eq3A_1394 : i32
        %jit3A_1396 = arith.constant 1 : i32
        %select_n3A_1397 = arith.select %eq3A_1395, %jit3A_1396, %jit3A_1393 : i32
        %rem3A_1398 = arith.remsi %sub3A_1352, %select_n3A_1397 : i32
        %ne3A_1399 = arith.constant 0 : i32
        %ne3A_1400 = arith.cmpi ne, %rem3A_1398, %ne3A_1399 : i32
        %lt3A_1401 = arith.constant 0 : i32
        %lt3A_1402 = arith.cmpi slt, %rem3A_1398, %lt3A_1401 : i32
        %lt3A_1403 = arith.constant 0 : i32
        %lt3A_1404 = arith.cmpi slt, %select_n3A_1397, %lt3A_1403 : i32
        %ne3A_1405 = arith.xori %lt3A_1402, %lt3A_1404 : i1
        %and3A_1406 = arith.andi %ne3A_1405, %ne3A_1400 : i1
        %add3A_1407 = arith.addi %rem3A_1398, %select_n3A_1397 : i32
        %select_n3A_1408 = arith.select %and3A_1406, %add3A_1407, %rem3A_1398 : i32
        %mul3A_1409 = arith.constant 64 : i32
        %mul3A_1410 = arith.muli %select_n3A_1408, %mul3A_1409 : i32
        %dma_wait3A_1411 = tpu.memref_slice %arg9[%select_n3A_1392, %mul3A_1410] : memref<4x128xi32, #tpu.memory_space<vmem>> -> memref<1x64xi32, #tpu.memory_space<vmem>>
        %dma_wait3A_1412 = tpu.memref_squeeze %dma_wait3A_1411 : memref<1x64xi32, #tpu.memory_space<vmem>> -> memref<64xi32, #tpu.memory_space<vmem>>
        %dma_wait3A_1413 = arith.constant 0 : i32
        %dma_wait3A_1414 = arith.constant 0 : i32
        %dma_wait3A_1415 = tpu.memref_slice %arg18[%dma_wait3A_1413, %dma_wait3A_1414] : memref<10240x128xf32, #tpu.memory_space<vmem_shared>> -> memref<10240x128xf32, #tpu.memory_space<vmem_shared>>
        tpu.wait_indirect_dma semaphore(%arg28 : memref<!tpu.dma_semaphore, #tpu.memory_space<semaphore_mem>>) src(%arg14 : memref<64x128xf32, #tpu.memory_space<vmem>>) dst(%dma_wait3A_1415 : memref<10240x128xf32, #tpu.memory_space<vmem_shared>>)
      } else {
      }
      %jit3A_1016 = arith.constant 2 : i32
      %eq3A_1017 = arith.constant 0 : i32
      %eq3A_1018 = arith.cmpi eq, %jit3A_1016, %eq3A_1017 : i32
      %jit3A_1019 = arith.constant 1 : i32
      %select_n3A_1020 = arith.select %eq3A_1018, %jit3A_1019, %jit3A_1016 : i32
      %rem3A_1021 = arith.remsi %add3A_860, %select_n3A_1020 : i32
      %ne3A_1022 = arith.constant 0 : i32
      %ne3A_1023 = arith.cmpi ne, %rem3A_1021, %ne3A_1022 : i32
      %lt3A_1024 = arith.constant 0 : i32
      %lt3A_1025 = arith.cmpi slt, %rem3A_1021, %lt3A_1024 : i32
      %lt3A_1026 = arith.constant 0 : i32
      %lt3A_1027 = arith.cmpi slt, %select_n3A_1020, %lt3A_1026 : i32
      %ne3A_1028 = arith.xori %lt3A_1025, %lt3A_1027 : i1
      %and3A_1029 = arith.andi %ne3A_1028, %ne3A_1023 : i1
      %add3A_1030 = arith.addi %rem3A_1021, %select_n3A_1020 : i32
      %select_n3A_1031 = arith.select %and3A_1029, %add3A_1030, %rem3A_1021 : i32
      %eq3A_1032 = arith.constant 0 : i32
      %eq3A_1033 = arith.cmpi eq, %select_n3A_1031, %eq3A_1032 : i32
      %convert_element_type3A_1034 = arith.extui %eq3A_1033 : i1 to i32
      %cond3A_1035 = arith.constant 0 : i32
      %cond3A_1036 = arith.cmpi ne, %convert_element_type3A_1034, %cond3A_1035 : i32
      scf.if %cond3A_1036 {
        %ge3A_1351 = arith.constant 2 : i32
        %ge3A_1352 = arith.cmpi sge, %add3A_860, %ge3A_1351 : i32
        %convert_element_type3A_1353 = arith.extui %ge3A_1352 : i1 to i32
        %cond3A_1354 = arith.constant 0 : i32
        %cond3A_1355 = arith.cmpi ne, %convert_element_type3A_1353, %cond3A_1354 : i32
        scf.if %cond3A_1355 {
          %add3A_1416 = arith.constant 2 : i32
          %add3A_1417 = arith.addi %select_n3A_884, %add3A_1416 : i32
          %min3A_1418 = arith.constant 77 : i32
          %min3A_1419 = arith.minsi %add3A_1417, %min3A_1418 : i32
          %jit3A_1420 = arith.constant 4 : i32
          %eq3A_1421 = arith.constant 0 : i32
          %eq3A_1422 = arith.cmpi eq, %jit3A_1420, %eq3A_1421 : i32
          %jit3A_1423 = arith.constant 1 : i32
          %select_n3A_1424 = arith.select %eq3A_1422, %jit3A_1423, %jit3A_1420 : i32
          %rem3A_1425 = arith.remsi %add3A_1417, %select_n3A_1424 : i32
          %ne3A_1426 = arith.constant 0 : i32
          %ne3A_1427 = arith.cmpi ne, %rem3A_1425, %ne3A_1426 : i32
          %lt3A_1428 = arith.constant 0 : i32
          %lt3A_1429 = arith.cmpi slt, %rem3A_1425, %lt3A_1428 : i32
          %lt3A_1430 = arith.constant 0 : i32
          %lt3A_1431 = arith.cmpi slt, %select_n3A_1424, %lt3A_1430 : i32
          %ne3A_1432 = arith.xori %lt3A_1429, %lt3A_1431 : i1
          %and3A_1433 = arith.andi %ne3A_1432, %ne3A_1427 : i1
          %add3A_1434 = arith.addi %rem3A_1425, %select_n3A_1424 : i32
          %select_n3A_1435 = arith.select %and3A_1433, %add3A_1434, %rem3A_1425 : i32
          %jit3A_1436 = arith.constant 4 : i32
          %eq3A_1437 = arith.constant 0 : i32
          %eq3A_1438 = arith.cmpi eq, %jit3A_1436, %eq3A_1437 : i32
          %jit3A_1439 = arith.constant 1 : i32
          %select_n3A_1440 = arith.select %eq3A_1438, %jit3A_1439, %jit3A_1436 : i32
          %rem3A_1441 = arith.remsi %add3A_1417, %select_n3A_1440 : i32
          %ne3A_1442 = arith.constant 0 : i32
          %ne3A_1443 = arith.cmpi ne, %rem3A_1441, %ne3A_1442 : i32
          %lt3A_1444 = arith.constant 0 : i32
          %lt3A_1445 = arith.cmpi slt, %rem3A_1441, %lt3A_1444 : i32
          %lt3A_1446 = arith.constant 0 : i32
          %lt3A_1447 = arith.cmpi slt, %select_n3A_1440, %lt3A_1446 : i32
          %ne3A_1448 = arith.xori %lt3A_1445, %lt3A_1447 : i1
          %and3A_1449 = arith.andi %ne3A_1448, %ne3A_1443 : i1
          %add3A_1450 = arith.addi %rem3A_1441, %select_n3A_1440 : i32
          %select_n3A_1451 = arith.select %and3A_1449, %add3A_1450, %rem3A_1441 : i32
          %dma_wait3A_1452 = arith.constant 0 : i32
          %dma_wait3A_1453 = tpu.memref_slice %arg8[%select_n3A_1435, %dma_wait3A_1452] : memref<4x128xi32, #tpu.memory_space<vmem>> -> memref<1x128xi32, #tpu.memory_space<vmem>>
          %dma_wait3A_1454 = tpu.memref_squeeze %dma_wait3A_1453 : memref<1x128xi32, #tpu.memory_space<vmem>> -> memref<128xi32, #tpu.memory_space<vmem>>
          %dma_wait3A_1455 = arith.constant 0 : i32
          %dma_wait3A_1456 = tpu.memref_slice %arg3[%add3A, %min3A_1419, %dma_wait3A_1455] : memref<32x78x128xi32, #tpu.memory_space<hbm>> -> memref<1x1x128xi32, #tpu.memory_space<hbm>>
          %dma_wait3A_1457 = tpu.memref_squeeze %dma_wait3A_1456 : memref<1x1x128xi32, #tpu.memory_space<hbm>> -> memref<128xi32, #tpu.memory_space<hbm>>
          %dma_wait3A_1458 = arith.constant 0 : i32
          %dma_wait3A_1459 = tpu.memref_slice %arg8[%select_n3A_1435, %dma_wait3A_1458] : memref<4x128xi32, #tpu.memory_space<vmem>> -> memref<1x128xi32, #tpu.memory_space<vmem>>
          %dma_wait3A_1460 = tpu.memref_squeeze %dma_wait3A_1459 : memref<1x128xi32, #tpu.memory_space<vmem>> -> memref<128xi32, #tpu.memory_space<vmem>>
          %dma_wait3A_1461 = arith.constant 0 : i32
          %dma_wait3A_1462 = tpu.memref_slice %arg3[%add3A, %min3A_1419, %dma_wait3A_1461] : memref<32x78x128xi32, #tpu.memory_space<hbm>> -> memref<1x1x128xi32, #tpu.memory_space<hbm>>
          %dma_wait3A_1463 = tpu.memref_squeeze %dma_wait3A_1462 : memref<1x1x128xi32, #tpu.memory_space<hbm>> -> memref<128xi32, #tpu.memory_space<hbm>>
          tpu.wait_dma2 semaphore(%arg19 : memref<!tpu.dma_semaphore, #tpu.memory_space<semaphore_mem>>) src(%dma_wait3A_1463 : memref<128xi32, #tpu.memory_space<hbm>>) dst(%dma_wait3A_1460 : memref<128xi32, #tpu.memory_space<vmem>>)
          %dma_wait3A_1464 = arith.constant 0 : i32
          %dma_wait3A_1465 = tpu.memref_slice %arg9[%select_n3A_1451, %dma_wait3A_1464] : memref<4x128xi32, #tpu.memory_space<vmem>> -> memref<1x128xi32, #tpu.memory_space<vmem>>
          %dma_wait3A_1466 = tpu.memref_squeeze %dma_wait3A_1465 : memref<1x128xi32, #tpu.memory_space<vmem>> -> memref<128xi32, #tpu.memory_space<vmem>>
          %dma_wait3A_1467 = arith.constant 0 : i32
          %dma_wait3A_1468 = tpu.memref_slice %arg5[%add3A, %min3A_1419, %dma_wait3A_1467] : memref<32x78x128xi32, #tpu.memory_space<hbm>> -> memref<1x1x128xi32, #tpu.memory_space<hbm>>
          %dma_wait3A_1469 = tpu.memref_squeeze %dma_wait3A_1468 : memref<1x1x128xi32, #tpu.memory_space<hbm>> -> memref<128xi32, #tpu.memory_space<hbm>>
          %dma_wait3A_1470 = arith.constant 0 : i32
          %dma_wait3A_1471 = tpu.memref_slice %arg9[%select_n3A_1451, %dma_wait3A_1470] : memref<4x128xi32, #tpu.memory_space<vmem>> -> memref<1x128xi32, #tpu.memory_space<vmem>>
          %dma_wait3A_1472 = tpu.memref_squeeze %dma_wait3A_1471 : memref<1x128xi32, #tpu.memory_space<vmem>> -> memref<128xi32, #tpu.memory_space<vmem>>
          %dma_wait3A_1473 = arith.constant 0 : i32
          %dma_wait3A_1474 = tpu.memref_slice %arg5[%add3A, %min3A_1419, %dma_wait3A_1473] : memref<32x78x128xi32, #tpu.memory_space<hbm>> -> memref<1x1x128xi32, #tpu.memory_space<hbm>>
          %dma_wait3A_1475 = tpu.memref_squeeze %dma_wait3A_1474 : memref<1x1x128xi32, #tpu.memory_space<hbm>> -> memref<128xi32, #tpu.memory_space<hbm>>
          tpu.wait_dma2 semaphore(%arg20 : memref<!tpu.dma_semaphore, #tpu.memory_space<semaphore_mem>>) src(%dma_wait3A_1475 : memref<128xi32, #tpu.memory_space<hbm>>) dst(%dma_wait3A_1472 : memref<128xi32, #tpu.memory_space<vmem>>)
        } else {
        }
        %add3A_1356 = arith.constant 3 : i32
        %add3A_1357 = arith.addi %select_n3A_884, %add3A_1356 : i32
        %min3A_1358 = arith.constant 77 : i32
        %min3A_1359 = arith.minsi %add3A_1357, %min3A_1358 : i32
        %jit3A_1360 = arith.constant 4 : i32
        %eq3A_1361 = arith.constant 0 : i32
        %eq3A_1362 = arith.cmpi eq, %jit3A_1360, %eq3A_1361 : i32
        %jit3A_1363 = arith.constant 1 : i32
        %select_n3A_1364 = arith.select %eq3A_1362, %jit3A_1363, %jit3A_1360 : i32
        %rem3A_1365 = arith.remsi %add3A_1357, %select_n3A_1364 : i32
        %ne3A_1366 = arith.constant 0 : i32
        %ne3A_1367 = arith.cmpi ne, %rem3A_1365, %ne3A_1366 : i32
        %lt3A_1368 = arith.constant 0 : i32
        %lt3A_1369 = arith.cmpi slt, %rem3A_1365, %lt3A_1368 : i32
        %lt3A_1370 = arith.constant 0 : i32
        %lt3A_1371 = arith.cmpi slt, %select_n3A_1364, %lt3A_1370 : i32
        %ne3A_1372 = arith.xori %lt3A_1369, %lt3A_1371 : i1
        %and3A_1373 = arith.andi %ne3A_1372, %ne3A_1367 : i1
        %add3A_1374 = arith.addi %rem3A_1365, %select_n3A_1364 : i32
        %select_n3A_1375 = arith.select %and3A_1373, %add3A_1374, %rem3A_1365 : i32
        %jit3A_1376 = arith.constant 4 : i32
        %eq3A_1377 = arith.constant 0 : i32
        %eq3A_1378 = arith.cmpi eq, %jit3A_1376, %eq3A_1377 : i32
        %jit3A_1379 = arith.constant 1 : i32
        %select_n3A_1380 = arith.select %eq3A_1378, %jit3A_1379, %jit3A_1376 : i32
        %rem3A_1381 = arith.remsi %add3A_1357, %select_n3A_1380 : i32
        %ne3A_1382 = arith.constant 0 : i32
        %ne3A_1383 = arith.cmpi ne, %rem3A_1381, %ne3A_1382 : i32
        %lt3A_1384 = arith.constant 0 : i32
        %lt3A_1385 = arith.cmpi slt, %rem3A_1381, %lt3A_1384 : i32
        %lt3A_1386 = arith.constant 0 : i32
        %lt3A_1387 = arith.cmpi slt, %select_n3A_1380, %lt3A_1386 : i32
        %ne3A_1388 = arith.xori %lt3A_1385, %lt3A_1387 : i1
        %and3A_1389 = arith.andi %ne3A_1388, %ne3A_1383 : i1
        %add3A_1390 = arith.addi %rem3A_1381, %select_n3A_1380 : i32
        %select_n3A_1391 = arith.select %and3A_1389, %add3A_1390, %rem3A_1381 : i32
        %dma_start3A_1392 = arith.constant 0 : i32
        %dma_start3A_1393 = tpu.memref_slice %arg8[%select_n3A_1375, %dma_start3A_1392] : memref<4x128xi32, #tpu.memory_space<vmem>> -> memref<1x128xi32, #tpu.memory_space<vmem>>
        %dma_start3A_1394 = tpu.memref_squeeze %dma_start3A_1393 : memref<1x128xi32, #tpu.memory_space<vmem>> -> memref<128xi32, #tpu.memory_space<vmem>>
        %dma_start3A_1395 = arith.constant 0 : i32
        %dma_start3A_1396 = tpu.memref_slice %arg3[%add3A, %min3A_1359, %dma_start3A_1395] : memref<32x78x128xi32, #tpu.memory_space<hbm>> -> memref<1x1x128xi32, #tpu.memory_space<hbm>>
        %dma_start3A_1397 = tpu.memref_squeeze %dma_start3A_1396 : memref<1x1x128xi32, #tpu.memory_space<hbm>> -> memref<128xi32, #tpu.memory_space<hbm>>
        %dma_start3A_1398 = arith.constant 0 : i32
        %dma_start3A_1399 = tpu.memref_slice %arg8[%select_n3A_1375, %dma_start3A_1398] : memref<4x128xi32, #tpu.memory_space<vmem>> -> memref<1x128xi32, #tpu.memory_space<vmem>>
        %dma_start3A_1400 = tpu.memref_squeeze %dma_start3A_1399 : memref<1x128xi32, #tpu.memory_space<vmem>> -> memref<128xi32, #tpu.memory_space<vmem>>
        %dma_start3A_1401 = arith.constant 0 : i32
        %dma_start3A_1402 = tpu.memref_slice %arg3[%add3A, %min3A_1359, %dma_start3A_1401] : memref<32x78x128xi32, #tpu.memory_space<hbm>> -> memref<1x1x128xi32, #tpu.memory_space<hbm>>
        %dma_start3A_1403 = tpu.memref_squeeze %dma_start3A_1402 : memref<1x1x128xi32, #tpu.memory_space<hbm>> -> memref<128xi32, #tpu.memory_space<hbm>>
        tpu.enqueue_dma source(%dma_start3A_1403 : memref<128xi32, #tpu.memory_space<hbm>>) target(%dma_start3A_1400 : memref<128xi32, #tpu.memory_space<vmem>>) target_semaphore(%arg19 : memref<!tpu.dma_semaphore, #tpu.memory_space<semaphore_mem>>)
        %dma_start3A_1404 = arith.constant 0 : i32
        %dma_start3A_1405 = tpu.memref_slice %arg9[%select_n3A_1391, %dma_start3A_1404] : memref<4x128xi32, #tpu.memory_space<vmem>> -> memref<1x128xi32, #tpu.memory_space<vmem>>
        %dma_start3A_1406 = tpu.memref_squeeze %dma_start3A_1405 : memref<1x128xi32, #tpu.memory_space<vmem>> -> memref<128xi32, #tpu.memory_space<vmem>>
        %dma_start3A_1407 = arith.constant 0 : i32
        %dma_start3A_1408 = tpu.memref_slice %arg5[%add3A, %min3A_1359, %dma_start3A_1407] : memref<32x78x128xi32, #tpu.memory_space<hbm>> -> memref<1x1x128xi32, #tpu.memory_space<hbm>>
        %dma_start3A_1409 = tpu.memref_squeeze %dma_start3A_1408 : memref<1x1x128xi32, #tpu.memory_space<hbm>> -> memref<128xi32, #tpu.memory_space<hbm>>
        %dma_start3A_1410 = arith.constant 0 : i32
        %dma_start3A_1411 = tpu.memref_slice %arg9[%select_n3A_1391, %dma_start3A_1410] : memref<4x128xi32, #tpu.memory_space<vmem>> -> memref<1x128xi32, #tpu.memory_space<vmem>>
        %dma_start3A_1412 = tpu.memref_squeeze %dma_start3A_1411 : memref<1x128xi32, #tpu.memory_space<vmem>> -> memref<128xi32, #tpu.memory_space<vmem>>
        %dma_start3A_1413 = arith.constant 0 : i32
        %dma_start3A_1414 = tpu.memref_slice %arg5[%add3A, %min3A_1359, %dma_start3A_1413] : memref<32x78x128xi32, #tpu.memory_space<hbm>> -> memref<1x1x128xi32, #tpu.memory_space<hbm>>
        %dma_start3A_1415 = tpu.memref_squeeze %dma_start3A_1414 : memref<1x1x128xi32, #tpu.memory_space<hbm>> -> memref<128xi32, #tpu.memory_space<hbm>>
        tpu.enqueue_dma source(%dma_start3A_1415 : memref<128xi32, #tpu.memory_space<hbm>>) target(%dma_start3A_1412 : memref<128xi32, #tpu.memory_space<vmem>>) target_semaphore(%arg20 : memref<!tpu.dma_semaphore, #tpu.memory_space<semaphore_mem>>)
      } else {
      }
      %add3A_1037 = arith.constant 4 : i32
      %add3A_1038 = arith.addi %add3A_860, %add3A_1037 : i32
      %min3A_1039 = arith.constant 155 : i32
      %min3A_1040 = arith.minsi %add3A_1038, %min3A_1039 : i32
      %jit3A_1041 = arith.constant 2 : i32
      %div3A_1042 = arith.divsi %min3A_1040, %jit3A_1041 : i32
      %sign3A_1043 = arith.constant 0 : i32
      %sign3A_1044 = arith.cmpi sgt, %min3A_1040, %sign3A_1043 : i32
      %sign3A_1045 = arith.extui %sign3A_1044 : i1 to i32
      %sign3A_1046 = arith.constant 0 : i32
      %sign3A_1047 = arith.cmpi slt, %min3A_1040, %sign3A_1046 : i32
      %sign3A_1048 = arith.extui %sign3A_1047 : i1 to i32
      %sign3A_1049 = arith.subi %sign3A_1045, %sign3A_1048 : i32
      %sign3A_1050 = arith.constant 0 : i32
      %sign3A_1051 = arith.cmpi sgt, %jit3A_1041, %sign3A_1050 : i32
      %sign3A_1052 = arith.extui %sign3A_1051 : i1 to i32
      %sign3A_1053 = arith.constant 0 : i32
      %sign3A_1054 = arith.cmpi slt, %jit3A_1041, %sign3A_1053 : i32
      %sign3A_1055 = arith.extui %sign3A_1054 : i1 to i32
      %sign3A_1056 = arith.subi %sign3A_1052, %sign3A_1055 : i32
      %ne3A_1057 = arith.cmpi ne, %sign3A_1049, %sign3A_1056 : i32
      %rem3A_1058 = arith.remsi %min3A_1040, %jit3A_1041 : i32
      %ne3A_1059 = arith.constant 0 : i32
      %ne3A_1060 = arith.cmpi ne, %rem3A_1058, %ne3A_1059 : i32
      %and3A_1061 = arith.andi %ne3A_1057, %ne3A_1060 : i1
      %sub3A_1062 = arith.constant 1 : i32
      %sub3A_1063 = arith.subi %div3A_1042, %sub3A_1062 : i32
      %select_n3A_1064 = arith.select %and3A_1061, %sub3A_1063, %div3A_1042 : i32
      %jit3A_1065 = arith.constant 4 : i32
      %eq3A_1066 = arith.constant 0 : i32
      %eq3A_1067 = arith.cmpi eq, %jit3A_1065, %eq3A_1066 : i32
      %jit3A_1068 = arith.constant 1 : i32
      %select_n3A_1069 = arith.select %eq3A_1067, %jit3A_1068, %jit3A_1065 : i32
      %rem3A_1070 = arith.remsi %select_n3A_1064, %select_n3A_1069 : i32
      %ne3A_1071 = arith.constant 0 : i32
      %ne3A_1072 = arith.cmpi ne, %rem3A_1070, %ne3A_1071 : i32
      %lt3A_1073 = arith.constant 0 : i32
      %lt3A_1074 = arith.cmpi slt, %rem3A_1070, %lt3A_1073 : i32
      %lt3A_1075 = arith.constant 0 : i32
      %lt3A_1076 = arith.cmpi slt, %select_n3A_1069, %lt3A_1075 : i32
      %ne3A_1077 = arith.xori %lt3A_1074, %lt3A_1076 : i1
      %and3A_1078 = arith.andi %ne3A_1077, %ne3A_1072 : i1
      %add3A_1079 = arith.addi %rem3A_1070, %select_n3A_1069 : i32
      %select_n3A_1080 = arith.select %and3A_1078, %add3A_1079, %rem3A_1070 : i32
      %jit3A_1081 = arith.constant 2 : i32
      %eq3A_1082 = arith.constant 0 : i32
      %eq3A_1083 = arith.cmpi eq, %jit3A_1081, %eq3A_1082 : i32
      %jit3A_1084 = arith.constant 1 : i32
      %select_n3A_1085 = arith.select %eq3A_1083, %jit3A_1084, %jit3A_1081 : i32
      %rem3A_1086 = arith.remsi %min3A_1040, %select_n3A_1085 : i32
      %ne3A_1087 = arith.constant 0 : i32
      %ne3A_1088 = arith.cmpi ne, %rem3A_1086, %ne3A_1087 : i32
      %lt3A_1089 = arith.constant 0 : i32
      %lt3A_1090 = arith.cmpi slt, %rem3A_1086, %lt3A_1089 : i32
      %lt3A_1091 = arith.constant 0 : i32
      %lt3A_1092 = arith.cmpi slt, %select_n3A_1085, %lt3A_1091 : i32
      %ne3A_1093 = arith.xori %lt3A_1090, %lt3A_1092 : i1
      %and3A_1094 = arith.andi %ne3A_1093, %ne3A_1088 : i1
      %add3A_1095 = arith.addi %rem3A_1086, %select_n3A_1085 : i32
      %select_n3A_1096 = arith.select %and3A_1094, %add3A_1095, %rem3A_1086 : i32
      %mul3A_1097 = arith.constant 64 : i32
      %mul3A_1098 = arith.muli %select_n3A_1096, %mul3A_1097 : i32
      %dma_start3A_1099 = tpu.memref_slice %arg8[%select_n3A_1080, %mul3A_1098] : memref<4x128xi32, #tpu.memory_space<vmem>> -> memref<1x64xi32, #tpu.memory_space<vmem>>
      %dma_start3A_1100 = tpu.memref_squeeze %dma_start3A_1099 : memref<1x64xi32, #tpu.memory_space<vmem>> -> memref<64xi32, #tpu.memory_space<vmem>>
      %dma_start3A_1101 = arith.constant 0 : i32
      %dma_start3A_1102 = arith.constant 0 : i32
      %dma_start3A_1103 = tpu.memref_slice %arg2[%dma_start3A_1101, %dma_start3A_1102] : memref<10000x128xf32, #tpu.memory_space<hbm>> -> memref<10000x128xf32, #tpu.memory_space<hbm>>
      tpu.enqueue_indirect_dma source(%dma_start3A_1103 : memref<10000x128xf32, #tpu.memory_space<hbm>>) target(%arg14 : memref<64x128xf32, #tpu.memory_space<vmem>>) offsets(%dma_start3A_1100 : memref<64xi32, #tpu.memory_space<vmem>>) semaphore(%arg23 : memref<!tpu.dma_semaphore, #tpu.memory_space<semaphore_mem>>)
      %mul3A_1104 = arith.constant 5 : i32
      %mul3A_1105 = arith.muli %mul3A_1104, %add3A_128 : i32
      %add3A_1106 = arith.constant 4 : i32
      %add3A_1107 = arith.addi %mul3A_1105, %add3A_1106 : i32
      %jit3A_1108 = arith.constant 2 : i32
      %div3A_1109 = arith.divsi %add3A_1107, %jit3A_1108 : i32
      %sign3A_1110 = arith.constant 0 : i32
      %sign3A_1111 = arith.cmpi sgt, %add3A_1107, %sign3A_1110 : i32
      %sign3A_1112 = arith.extui %sign3A_1111 : i1 to i32
      %sign3A_1113 = arith.constant 0 : i32
      %sign3A_1114 = arith.cmpi slt, %add3A_1107, %sign3A_1113 : i32
      %sign3A_1115 = arith.extui %sign3A_1114 : i1 to i32
      %sign3A_1116 = arith.subi %sign3A_1112, %sign3A_1115 : i32
      %sign3A_1117 = arith.constant 0 : i32
      %sign3A_1118 = arith.cmpi sgt, %jit3A_1108, %sign3A_1117 : i32
      %sign3A_1119 = arith.extui %sign3A_1118 : i1 to i32
      %sign3A_1120 = arith.constant 0 : i32
      %sign3A_1121 = arith.cmpi slt, %jit3A_1108, %sign3A_1120 : i32
      %sign3A_1122 = arith.extui %sign3A_1121 : i1 to i32
      %sign3A_1123 = arith.subi %sign3A_1119, %sign3A_1122 : i32
      %ne3A_1124 = arith.cmpi ne, %sign3A_1116, %sign3A_1123 : i32
      %rem3A_1125 = arith.remsi %add3A_1107, %jit3A_1108 : i32
      %ne3A_1126 = arith.constant 0 : i32
      %ne3A_1127 = arith.cmpi ne, %rem3A_1125, %ne3A_1126 : i32
      %and3A_1128 = arith.andi %ne3A_1124, %ne3A_1127 : i1
      %sub3A_1129 = arith.constant 1 : i32
      %sub3A_1130 = arith.subi %div3A_1109, %sub3A_1129 : i32
      %select_n3A_1131 = arith.select %and3A_1128, %sub3A_1130, %div3A_1109 : i32
      %jit3A_1132 = arith.constant 2 : i32
      %div3A_1133 = arith.divsi %add3A_1107, %jit3A_1132 : i32
      %sign3A_1134 = arith.constant 0 : i32
      %sign3A_1135 = arith.cmpi sgt, %add3A_1107, %sign3A_1134 : i32
      %sign3A_1136 = arith.extui %sign3A_1135 : i1 to i32
      %sign3A_1137 = arith.constant 0 : i32
      %sign3A_1138 = arith.cmpi slt, %add3A_1107, %sign3A_1137 : i32
      %sign3A_1139 = arith.extui %sign3A_1138 : i1 to i32
      %sign3A_1140 = arith.subi %sign3A_1136, %sign3A_1139 : i32
      %sign3A_1141 = arith.constant 0 : i32
      %sign3A_1142 = arith.cmpi sgt, %jit3A_1132, %sign3A_1141 : i32
      %sign3A_1143 = arith.extui %sign3A_1142 : i1 to i32
      %sign3A_1144 = arith.constant 0 : i32
      %sign3A_1145 = arith.cmpi slt, %jit3A_1132, %sign3A_1144 : i32
      %sign3A_1146 = arith.extui %sign3A_1145 : i1 to i32
      %sign3A_1147 = arith.subi %sign3A_1143, %sign3A_1146 : i32
      %ne3A_1148 = arith.cmpi ne, %sign3A_1140, %sign3A_1147 : i32
      %rem3A_1149 = arith.remsi %add3A_1107, %jit3A_1132 : i32
      %ne3A_1150 = arith.constant 0 : i32
      %ne3A_1151 = arith.cmpi ne, %rem3A_1149, %ne3A_1150 : i32
      %and3A_1152 = arith.andi %ne3A_1148, %ne3A_1151 : i1
      %sub3A_1153 = arith.constant 1 : i32
      %sub3A_1154 = arith.subi %div3A_1133, %sub3A_1153 : i32
      %select_n3A_1155 = arith.select %and3A_1152, %sub3A_1154, %div3A_1133 : i32
      %jit3A_1156 = arith.constant 4 : i32
      %eq3A_1157 = arith.constant 0 : i32
      %eq3A_1158 = arith.cmpi eq, %jit3A_1156, %eq3A_1157 : i32
      %jit3A_1159 = arith.constant 1 : i32
      %select_n3A_1160 = arith.select %eq3A_1158, %jit3A_1159, %jit3A_1156 : i32
      %rem3A_1161 = arith.remsi %select_n3A_1155, %select_n3A_1160 : i32
      %ne3A_1162 = arith.constant 0 : i32
      %ne3A_1163 = arith.cmpi ne, %rem3A_1161, %ne3A_1162 : i32
      %lt3A_1164 = arith.constant 0 : i32
      %lt3A_1165 = arith.cmpi slt, %rem3A_1161, %lt3A_1164 : i32
      %lt3A_1166 = arith.constant 0 : i32
      %lt3A_1167 = arith.cmpi slt, %select_n3A_1160, %lt3A_1166 : i32
      %ne3A_1168 = arith.xori %lt3A_1165, %lt3A_1167 : i1
      %and3A_1169 = arith.andi %ne3A_1168, %ne3A_1163 : i1
      %add3A_1170 = arith.addi %rem3A_1161, %select_n3A_1160 : i32
      %select_n3A_1171 = arith.select %and3A_1169, %add3A_1170, %rem3A_1161 : i32
      %jit3A_1172 = arith.constant 2 : i32
      %eq3A_1173 = arith.constant 0 : i32
      %eq3A_1174 = arith.cmpi eq, %jit3A_1172, %eq3A_1173 : i32
      %jit3A_1175 = arith.constant 1 : i32
      %select_n3A_1176 = arith.select %eq3A_1174, %jit3A_1175, %jit3A_1172 : i32
      %rem3A_1177 = arith.remsi %add3A_1107, %select_n3A_1176 : i32
      %ne3A_1178 = arith.constant 0 : i32
      %ne3A_1179 = arith.cmpi ne, %rem3A_1177, %ne3A_1178 : i32
      %lt3A_1180 = arith.constant 0 : i32
      %lt3A_1181 = arith.cmpi slt, %rem3A_1177, %lt3A_1180 : i32
      %lt3A_1182 = arith.constant 0 : i32
      %lt3A_1183 = arith.cmpi slt, %select_n3A_1176, %lt3A_1182 : i32
      %ne3A_1184 = arith.xori %lt3A_1181, %lt3A_1183 : i1
      %and3A_1185 = arith.andi %ne3A_1184, %ne3A_1179 : i1
      %add3A_1186 = arith.addi %rem3A_1177, %select_n3A_1176 : i32
      %select_n3A_1187 = arith.select %and3A_1185, %add3A_1186, %rem3A_1177 : i32
      %mul3A_1188 = arith.constant 64 : i32
      %mul3A_1189 = arith.muli %select_n3A_1187, %mul3A_1188 : i32
      %dma_wait3A_1190 = tpu.memref_slice %arg8[%select_n3A_1171, %mul3A_1189] : memref<4x128xi32, #tpu.memory_space<vmem>> -> memref<1x64xi32, #tpu.memory_space<vmem>>
      %dma_wait3A_1191 = tpu.memref_squeeze %dma_wait3A_1190 : memref<1x64xi32, #tpu.memory_space<vmem>> -> memref<64xi32, #tpu.memory_space<vmem>>
      %dma_wait3A_1192 = arith.constant 0 : i32
      %dma_wait3A_1193 = arith.constant 0 : i32
      %dma_wait3A_1194 = tpu.memref_slice %arg2[%dma_wait3A_1192, %dma_wait3A_1193] : memref<10000x128xf32, #tpu.memory_space<hbm>> -> memref<10000x128xf32, #tpu.memory_space<hbm>>
      tpu.wait_indirect_dma semaphore(%arg25 : memref<!tpu.dma_semaphore, #tpu.memory_space<semaphore_mem>>) src(%dma_wait3A_1194 : memref<10000x128xf32, #tpu.memory_space<hbm>>) dst(%arg16 : memref<64x128xf32, #tpu.memory_space<vmem>>)
      %jit3A_1195 = arith.constant 2 : i32
      %div3A_1196 = arith.divsi %add3A_1107, %jit3A_1195 : i32
      %sign3A_1197 = arith.constant 0 : i32
      %sign3A_1198 = arith.cmpi sgt, %add3A_1107, %sign3A_1197 : i32
      %sign3A_1199 = arith.extui %sign3A_1198 : i1 to i32
      %sign3A_1200 = arith.constant 0 : i32
      %sign3A_1201 = arith.cmpi slt, %add3A_1107, %sign3A_1200 : i32
      %sign3A_1202 = arith.extui %sign3A_1201 : i1 to i32
      %sign3A_1203 = arith.subi %sign3A_1199, %sign3A_1202 : i32
      %sign3A_1204 = arith.constant 0 : i32
      %sign3A_1205 = arith.cmpi sgt, %jit3A_1195, %sign3A_1204 : i32
      %sign3A_1206 = arith.extui %sign3A_1205 : i1 to i32
      %sign3A_1207 = arith.constant 0 : i32
      %sign3A_1208 = arith.cmpi slt, %jit3A_1195, %sign3A_1207 : i32
      %sign3A_1209 = arith.extui %sign3A_1208 : i1 to i32
      %sign3A_1210 = arith.subi %sign3A_1206, %sign3A_1209 : i32
      %ne3A_1211 = arith.cmpi ne, %sign3A_1203, %sign3A_1210 : i32
      %rem3A_1212 = arith.remsi %add3A_1107, %jit3A_1195 : i32
      %ne3A_1213 = arith.constant 0 : i32
      %ne3A_1214 = arith.cmpi ne, %rem3A_1212, %ne3A_1213 : i32
      %and3A_1215 = arith.andi %ne3A_1211, %ne3A_1214 : i1
      %sub3A_1216 = arith.constant 1 : i32
      %sub3A_1217 = arith.subi %div3A_1196, %sub3A_1216 : i32
      %select_n3A_1218 = arith.select %and3A_1215, %sub3A_1217, %div3A_1196 : i32
      %jit3A_1219 = arith.constant 4 : i32
      %eq3A_1220 = arith.constant 0 : i32
      %eq3A_1221 = arith.cmpi eq, %jit3A_1219, %eq3A_1220 : i32
      %jit3A_1222 = arith.constant 1 : i32
      %select_n3A_1223 = arith.select %eq3A_1221, %jit3A_1222, %jit3A_1219 : i32
      %rem3A_1224 = arith.remsi %select_n3A_1218, %select_n3A_1223 : i32
      %ne3A_1225 = arith.constant 0 : i32
      %ne3A_1226 = arith.cmpi ne, %rem3A_1224, %ne3A_1225 : i32
      %lt3A_1227 = arith.constant 0 : i32
      %lt3A_1228 = arith.cmpi slt, %rem3A_1224, %lt3A_1227 : i32
      %lt3A_1229 = arith.constant 0 : i32
      %lt3A_1230 = arith.cmpi slt, %select_n3A_1223, %lt3A_1229 : i32
      %ne3A_1231 = arith.xori %lt3A_1228, %lt3A_1230 : i1
      %and3A_1232 = arith.andi %ne3A_1231, %ne3A_1226 : i1
      %add3A_1233 = arith.addi %rem3A_1224, %select_n3A_1223 : i32
      %select_n3A_1234 = arith.select %and3A_1232, %add3A_1233, %rem3A_1224 : i32
      %jit3A_1235 = arith.constant 2 : i32
      %eq3A_1236 = arith.constant 0 : i32
      %eq3A_1237 = arith.cmpi eq, %jit3A_1235, %eq3A_1236 : i32
      %jit3A_1238 = arith.constant 1 : i32
      %select_n3A_1239 = arith.select %eq3A_1237, %jit3A_1238, %jit3A_1235 : i32
      %rem3A_1240 = arith.remsi %add3A_1107, %select_n3A_1239 : i32
      %ne3A_1241 = arith.constant 0 : i32
      %ne3A_1242 = arith.cmpi ne, %rem3A_1240, %ne3A_1241 : i32
      %lt3A_1243 = arith.constant 0 : i32
      %lt3A_1244 = arith.cmpi slt, %rem3A_1240, %lt3A_1243 : i32
      %lt3A_1245 = arith.constant 0 : i32
      %lt3A_1246 = arith.cmpi slt, %select_n3A_1239, %lt3A_1245 : i32
      %ne3A_1247 = arith.xori %lt3A_1244, %lt3A_1246 : i1
      %and3A_1248 = arith.andi %ne3A_1247, %ne3A_1242 : i1
      %add3A_1249 = arith.addi %rem3A_1240, %select_n3A_1239 : i32
      %select_n3A_1250 = arith.select %and3A_1248, %add3A_1249, %rem3A_1240 : i32
      %mul3A_1251 = arith.constant 64 : i32
      %mul3A_1252 = arith.muli %select_n3A_1250, %mul3A_1251 : i32
      %dma_start3A_1253 = tpu.memref_slice %arg9[%select_n3A_1234, %mul3A_1252] : memref<4x128xi32, #tpu.memory_space<vmem>> -> memref<1x64xi32, #tpu.memory_space<vmem>>
      %dma_start3A_1254 = tpu.memref_squeeze %dma_start3A_1253 : memref<1x64xi32, #tpu.memory_space<vmem>> -> memref<64xi32, #tpu.memory_space<vmem>>
      %dma_start3A_1255 = arith.constant 0 : i32
      %dma_start3A_1256 = arith.constant 0 : i32
      %dma_start3A_1257 = tpu.memref_slice %arg18[%dma_start3A_1255, %dma_start3A_1256] : memref<10240x128xf32, #tpu.memory_space<vmem_shared>> -> memref<10240x128xf32, #tpu.memory_space<vmem_shared>>
      tpu.enqueue_indirect_dma source(%arg16 : memref<64x128xf32, #tpu.memory_space<vmem>>) target(%dma_start3A_1257 : memref<10240x128xf32, #tpu.memory_space<vmem_shared>>) offsets(%dma_start3A_1254 : memref<64xi32, #tpu.memory_space<vmem>>) semaphore(%arg30 : memref<!tpu.dma_semaphore, #tpu.memory_space<semaphore_mem>>) {add = true}
      %ge3A_1258 = arith.constant 1 : i32
      %ge3A_1259 = arith.cmpi sge, %add3A_1107, %ge3A_1258 : i32
      %convert_element_type3A_1260 = arith.extui %ge3A_1259 : i1 to i32
      %cond3A_1261 = arith.constant 0 : i32
      %cond3A_1262 = arith.cmpi ne, %convert_element_type3A_1260, %cond3A_1261 : i32
      scf.if %cond3A_1262 {
        %sub3A_1351 = arith.constant 1 : i32
        %sub3A_1352 = arith.subi %add3A_1107, %sub3A_1351 : i32
        %jit3A_1353 = arith.constant 2 : i32
        %div3A_1354 = arith.divsi %sub3A_1352, %jit3A_1353 : i32
        %sign3A_1355 = arith.constant 0 : i32
        %sign3A_1356 = arith.cmpi sgt, %sub3A_1352, %sign3A_1355 : i32
        %sign3A_1357 = arith.extui %sign3A_1356 : i1 to i32
        %sign3A_1358 = arith.constant 0 : i32
        %sign3A_1359 = arith.cmpi slt, %sub3A_1352, %sign3A_1358 : i32
        %sign3A_1360 = arith.extui %sign3A_1359 : i1 to i32
        %sign3A_1361 = arith.subi %sign3A_1357, %sign3A_1360 : i32
        %sign3A_1362 = arith.constant 0 : i32
        %sign3A_1363 = arith.cmpi sgt, %jit3A_1353, %sign3A_1362 : i32
        %sign3A_1364 = arith.extui %sign3A_1363 : i1 to i32
        %sign3A_1365 = arith.constant 0 : i32
        %sign3A_1366 = arith.cmpi slt, %jit3A_1353, %sign3A_1365 : i32
        %sign3A_1367 = arith.extui %sign3A_1366 : i1 to i32
        %sign3A_1368 = arith.subi %sign3A_1364, %sign3A_1367 : i32
        %ne3A_1369 = arith.cmpi ne, %sign3A_1361, %sign3A_1368 : i32
        %rem3A_1370 = arith.remsi %sub3A_1352, %jit3A_1353 : i32
        %ne3A_1371 = arith.constant 0 : i32
        %ne3A_1372 = arith.cmpi ne, %rem3A_1370, %ne3A_1371 : i32
        %and3A_1373 = arith.andi %ne3A_1369, %ne3A_1372 : i1
        %sub3A_1374 = arith.constant 1 : i32
        %sub3A_1375 = arith.subi %div3A_1354, %sub3A_1374 : i32
        %select_n3A_1376 = arith.select %and3A_1373, %sub3A_1375, %div3A_1354 : i32
        %jit3A_1377 = arith.constant 4 : i32
        %eq3A_1378 = arith.constant 0 : i32
        %eq3A_1379 = arith.cmpi eq, %jit3A_1377, %eq3A_1378 : i32
        %jit3A_1380 = arith.constant 1 : i32
        %select_n3A_1381 = arith.select %eq3A_1379, %jit3A_1380, %jit3A_1377 : i32
        %rem3A_1382 = arith.remsi %select_n3A_1376, %select_n3A_1381 : i32
        %ne3A_1383 = arith.constant 0 : i32
        %ne3A_1384 = arith.cmpi ne, %rem3A_1382, %ne3A_1383 : i32
        %lt3A_1385 = arith.constant 0 : i32
        %lt3A_1386 = arith.cmpi slt, %rem3A_1382, %lt3A_1385 : i32
        %lt3A_1387 = arith.constant 0 : i32
        %lt3A_1388 = arith.cmpi slt, %select_n3A_1381, %lt3A_1387 : i32
        %ne3A_1389 = arith.xori %lt3A_1386, %lt3A_1388 : i1
        %and3A_1390 = arith.andi %ne3A_1389, %ne3A_1384 : i1
        %add3A_1391 = arith.addi %rem3A_1382, %select_n3A_1381 : i32
        %select_n3A_1392 = arith.select %and3A_1390, %add3A_1391, %rem3A_1382 : i32
        %jit3A_1393 = arith.constant 2 : i32
        %eq3A_1394 = arith.constant 0 : i32
        %eq3A_1395 = arith.cmpi eq, %jit3A_1393, %eq3A_1394 : i32
        %jit3A_1396 = arith.constant 1 : i32
        %select_n3A_1397 = arith.select %eq3A_1395, %jit3A_1396, %jit3A_1393 : i32
        %rem3A_1398 = arith.remsi %sub3A_1352, %select_n3A_1397 : i32
        %ne3A_1399 = arith.constant 0 : i32
        %ne3A_1400 = arith.cmpi ne, %rem3A_1398, %ne3A_1399 : i32
        %lt3A_1401 = arith.constant 0 : i32
        %lt3A_1402 = arith.cmpi slt, %rem3A_1398, %lt3A_1401 : i32
        %lt3A_1403 = arith.constant 0 : i32
        %lt3A_1404 = arith.cmpi slt, %select_n3A_1397, %lt3A_1403 : i32
        %ne3A_1405 = arith.xori %lt3A_1402, %lt3A_1404 : i1
        %and3A_1406 = arith.andi %ne3A_1405, %ne3A_1400 : i1
        %add3A_1407 = arith.addi %rem3A_1398, %select_n3A_1397 : i32
        %select_n3A_1408 = arith.select %and3A_1406, %add3A_1407, %rem3A_1398 : i32
        %mul3A_1409 = arith.constant 64 : i32
        %mul3A_1410 = arith.muli %select_n3A_1408, %mul3A_1409 : i32
        %dma_wait3A_1411 = tpu.memref_slice %arg9[%select_n3A_1392, %mul3A_1410] : memref<4x128xi32, #tpu.memory_space<vmem>> -> memref<1x64xi32, #tpu.memory_space<vmem>>
        %dma_wait3A_1412 = tpu.memref_squeeze %dma_wait3A_1411 : memref<1x64xi32, #tpu.memory_space<vmem>> -> memref<64xi32, #tpu.memory_space<vmem>>
        %dma_wait3A_1413 = arith.constant 0 : i32
        %dma_wait3A_1414 = arith.constant 0 : i32
        %dma_wait3A_1415 = tpu.memref_slice %arg18[%dma_wait3A_1413, %dma_wait3A_1414] : memref<10240x128xf32, #tpu.memory_space<vmem_shared>> -> memref<10240x128xf32, #tpu.memory_space<vmem_shared>>
        tpu.wait_indirect_dma semaphore(%arg29 : memref<!tpu.dma_semaphore, #tpu.memory_space<semaphore_mem>>) src(%arg15 : memref<64x128xf32, #tpu.memory_space<vmem>>) dst(%dma_wait3A_1415 : memref<10240x128xf32, #tpu.memory_space<vmem_shared>>)
      } else {
      }
      %jit3A_1263 = arith.constant 2 : i32
      %eq3A_1264 = arith.constant 0 : i32
      %eq3A_1265 = arith.cmpi eq, %jit3A_1263, %eq3A_1264 : i32
      %jit3A_1266 = arith.constant 1 : i32
      %select_n3A_1267 = arith.select %eq3A_1265, %jit3A_1266, %jit3A_1263 : i32
      %rem3A_1268 = arith.remsi %add3A_1107, %select_n3A_1267 : i32
      %ne3A_1269 = arith.constant 0 : i32
      %ne3A_1270 = arith.cmpi ne, %rem3A_1268, %ne3A_1269 : i32
      %lt3A_1271 = arith.constant 0 : i32
      %lt3A_1272 = arith.cmpi slt, %rem3A_1268, %lt3A_1271 : i32
      %lt3A_1273 = arith.constant 0 : i32
      %lt3A_1274 = arith.cmpi slt, %select_n3A_1267, %lt3A_1273 : i32
      %ne3A_1275 = arith.xori %lt3A_1272, %lt3A_1274 : i1
      %and3A_1276 = arith.andi %ne3A_1275, %ne3A_1270 : i1
      %add3A_1277 = arith.addi %rem3A_1268, %select_n3A_1267 : i32
      %select_n3A_1278 = arith.select %and3A_1276, %add3A_1277, %rem3A_1268 : i32
      %eq3A_1279 = arith.constant 0 : i32
      %eq3A_1280 = arith.cmpi eq, %select_n3A_1278, %eq3A_1279 : i32
      %convert_element_type3A_1281 = arith.extui %eq3A_1280 : i1 to i32
      %cond3A_1282 = arith.constant 0 : i32
      %cond3A_1283 = arith.cmpi ne, %convert_element_type3A_1281, %cond3A_1282 : i32
      scf.if %cond3A_1283 {
        %ge3A_1351 = arith.constant 2 : i32
        %ge3A_1352 = arith.cmpi sge, %add3A_1107, %ge3A_1351 : i32
        %convert_element_type3A_1353 = arith.extui %ge3A_1352 : i1 to i32
        %cond3A_1354 = arith.constant 0 : i32
        %cond3A_1355 = arith.cmpi ne, %convert_element_type3A_1353, %cond3A_1354 : i32
        scf.if %cond3A_1355 {
          %add3A_1416 = arith.constant 2 : i32
          %add3A_1417 = arith.addi %select_n3A_1131, %add3A_1416 : i32
          %min3A_1418 = arith.constant 77 : i32
          %min3A_1419 = arith.minsi %add3A_1417, %min3A_1418 : i32
          %jit3A_1420 = arith.constant 4 : i32
          %eq3A_1421 = arith.constant 0 : i32
          %eq3A_1422 = arith.cmpi eq, %jit3A_1420, %eq3A_1421 : i32
          %jit3A_1423 = arith.constant 1 : i32
          %select_n3A_1424 = arith.select %eq3A_1422, %jit3A_1423, %jit3A_1420 : i32
          %rem3A_1425 = arith.remsi %add3A_1417, %select_n3A_1424 : i32
          %ne3A_1426 = arith.constant 0 : i32
          %ne3A_1427 = arith.cmpi ne, %rem3A_1425, %ne3A_1426 : i32
          %lt3A_1428 = arith.constant 0 : i32
          %lt3A_1429 = arith.cmpi slt, %rem3A_1425, %lt3A_1428 : i32
          %lt3A_1430 = arith.constant 0 : i32
          %lt3A_1431 = arith.cmpi slt, %select_n3A_1424, %lt3A_1430 : i32
          %ne3A_1432 = arith.xori %lt3A_1429, %lt3A_1431 : i1
          %and3A_1433 = arith.andi %ne3A_1432, %ne3A_1427 : i1
          %add3A_1434 = arith.addi %rem3A_1425, %select_n3A_1424 : i32
          %select_n3A_1435 = arith.select %and3A_1433, %add3A_1434, %rem3A_1425 : i32
          %jit3A_1436 = arith.constant 4 : i32
          %eq3A_1437 = arith.constant 0 : i32
          %eq3A_1438 = arith.cmpi eq, %jit3A_1436, %eq3A_1437 : i32
          %jit3A_1439 = arith.constant 1 : i32
          %select_n3A_1440 = arith.select %eq3A_1438, %jit3A_1439, %jit3A_1436 : i32
          %rem3A_1441 = arith.remsi %add3A_1417, %select_n3A_1440 : i32
          %ne3A_1442 = arith.constant 0 : i32
          %ne3A_1443 = arith.cmpi ne, %rem3A_1441, %ne3A_1442 : i32
          %lt3A_1444 = arith.constant 0 : i32
          %lt3A_1445 = arith.cmpi slt, %rem3A_1441, %lt3A_1444 : i32
          %lt3A_1446 = arith.constant 0 : i32
          %lt3A_1447 = arith.cmpi slt, %select_n3A_1440, %lt3A_1446 : i32
          %ne3A_1448 = arith.xori %lt3A_1445, %lt3A_1447 : i1
          %and3A_1449 = arith.andi %ne3A_1448, %ne3A_1443 : i1
          %add3A_1450 = arith.addi %rem3A_1441, %select_n3A_1440 : i32
          %select_n3A_1451 = arith.select %and3A_1449, %add3A_1450, %rem3A_1441 : i32
          %dma_wait3A_1452 = arith.constant 0 : i32
          %dma_wait3A_1453 = tpu.memref_slice %arg8[%select_n3A_1435, %dma_wait3A_1452] : memref<4x128xi32, #tpu.memory_space<vmem>> -> memref<1x128xi32, #tpu.memory_space<vmem>>
          %dma_wait3A_1454 = tpu.memref_squeeze %dma_wait3A_1453 : memref<1x128xi32, #tpu.memory_space<vmem>> -> memref<128xi32, #tpu.memory_space<vmem>>
          %dma_wait3A_1455 = arith.constant 0 : i32
          %dma_wait3A_1456 = tpu.memref_slice %arg3[%add3A, %min3A_1419, %dma_wait3A_1455] : memref<32x78x128xi32, #tpu.memory_space<hbm>> -> memref<1x1x128xi32, #tpu.memory_space<hbm>>
          %dma_wait3A_1457 = tpu.memref_squeeze %dma_wait3A_1456 : memref<1x1x128xi32, #tpu.memory_space<hbm>> -> memref<128xi32, #tpu.memory_space<hbm>>
          %dma_wait3A_1458 = arith.constant 0 : i32
          %dma_wait3A_1459 = tpu.memref_slice %arg8[%select_n3A_1435, %dma_wait3A_1458] : memref<4x128xi32, #tpu.memory_space<vmem>> -> memref<1x128xi32, #tpu.memory_space<vmem>>
          %dma_wait3A_1460 = tpu.memref_squeeze %dma_wait3A_1459 : memref<1x128xi32, #tpu.memory_space<vmem>> -> memref<128xi32, #tpu.memory_space<vmem>>
          %dma_wait3A_1461 = arith.constant 0 : i32
          %dma_wait3A_1462 = tpu.memref_slice %arg3[%add3A, %min3A_1419, %dma_wait3A_1461] : memref<32x78x128xi32, #tpu.memory_space<hbm>> -> memref<1x1x128xi32, #tpu.memory_space<hbm>>
          %dma_wait3A_1463 = tpu.memref_squeeze %dma_wait3A_1462 : memref<1x1x128xi32, #tpu.memory_space<hbm>> -> memref<128xi32, #tpu.memory_space<hbm>>
          tpu.wait_dma2 semaphore(%arg19 : memref<!tpu.dma_semaphore, #tpu.memory_space<semaphore_mem>>) src(%dma_wait3A_1463 : memref<128xi32, #tpu.memory_space<hbm>>) dst(%dma_wait3A_1460 : memref<128xi32, #tpu.memory_space<vmem>>)
          %dma_wait3A_1464 = arith.constant 0 : i32
          %dma_wait3A_1465 = tpu.memref_slice %arg9[%select_n3A_1451, %dma_wait3A_1464] : memref<4x128xi32, #tpu.memory_space<vmem>> -> memref<1x128xi32, #tpu.memory_space<vmem>>
          %dma_wait3A_1466 = tpu.memref_squeeze %dma_wait3A_1465 : memref<1x128xi32, #tpu.memory_space<vmem>> -> memref<128xi32, #tpu.memory_space<vmem>>
          %dma_wait3A_1467 = arith.constant 0 : i32
          %dma_wait3A_1468 = tpu.memref_slice %arg5[%add3A, %min3A_1419, %dma_wait3A_1467] : memref<32x78x128xi32, #tpu.memory_space<hbm>> -> memref<1x1x128xi32, #tpu.memory_space<hbm>>
          %dma_wait3A_1469 = tpu.memref_squeeze %dma_wait3A_1468 : memref<1x1x128xi32, #tpu.memory_space<hbm>> -> memref<128xi32, #tpu.memory_space<hbm>>
          %dma_wait3A_1470 = arith.constant 0 : i32
          %dma_wait3A_1471 = tpu.memref_slice %arg9[%select_n3A_1451, %dma_wait3A_1470] : memref<4x128xi32, #tpu.memory_space<vmem>> -> memref<1x128xi32, #tpu.memory_space<vmem>>
          %dma_wait3A_1472 = tpu.memref_squeeze %dma_wait3A_1471 : memref<1x128xi32, #tpu.memory_space<vmem>> -> memref<128xi32, #tpu.memory_space<vmem>>
          %dma_wait3A_1473 = arith.constant 0 : i32
          %dma_wait3A_1474 = tpu.memref_slice %arg5[%add3A, %min3A_1419, %dma_wait3A_1473] : memref<32x78x128xi32, #tpu.memory_space<hbm>> -> memref<1x1x128xi32, #tpu.memory_space<hbm>>
          %dma_wait3A_1475 = tpu.memref_squeeze %dma_wait3A_1474 : memref<1x1x128xi32, #tpu.memory_space<hbm>> -> memref<128xi32, #tpu.memory_space<hbm>>
          tpu.wait_dma2 semaphore(%arg20 : memref<!tpu.dma_semaphore, #tpu.memory_space<semaphore_mem>>) src(%dma_wait3A_1475 : memref<128xi32, #tpu.memory_space<hbm>>) dst(%dma_wait3A_1472 : memref<128xi32, #tpu.memory_space<vmem>>)
        } else {
        }
        %add3A_1356 = arith.constant 3 : i32
        %add3A_1357 = arith.addi %select_n3A_1131, %add3A_1356 : i32
        %min3A_1358 = arith.constant 77 : i32
        %min3A_1359 = arith.minsi %add3A_1357, %min3A_1358 : i32
        %jit3A_1360 = arith.constant 4 : i32
        %eq3A_1361 = arith.constant 0 : i32
        %eq3A_1362 = arith.cmpi eq, %jit3A_1360, %eq3A_1361 : i32
        %jit3A_1363 = arith.constant 1 : i32
        %select_n3A_1364 = arith.select %eq3A_1362, %jit3A_1363, %jit3A_1360 : i32
        %rem3A_1365 = arith.remsi %add3A_1357, %select_n3A_1364 : i32
        %ne3A_1366 = arith.constant 0 : i32
        %ne3A_1367 = arith.cmpi ne, %rem3A_1365, %ne3A_1366 : i32
        %lt3A_1368 = arith.constant 0 : i32
        %lt3A_1369 = arith.cmpi slt, %rem3A_1365, %lt3A_1368 : i32
        %lt3A_1370 = arith.constant 0 : i32
        %lt3A_1371 = arith.cmpi slt, %select_n3A_1364, %lt3A_1370 : i32
        %ne3A_1372 = arith.xori %lt3A_1369, %lt3A_1371 : i1
        %and3A_1373 = arith.andi %ne3A_1372, %ne3A_1367 : i1
        %add3A_1374 = arith.addi %rem3A_1365, %select_n3A_1364 : i32
        %select_n3A_1375 = arith.select %and3A_1373, %add3A_1374, %rem3A_1365 : i32
        %jit3A_1376 = arith.constant 4 : i32
        %eq3A_1377 = arith.constant 0 : i32
        %eq3A_1378 = arith.cmpi eq, %jit3A_1376, %eq3A_1377 : i32
        %jit3A_1379 = arith.constant 1 : i32
        %select_n3A_1380 = arith.select %eq3A_1378, %jit3A_1379, %jit3A_1376 : i32
        %rem3A_1381 = arith.remsi %add3A_1357, %select_n3A_1380 : i32
        %ne3A_1382 = arith.constant 0 : i32
        %ne3A_1383 = arith.cmpi ne, %rem3A_1381, %ne3A_1382 : i32
        %lt3A_1384 = arith.constant 0 : i32
        %lt3A_1385 = arith.cmpi slt, %rem3A_1381, %lt3A_1384 : i32
        %lt3A_1386 = arith.constant 0 : i32
        %lt3A_1387 = arith.cmpi slt, %select_n3A_1380, %lt3A_1386 : i32
        %ne3A_1388 = arith.xori %lt3A_1385, %lt3A_1387 : i1
        %and3A_1389 = arith.andi %ne3A_1388, %ne3A_1383 : i1
        %add3A_1390 = arith.addi %rem3A_1381, %select_n3A_1380 : i32
        %select_n3A_1391 = arith.select %and3A_1389, %add3A_1390, %rem3A_1381 : i32
        %dma_start3A_1392 = arith.constant 0 : i32
        %dma_start3A_1393 = tpu.memref_slice %arg8[%select_n3A_1375, %dma_start3A_1392] : memref<4x128xi32, #tpu.memory_space<vmem>> -> memref<1x128xi32, #tpu.memory_space<vmem>>
        %dma_start3A_1394 = tpu.memref_squeeze %dma_start3A_1393 : memref<1x128xi32, #tpu.memory_space<vmem>> -> memref<128xi32, #tpu.memory_space<vmem>>
        %dma_start3A_1395 = arith.constant 0 : i32
        %dma_start3A_1396 = tpu.memref_slice %arg3[%add3A, %min3A_1359, %dma_start3A_1395] : memref<32x78x128xi32, #tpu.memory_space<hbm>> -> memref<1x1x128xi32, #tpu.memory_space<hbm>>
        %dma_start3A_1397 = tpu.memref_squeeze %dma_start3A_1396 : memref<1x1x128xi32, #tpu.memory_space<hbm>> -> memref<128xi32, #tpu.memory_space<hbm>>
        %dma_start3A_1398 = arith.constant 0 : i32
        %dma_start3A_1399 = tpu.memref_slice %arg8[%select_n3A_1375, %dma_start3A_1398] : memref<4x128xi32, #tpu.memory_space<vmem>> -> memref<1x128xi32, #tpu.memory_space<vmem>>
        %dma_start3A_1400 = tpu.memref_squeeze %dma_start3A_1399 : memref<1x128xi32, #tpu.memory_space<vmem>> -> memref<128xi32, #tpu.memory_space<vmem>>
        %dma_start3A_1401 = arith.constant 0 : i32
        %dma_start3A_1402 = tpu.memref_slice %arg3[%add3A, %min3A_1359, %dma_start3A_1401] : memref<32x78x128xi32, #tpu.memory_space<hbm>> -> memref<1x1x128xi32, #tpu.memory_space<hbm>>
        %dma_start3A_1403 = tpu.memref_squeeze %dma_start3A_1402 : memref<1x1x128xi32, #tpu.memory_space<hbm>> -> memref<128xi32, #tpu.memory_space<hbm>>
        tpu.enqueue_dma source(%dma_start3A_1403 : memref<128xi32, #tpu.memory_space<hbm>>) target(%dma_start3A_1400 : memref<128xi32, #tpu.memory_space<vmem>>) target_semaphore(%arg19 : memref<!tpu.dma_semaphore, #tpu.memory_space<semaphore_mem>>)
        %dma_start3A_1404 = arith.constant 0 : i32
        %dma_start3A_1405 = tpu.memref_slice %arg9[%select_n3A_1391, %dma_start3A_1404] : memref<4x128xi32, #tpu.memory_space<vmem>> -> memref<1x128xi32, #tpu.memory_space<vmem>>
        %dma_start3A_1406 = tpu.memref_squeeze %dma_start3A_1405 : memref<1x128xi32, #tpu.memory_space<vmem>> -> memref<128xi32, #tpu.memory_space<vmem>>
        %dma_start3A_1407 = arith.constant 0 : i32
        %dma_start3A_1408 = tpu.memref_slice %arg5[%add3A, %min3A_1359, %dma_start3A_1407] : memref<32x78x128xi32, #tpu.memory_space<hbm>> -> memref<1x1x128xi32, #tpu.memory_space<hbm>>
        %dma_start3A_1409 = tpu.memref_squeeze %dma_start3A_1408 : memref<1x1x128xi32, #tpu.memory_space<hbm>> -> memref<128xi32, #tpu.memory_space<hbm>>
        %dma_start3A_1410 = arith.constant 0 : i32
        %dma_start3A_1411 = tpu.memref_slice %arg9[%select_n3A_1391, %dma_start3A_1410] : memref<4x128xi32, #tpu.memory_space<vmem>> -> memref<1x128xi32, #tpu.memory_space<vmem>>
        %dma_start3A_1412 = tpu.memref_squeeze %dma_start3A_1411 : memref<1x128xi32, #tpu.memory_space<vmem>> -> memref<128xi32, #tpu.memory_space<vmem>>
        %dma_start3A_1413 = arith.constant 0 : i32
        %dma_start3A_1414 = tpu.memref_slice %arg5[%add3A, %min3A_1359, %dma_start3A_1413] : memref<32x78x128xi32, #tpu.memory_space<hbm>> -> memref<1x1x128xi32, #tpu.memory_space<hbm>>
        %dma_start3A_1415 = tpu.memref_squeeze %dma_start3A_1414 : memref<1x1x128xi32, #tpu.memory_space<hbm>> -> memref<128xi32, #tpu.memory_space<hbm>>
        tpu.enqueue_dma source(%dma_start3A_1415 : memref<128xi32, #tpu.memory_space<hbm>>) target(%dma_start3A_1412 : memref<128xi32, #tpu.memory_space<vmem>>) target_semaphore(%arg20 : memref<!tpu.dma_semaphore, #tpu.memory_space<semaphore_mem>>)
      } else {
      }
      %add3A_1284 = arith.constant 4 : i32
      %add3A_1285 = arith.addi %add3A_1107, %add3A_1284 : i32
      %min3A_1286 = arith.constant 155 : i32
      %min3A_1287 = arith.minsi %add3A_1285, %min3A_1286 : i32
      %jit3A_1288 = arith.constant 2 : i32
      %div3A_1289 = arith.divsi %min3A_1287, %jit3A_1288 : i32
      %sign3A_1290 = arith.constant 0 : i32
      %sign3A_1291 = arith.cmpi sgt, %min3A_1287, %sign3A_1290 : i32
      %sign3A_1292 = arith.extui %sign3A_1291 : i1 to i32
      %sign3A_1293 = arith.constant 0 : i32
      %sign3A_1294 = arith.cmpi slt, %min3A_1287, %sign3A_1293 : i32
      %sign3A_1295 = arith.extui %sign3A_1294 : i1 to i32
      %sign3A_1296 = arith.subi %sign3A_1292, %sign3A_1295 : i32
      %sign3A_1297 = arith.constant 0 : i32
      %sign3A_1298 = arith.cmpi sgt, %jit3A_1288, %sign3A_1297 : i32
      %sign3A_1299 = arith.extui %sign3A_1298 : i1 to i32
      %sign3A_1300 = arith.constant 0 : i32
      %sign3A_1301 = arith.cmpi slt, %jit3A_1288, %sign3A_1300 : i32
      %sign3A_1302 = arith.extui %sign3A_1301 : i1 to i32
      %sign3A_1303 = arith.subi %sign3A_1299, %sign3A_1302 : i32
      %ne3A_1304 = arith.cmpi ne, %sign3A_1296, %sign3A_1303 : i32
      %rem3A_1305 = arith.remsi %min3A_1287, %jit3A_1288 : i32
      %ne3A_1306 = arith.constant 0 : i32
      %ne3A_1307 = arith.cmpi ne, %rem3A_1305, %ne3A_1306 : i32
      %and3A_1308 = arith.andi %ne3A_1304, %ne3A_1307 : i1
      %sub3A_1309 = arith.constant 1 : i32
      %sub3A_1310 = arith.subi %div3A_1289, %sub3A_1309 : i32
      %select_n3A_1311 = arith.select %and3A_1308, %sub3A_1310, %div3A_1289 : i32
      %jit3A_1312 = arith.constant 4 : i32
      %eq3A_1313 = arith.constant 0 : i32
      %eq3A_1314 = arith.cmpi eq, %jit3A_1312, %eq3A_1313 : i32
      %jit3A_1315 = arith.constant 1 : i32
      %select_n3A_1316 = arith.select %eq3A_1314, %jit3A_1315, %jit3A_1312 : i32
      %rem3A_1317 = arith.remsi %select_n3A_1311, %select_n3A_1316 : i32
      %ne3A_1318 = arith.constant 0 : i32
      %ne3A_1319 = arith.cmpi ne, %rem3A_1317, %ne3A_1318 : i32
      %lt3A_1320 = arith.constant 0 : i32
      %lt3A_1321 = arith.cmpi slt, %rem3A_1317, %lt3A_1320 : i32
      %lt3A_1322 = arith.constant 0 : i32
      %lt3A_1323 = arith.cmpi slt, %select_n3A_1316, %lt3A_1322 : i32
      %ne3A_1324 = arith.xori %lt3A_1321, %lt3A_1323 : i1
      %and3A_1325 = arith.andi %ne3A_1324, %ne3A_1319 : i1
      %add3A_1326 = arith.addi %rem3A_1317, %select_n3A_1316 : i32
      %select_n3A_1327 = arith.select %and3A_1325, %add3A_1326, %rem3A_1317 : i32
      %jit3A_1328 = arith.constant 2 : i32
      %eq3A_1329 = arith.constant 0 : i32
      %eq3A_1330 = arith.cmpi eq, %jit3A_1328, %eq3A_1329 : i32
      %jit3A_1331 = arith.constant 1 : i32
      %select_n3A_1332 = arith.select %eq3A_1330, %jit3A_1331, %jit3A_1328 : i32
      %rem3A_1333 = arith.remsi %min3A_1287, %select_n3A_1332 : i32
      %ne3A_1334 = arith.constant 0 : i32
      %ne3A_1335 = arith.cmpi ne, %rem3A_1333, %ne3A_1334 : i32
      %lt3A_1336 = arith.constant 0 : i32
      %lt3A_1337 = arith.cmpi slt, %rem3A_1333, %lt3A_1336 : i32
      %lt3A_1338 = arith.constant 0 : i32
      %lt3A_1339 = arith.cmpi slt, %select_n3A_1332, %lt3A_1338 : i32
      %ne3A_1340 = arith.xori %lt3A_1337, %lt3A_1339 : i1
      %and3A_1341 = arith.andi %ne3A_1340, %ne3A_1335 : i1
      %add3A_1342 = arith.addi %rem3A_1333, %select_n3A_1332 : i32
      %select_n3A_1343 = arith.select %and3A_1341, %add3A_1342, %rem3A_1333 : i32
      %mul3A_1344 = arith.constant 64 : i32
      %mul3A_1345 = arith.muli %select_n3A_1343, %mul3A_1344 : i32
      %dma_start3A_1346 = tpu.memref_slice %arg8[%select_n3A_1327, %mul3A_1345] : memref<4x128xi32, #tpu.memory_space<vmem>> -> memref<1x64xi32, #tpu.memory_space<vmem>>
      %dma_start3A_1347 = tpu.memref_squeeze %dma_start3A_1346 : memref<1x64xi32, #tpu.memory_space<vmem>> -> memref<64xi32, #tpu.memory_space<vmem>>
      %dma_start3A_1348 = arith.constant 0 : i32
      %dma_start3A_1349 = arith.constant 0 : i32
      %dma_start3A_1350 = tpu.memref_slice %arg2[%dma_start3A_1348, %dma_start3A_1349] : memref<10000x128xf32, #tpu.memory_space<hbm>> -> memref<10000x128xf32, #tpu.memory_space<hbm>>
      tpu.enqueue_indirect_dma source(%dma_start3A_1350 : memref<10000x128xf32, #tpu.memory_space<hbm>>) target(%arg15 : memref<64x128xf32, #tpu.memory_space<vmem>>) offsets(%dma_start3A_1347 : memref<64xi32, #tpu.memory_space<vmem>>) semaphore(%arg24 : memref<!tpu.dma_semaphore, #tpu.memory_space<semaphore_mem>>)
    }
    %scan3A_42 = arith.constant 31 : i32
    %dma_wait3A = arith.constant 1 : i32
    %dma_wait3A_43 = arith.constant 64 : i32
    %dma_wait3A_44 = tpu.memref_slice %arg8[%dma_wait3A, %dma_wait3A_43] : memref<4x128xi32, #tpu.memory_space<vmem>> -> memref<1x64xi32, #tpu.memory_space<vmem>>
    %dma_wait3A_45 = tpu.memref_squeeze %dma_wait3A_44 : memref<1x64xi32, #tpu.memory_space<vmem>> -> memref<64xi32, #tpu.memory_space<vmem>>
    %dma_wait3A_46 = arith.constant 0 : i32
    %dma_wait3A_47 = arith.constant 0 : i32
    %dma_wait3A_48 = tpu.memref_slice %arg2[%dma_wait3A_46, %dma_wait3A_47] : memref<10000x128xf32, #tpu.memory_space<hbm>> -> memref<10000x128xf32, #tpu.memory_space<hbm>>
    tpu.wait_indirect_dma semaphore(%arg21 : memref<!tpu.dma_semaphore, #tpu.memory_space<semaphore_mem>>) src(%dma_wait3A_48 : memref<10000x128xf32, #tpu.memory_space<hbm>>) dst(%arg12 : memref<64x128xf32, #tpu.memory_space<vmem>>)
    %dma_start3A_49 = arith.constant 1 : i32
    %dma_start3A_50 = arith.constant 64 : i32
    %dma_start3A_51 = tpu.memref_slice %arg9[%dma_start3A_49, %dma_start3A_50] : memref<4x128xi32, #tpu.memory_space<vmem>> -> memref<1x64xi32, #tpu.memory_space<vmem>>
    %dma_start3A_52 = tpu.memref_squeeze %dma_start3A_51 : memref<1x64xi32, #tpu.memory_space<vmem>> -> memref<64xi32, #tpu.memory_space<vmem>>
    %dma_start3A_53 = arith.constant 0 : i32
    %dma_start3A_54 = arith.constant 0 : i32
    %dma_start3A_55 = tpu.memref_slice %arg18[%dma_start3A_53, %dma_start3A_54] : memref<10240x128xf32, #tpu.memory_space<vmem_shared>> -> memref<10240x128xf32, #tpu.memory_space<vmem_shared>>
    tpu.enqueue_indirect_dma source(%arg12 : memref<64x128xf32, #tpu.memory_space<vmem>>) target(%dma_start3A_55 : memref<10240x128xf32, #tpu.memory_space<vmem_shared>>) offsets(%dma_start3A_52 : memref<64xi32, #tpu.memory_space<vmem>>) semaphore(%arg26 : memref<!tpu.dma_semaphore, #tpu.memory_space<semaphore_mem>>) {add = true}
    %dma_wait3A_56 = arith.constant 1 : i32
    %dma_wait3A_57 = arith.constant 0 : i32
    %dma_wait3A_58 = tpu.memref_slice %arg9[%dma_wait3A_56, %dma_wait3A_57] : memref<4x128xi32, #tpu.memory_space<vmem>> -> memref<1x64xi32, #tpu.memory_space<vmem>>
    %dma_wait3A_59 = tpu.memref_squeeze %dma_wait3A_58 : memref<1x64xi32, #tpu.memory_space<vmem>> -> memref<64xi32, #tpu.memory_space<vmem>>
    %dma_wait3A_60 = arith.constant 0 : i32
    %dma_wait3A_61 = arith.constant 0 : i32
    %dma_wait3A_62 = tpu.memref_slice %arg18[%dma_wait3A_60, %dma_wait3A_61] : memref<10240x128xf32, #tpu.memory_space<vmem_shared>> -> memref<10240x128xf32, #tpu.memory_space<vmem_shared>>
    tpu.wait_indirect_dma semaphore(%arg30 : memref<!tpu.dma_semaphore, #tpu.memory_space<semaphore_mem>>) src(%arg16 : memref<64x128xf32, #tpu.memory_space<vmem>>) dst(%dma_wait3A_62 : memref<10240x128xf32, #tpu.memory_space<vmem_shared>>)
    %dma_wait3A_63 = arith.constant 1 : i32
    %dma_wait3A_64 = arith.constant 64 : i32
    %dma_wait3A_65 = tpu.memref_slice %arg9[%dma_wait3A_63, %dma_wait3A_64] : memref<4x128xi32, #tpu.memory_space<vmem>> -> memref<1x64xi32, #tpu.memory_space<vmem>>
    %dma_wait3A_66 = tpu.memref_squeeze %dma_wait3A_65 : memref<1x64xi32, #tpu.memory_space<vmem>> -> memref<64xi32, #tpu.memory_space<vmem>>
    %dma_wait3A_67 = arith.constant 0 : i32
    %dma_wait3A_68 = arith.constant 0 : i32
    %dma_wait3A_69 = tpu.memref_slice %arg18[%dma_wait3A_67, %dma_wait3A_68] : memref<10240x128xf32, #tpu.memory_space<vmem_shared>> -> memref<10240x128xf32, #tpu.memory_space<vmem_shared>>
    tpu.wait_indirect_dma semaphore(%arg26 : memref<!tpu.dma_semaphore, #tpu.memory_space<semaphore_mem>>) src(%arg12 : memref<64x128xf32, #tpu.memory_space<vmem>>) dst(%dma_wait3A_69 : memref<10240x128xf32, #tpu.memory_space<vmem_shared>>)
    %dma_wait3A_70 = arith.constant 1 : i32
    %dma_wait3A_71 = arith.constant 64 : i32
    %dma_wait3A_72 = tpu.memref_slice %arg8[%dma_wait3A_70, %dma_wait3A_71] : memref<4x128xi32, #tpu.memory_space<vmem>> -> memref<1x64xi32, #tpu.memory_space<vmem>>
    %dma_wait3A_73 = tpu.memref_squeeze %dma_wait3A_72 : memref<1x64xi32, #tpu.memory_space<vmem>> -> memref<64xi32, #tpu.memory_space<vmem>>
    %dma_wait3A_74 = arith.constant 0 : i32
    %dma_wait3A_75 = arith.constant 0 : i32
    %dma_wait3A_76 = tpu.memref_slice %arg2[%dma_wait3A_74, %dma_wait3A_75] : memref<10000x128xf32, #tpu.memory_space<hbm>> -> memref<10000x128xf32, #tpu.memory_space<hbm>>
    tpu.wait_indirect_dma semaphore(%arg22 : memref<!tpu.dma_semaphore, #tpu.memory_space<semaphore_mem>>) src(%dma_wait3A_76 : memref<10000x128xf32, #tpu.memory_space<hbm>>) dst(%arg13 : memref<64x128xf32, #tpu.memory_space<vmem>>)
    %dma_wait3A_77 = arith.constant 1 : i32
    %dma_wait3A_78 = arith.constant 64 : i32
    %dma_wait3A_79 = tpu.memref_slice %arg8[%dma_wait3A_77, %dma_wait3A_78] : memref<4x128xi32, #tpu.memory_space<vmem>> -> memref<1x64xi32, #tpu.memory_space<vmem>>
    %dma_wait3A_80 = tpu.memref_squeeze %dma_wait3A_79 : memref<1x64xi32, #tpu.memory_space<vmem>> -> memref<64xi32, #tpu.memory_space<vmem>>
    %dma_wait3A_81 = arith.constant 0 : i32
    %dma_wait3A_82 = arith.constant 0 : i32
    %dma_wait3A_83 = tpu.memref_slice %arg2[%dma_wait3A_81, %dma_wait3A_82] : memref<10000x128xf32, #tpu.memory_space<hbm>> -> memref<10000x128xf32, #tpu.memory_space<hbm>>
    tpu.wait_indirect_dma semaphore(%arg23 : memref<!tpu.dma_semaphore, #tpu.memory_space<semaphore_mem>>) src(%dma_wait3A_83 : memref<10000x128xf32, #tpu.memory_space<hbm>>) dst(%arg14 : memref<64x128xf32, #tpu.memory_space<vmem>>)
    %dma_wait3A_84 = arith.constant 1 : i32
    %dma_wait3A_85 = arith.constant 64 : i32
    %dma_wait3A_86 = tpu.memref_slice %arg8[%dma_wait3A_84, %dma_wait3A_85] : memref<4x128xi32, #tpu.memory_space<vmem>> -> memref<1x64xi32, #tpu.memory_space<vmem>>
    %dma_wait3A_87 = tpu.memref_squeeze %dma_wait3A_86 : memref<1x64xi32, #tpu.memory_space<vmem>> -> memref<64xi32, #tpu.memory_space<vmem>>
    %dma_wait3A_88 = arith.constant 0 : i32
    %dma_wait3A_89 = arith.constant 0 : i32
    %dma_wait3A_90 = tpu.memref_slice %arg2[%dma_wait3A_88, %dma_wait3A_89] : memref<10000x128xf32, #tpu.memory_space<hbm>> -> memref<10000x128xf32, #tpu.memory_space<hbm>>
    tpu.wait_indirect_dma semaphore(%arg24 : memref<!tpu.dma_semaphore, #tpu.memory_space<semaphore_mem>>) src(%dma_wait3A_90 : memref<10000x128xf32, #tpu.memory_space<hbm>>) dst(%arg15 : memref<64x128xf32, #tpu.memory_space<vmem>>)
    %min3A = arith.constant 77 : i32
    %min3A_91 = arith.constant 77 : i32
    %min3A_92 = arith.minsi %min3A, %min3A_91 : i32
    %dma_wait3A_93 = arith.constant 1 : i32
    %dma_wait3A_94 = arith.constant 0 : i32
    %dma_wait3A_95 = tpu.memref_slice %arg8[%dma_wait3A_93, %dma_wait3A_94] : memref<4x128xi32, #tpu.memory_space<vmem>> -> memref<1x128xi32, #tpu.memory_space<vmem>>
    %dma_wait3A_96 = tpu.memref_squeeze %dma_wait3A_95 : memref<1x128xi32, #tpu.memory_space<vmem>> -> memref<128xi32, #tpu.memory_space<vmem>>
    %dma_wait3A_97 = arith.constant 0 : i32
    %dma_wait3A_98 = tpu.memref_slice %arg3[%add3A, %min3A_92, %dma_wait3A_97] : memref<32x78x128xi32, #tpu.memory_space<hbm>> -> memref<1x1x128xi32, #tpu.memory_space<hbm>>
    %dma_wait3A_99 = tpu.memref_squeeze %dma_wait3A_98 : memref<1x1x128xi32, #tpu.memory_space<hbm>> -> memref<128xi32, #tpu.memory_space<hbm>>
    %dma_wait3A_100 = arith.constant 0 : i32
    %dma_wait3A_101 = tpu.memref_slice %arg8[%dma_wait3A_93, %dma_wait3A_100] : memref<4x128xi32, #tpu.memory_space<vmem>> -> memref<1x128xi32, #tpu.memory_space<vmem>>
    %dma_wait3A_102 = tpu.memref_squeeze %dma_wait3A_101 : memref<1x128xi32, #tpu.memory_space<vmem>> -> memref<128xi32, #tpu.memory_space<vmem>>
    %dma_wait3A_103 = arith.constant 0 : i32
    %dma_wait3A_104 = tpu.memref_slice %arg3[%add3A, %min3A_92, %dma_wait3A_103] : memref<32x78x128xi32, #tpu.memory_space<hbm>> -> memref<1x1x128xi32, #tpu.memory_space<hbm>>
    %dma_wait3A_105 = tpu.memref_squeeze %dma_wait3A_104 : memref<1x1x128xi32, #tpu.memory_space<hbm>> -> memref<128xi32, #tpu.memory_space<hbm>>
    tpu.wait_dma2 semaphore(%arg19 : memref<!tpu.dma_semaphore, #tpu.memory_space<semaphore_mem>>) src(%dma_wait3A_105 : memref<128xi32, #tpu.memory_space<hbm>>) dst(%dma_wait3A_102 : memref<128xi32, #tpu.memory_space<vmem>>)
    %dma_wait3A_106 = arith.constant 1 : i32
    %dma_wait3A_107 = arith.constant 0 : i32
    %dma_wait3A_108 = tpu.memref_slice %arg9[%dma_wait3A_106, %dma_wait3A_107] : memref<4x128xi32, #tpu.memory_space<vmem>> -> memref<1x128xi32, #tpu.memory_space<vmem>>
    %dma_wait3A_109 = tpu.memref_squeeze %dma_wait3A_108 : memref<1x128xi32, #tpu.memory_space<vmem>> -> memref<128xi32, #tpu.memory_space<vmem>>
    %dma_wait3A_110 = arith.constant 0 : i32
    %dma_wait3A_111 = tpu.memref_slice %arg5[%add3A, %min3A_92, %dma_wait3A_110] : memref<32x78x128xi32, #tpu.memory_space<hbm>> -> memref<1x1x128xi32, #tpu.memory_space<hbm>>
    %dma_wait3A_112 = tpu.memref_squeeze %dma_wait3A_111 : memref<1x1x128xi32, #tpu.memory_space<hbm>> -> memref<128xi32, #tpu.memory_space<hbm>>
    %dma_wait3A_113 = arith.constant 0 : i32
    %dma_wait3A_114 = tpu.memref_slice %arg9[%dma_wait3A_106, %dma_wait3A_113] : memref<4x128xi32, #tpu.memory_space<vmem>> -> memref<1x128xi32, #tpu.memory_space<vmem>>
    %dma_wait3A_115 = tpu.memref_squeeze %dma_wait3A_114 : memref<1x128xi32, #tpu.memory_space<vmem>> -> memref<128xi32, #tpu.memory_space<vmem>>
    %dma_wait3A_116 = arith.constant 0 : i32
    %dma_wait3A_117 = tpu.memref_slice %arg5[%add3A, %min3A_92, %dma_wait3A_116] : memref<32x78x128xi32, #tpu.memory_space<hbm>> -> memref<1x1x128xi32, #tpu.memory_space<hbm>>
    %dma_wait3A_118 = tpu.memref_squeeze %dma_wait3A_117 : memref<1x1x128xi32, #tpu.memory_space<hbm>> -> memref<128xi32, #tpu.memory_space<hbm>>
    tpu.wait_dma2 semaphore(%arg20 : memref<!tpu.dma_semaphore, #tpu.memory_space<semaphore_mem>>) src(%dma_wait3A_118 : memref<128xi32, #tpu.memory_space<hbm>>) dst(%dma_wait3A_115 : memref<128xi32, #tpu.memory_space<vmem>>)
    "tpu.region"() ({
      %run_scoped3A = tpu.sem_alloc : memref<!tpu.dma_semaphore, #tpu.memory_space<semaphore_mem>>
      %dma_start3A_124 = arith.constant 0 : i32
      %dma_start3A_125 = arith.constant 0 : i32
      %dma_start3A_126 = tpu.memref_slice %arg2[%dma_start3A_124, %dma_start3A_125] : memref<10000x128xf32, #tpu.memory_space<hbm>> -> memref<10000x128xf32, #tpu.memory_space<hbm>>
      tpu.enqueue_indirect_dma source(%dma_start3A_126 : memref<10000x128xf32, #tpu.memory_space<hbm>>) target(%arg17 : memref<16x128xf32, #tpu.memory_space<vmem>>) offsets(%arg10 : memref<16xi32, #tpu.memory_space<vmem>>) semaphore(%run_scoped3A : memref<!tpu.dma_semaphore, #tpu.memory_space<semaphore_mem>>)
      %dma_wait3A_127 = arith.constant 0 : i32
      %dma_wait3A_128 = arith.constant 0 : i32
      %dma_wait3A_129 = tpu.memref_slice %arg2[%dma_wait3A_127, %dma_wait3A_128] : memref<10000x128xf32, #tpu.memory_space<hbm>> -> memref<10000x128xf32, #tpu.memory_space<hbm>>
      tpu.wait_indirect_dma semaphore(%run_scoped3A : memref<!tpu.dma_semaphore, #tpu.memory_space<semaphore_mem>>) src(%dma_wait3A_129 : memref<10000x128xf32, #tpu.memory_space<hbm>>) dst(%arg17 : memref<16x128xf32, #tpu.memory_space<vmem>>)
      tpu.yield
    }) : () -> ()
    "tpu.region"() ({
      %run_scoped3A = tpu.sem_alloc : memref<!tpu.dma_semaphore, #tpu.memory_space<semaphore_mem>>
      %dma_start3A_124 = arith.constant 0 : i32
      %dma_start3A_125 = arith.constant 0 : i32
      %dma_start3A_126 = tpu.memref_slice %arg18[%dma_start3A_124, %dma_start3A_125] : memref<10240x128xf32, #tpu.memory_space<vmem_shared>> -> memref<10240x128xf32, #tpu.memory_space<vmem_shared>>
      tpu.enqueue_indirect_dma source(%arg17 : memref<16x128xf32, #tpu.memory_space<vmem>>) target(%dma_start3A_126 : memref<10240x128xf32, #tpu.memory_space<vmem_shared>>) offsets(%arg11 : memref<16xi32, #tpu.memory_space<vmem>>) semaphore(%run_scoped3A : memref<!tpu.dma_semaphore, #tpu.memory_space<semaphore_mem>>) {add = true}
      %dma_wait3A_127 = arith.constant 0 : i32
      %dma_wait3A_128 = arith.constant 0 : i32
      %dma_wait3A_129 = tpu.memref_slice %arg18[%dma_wait3A_127, %dma_wait3A_128] : memref<10240x128xf32, #tpu.memory_space<vmem_shared>> -> memref<10240x128xf32, #tpu.memory_space<vmem_shared>>
      tpu.wait_indirect_dma semaphore(%run_scoped3A : memref<!tpu.dma_semaphore, #tpu.memory_space<semaphore_mem>>) src(%arg17 : memref<16x128xf32, #tpu.memory_space<vmem>>) dst(%dma_wait3A_129 : memref<10240x128xf32, #tpu.memory_space<vmem_shared>>)
      tpu.yield
    }) : () -> ()
    %barrier3A_119 = arith.constant 0 : index
    tpu.barrier barrier_id(%barrier3A_119)
    %mul3A_120 = arith.constant 640 : i32
    %mul3A_121 = arith.muli %arg1, %mul3A_120 : i32
    %mul3A_122 = arith.constant 640 : i32
    %mul3A_123 = arith.muli %arg1, %mul3A_122 : i32
    "tpu.region"() ({
      %run_scoped3A = tpu.sem_alloc : memref<!tpu.dma_semaphore, #tpu.memory_space<semaphore_mem>>
      %dma_start3A_124 = arith.constant 0 : i32
      %dma_start3A_125 = arith.constant 0 : i32
      %dma_start3A_126 = tpu.memref_slice %arg7[%arg0, %dma_start3A_124, %dma_start3A_125] : memref<2x10240x128xf32, #tpu.memory_space<hbm>> -> memref<1x10240x128xf32, #tpu.memory_space<hbm>>
      %dma_start3A_127 = tpu.memref_squeeze %dma_start3A_126 : memref<1x10240x128xf32, #tpu.memory_space<hbm>> -> memref<10240x128xf32, #tpu.memory_space<hbm>>
      %dma_start3A_128 = arith.constant 0 : i32
      %dma_start3A_129 = tpu.memref_slice %dma_start3A_127[%mul3A_123, %dma_start3A_128] : memref<10240x128xf32, #tpu.memory_space<hbm>> -> memref<640x128xf32, #tpu.memory_space<hbm>>
      %dma_start3A_130 = arith.constant 0 : i32
      %dma_start3A_131 = tpu.memref_slice %arg18[%mul3A_121, %dma_start3A_130] : memref<10240x128xf32, #tpu.memory_space<vmem_shared>> -> memref<640x128xf32, #tpu.memory_space<vmem_shared>>
      tpu.enqueue_dma source(%dma_start3A_131 : memref<640x128xf32, #tpu.memory_space<vmem_shared>>) target(%dma_start3A_129 : memref<640x128xf32, #tpu.memory_space<hbm>>) target_semaphore(%run_scoped3A : memref<!tpu.dma_semaphore, #tpu.memory_space<semaphore_mem>>)
      %dma_wait3A_132 = arith.constant 0 : i32
      %dma_wait3A_133 = arith.constant 0 : i32
      %dma_wait3A_134 = tpu.memref_slice %arg7[%arg0, %dma_wait3A_132, %dma_wait3A_133] : memref<2x10240x128xf32, #tpu.memory_space<hbm>> -> memref<1x10240x128xf32, #tpu.memory_space<hbm>>
      %dma_wait3A_135 = tpu.memref_squeeze %dma_wait3A_134 : memref<1x10240x128xf32, #tpu.memory_space<hbm>> -> memref<10240x128xf32, #tpu.memory_space<hbm>>
      %dma_wait3A_136 = arith.constant 0 : i32
      %dma_wait3A_137 = tpu.memref_slice %dma_wait3A_135[%mul3A_123, %dma_wait3A_136] : memref<10240x128xf32, #tpu.memory_space<hbm>> -> memref<640x128xf32, #tpu.memory_space<hbm>>
      %dma_wait3A_138 = arith.constant 0 : i32
      %dma_wait3A_139 = tpu.memref_slice %arg18[%mul3A_121, %dma_wait3A_138] : memref<10240x128xf32, #tpu.memory_space<vmem_shared>> -> memref<640x128xf32, #tpu.memory_space<vmem_shared>>
      tpu.wait_dma2 semaphore(%run_scoped3A : memref<!tpu.dma_semaphore, #tpu.memory_space<semaphore_mem>>) src(%dma_wait3A_139 : memref<640x128xf32, #tpu.memory_space<vmem_shared>>) dst(%dma_wait3A_137 : memref<640x128xf32, #tpu.memory_space<hbm>>)
      tpu.yield
    }) : () -> ()
    return
  }
}

module attributes {stable_mosaic.version = 14 : i64} {
  func.func @body(%arg0: i32, %arg1: memref<1000x128xf32, #tpu.memory_space<vmem>>, %arg2: memref<128x128xf32, #tpu.memory_space<vmem>>, %arg3: memref<1000x128xf32, #tpu.memory_space<vmem>>) attributes {dimension_semantics = [#tpu.dimension_semantics<arbitrary>], iteration_bounds = array<i64: 10>, scalar_prefetch = 0 : i64, scratch_operands = 0 : i64, tpu.core_type = #tpu.core_type<tc>, window_params = [{transform_indices = @transform_0, window_bounds = array<i64: 1000, 128>}, {pipeline_mode = #tpu.pipeline_mode<synchronous>, transform_indices = @transform_1, window_bounds = array<i64: 128, 128>}, {transform_indices = @transform_2, window_bounds = array<i64: 1000, 128>}]} {
    %get3A = arith.constant 0 : index
    %get3A_0 = arith.constant 0 : index
    %get3A_1 = vector.load %arg1[%get3A, %get3A_0] : memref<1000x128xf32, #tpu.memory_space<vmem>>, vector<1000x128xf32>
    %get3A_2 = arith.constant 0 : index
    %get3A_3 = arith.constant 0 : index
    %get3A_4 = vector.load %arg2[%get3A_2, %get3A_3] : memref<128x128xf32, #tpu.memory_space<vmem>>, vector<128x128xf32>
    %dot_general3A = arith.constant dense<0.000000e+00> : vector<1000x128xf32>
    %dot_general3A_5 = tpu.matmul %get3A_1, %get3A_4, %dot_general3A {dimension_numbers = #tpu.dot_dimension_numbers<[1], [0], [0], [1], [0, 0, 1, 1], [], []>, transpose_lhs_hint = false} : vector<1000x128xf32>, vector<128x128xf32>, vector<1000x128xf32> -> vector<1000x128xf32>
    %swap3A = arith.constant 0 : index
    %swap3A_6 = arith.constant 0 : index
    %swap3A_7 = vector.load %arg3[%swap3A, %swap3A_6] : memref<1000x128xf32, #tpu.memory_space<vmem>>, vector<1000x128xf32>
    tpu.vector_store %arg3[%swap3A, %swap3A_6], %dot_general3A_5 {strides = array<i32>} : memref<1000x128xf32, #tpu.memory_space<vmem>>, vector<1000x128xf32>,
    return
  }
  func.func @transform_0(%arg0: i32) -> (i32, i32) {
    %c0_i32 = arith.constant 0 : i32
    %c0_i32_0 = arith.constant 0 : i32
    return %arg0, %c0_i32 : i32, i32
  }
  func.func @transform_1(%arg0: i32) -> (i32, i32) {
    %c0_i32 = arith.constant 0 : i32
    %c0_i32_0 = arith.constant 0 : i32
    %c0_i32_1 = arith.constant 0 : i32
    return %c0_i32, %c0_i32_0 : i32, i32
  }
  func.func @transform_2(%arg0: i32) -> (i32, i32) {
    %c0_i32 = arith.constant 0 : i32
    %c0_i32_0 = arith.constant 0 : i32
    return %arg0, %c0_i32 : i32, i32
  }
}

module attributes {stable_mosaic.version = 14 : i64} {
  func.func @body(%arg0: i32, %arg1: memref<1000x128xf32, #tpu.memory_space<vmem>>, %arg2: memref<1x1000x128xf32, #tpu.memory_space<vmem>>, %arg3: memref<1x1000x128xf32, #tpu.memory_space<vmem>>, %arg4: memref<128x128xf32, #tpu.memory_space<vmem>>, %arg5: memref<1000x128xf32, #tpu.memory_space<vmem>>) attributes {dimension_semantics = [#tpu.dimension_semantics<arbitrary>], iteration_bounds = array<i64: 10>, scalar_prefetch = 0 : i64, scratch_operands = 0 : i64, tpu.core_type = #tpu.core_type<tc>, window_params = [{transform_indices = @transform_0, window_bounds = array<i64: 1000, 128>}, {transform_indices = @transform_1, window_bounds = array<i64: 1, 1000, 128>}, {transform_indices = @transform_2, window_bounds = array<i64: 1, 1000, 128>}, {pipeline_mode = #tpu.pipeline_mode<synchronous>, transform_indices = @transform_3, window_bounds = array<i64: 128, 128>}, {transform_indices = @transform_4, window_bounds = array<i64: 1000, 128>}]} {
    %get3A = arith.constant 0 : index
    %get3A_0 = arith.constant 0 : index
    %get3A_1 = vector.load %arg1[%get3A, %get3A_0] : memref<1000x128xf32, #tpu.memory_space<vmem>>, vector<1000x128xf32>
    %get3A_2 = arith.constant 0 : index
    %get3A_3 = arith.constant 0 : index
    %get3A_4 = arith.constant 0 : index
    %get3A_5 = vector.load %arg2[%get3A_2, %get3A_3, %get3A_4] : memref<1x1000x128xf32, #tpu.memory_space<vmem>>, vector<1x1000x128xf32>
    %get3A_6 = vector.shape_cast %get3A_5 : vector<1x1000x128xf32> to vector<1000x128xf32>
    %get3A_7 = arith.constant 0 : index
    %get3A_8 = arith.constant 0 : index
    %get3A_9 = arith.constant 0 : index
    %get3A_10 = vector.load %arg3[%get3A_7, %get3A_8, %get3A_9] : memref<1x1000x128xf32, #tpu.memory_space<vmem>>, vector<1x1000x128xf32>
    %get3A_11 = vector.shape_cast %get3A_10 : vector<1x1000x128xf32> to vector<1000x128xf32>
    %add3A = arith.addf %get3A_6, %get3A_11 : vector<1000x128xf32>
    %get3A_12 = arith.constant 0 : index
    %get3A_13 = arith.constant 0 : index
    %get3A_14 = vector.load %arg4[%get3A_12, %get3A_13] : memref<128x128xf32, #tpu.memory_space<vmem>>, vector<128x128xf32>
    %dot_general3A = arith.constant dense<0.000000e+00> : vector<1000x128xf32>
    %dot_general3A_15 = tpu.matmul %add3A, %get3A_14, %dot_general3A {dimension_numbers = #tpu.dot_dimension_numbers<[1], [0], [0], [1], [0, 0, 1, 1], [], []>, transpose_lhs_hint = false} : vector<1000x128xf32>, vector<128x128xf32>, vector<1000x128xf32> -> vector<1000x128xf32>
    %add3A_16 = arith.addf %get3A_1, %dot_general3A_15 : vector<1000x128xf32>
    %max3A = arith.constant 0.000000e+00 : f32
    %max3A_17 = vector.broadcast %max3A : f32 to vector<1000x128xf32>
    %max3A_18 = arith.maximumf %add3A_16, %max3A_17 : vector<1000x128xf32>
    %swap3A = arith.constant 0 : index
    %swap3A_19 = arith.constant 0 : index
    %swap3A_20 = vector.load %arg5[%swap3A, %swap3A_19] : memref<1000x128xf32, #tpu.memory_space<vmem>>, vector<1000x128xf32>
    tpu.vector_store %arg5[%swap3A, %swap3A_19], %max3A_18 {strides = array<i32>} : memref<1000x128xf32, #tpu.memory_space<vmem>>, vector<1000x128xf32>,
    return
  }
  func.func @transform_0(%arg0: i32) -> (i32, i32) {
    %c0_i32 = arith.constant 0 : i32
    %c0_i32_0 = arith.constant 0 : i32
    return %arg0, %c0_i32 : i32, i32
  }
  func.func @transform_1(%arg0: i32) -> (i32, i32, i32) {
    %c0_i32 = arith.constant 0 : i32
    %c0_i32_0 = arith.constant 0 : i32
    %c0_i32_1 = arith.constant 0 : i32
    return %c0_i32, %arg0, %c0_i32_0 : i32, i32, i32
  }
  func.func @transform_2(%arg0: i32) -> (i32, i32, i32) {
    %c1_i32 = arith.constant 1 : i32
    %c0_i32 = arith.constant 0 : i32
    %c0_i32_0 = arith.constant 0 : i32
    return %c1_i32, %arg0, %c0_i32 : i32, i32, i32
  }
  func.func @transform_3(%arg0: i32) -> (i32, i32) {
    %c0_i32 = arith.constant 0 : i32
    %c0_i32_0 = arith.constant 0 : i32
    %c0_i32_1 = arith.constant 0 : i32
    return %c0_i32, %c0_i32_0 : i32, i32
  }
  func.func @transform_4(%arg0: i32) -> (i32, i32) {
    %c0_i32 = arith.constant 0 : i32
    %c0_i32_0 = arith.constant 0 : i32
    return %arg0, %c0_i32 : i32, i32
  }
}

module attributes {stable_mosaic.version = 14 : i64} {
  func.func @body(%arg0: i32, %arg1: memref<1000x128xf32, #tpu.memory_space<vmem>>, %arg2: memref<1x1000x128xf32, #tpu.memory_space<vmem>>, %arg3: memref<1x1000x128xf32, #tpu.memory_space<vmem>>, %arg4: memref<128x128xf32, #tpu.memory_space<vmem>>, %arg5: memref<1000x128xf32, #tpu.memory_space<vmem>>) attributes {dimension_semantics = [#tpu.dimension_semantics<arbitrary>], iteration_bounds = array<i64: 10>, scalar_prefetch = 0 : i64, scratch_operands = 0 : i64, tpu.core_type = #tpu.core_type<tc>, window_params = [{transform_indices = @transform_0, window_bounds = array<i64: 1000, 128>}, {transform_indices = @transform_1, window_bounds = array<i64: 1, 1000, 128>}, {transform_indices = @transform_2, window_bounds = array<i64: 1, 1000, 128>}, {pipeline_mode = #tpu.pipeline_mode<synchronous>, transform_indices = @transform_3, window_bounds = array<i64: 128, 128>}, {transform_indices = @transform_4, window_bounds = array<i64: 1000, 128>}]} {
    %get3A = arith.constant 0 : index
    %get3A_0 = arith.constant 0 : index
    %get3A_1 = vector.load %arg1[%get3A, %get3A_0] : memref<1000x128xf32, #tpu.memory_space<vmem>>, vector<1000x128xf32>
    %get3A_2 = arith.constant 0 : index
    %get3A_3 = arith.constant 0 : index
    %get3A_4 = arith.constant 0 : index
    %get3A_5 = vector.load %arg2[%get3A_2, %get3A_3, %get3A_4] : memref<1x1000x128xf32, #tpu.memory_space<vmem>>, vector<1x1000x128xf32>
    %get3A_6 = vector.shape_cast %get3A_5 : vector<1x1000x128xf32> to vector<1000x128xf32>
    %get3A_7 = arith.constant 0 : index
    %get3A_8 = arith.constant 0 : index
    %get3A_9 = arith.constant 0 : index
    %get3A_10 = vector.load %arg3[%get3A_7, %get3A_8, %get3A_9] : memref<1x1000x128xf32, #tpu.memory_space<vmem>>, vector<1x1000x128xf32>
    %get3A_11 = vector.shape_cast %get3A_10 : vector<1x1000x128xf32> to vector<1000x128xf32>
    %add3A = arith.addf %get3A_6, %get3A_11 : vector<1000x128xf32>
    %get3A_12 = arith.constant 0 : index
    %get3A_13 = arith.constant 0 : index
    %get3A_14 = vector.load %arg4[%get3A_12, %get3A_13] : memref<128x128xf32, #tpu.memory_space<vmem>>, vector<128x128xf32>
    %dot_general3A = arith.constant dense<0.000000e+00> : vector<1000x128xf32>
    %dot_general3A_15 = tpu.matmul %add3A, %get3A_14, %dot_general3A {dimension_numbers = #tpu.dot_dimension_numbers<[1], [0], [0], [1], [0, 0, 1, 1], [], []>, transpose_lhs_hint = false} : vector<1000x128xf32>, vector<128x128xf32>, vector<1000x128xf32> -> vector<1000x128xf32>
    %add3A_16 = arith.addf %get3A_1, %dot_general3A_15 : vector<1000x128xf32>
    %swap3A = arith.constant 0 : index
    %swap3A_17 = arith.constant 0 : index
    %swap3A_18 = vector.load %arg5[%swap3A, %swap3A_17] : memref<1000x128xf32, #tpu.memory_space<vmem>>, vector<1000x128xf32>
    tpu.vector_store %arg5[%swap3A, %swap3A_17], %add3A_16 {strides = array<i32>} : memref<1000x128xf32, #tpu.memory_space<vmem>>, vector<1000x128xf32>,
    return
  }
  func.func @transform_0(%arg0: i32) -> (i32, i32) {
    %c0_i32 = arith.constant 0 : i32
    %c0_i32_0 = arith.constant 0 : i32
    return %arg0, %c0_i32 : i32, i32
  }
  func.func @transform_1(%arg0: i32) -> (i32, i32, i32) {
    %c0_i32 = arith.constant 0 : i32
    %c0_i32_0 = arith.constant 0 : i32
    %c0_i32_1 = arith.constant 0 : i32
    return %c0_i32, %arg0, %c0_i32_0 : i32, i32, i32
  }
  func.func @transform_2(%arg0: i32) -> (i32, i32, i32) {
    %c1_i32 = arith.constant 1 : i32
    %c0_i32 = arith.constant 0 : i32
    %c0_i32_0 = arith.constant 0 : i32
    return %c1_i32, %arg0, %c0_i32 : i32, i32, i32
  }
  func.func @transform_3(%arg0: i32) -> (i32, i32) {
    %c0_i32 = arith.constant 0 : i32
    %c0_i32_0 = arith.constant 0 : i32
    %c0_i32_1 = arith.constant 0 : i32
    return %c0_i32, %c0_i32_0 : i32, i32
  }
  func.func @transform_4(%arg0: i32) -> (i32, i32) {
    %c0_i32 = arith.constant 0 : i32
    %c0_i32_0 = arith.constant 0 : i32
    return %arg0, %c0_i32 : i32, i32
  }
}

</mosaic_0001>

<sc_bundles>
// kernel: kernel.11.cloned.1.call-start
scs
__scs_entry_jumppad:
0x0: {  	(pc) =	sbr.rel $0x88, $3  }
0x1: {  	(tag) =	ssettag $0x0;
	lr =	simm.s32 $0x1  }
0x2: {  	[smem:$0x3F9D] =	sst lr;
	_ =	strace $0xD0000000  }
0x3: {  	_ = 	snop  }
0x4: {  	_ = 	snop  }
0x5: {  	_ = 	snop  }
0x6: {  	_ = 	snop  }
0x7: {  	_ = 	snop  }
__scs_overlays_trampoline_lowered:
0x8: {  	[smem:$0x3FAC] =	sst s0  }
0x9: {  	[smem:$0x3FAD] =	sst s1  }
0xa: {  	[smem:$0x3FAE] =	sst s2  }
0xb: {  	[smem:$0x3FAF] =	sst s3  }
0xc: {  	[smem:$0x3FB0] =	sst s4  }
0xd: {  	[smem:$0x3FB1] =	sst s5  }
0xe: {  	[smem:$0x3FB2] =	sst s6  }
0xf: {  	[smem:$0x3FB3] =	sst s7  }
0x10: {  	[smem:$0x3FB4] =	sst s8  }
0x11: {  	[smem:$0x3FB5] =	sst s9;
	s0 =	simm.s32 @!p0 $0x0  }
0x12: {  	s1 =	sld [smem:$0x3F9B];
	s0 =	simm.s32 @p0 $0x1  }
0x13: {  	[smem:$0x3FB6] =	sst s0;
	s0 =	simm.s32 @!p1 $0x0  }
0x14: {  	s2 =	sld [smem:$0x3F9A];
	s0 =	simm.s32 @p1 $0x1  }
0x15: {  	[smem:$0x3FB7] =	sst s0;
	s0 =	simm.s32 @!p2 $0x0  }
0x16: {  	s3 =	sld [smem:$0x3FDB];
	s0 =	simm.s32 @p2 $0x1  }
0x17: {  	s4 =	simm.s32 $0x1BF5;
	[smem:$0x3FB9] =	sst s0  }
0x18: {  	s0 =	sld [smem:$0x3F9C];
	_ =	swait.ge [sflag:s4], $0x0  }
0x19: {  	s7 =	sld [smem:$0x3F9D]  }
0x1a: {  	s8 =	sadd.s32 $0xFFFFE003, lr  }
0x1b: {  	s9 =	sadd.s32 $0xFFFFFEF7, lr;
	s5 =	simm.s32 $0xFFFFFFFF;
	p2 =	slt.u32 s8, $0xFFFFF086  }
0x1c: {  	p1 =	slt.u32 s9, $0xF7A;
	s5 =	simm.s32 @!p2 $0x0  }
0x1d: {  	s5 =	simm.s32 @p1 $0x1;
	p0 =	seq.s32 s7, s2  }
0x1e: {  	s7 =	smul.u32 @!p0 $0xF7A, s2;
	p2 =	seq.s32 @!p0 s5, $0x0  }
0x1f: {  	s9 =	smul.u32 $0xF7A, s1;
	s8 =	simm.s32 @!p0 $0x1BF5;
	p2 =	por !p2, p0  }
0x20: {  	[sflag:s8] =	ssyncset.s32 @!p0 $0xFFFFF086;
	s6 =	sadd.s32 @!p0 s3, s7;
	s7 =	simm.s32 @!p0 $0x108  }
0x21: {  	s3 =	sadd.s32 s3, s9;
	s6 =	sadd.s32 @!p0 $0x88, s6;
	s7 =	simm.s32 @p2 $0x1082  }
0x22: {  	[simem:s7], [sflag:s8] =	dma.local @!p0 [hbm:s6], $0xF7A  }
0x23: {  	s9 =	sor.u32 $0xD0000000, s2;
	s6 =	simm.s32 $0x108;
	_ =	swait.ge @!p0 [sflag:s8], $0x0  }
0x24: {  	s3 =	sadd.s32 $0x88, s3;
	s6 =	simm.s32 @!p1 $0x1082;
	[sflag:s4] =	ssyncset.s32 $0xFFFFF086  }
0x25: {  	[simem:s6], [sflag:s4] =	dma.local [hbm:s3], $0xF7A  }
0x26: {  	[smem:$0x3F9D] =	sst s1;
	(tag) =	ssettag s2;
	_ =	strace s9  }
0x27: {  	s1 =	sld [smem:$0x3FAD]  }
0x28: {  	s2 =	sld [smem:$0x3FAE]  }
0x29: {  	s4 =	sld [smem:$0x3FB0]  }
0x2a: {  	p0 =	seq.s32 s5, $0x0;
	s5 =	sld [smem:$0x3FB1]  }
0x2b: {  	s6 =	sld [smem:$0x3FB2]  }
0x2c: {  	s7 =	sld [smem:$0x3FB3]  }
0x2d: {  	s3 =	simm.s32 $0x108;
	s8 =	sld [smem:$0x3FB4]  }
0x2e: {  	s3 =	simm.s32 @!p0 $0x1082;
	s9 =	sld [smem:$0x3FB5]  }
0x2f: {  	lr =	sadd.s32 s0, s3;
	s0 =	sld [smem:$0x3FAC]  }
0x30: {  	s3 =	sld [smem:$0x3FAF]  }
0x31: {  	[smem:$0x3FB8] =	sst s10  }
0x32: {  	s10 =	sld [smem:$0x3FB6];
	_ =	sdelay $0x3  }
0x33: {  	p0 =	seq.s32 s10, $0x1;
	s10 =	sld [smem:$0x3FB8];
	_ =	sdelay $0x3  }
0x34: {  	[smem:$0x3FB8] =	sst s10  }
0x35: {  	s10 =	sld [smem:$0x3FB7];
	_ =	sdelay $0x3  }
0x36: {  	p1 =	seq.s32 s10, $0x1;
	s10 =	sld [smem:$0x3FB8];
	_ =	sdelay $0x3  }
0x37: {  	[smem:$0x3FB8] =	sst s10  }
0x38: {  	s10 =	sld [smem:$0x3FB9]  }
0x39: {  	_ = 	snop;
	(pc) =	sbr.ind lr, $3  }
0x3a: {  	_ = 	snop  }
0x3b: {  	_ = 	snop  }
0x3c: {  	p2 =	seq.s32 s10, $0x1;
	s10 =	sld [smem:$0x3FB8]  }
0x3d: {  	_ =	shalt  }
0x3e: {  	_ =	shalt  }
0x3f: {  	_ =	shalt  }
0x40: {  	_ =	shalt  }
0x41: {  	_ =	shalt  }
0x42: {  	_ =	shalt  }
0x43: {  	_ =	shalt  }
0x44: {  	_ =	shalt  }
0x45: {  	_ =	shalt  }
0x46: {  	_ =	shalt  }
0x47: {  	_ =	shalt  }
0x48: {  	_ =	shalt  }
0x49: {  	_ =	shalt  }
0x4a: {  	_ =	shalt  }
0x4b: {  	_ =	shalt  }
0x4c: {  	_ =	shalt  }
0x4d: {  	_ =	shalt  }
0x4e: {  	_ =	shalt  }
0x4f: {  	_ =	shalt  }
0x50: {  	_ =	shalt  }
0x51: {  	_ =	shalt  }
0x52: {  	_ =	shalt  }
0x53: {  	_ =	shalt  }
0x54: {  	_ =	shalt  }
0x55: {  	_ =	shalt  }
0x56: {  	_ =	shalt  }
0x57: {  	_ =	shalt  }
0x58: {  	_ =	shalt  }
0x59: {  	_ =	shalt  }
0x5a: {  	_ =	shalt  }
0x5b: {  	_ =	shalt  }
0x5c: {  	_ =	shalt  }
0x5d: {  	_ =	shalt  }
0x5e: {  	_ =	shalt  }
0x5f: {  	_ =	shalt  }
0x60: {  	_ =	shalt  }
0x61: {  	_ =	shalt  }
0x62: {  	_ =	shalt  }
0x63: {  	_ =	shalt  }
0x64: {  	_ =	shalt  }
0x65: {  	_ =	shalt  }
0x66: {  	_ =	shalt  }
0x67: {  	_ =	shalt  }
0x68: {  	_ =	shalt  }
0x69: {  	_ =	shalt  }
0x6a: {  	_ =	shalt  }
0x6b: {  	_ =	shalt  }
0x6c: {  	_ =	shalt  }
0x6d: {  	_ =	shalt  }
0x6e: {  	_ =	shalt  }
0x6f: {  	_ =	shalt  }
0x70: {  	_ =	shalt  }
0x71: {  	_ =	shalt  }
0x72: {  	_ =	shalt  }
0x73: {  	_ =	shalt  }
0x74: {  	_ =	shalt  }
0x75: {  	_ =	shalt  }
0x76: {  	_ =	shalt  }
0x77: {  	_ =	shalt  }
0x78: {  	_ =	shalt  }
0x79: {  	_ =	shalt  }
0x7a: {  	_ =	shalt  }
0x7b: {  	_ =	shalt  }
0x7c: {  	_ =	shalt  }
0x7d: {  	_ =	shalt  }
0x7e: {  	_ =	shalt  }
0x7f: {  	_ =	shalt  }
0x80: {  	_ =	shalt  }
0x81: {  	_ =	shalt  }
0x82: {  	_ =	shalt  }
0x83: {  	_ =	shalt  }
0x84: {  	_ =	shalt  }
0x85: {  	_ =	shalt  }
0x86: {  	_ =	shalt  }
0x87: {  	_ =	shalt  }
.Lfunc_end0:
.L_simem_size_0:
called_computation.1_lowered:
.L_overlay_start_0:
0x88: {  	s2 =	sld [smem:$0x3FD9]  }
0x89: {  	s3 =	sld [smem:$0x3FFE];
	_ =	sdelay $0x1  }
0x8a: {  	s1 =	srdreg.scid  }
0x8b: {  	s0 =	sand.u32 $0x1, s1  }
0x8c: {  	s17 =	sshll.u32 s0, $0xA;
	s2 =	sadd.s32 s3, s2  }
0x8d: {  	s2 =	sadd.s32 s2, s17  }
0x8e: {  	[smem:$0x3FC4] =	sst s2  }
0x8f: {  	_ = 	snop  }
0x90: {  	s2 =	sld [smem:$0x3FD0];
	(tm) =	ssettm $0x1  }
0x91: {  	s18 =	sld [smem:$0x3FFB];
	_ =	sdelay $0x3  }
0x92: {  	_ =	strace s18  }
0x93: {  	s3 =	sld [smem:$0x3FFC];
	_ =	sdelay $0x3  }
0x94: {  	_ =	strace s3  }
0x95: {  	s3 =	sld [smem:$0x3FFD];
	_ =	sdelay $0x3  }
0x96: {  	_ =	strace s3  }
0x97: {  	_ =	strace $0x8FFFFFFF  }
0x98: {  	s19 =	sld [smem:$0x3FDB];
	_ =	sdelay $0x1  }
0x99: {  	s4 =	simm.s32 $_scs_section_size  }
0x9a: {  	s5 =	simm.s32 $_size__tile_overlayer_lowered;
	s6 =	simm.s32 $_tile_overlayer_lowered  }
0x9b: {  	s22 =	simm.s32 $0x1BFF;
	s21 =	sshll.u32 s6, $0x1;
	s3 =	sadd.s32 s4, s19  }
0x9c: {  	s7 =	simm.s32 $0x0;
	s20 =	sshll.u32 s5, $0x1;
	s5 =	sadd.s32 s21, s3  }
0x9d: {  	[timem:s7], [sflag:s22] =	dma.local [hbm:s5], s20  }
0x9e: {  	_ =	swait.ge [sflag:s22], s20  }
0x9f: {  	s4 =	ssub.s32 $0x0, s20;
	[sflag:s22] =	ssyncset.done $0x0  }
0xa0: {  	[sflag:s22] =	ssyncadd.s32 s4;
	_ =	sdelay $0x1  }
0xa1: {  	s23 =	simm.s32 $0x1B8B  }
0xa2: {  	_ =	swait.ge [sflag:s23], $0x1  }
0xa3: {  	[sflag:s23] =	ssyncset.done $0x0  }
0xa4: {  	s25 =	simm.s32 $0x1B8E;
	s24 =	sld [smem:$0x3FFE];
	[sflag:s23] =	ssyncadd.s32 $0xFFFFFFFF  }
0xa5: {  	s26 =	simm.s32 $execute0_lowered;
	[smem:$0x3FD2] =	sst s25  }
0xa6: {  	s5 =	sshll.u32 s26, $0x1;
	_ =	strace $0x80000049;
	[dreg:$0x1] =	wrdreg $0xFFFFFFFF  }
0xa7: {  	s28 =	simm.s32 $_size_execute0_lowered;
	s3 =	sadd.s32 s3, s5;
	[dreg:$0x0] =	wrdreg $0x0  }
0xa8: {  	s5 =	sshll.u32 s28, $0x1;
	[dreg:$0x2] =	wrdreg s3  }
0xa9: {  	[dreg:$0x3] =	wrdreg s5  }
0xaa: {  	[dreg:$0x4] =	wrdreg $0xC0  }
0xab: {  	_ =	task [dreg:s7], $0x5FFFF  }
0xac: {  	[dreg:$0x1] =	wrdreg $0xFFFFFFFF  }
0xad: {  	[dreg:$0x0] =	wrdreg $0x60  }
0xae: {  	[dreg:$0x2] =	wrdreg s2  }
0xaf: {  	[dreg:$0x3] =	wrdreg s24  }
0xb0: {  	[dreg:$0x4] =	wrdreg $0xAD000  }
0xb1: {  	[dreg:$0x5] =	wrdreg $0x9  }
0xb2: {  	_ =	task.clear_ibuf [dreg:s7], $0x6FFFF;
	_ =	strace $0x90000049  }
0xb3: {  	s29 =	simm.s32 $0x9;
	_ =	strace $0x8000004B  }
0xb4: {  	_ =	swait.ge [sflag:s29], $0x1  }
0xb5: {  	[sflag:s29] =	ssyncadd.s32 $0xFFFFFFFF  }
0xb6: {  	_ =	strace $0x9000004B  }
0xb7: {  	_ =	sfence  }
0xb8: {  	s30 =	sld [smem:$0x0];
	_ =	sdelay $0x2  }
0xb9: {  	s31 =	sshll.u32 s1, $0xD;
	s1 =	sshrl.u32 s1, $0x2  }
0xba: {  	s3 =	sand.u32 $0x4000, s31;
	s1 =	sadd.s32 s1, s30  }
0xbb: {  	s0 =	sor.u32 s3, s0;
	s1 =	sshll.u32 s1, $0x11  }
0xbc: {  	s0 =	sor.u32 s1, s0  }
0xbd: {  	s0 =	sadd.s32 $0x8F2B, s0  }
0xbe: {  	[sflag:s0] =	ssyncadd.remote.s32 $0x1  }
0xbf: {  	_ =	sfence.sel $0xFFFF  }
0xc0: {  	[dreg:$0x0] =	wrdreg $0xFFFFFFFF;
	(pc) =	sbr.abs _section_cstart, $3  }
0xc1: {  	[dreg:$0x1] =	wrdreg $0xFFFFFFFF  }
0xc2: {  	_ =	task.clear_ibuf [dreg:s7], $0x2FFFF;
	_ =	strace $0x9FFFFFFF  }
0xc3: {  	(tm) =	ssettm $0x7FFFFFFF  }
tec
execute0_lowered:
.L_overlay_start_1:
0x0: {  	(tag) =	ssettag $0x1  }
0x1: {  	s1 =	rddreg [dreg:$0x0]  }
0x2: {  	s0 =	rddreg [dreg:$0x1]  }
0x3: {  	s2 =	rddreg [dreg:$0x2];
	s3 =	srdreg.scid;
	s4 =	simm.s32 $0x0  }
0x4: {  	s28 =	stileid.u32;
	s29 =	simm.s32 $0x40;
	s30 =	simm.s32 $0x500  }
0x5: {  	s31 =	simm.s32 $0x2500;
	s3 =	sand.u32 $0x1, s3;
	s11 =	smul.u32 $0x50000, s28  }
0x6: {  	[smem:$0x7FF] =	sst s4;
	s8 =	sshll.u32 s28, $0x4;
	s17 =	smul.u32 $0x2800, s28  }
0x7: {  	s5 =	sshll.u32 s3, $0x4;
	_ =	strace $0x8000004A;
	s16 =	sshrl.u32 s11, $0x2  }
0x8: {  	s8 =	sand.u32 $0x70, s8;
	s10 =	smul.u32 $0x28000, s3;
	s19 =	sadd.s32 s16, s2  }
0x9: {  	s3 =	ssub.s32 $0x2, s3;
	s18 =	sadd.s32 $0x2000, s19;
	[dreg:$0x8] =	wrdreg s19  }
0xa: {  	s7 =	sor.u32 s28, s5;
	s20 =	sadd.s32 $0x4000, s19;
	[dreg:$0xa] =	wrdreg s18  }
0xb: {  	s5 =	sadd.s32 $0x2800, s0;
	s21 =	sadd.s32 $0x6000, s19;
	[dreg:$0xb] =	wrdreg s20  }
0xc: {  	s11 =	simm.s32 $0x5;
	s22 =	sadd.s32 $0x8000, s19;
	[dreg:$0xc] =	wrdreg s21  }
0xd: {  	s6 =	sshll.u32 s7, $0x4;
	s23 =	sadd.s32 $0xA000, s19;
	[dreg:$0xd] =	wrdreg s22  }
0xe: {  	s7 =	smul.u32 $0x2800, s7;
	s24 =	sadd.s32 $0xC000, s19;
	[dreg:$0xe] =	wrdreg s23  }
0xf: {  	s16 =	simm.s32 $0x7;
	s25 =	sadd.s32 $0xE000, s19;
	[dreg:$0xf] =	wrdreg s24  }
0x10: {  	s9 =	sand.u32 $0x180, s6;
	s26 =	sadd.s32 $0x10000, s19;
	[dreg:$0x10] =	wrdreg s25  }
0x11: {  	s6 =	sadd.s32 $0xC800, s0;
	s28 =	sadd.s32 $0x12000, s19;
	[dreg:$0x11] =	wrdreg s26  }
0x12: {  	s8 =	sor.u32 s8, s9;
	s12 =	sshrl.u32 s7, $0x3;
	[dreg:$0x12] =	wrdreg s28  }
0x13: {  	s21 =	simm.s32 $0xD;
	s22 =	simm.s32 $0x400;
	s23 =	simm.s32 $0x480  }
0x14: {  	s25 =	simm.s32 $0x4500;
	s9 =	simm.s32 $0x4;
	s18 =	simm.s32 $0xC  }
0x15: {  	s8 =	sadd.s32 s8, s0;
	s0 =	sadd.s32 s10, s0;
	s13 =	sadd.s32 s5, s12  }
0x16: {  	s10 =	sshrl.u32 s3, $0x1;
	s14 =	sadd.s32 s6, s12;
	[dreg:$0x4] =	wrdreg s13  }
0x17: {  	s12 =	simm.s32 $0x0;
	s3 =	ssub.s32 s3, s10;
	[dreg:$0x5] =	wrdreg s14  }
0x18: {  	s15 =	sadd.s32 $0x2600, s8;
	s8 =	sadd.s32 $0x2400, s8;
	s0 =	sadd.s32 $0x16800, s0  }
.Ltmp0:
0x19: {  	s10 =	simm.s32 $0x8;
	[dreg:$0x6] =	wrdreg s15;
	(pc) =	sbr.rel .LBB2_1-.Ltmp0, $4  }
0x1a: {  	s13 =	simm.s32 $0x9;
	s14 =	simm.s32 $0x6;
	[dreg:$0x7] =	wrdreg s8  }
0x1b: {  	s3 =	smax.u32 s3, $0x1;
	s0 =	sadd.s32 s17, s0;
	s8 =	simm.s32 $0x3  }
0x1c: {  	s15 =	simm.s32 $0xA;
	s17 =	simm.s32 $0xB;
	[dreg:$0x9] =	wrdreg s3  }
0x1d: {  	v0 =	vimm.f32 $0.0e+00;
	[dreg:$0x13] =	wrdreg s0;
	s0 =	simm.s32 $0x6500;
	s3 =	simm.s32 $0x8500  }
.LBB2_10:
0x1e: {  	_ =	swait.ge [sflag:s8], $0x2000  }
0x1f: {  	[sflag:s8] =	ssyncset.done $0x0  }
0x20: {  	s4 =	simm.s32 $0x2C0;
	[sflag:s8] =	ssyncadd.s32 $0xFFFFE000  }
0x21: {  	[spmem:s2] =	stream.indirect.scatter.add.f32 [tilespmem:s30], [sflag:$0x8], $0x80, s4, s29, $0xb8;
	[tilespmem:$0x1ED00] =	vst v63  }
0x22: {  	_ =	swait.ge [sflag:s18], $0x2000  }
0x23: {  	[sflag:s18] =	ssyncset.done $0x0  }
0x24: {  	[sflag:s18] =	ssyncadd.s32 $0xFFFFE000  }
0x25: {  	_ =	swait.ge [sflag:s10], $0x2000  }
0x26: {  	[sflag:s10] =	ssyncset.done $0x0  }
0x27: {  	[sflag:s10] =	ssyncadd.s32 $0xFFFFE000  }
0x28: {  	_ =	swait.ge [sflag:s9], $0x2000  }
0x29: {  	[sflag:s9] =	ssyncset.done $0x0  }
0x2a: {  	[sflag:s9] =	ssyncadd.s32 $0xFFFFE000  }
0x2b: {  	_ =	swait.ge [sflag:s11], $0x2000  }
0x2c: {  	[sflag:s11] =	ssyncset.done $0x0  }
0x2d: {  	[sflag:s11] =	ssyncadd.s32 $0xFFFFE000  }
0x2e: {  	_ =	swait.ge [sflag:s14], $0x2000  }
0x2f: {  	[sflag:s14] =	ssyncset.done $0x0  }
0x30: {  	s28 =	simm.s32 $0x1;
	[sflag:s14] =	ssyncadd.s32 $0xFFFFE000  }
0x31: {  	_ =	swait.ge [sflag:s28], $0x80  }
0x32: {  	[sflag:s28] =	ssyncset.done $0x0  }
0x33: {  	s12 =	simm.s32 $0x2;
	[sflag:s28] =	ssyncadd.s32 $0xFFFFFF80  }
0x34: {  	_ =	swait.ge [sflag:s12], $0x80  }
0x35: {  	s22 =	simm.s32 $0x400;
	s19 =	simm.s32 $0x10;
	[sflag:s12] =	ssyncset.done $0x0  }
0x36: {  	s21 =	simm.s32 $0xD;
	[sflag:s12] =	ssyncadd.s32 $0xFFFFFF80;
	s12 =	simm.s32 $0xA500  }
0x37: {  	[tilespmem:s12], [sflag:$0xD] =	stream.indirect.gather [hbm4b:s1+s19], $0x80, s22, s19, $0xb8;
	[tilespmem:$0x1ED00] =	vst v63  }
0x38: {  	_ =	swait.ge [sflag:s21], $0x800  }
0x39: {  	[sflag:s21] =	ssyncset.done $0x0  }
0x3a: {  	s23 =	simm.s32 $0x480;
	[sflag:s21] =	ssyncadd.s32 $0xFFFFF800  }
0x3b: {  	[spmem:s2] =	stream.indirect.scatter.add.f32 [tilespmem:s12], [sflag:$0xD], $0x80, s23, s19, $0xb8;
	[tilespmem:$0x1ED00] =	vst v63  }
0x3c: {  	_ =	swait.ge [sflag:s21], $0x800  }
0x3d: {  	[sflag:s21] =	ssyncset.done $0x0  }
0x3e: {  	[sflag:s21] =	ssyncadd.s32 $0xFFFFF800  }
0x3f: {  	s20 =	stileid.u32;
	[bflag:$0x0] =	sbarrier.arrive $0xFFFF  }
0x40: {  	s4 =	sshll.u32 s20, $0x6;
	s19 =	rddreg [dreg:$0x8]  }
0x41: {  	s4 =	sor.u32 $0x1C0D, s4;
	s20 =	rddreg [dreg:$0x13];
	s24 =	sshrl.u32 s19, $0x3  }
0x42: {  	[hbm:s20], [sflag:s4] =	dma.local [spmem:s24], $0x2800  }
0x43: {  	_ =	swait.ge [sflag:s21], $0x2800  }
0x44: {  	s26 =	rddreg [dreg:$0x14]  }
0x45: {  	s28 =	rddreg [dreg:$0x9];
	s12 =	sadd.s32 $0x1, s26  }
0x46: {  	p0 =	sne.s32 s12, s28  }
.Ltmp1:
0x47: {  	_ = 	snop;
	(pc) =	sbr.rel @!p0 .LBB2_11-.Ltmp1, $3  }
0x48: {  	_ =	sdelay $0x1  }
0x49: {  	[sflag:s21] =	ssyncset.done $0x0  }
0x4a: {  	[sflag:s21] =	ssyncadd.s32 $0xFFFFD800  }
.LBB2_1:
0x4b: {  	[dreg:$0x14] =	wrdreg s12  }
0x4c: {  	s4 =	simm.s32 $0x0;
	s26 =	rddreg [dreg:$0x4]  }
0x4d: {  	[tilespmem:s4], [sflag:$0xD] =	stream.linear.gather [hbm4b:s26+s4], $0x180, $0x38;
	[tilespmem:$0x1ED00] =	vst v63  }
0x4e: {  	_ =	swait.ge [sflag:s21], $0x180  }
0x4f: {  	[sflag:s21] =	ssyncset.done $0x0  }
0x50: {  	s20 =	simm.s32 $0x200;
	s28 =	rddreg [dreg:$0x5];
	[sflag:s21] =	ssyncadd.s32 $0xFFFFFE80  }
0x51: {  	[tilespmem:s20], [sflag:$0xD] =	stream.linear.gather [hbm4b:s28+s4], $0x180, $0x38;
	[tilespmem:$0x1ED00] =	vst v63  }
0x52: {  	_ =	swait.ge [sflag:s21], $0x180  }
0x53: {  	[sflag:s21] =	ssyncset.done $0x0  }
0x54: {  	s20 =	rddreg [dreg:$0x6];
	[sflag:s21] =	ssyncadd.s32 $0xFFFFFE80  }
0x55: {  	[tilespmem:s22], [sflag:$0xD] =	stream.linear.gather [hbm4b:s20+s4], $0x80, $0x38;
	[tilespmem:$0x1ED00] =	vst v63  }
0x56: {  	_ =	swait.ge [sflag:s21], $0x80  }
0x57: {  	[sflag:s21] =	ssyncset.done $0x0  }
0x58: {  	s24 =	rddreg [dreg:$0x7];
	[sflag:s21] =	ssyncadd.s32 $0xFFFFFF80  }
0x59: {  	[tilespmem:s23], [sflag:$0xD] =	stream.linear.gather [hbm4b:s24+s4], $0x80, $0x38;
	[tilespmem:$0x1ED00] =	vst v63  }
0x5a: {  	_ =	swait.ge [sflag:s21], $0x80  }
0x5b: {  	[sflag:s21] =	ssyncset.done $0x0  }
0x5c: {  	[sflag:s21] =	ssyncadd.s32 $0xFFFFFF80  }
0x5d: {  	[tilespmem:s30], [sflag:$0x3] =	stream.indirect.gather [hbm4b:s1+s29], $0x80, s4, s29, $0xb8;
	[tilespmem:$0x1ED00] =	vst v63  }
0x5e: {  	_ = 	snop  }
0x5f: {  	[tilespmem:s31], [sflag:$0x4] =	stream.indirect.gather [hbm4b:s1+s29], $0x80, s29, s29, $0xb8;
	[tilespmem:$0x1ED00] =	vst v63  }
0x60: {  	s26 =	simm.s32 $0x80  }
0x61: {  	[tilespmem:s25], [sflag:$0x5] =	stream.indirect.gather [hbm4b:s1+s29], $0x80, s26, s29, $0xb8;
	[tilespmem:$0x1ED00] =	vst v63  }
0x62: {  	s12 =	simm.s32 $0x0;
	s28 =	simm.s32 $0xC0;
	s20 =	simm.s32 $0x200  }
0x63: {  	[tilespmem:s0], [sflag:$0x6] =	stream.indirect.gather [hbm4b:s1+s29], $0x80, s28, s29, $0xb8;
	[tilespmem:$0x1ED00] =	vst v63  }
.LBB2_2:
0x64: {  	p0 =	sne.s32 s20, $0x7E00;
	[tilespmem:s12+$0x8570] =	vst v0  }
0x65: {  	[tilespmem:s12+$0x8500] =	vst v0  }
0x66: {  	[tilespmem:s12+$0x8510] =	vst v0  }
.Ltmp2:
0x67: {  	[tilespmem:s12+$0x8520] =	vst v0;
	(pc) =	sbr.rel @p0 .LBB2_2-.Ltmp2, $4  }
0x68: {  	[tilespmem:s12+$0x8530] =	vst v0  }
0x69: {  	[tilespmem:s12+$0x8540] =	vst v0  }
0x6a: {  	[tilespmem:s12+$0x8550] =	vst v0  }
0x6b: {  	[tilespmem:s12+$0x8560] =	vst v0;
	s12 =	sshra.s32 s20, $0x2;
	s20 =	sadd.s32 $0x200, s20  }
0x6c: {  	[tilespmem:s12+$0x8570] =	vst v0  }
0x6d: {  	[tilespmem:s12+$0x8500] =	vst v0  }
0x6e: {  	[tilespmem:s12+$0x8510] =	vst v0  }
0x6f: {  	[tilespmem:s12+$0x8520] =	vst v0  }
0x70: {  	[tilespmem:s12+$0x8530] =	vst v0  }
0x71: {  	[tilespmem:s12+$0x8540] =	vst v0  }
0x72: {  	[tilespmem:s12+$0x8550] =	vst v0  }
0x73: {  	[tilespmem:s12+$0x8560] =	vst v0  }
0x74: {  	[spmem:s19] =	stream.linear.scatter [tilespmem:s3], [sflag:$0xD], $0x2000, $0x38;
	[tilespmem:$0x1ED00] =	vst v63  }
0x75: {  	_ =	swait.ge [sflag:s21], $0x2000  }
0x76: {  	[sflag:s21] =	ssyncset.done $0x0  }
0x77: {  	s4 =	rddreg [dreg:$0xa];
	[sflag:s21] =	ssyncadd.s32 $0xFFFFE000  }
0x78: {  	[spmem:s4] =	stream.linear.scatter [tilespmem:s3], [sflag:$0xD], $0x2000, $0x38;
	[tilespmem:$0x1ED00] =	vst v63  }
0x79: {  	_ =	swait.ge [sflag:s21], $0x2000  }
0x7a: {  	[sflag:s21] =	ssyncset.done $0x0  }
0x7b: {  	s12 =	rddreg [dreg:$0xb];
	[sflag:s21] =	ssyncadd.s32 $0xFFFFE000  }
0x7c: {  	[spmem:s12] =	stream.linear.scatter [tilespmem:s3], [sflag:$0xD], $0x2000, $0x38;
	[tilespmem:$0x1ED00] =	vst v63  }
0x7d: {  	_ =	swait.ge [sflag:s21], $0x2000  }
0x7e: {  	[sflag:s21] =	ssyncset.done $0x0  }
0x7f: {  	s19 =	rddreg [dreg:$0xc];
	[sflag:s21] =	ssyncadd.s32 $0xFFFFE000  }
0x80: {  	[spmem:s19] =	stream.linear.scatter [tilespmem:s3], [sflag:$0xD], $0x2000, $0x38;
	[tilespmem:$0x1ED00] =	vst v63  }
0x81: {  	_ =	swait.ge [sflag:s21], $0x2000  }
0x82: {  	[sflag:s21] =	ssyncset.done $0x0  }
0x83: {  	s20 =	rddreg [dreg:$0xd];
	[sflag:s21] =	ssyncadd.s32 $0xFFFFE000  }
0x84: {  	[spmem:s20] =	stream.linear.scatter [tilespmem:s3], [sflag:$0xD], $0x2000, $0x38;
	[tilespmem:$0x1ED00] =	vst v63  }
0x85: {  	_ =	swait.ge [sflag:s21], $0x2000  }
0x86: {  	[sflag:s21] =	ssyncset.done $0x0  }
0x87: {  	s22 =	rddreg [dreg:$0xe];
	[sflag:s21] =	ssyncadd.s32 $0xFFFFE000  }
0x88: {  	[spmem:s22] =	stream.linear.scatter [tilespmem:s3], [sflag:$0xD], $0x2000, $0x38;
	[tilespmem:$0x1ED00] =	vst v63  }
0x89: {  	_ =	swait.ge [sflag:s21], $0x2000  }
0x8a: {  	[sflag:s21] =	ssyncset.done $0x0  }
0x8b: {  	s23 =	rddreg [dreg:$0xf];
	[sflag:s21] =	ssyncadd.s32 $0xFFFFE000  }
0x8c: {  	[spmem:s23] =	stream.linear.scatter [tilespmem:s3], [sflag:$0xD], $0x2000, $0x38;
	[tilespmem:$0x1ED00] =	vst v63  }
0x8d: {  	_ =	swait.ge [sflag:s21], $0x2000  }
0x8e: {  	[sflag:s21] =	ssyncset.done $0x0  }
0x8f: {  	s24 =	rddreg [dreg:$0x10];
	[sflag:s21] =	ssyncadd.s32 $0xFFFFE000  }
0x90: {  	[spmem:s24] =	stream.linear.scatter [tilespmem:s3], [sflag:$0xD], $0x2000, $0x38;
	[tilespmem:$0x1ED00] =	vst v63  }
0x91: {  	_ =	swait.ge [sflag:s21], $0x2000  }
0x92: {  	[sflag:s21] =	ssyncset.done $0x0  }
0x93: {  	s26 =	rddreg [dreg:$0x11];
	[sflag:s21] =	ssyncadd.s32 $0xFFFFE000  }
0x94: {  	[spmem:s26] =	stream.linear.scatter [tilespmem:s3], [sflag:$0xD], $0x2000, $0x38;
	[tilespmem:$0x1ED00] =	vst v63  }
0x95: {  	_ =	swait.ge [sflag:s21], $0x2000  }
0x96: {  	[sflag:s21] =	ssyncset.done $0x0  }
0x97: {  	s28 =	rddreg [dreg:$0x12];
	[sflag:s21] =	ssyncadd.s32 $0xFFFFE000  }
0x98: {  	[spmem:s28] =	stream.linear.scatter [tilespmem:s3], [sflag:$0xD], $0x2000, $0x38;
	[tilespmem:$0x1ED00] =	vst v63  }
.Ltmp3:
0x99: {  	_ =	swait.ge [sflag:s21], $0x2000;
	(pc) =	sbr.rel .LBB2_4-.Ltmp3, $4  }
0x9a: {  	[sflag:s21] =	ssyncset.done $0x0  }
0x9b: {  	[sflag:s21] =	ssyncadd.s32 $0xFFFFE000  }
0x9c: {  	[bflag:$0x0] =	sbarrier.arrive $0xFFFF  }
0x9d: {  	s22 =	simm.s32 $0x0;
	s24 =	simm.s32 $0x140  }
.LBB2_8:
0x9e: {  	s12 =	sshrl.u32 s22, $0x1  }
0x9f: {  	s12 =	sadd.s32 $0x3, s12  }
0xa0: {  	s21 =	smin.u32 s12, $0x4D  }
0xa1: {  	s21 =	sshll.u32 s21, $0x7  }
0xa2: {  	s28 =	sand.u32 $0x3C00, s21  }
0xa3: {  	s21 =	sand.u32 $0x380, s21;
	s28 =	sadd.s32 s7, s28  }
0xa4: {  	s21 =	sor.u32 s21, s28  }
0xa5: {  	s12 =	sshll.u32 s12, $0x7;
	s21 =	sshrl.u32 s21, $0x3  }
0xa6: {  	s4 =	simm.s32 $0x0;
	s12 =	sand.u32 $0x180, s12;
	s26 =	sadd.s32 s5, s21  }
0xa7: {  	[tilespmem:s12], [sflag:$0x1] =	stream.linear.gather [hbm4b:s26+s4], $0x80, $0x38;
	[tilespmem:$0x1ED00] =	vst v63  }
0xa8: {  	p0 =	por $0x1, $0x1;
	s21 =	sadd.s32 s6, s21;
	s12 =	sor.u32 $0x200, s12  }
0xa9: {  	[tilespmem:s12], [sflag:$0x2] =	stream.linear.gather [hbm4b:s21+s4], $0x80, $0x38;
	[tilespmem:$0x1ED00] =	vst v63  }
.LBB2_9:
0xaa: {  	s12 =	sadd.s32 $0xFFFFFFC0, s24;
	s26 =	sadd.s32 $0x1, s22  }
0xab: {  	s12 =	sand.u32 $0x1C0, s12;
	s21 =	sand.u32 $0x1, s26;
	s28 =	sshll.u32 s26, $0x6  }
0xac: {  	[tilespmem:s3], [sflag:$0x7] =	stream.indirect.gather [hbm4b:s1+s29], $0x80, s12, s29, $0xb8;
	[tilespmem:$0x1ED00] =	vst v63  }
0xad: {  	s28 =	sand.u32 $0x180, s28;
	s4 =	sshll.u32 s21, $0x6;
	_ =	swait.ge [sflag:s9], $0x2000  }
0xae: {  	s4 =	sor.u32 s4, s28;
	[sflag:s9] =	ssyncset.done $0x0  }
0xaf: {  	p1 =	seq.s32 s21, $0x1;
	s4 =	sor.u32 $0x200, s4;
	[sflag:s9] =	ssyncadd.s32 $0xFFFFE000  }
0xb0: {  	[spmem:s2] =	stream.indirect.scatter.add.f32 [tilespmem:s31], [sflag:$0x9], $0x80, s4, s29, $0xb8;
	[tilespmem:$0x1ED00] =	vst v63  }
0xb1: {  	p2 =	seq.s32 @!p1 s22, $0x0;
	_ =	swait.ge [sflag:s10], $0x2000  }
0xb2: {  	p2 =	por p2, p1;
	s4 =	sshrl.u32 s26, $0x1;
	[sflag:s10] =	ssyncset.done $0x0  }
0xb3: {  	s12 =	simm.s32 @!p2 $0x1;
	s4 =	sadd.s32 @!p1 $0x3, s4;
	[sflag:s10] =	ssyncadd.s32 $0xFFFFE000  }
0xb4: {  	s21 =	smin.u32 @!p1 s4, $0x4D;
	_ =	swait.ge @!p2 [sflag:s12], $0x80  }
0xb5: {  	s21 =	sshll.u32 @!p1 s21, $0x7;
	[sflag:s12] =	ssyncset.done @!p2 $0x0  }
0xb6: {  	s28 =	sand.u32 @!p1 $0x3C00, s21;
	[sflag:s12] =	ssyncadd.s32 @!p2 $0xFFFFFF80;
	s12 =	simm.s32 @!p2 $0x2  }
0xb7: {  	s21 =	sand.u32 @!p1 $0x380, s21;
	s28 =	sadd.s32 @!p1 s7, s28;
	_ =	swait.ge @!p2 [sflag:s12], $0x80  }
0xb8: {  	s21 =	sor.u32 @!p1 s21, s28;
	[sflag:s12] =	ssyncset.done @!p2 $0x0  }
0xb9: {  	s4 =	sshll.u32 @!p1 s4, $0x7;
	[sflag:s12] =	ssyncadd.s32 @!p2 $0xFFFFFF80;
	s12 =	sshrl.u32 @!p1 s21, $0x3  }
0xba: {  	s4 =	sand.u32 @!p1 $0x180, s4;
	s28 =	simm.s32 @!p1 $0x0;
	s21 =	sadd.s32 @!p1 s5, s12  }
0xbb: {  	[tilespmem:s4], [sflag:$0x1] =	stream.linear.gather @!p1 [hbm4b:s21+s28], $0x80, $0x38;
	[tilespmem:$0x1ED00] =	vst v63  }
0xbc: {  	s19 =	sadd.s32 $0x2, s22;
	s12 =	sadd.s32 @!p1 s6, s12;
	s4 =	sor.u32 @!p1 $0x200, s4  }
0xbd: {  	[tilespmem:s4], [sflag:$0x2] =	stream.linear.gather @!p1 [hbm4b:s12+s28], $0x80, $0x38;
	[tilespmem:$0x1ED00] =	vst v63  }
0xbe: {  	s21 =	sshll.u32 s19, $0x6;
	s12 =	sand.u32 $0x1C0, s24  }
0xbf: {  	[tilespmem:s30], [sflag:$0x3] =	stream.indirect.gather [hbm4b:s1+s29], $0x80, s12, s29, $0xb8;
	[tilespmem:$0x1ED00] =	vst v63  }
0xc0: {  	s12 =	sand.u32 $0x180, s21;
	_ =	swait.ge [sflag:s11], $0x2000  }
0xc1: {  	s12 =	sor.u32 s20, s12;
	[sflag:s11] =	ssyncset.done $0x0  }
0xc2: {  	s12 =	sor.u32 $0x200, s12;
	[sflag:s11] =	ssyncadd.s32 $0xFFFFE000  }
0xc3: {  	[spmem:s2] =	stream.indirect.scatter.add.f32 [tilespmem:s25], [sflag:$0xA], $0x80, s12, s29, $0xb8;
	[tilespmem:$0x1ED00] =	vst v63  }
0xc4: {  	s4 =	sshrl.u32 s19, $0x1;
	_ =	swait.ge [sflag:s13], $0x2000  }
0xc5: {  	s4 =	sadd.s32 @p0 $0x3, s4;
	[sflag:s13] =	ssyncset.done $0x0  }
0xc6: {  	s21 =	smin.u32 @p0 s4, $0x4D;
	s12 =	simm.s32 @p0 $0x1;
	[sflag:s13] =	ssyncadd.s32 $0xFFFFE000  }
0xc7: {  	s21 =	sshll.u32 @p0 s21, $0x7;
	_ =	swait.ge @p0 [sflag:s12], $0x80  }
0xc8: {  	s28 =	simm.s32 @p0 $0x2;
	s19 =	sand.u32 @p0 $0x3C00, s21;
	[sflag:s12] =	ssyncset.done @p0 $0x0  }
0xc9: {  	s21 =	sand.u32 @p0 $0x380, s21;
	s19 =	sadd.s32 @p0 s7, s19;
	[sflag:s12] =	ssyncadd.s32 @p0 $0xFFFFFF80  }
0xca: {  	s4 =	sshll.u32 @p0 s4, $0x7;
	s19 =	sor.u32 @p0 s21, s19;
	_ =	swait.ge @p0 [sflag:s28], $0x80  }
0xcb: {  	s4 =	sand.u32 @p0 $0x180, s4;
	s19 =	sshrl.u32 @p0 s19, $0x3;
	[sflag:s28] =	ssyncset.done @p0 $0x0  }
0xcc: {  	s21 =	simm.s32 @p0 $0x0;
	s26 =	sadd.s32 @p0 s5, s19;
	[sflag:s28] =	ssyncadd.s32 @p0 $0xFFFFFF80  }
0xcd: {  	[tilespmem:s4], [sflag:$0x1] =	stream.linear.gather @p0 [hbm4b:s26+s21], $0x80, $0x38;
	[tilespmem:$0x1ED00] =	vst v63  }
0xce: {  	s23 =	smin.u32 s22, $0x95;
	s19 =	sadd.s32 @p0 s6, s19;
	s4 =	sor.u32 @p0 $0x200, s4  }
0xcf: {  	[tilespmem:s4], [sflag:$0x2] =	stream.linear.gather @p0 [hbm4b:s19+s21], $0x80, $0x38;
	[tilespmem:$0x1ED00] =	vst v63  }
0xd0: {  	s4 =	sshll.u32 s23, $0x6  }
0xd1: {  	s26 =	sadd.s32 $0x180, s4  }
0xd2: {  	s4 =	sand.u32 $0x40, s4;
	s19 =	sand.u32 $0x180, s26  }
0xd3: {  	s4 =	sor.u32 s4, s19  }
0xd4: {  	[tilespmem:s31], [sflag:$0x4] =	stream.indirect.gather [hbm4b:s1+s29], $0x80, s4, s29, $0xb8;
	[tilespmem:$0x1ED00] =	vst v63  }
0xd5: {  	s4 =	sadd.s32 $0x3, s22  }
0xd6: {  	s19 =	sand.u32 $0x1, s4;
	s23 =	sshll.u32 s4, $0x6  }
0xd7: {  	_ =	swait.ge [sflag:s14], $0x2000;
	s26 =	sand.u32 $0x180, s23;
	s23 =	sshll.u32 s19, $0x6  }
0xd8: {  	[sflag:s14] =	ssyncset.done $0x0;
	s23 =	sor.u32 s23, s26  }
0xd9: {  	[sflag:s14] =	ssyncadd.s32 $0xFFFFE000;
	s23 =	sor.u32 $0x200, s23  }
0xda: {  	[spmem:s2] =	stream.indirect.scatter.add.f32 [tilespmem:s0], [sflag:$0xB], $0x80, s23, s29, $0xb8;
	[tilespmem:$0x1ED00] =	vst v63  }
0xdb: {  	_ =	swait.ge [sflag:s15], $0x2000  }
0xdc: {  	s4 =	sshrl.u32 s4, $0x1;
	p1 =	seq.s32 s19, $0x1;
	[sflag:s15] =	ssyncset.done $0x0  }
0xdd: {  	s19 =	simm.s32 @!p1 $0x1;
	s4 =	sadd.s32 @!p1 $0x3, s4;
	[sflag:s15] =	ssyncadd.s32 $0xFFFFE000  }
0xde: {  	s23 =	smin.u32 @!p1 s4, $0x4D;
	_ =	swait.ge @!p1 [sflag:s19], $0x80  }
0xdf: {  	s23 =	sshll.u32 @!p1 s23, $0x7;
	[sflag:s19] =	ssyncset.done @!p1 $0x0  }
0xe0: {  	s26 =	sand.u32 @!p1 $0x3C00, s23;
	[sflag:s19] =	ssyncadd.s32 @!p1 $0xFFFFFF80;
	s19 =	simm.s32 @!p1 $0x2  }
0xe1: {  	s23 =	sand.u32 @!p1 $0x380, s23;
	s26 =	sadd.s32 @!p1 s7, s26;
	_ =	swait.ge @!p1 [sflag:s19], $0x80  }
0xe2: {  	s23 =	sor.u32 @!p1 s23, s26;
	[sflag:s19] =	ssyncset.done @!p1 $0x0  }
0xe3: {  	s4 =	sshll.u32 @!p1 s4, $0x7;
	[sflag:s19] =	ssyncadd.s32 @!p1 $0xFFFFFF80;
	s19 =	sshrl.u32 @!p1 s23, $0x3  }
0xe4: {  	s4 =	sand.u32 @!p1 $0x180, s4;
	s26 =	simm.s32 @!p1 $0x0;
	s23 =	sadd.s32 @!p1 s5, s19  }
0xe5: {  	[tilespmem:s4], [sflag:$0x1] =	stream.linear.gather @!p1 [hbm4b:s23+s26], $0x80, $0x38;
	[tilespmem:$0x1ED00] =	vst v63  }
0xe6: {  	s19 =	sadd.s32 @!p1 s6, s19;
	s4 =	sor.u32 @!p1 $0x200, s4  }
0xe7: {  	[tilespmem:s4], [sflag:$0x2] =	stream.linear.gather @!p1 [hbm4b:s19+s26], $0x80, $0x38;
	[tilespmem:$0x1ED00] =	vst v63  }
0xe8: {  	s19 =	smin.u32 s22, $0x94  }
0xe9: {  	s4 =	sshll.u32 s19, $0x6  }
0xea: {  	s23 =	sadd.s32 $0x4, s22;
	s4 =	sadd.s32 $0x1C0, s4  }
0xeb: {  	s26 =	sshll.u32 s23, $0x6;
	s4 =	sand.u32 $0x1C0, s4  }
0xec: {  	[tilespmem:s25], [sflag:$0x5] =	stream.indirect.gather [hbm4b:s1+s29], $0x80, s4, s29, $0xb8;
	[tilespmem:$0x1ED00] =	vst v63  }
0xed: {  	s4 =	sand.u32 $0x180, s26;
	_ =	swait.ge [sflag:s16], $0x2000  }
0xee: {  	s4 =	sor.u32 s20, s4;
	[sflag:s16] =	ssyncset.done $0x0  }
0xef: {  	s4 =	sor.u32 $0x200, s4;
	[sflag:s16] =	ssyncadd.s32 $0xFFFFE000  }
0xf0: {  	[spmem:s2] =	stream.indirect.scatter.add.f32 [tilespmem:s3], [sflag:$0xC], $0x80, s4, s29, $0xb8;
	[tilespmem:$0x1ED00] =	vst v63  }
0xf1: {  	s4 =	sshrl.u32 s23, $0x1;
	_ =	swait.ge [sflag:s17], $0x2000  }
0xf2: {  	s4 =	sadd.s32 @p0 $0x3, s4;
	[sflag:s17] =	ssyncset.done $0x0  }
0xf3: {  	s19 =	smin.u32 @p0 s4, $0x4D;
	[sflag:s17] =	ssyncadd.s32 $0xFFFFE000  }
0xf4: {  	s19 =	sshll.u32 @p0 s19, $0x7;
	_ =	swait.ge @p0 [sflag:s12], $0x80  }
0xf5: {  	s20 =	sand.u32 @p0 $0x3C00, s19;
	[sflag:s12] =	ssyncset.done @p0 $0x0  }
0xf6: {  	s19 =	sand.u32 @p0 $0x380, s19;
	[sflag:s12] =	ssyncadd.s32 @p0 $0xFFFFFF80;
	s12 =	sadd.s32 @p0 s7, s20  }
0xf7: {  	s4 =	sshll.u32 @p0 s4, $0x7;
	s12 =	sor.u32 @p0 s19, s12;
	_ =	swait.ge @p0 [sflag:s28], $0x80  }
0xf8: {  	s4 =	sand.u32 @p0 $0x180, s4;
	[sflag:s28] =	ssyncset.done @p0 $0x0;
	s12 =	sshrl.u32 @p0 s12, $0x3  }
0xf9: {  	[sflag:s28] =	ssyncadd.s32 @p0 $0xFFFFFF80;
	s19 =	sadd.s32 @p0 s5, s12;
	s12 =	sadd.s32 @p0 s6, s12  }
0xfa: {  	[tilespmem:s4], [sflag:$0x1] =	stream.linear.gather @p0 [hbm4b:s19+s21], $0x80, $0x38;
	[tilespmem:$0x1ED00] =	vst v63  }
0xfb: {  	s28 =	smin.u32 s22, $0x93;
	s22 =	sadd.s32 $0x5, s22;
	s4 =	sor.u32 @p0 $0x200, s4  }
0xfc: {  	[tilespmem:s4], [sflag:$0x2] =	stream.linear.gather @p0 [hbm4b:s12+s21], $0x80, $0x38;
	[tilespmem:$0x1ED00] =	vst v63  }
0xfd: {  	p0 =	sne.s32 s22, $0x9B  }
.Ltmp4:
0xfe: {  	_ = 	snop;
	(pc) =	sbr.rel @!p0 .LBB2_10-.Ltmp4, $4  }
0xff: {  	_ = 	snop  }
0x100: {  	s4 =	sshll.u32 s28, $0x6  }
0x101: {  	s24 =	sadd.s32 $0x140, s24;
	s4 =	sand.u32 $0x1C0, s4  }
0x102: {  	[tilespmem:s0], [sflag:$0x6] =	stream.indirect.gather [hbm4b:s1+s29], $0x80, s4, s29, $0xb8;
	[tilespmem:$0x1ED00] =	vst v63  }
.LBB2_4:
0x103: {  	s12 =	sand.u32 $0x1, s22;
	p0 =	sne.s32 s22, $0x0  }
.Ltmp5:
0x104: {  	s20 =	sshll.u32 s22, $0x6;
	s21 =	sshll.u32 s12, $0x8;
	(pc) =	sbr.rel @!p0 .LBB2_5-.Ltmp5, $4  }
0x105: {  	_ =	swait.ge [sflag:s8], $0x2000;
	s28 =	sand.u32 $0x180, s20;
	s20 =	sshrl.u32 s21, $0x2  }
0x106: {  	[sflag:s8] =	ssyncset.done $0x0;
	s21 =	sor.u32 s20, s28  }
0x107: {  	[sflag:s8] =	ssyncadd.s32 $0xFFFFE000;
	s21 =	sor.u32 $0x200, s21  }
0x108: {  	[spmem:s2] =	stream.indirect.scatter.add.f32 [tilespmem:s30], [sflag:$0x8], $0x80, s21, s29, $0xb8;
	[tilespmem:$0x1ED00] =	vst v63  }
0x109: {  	p1 =	sne.s32 s12, $0x0  }
.Ltmp6:
0x10a: {  	_ = 	snop;
	(pc) =	sbr.rel @p1 .LBB2_9-.Ltmp6, $4  }
0x10b: {  	_ = 	snop  }
0x10c: {  	_ =	swait.ge [sflag:s18], $0x2000  }
0x10d: {  	[sflag:s18] =	ssyncset.done $0x0  }
0x10e: {  	p0 =	por $0x0, $0x0;
	[sflag:s18] =	ssyncadd.s32 $0xFFFFE000  }
0x10f: {  	s4 =	simm.s32 $0x1  }
0x110: {  	_ =	swait.ge [sflag:s4], $0x80  }
.Ltmp7:
0x111: {  	[sflag:s4] =	ssyncset.done $0x0;
	(pc) =	sbr.rel .LBB2_8-.Ltmp7, $4  }
0x112: {  	s28 =	simm.s32 $0x2;
	[sflag:s4] =	ssyncadd.s32 $0xFFFFFF80  }
0x113: {  	_ =	swait.ge [sflag:s28], $0x80  }
0x114: {  	[sflag:s28] =	ssyncset.done $0x0  }
0x115: {  	[sflag:s28] =	ssyncadd.s32 $0xFFFFFF80  }
.LBB2_5:
0x116: {  	p1 =	seq.s32 s12, $0x0  }
.Ltmp8:
0x117: {  	_ = 	snop;
	(pc) =	sbr.rel @p1 .LBB2_8-.Ltmp8, $4  }
.Ltmp9:
0x118: {  	_ = 	snop;
	(pc) =	sbr.rel @!p1 .LBB2_9-.Ltmp9, $4  }
0x119: {  	_ = 	snop  }
0x11a: {  	_ = 	snop  }
0x11b: {  	p0 =	por $0x0, $0x0  }
0x11c: {  	_ = 	snop  }
.LBB2_11:
0x11d: {  	_ =	sfence.sel $0x180000  }
0x11e: {  	[bflag:$0x0] =	sbarrier.arrive $0xFFFF  }
0x11f: {  	_ =	strace $0x9000004A  }
0x120: {  	s0 =	stileid.u32;
	[bflag:$0x2] =	sbarrier.arrive $0xFFFF  }
0x121: {  	p0 =	sne.s32 s0, $0x0;
	s0 =	rddreg [dreg:$0x3]  }
0x122: {  	s0 =	sadd.s32 @!p0 $0x100000, s0  }
0x123: {  	[sflag:s0] =	ssyncadd.tile.s32 @!p0 $0x1;
	_ =	shalt  }
.Lfunc_end2:
_tile_overlayer_lowered:
.L_overlay_start_2:
0x124: {  	(tag) =	ssettag $0x2  }
0x125: {  	s0 =	rddreg [dreg:$0x0];
	s2 =	stileid.u32  }
0x126: {  	s1 =	rddreg [dreg:$0x1];
	p0 =	sne.s32 s2, $0x0  }
0x127: {  	s3 =	rddreg [dreg:$0x2];
	[bflag:$0x3] =	sbarrier.arrive $0xFFFF;
	s2 =	simm.s32 @!p0 $0x1C0D  }
0x128: {  	[timem:s3], [sflag:s2] =	dma.local @!p0 [hbm:s0], s1  }
0x129: {  	s0 =	simm.s32 @!p0 $0xD  }
0x12a: {  	_ =	swait.ge @!p0 [sflag:s0], s1  }
0x12b: {  	s1 =	ssub.s32 @!p0 $0x0, s1;
	[sflag:s0] =	ssyncset.done @!p0 $0x0  }
0x12c: {  	[sflag:s0] =	ssyncadd.s32 @!p0 s1  }
0x12d: {  	[bflag:$0x3] =	sbarrier.arrive $0xFFFF  }
0x12e: {  	_ =	shalt  }

// kernel: kernel.8.cloned.1.call-start
scs
__scs_entry_jumppad:
0x0: {  	(pc) =	sbr.rel $0x88, $3  }
0x1: {  	(tag) =	ssettag $0x0;
	lr =	simm.s32 $0x1  }
0x2: {  	[smem:$0x3F9D] =	sst lr;
	_ =	strace $0xD0000000  }
0x3: {  	_ = 	snop  }
0x4: {  	_ = 	snop  }
0x5: {  	_ = 	snop  }
0x6: {  	_ = 	snop  }
0x7: {  	_ = 	snop  }
__scs_overlays_trampoline_lowered:
0x8: {  	[smem:$0x3FAC] =	sst s0  }
0x9: {  	[smem:$0x3FAD] =	sst s1  }
0xa: {  	[smem:$0x3FAE] =	sst s2  }
0xb: {  	[smem:$0x3FAF] =	sst s3  }
0xc: {  	[smem:$0x3FB0] =	sst s4  }
0xd: {  	[smem:$0x3FB1] =	sst s5  }
0xe: {  	[smem:$0x3FB2] =	sst s6  }
0xf: {  	[smem:$0x3FB3] =	sst s7  }
0x10: {  	[smem:$0x3FB4] =	sst s8  }
0x11: {  	[smem:$0x3FB5] =	sst s9;
	s0 =	simm.s32 @!p0 $0x0  }
0x12: {  	s1 =	sld [smem:$0x3F9B];
	s0 =	simm.s32 @p0 $0x1  }
0x13: {  	[smem:$0x3FB6] =	sst s0;
	s0 =	simm.s32 @!p1 $0x0  }
0x14: {  	s2 =	sld [smem:$0x3F9A];
	s0 =	simm.s32 @p1 $0x1  }
0x15: {  	[smem:$0x3FB7] =	sst s0;
	s0 =	simm.s32 @!p2 $0x0  }
0x16: {  	s3 =	sld [smem:$0x3FDB];
	s0 =	simm.s32 @p2 $0x1  }
0x17: {  	s4 =	simm.s32 $0x1BF5;
	[smem:$0x3FB9] =	sst s0  }
0x18: {  	s0 =	sld [smem:$0x3F9C];
	_ =	swait.ge [sflag:s4], $0x0  }
0x19: {  	s7 =	sld [smem:$0x3F9D]  }
0x1a: {  	s8 =	sadd.s32 $0xFFFFE003, lr  }
0x1b: {  	s9 =	sadd.s32 $0xFFFFFEF7, lr;
	s5 =	simm.s32 $0xFFFFFFFF;
	p2 =	slt.u32 s8, $0xFFFFF086  }
0x1c: {  	p1 =	slt.u32 s9, $0xF7A;
	s5 =	simm.s32 @!p2 $0x0  }
0x1d: {  	s5 =	simm.s32 @p1 $0x1;
	p0 =	seq.s32 s7, s2  }
0x1e: {  	s7 =	smul.u32 @!p0 $0xF7A, s2;
	p2 =	seq.s32 @!p0 s5, $0x0  }
0x1f: {  	s9 =	smul.u32 $0xF7A, s1;
	s8 =	simm.s32 @!p0 $0x1BF5;
	p2 =	por !p2, p0  }
0x20: {  	[sflag:s8] =	ssyncset.s32 @!p0 $0xFFFFF086;
	s6 =	sadd.s32 @!p0 s3, s7;
	s7 =	simm.s32 @!p0 $0x108  }
0x21: {  	s3 =	sadd.s32 s3, s9;
	s6 =	sadd.s32 @!p0 $0x88, s6;
	s7 =	simm.s32 @p2 $0x1082  }
0x22: {  	[simem:s7], [sflag:s8] =	dma.local @!p0 [hbm:s6], $0xF7A  }
0x23: {  	s9 =	sor.u32 $0xD0000000, s2;
	s6 =	simm.s32 $0x108;
	_ =	swait.ge @!p0 [sflag:s8], $0x0  }
0x24: {  	s3 =	sadd.s32 $0x88, s3;
	s6 =	simm.s32 @!p1 $0x1082;
	[sflag:s4] =	ssyncset.s32 $0xFFFFF086  }
0x25: {  	[simem:s6], [sflag:s4] =	dma.local [hbm:s3], $0xF7A  }
0x26: {  	[smem:$0x3F9D] =	sst s1;
	(tag) =	ssettag s2;
	_ =	strace s9  }
0x27: {  	s1 =	sld [smem:$0x3FAD]  }
0x28: {  	s2 =	sld [smem:$0x3FAE]  }
0x29: {  	s4 =	sld [smem:$0x3FB0]  }
0x2a: {  	p0 =	seq.s32 s5, $0x0;
	s5 =	sld [smem:$0x3FB1]  }
0x2b: {  	s6 =	sld [smem:$0x3FB2]  }
0x2c: {  	s7 =	sld [smem:$0x3FB3]  }
0x2d: {  	s3 =	simm.s32 $0x108;
	s8 =	sld [smem:$0x3FB4]  }
0x2e: {  	s3 =	simm.s32 @!p0 $0x1082;
	s9 =	sld [smem:$0x3FB5]  }
0x2f: {  	lr =	sadd.s32 s0, s3;
	s0 =	sld [smem:$0x3FAC]  }
0x30: {  	s3 =	sld [smem:$0x3FAF]  }
0x31: {  	[smem:$0x3FB8] =	sst s10  }
0x32: {  	s10 =	sld [smem:$0x3FB6];
	_ =	sdelay $0x3  }
0x33: {  	p0 =	seq.s32 s10, $0x1;
	s10 =	sld [smem:$0x3FB8];
	_ =	sdelay $0x3  }
0x34: {  	[smem:$0x3FB8] =	sst s10  }
0x35: {  	s10 =	sld [smem:$0x3FB7];
	_ =	sdelay $0x3  }
0x36: {  	p1 =	seq.s32 s10, $0x1;
	s10 =	sld [smem:$0x3FB8];
	_ =	sdelay $0x3  }
0x37: {  	[smem:$0x3FB8] =	sst s10  }
0x38: {  	s10 =	sld [smem:$0x3FB9]  }
0x39: {  	_ = 	snop;
	(pc) =	sbr.ind lr, $3  }
0x3a: {  	_ = 	snop  }
0x3b: {  	_ = 	snop  }
0x3c: {  	p2 =	seq.s32 s10, $0x1;
	s10 =	sld [smem:$0x3FB8]  }
0x3d: {  	_ =	shalt  }
0x3e: {  	_ =	shalt  }
0x3f: {  	_ =	shalt  }
0x40: {  	_ =	shalt  }
0x41: {  	_ =	shalt  }
0x42: {  	_ =	shalt  }
0x43: {  	_ =	shalt  }
0x44: {  	_ =	shalt  }
0x45: {  	_ =	shalt  }
0x46: {  	_ =	shalt  }
0x47: {  	_ =	shalt  }
0x48: {  	_ =	shalt  }
0x49: {  	_ =	shalt  }
0x4a: {  	_ =	shalt  }
0x4b: {  	_ =	shalt  }
0x4c: {  	_ =	shalt  }
0x4d: {  	_ =	shalt  }
0x4e: {  	_ =	shalt  }
0x4f: {  	_ =	shalt  }
0x50: {  	_ =	shalt  }
0x51: {  	_ =	shalt  }
0x52: {  	_ =	shalt  }
0x53: {  	_ =	shalt  }
0x54: {  	_ =	shalt  }
0x55: {  	_ =	shalt  }
0x56: {  	_ =	shalt  }
0x57: {  	_ =	shalt  }
0x58: {  	_ =	shalt  }
0x59: {  	_ =	shalt  }
0x5a: {  	_ =	shalt  }
0x5b: {  	_ =	shalt  }
0x5c: {  	_ =	shalt  }
0x5d: {  	_ =	shalt  }
0x5e: {  	_ =	shalt  }
0x5f: {  	_ =	shalt  }
0x60: {  	_ =	shalt  }
0x61: {  	_ =	shalt  }
0x62: {  	_ =	shalt  }
0x63: {  	_ =	shalt  }
0x64: {  	_ =	shalt  }
0x65: {  	_ =	shalt  }
0x66: {  	_ =	shalt  }
0x67: {  	_ =	shalt  }
0x68: {  	_ =	shalt  }
0x69: {  	_ =	shalt  }
0x6a: {  	_ =	shalt  }
0x6b: {  	_ =	shalt  }
0x6c: {  	_ =	shalt  }
0x6d: {  	_ =	shalt  }
0x6e: {  	_ =	shalt  }
0x6f: {  	_ =	shalt  }
0x70: {  	_ =	shalt  }
0x71: {  	_ =	shalt  }
0x72: {  	_ =	shalt  }
0x73: {  	_ =	shalt  }
0x74: {  	_ =	shalt  }
0x75: {  	_ =	shalt  }
0x76: {  	_ =	shalt  }
0x77: {  	_ =	shalt  }
0x78: {  	_ =	shalt  }
0x79: {  	_ =	shalt  }
0x7a: {  	_ =	shalt  }
0x7b: {  	_ =	shalt  }
0x7c: {  	_ =	shalt  }
0x7d: {  	_ =	shalt  }
0x7e: {  	_ =	shalt  }
0x7f: {  	_ =	shalt  }
0x80: {  	_ =	shalt  }
0x81: {  	_ =	shalt  }
0x82: {  	_ =	shalt  }
0x83: {  	_ =	shalt  }
0x84: {  	_ =	shalt  }
0x85: {  	_ =	shalt  }
0x86: {  	_ =	shalt  }
0x87: {  	_ =	shalt  }
.Lfunc_end0:
.L_simem_size_0:
called_computation_lowered:
.L_overlay_start_0:
0x88: {  	s2 =	sld [smem:$0x3FD9]  }
0x89: {  	s3 =	sld [smem:$0x3FFE];
	_ =	sdelay $0x1  }
0x8a: {  	s1 =	srdreg.scid  }
0x8b: {  	s0 =	sand.u32 $0x1, s1  }
0x8c: {  	s17 =	sshll.u32 s0, $0xA;
	s2 =	sadd.s32 s3, s2  }
0x8d: {  	s2 =	sadd.s32 s2, s17  }
0x8e: {  	[smem:$0x3FC4] =	sst s2  }
0x8f: {  	_ = 	snop  }
0x90: {  	s2 =	sld [smem:$0x3FC9];
	(tm) =	ssettm $0x1  }
0x91: {  	s18 =	sld [smem:$0x3FFB];
	_ =	sdelay $0x3  }
0x92: {  	_ =	strace s18  }
0x93: {  	s3 =	sld [smem:$0x3FFC];
	_ =	sdelay $0x3  }
0x94: {  	_ =	strace s3  }
0x95: {  	s3 =	sld [smem:$0x3FFD];
	_ =	sdelay $0x3  }
0x96: {  	_ =	strace s3  }
0x97: {  	_ =	strace $0x8FFFFFFF  }
0x98: {  	s19 =	sld [smem:$0x3FDB];
	_ =	sdelay $0x1  }
0x99: {  	s4 =	simm.s32 $_scs_section_size  }
0x9a: {  	s5 =	simm.s32 $_size__tile_overlayer_lowered;
	s6 =	simm.s32 $_tile_overlayer_lowered  }
0x9b: {  	s22 =	simm.s32 $0x1BFF;
	s21 =	sshll.u32 s6, $0x1;
	s3 =	sadd.s32 s4, s19  }
0x9c: {  	s7 =	simm.s32 $0x0;
	s20 =	sshll.u32 s5, $0x1;
	s5 =	sadd.s32 s21, s3  }
0x9d: {  	[timem:s7], [sflag:s22] =	dma.local [hbm:s5], s20  }
0x9e: {  	_ =	swait.ge [sflag:s22], s20  }
0x9f: {  	s4 =	ssub.s32 $0x0, s20;
	[sflag:s22] =	ssyncset.done $0x0  }
0xa0: {  	[sflag:s22] =	ssyncadd.s32 s4;
	_ =	sdelay $0x1  }
0xa1: {  	s23 =	simm.s32 $0x1B8B  }
0xa2: {  	_ =	swait.ge [sflag:s23], $0x1  }
0xa3: {  	[sflag:s23] =	ssyncset.done $0x0  }
0xa4: {  	s25 =	simm.s32 $0x1B8E;
	s24 =	sld [smem:$0x3FFE];
	[sflag:s23] =	ssyncadd.s32 $0xFFFFFFFF  }
0xa5: {  	s26 =	simm.s32 $execute0_lowered;
	[smem:$0x3FD2] =	sst s25  }
0xa6: {  	s5 =	sshll.u32 s26, $0x1;
	_ =	strace $0x80000046;
	[dreg:$0x1] =	wrdreg $0xFFFFFFFF  }
0xa7: {  	s28 =	simm.s32 $_size_execute0_lowered;
	s3 =	sadd.s32 s3, s5;
	[dreg:$0x0] =	wrdreg $0x0  }
0xa8: {  	s5 =	sshll.u32 s28, $0x1;
	[dreg:$0x2] =	wrdreg s3  }
0xa9: {  	[dreg:$0x3] =	wrdreg s5  }
0xaa: {  	[dreg:$0x4] =	wrdreg $0xC0  }
0xab: {  	_ =	task [dreg:s7], $0x5FFFF  }
0xac: {  	[dreg:$0x1] =	wrdreg $0xFFFFFFFF  }
0xad: {  	[dreg:$0x0] =	wrdreg $0x60  }
0xae: {  	[dreg:$0x2] =	wrdreg s2  }
0xaf: {  	[dreg:$0x3] =	wrdreg s24  }
0xb0: {  	[dreg:$0x4] =	wrdreg $0xAD000  }
0xb1: {  	[dreg:$0x5] =	wrdreg $0x9  }
0xb2: {  	_ =	task.clear_ibuf [dreg:s7], $0x6FFFF;
	_ =	strace $0x90000046  }
0xb3: {  	s29 =	simm.s32 $0x9;
	_ =	strace $0x80000048  }
0xb4: {  	_ =	swait.ge [sflag:s29], $0x1  }
0xb5: {  	[sflag:s29] =	ssyncadd.s32 $0xFFFFFFFF  }
0xb6: {  	_ =	strace $0x90000048  }
0xb7: {  	_ =	sfence  }
0xb8: {  	s30 =	sld [smem:$0x0];
	_ =	sdelay $0x2  }
0xb9: {  	s31 =	sshll.u32 s1, $0xD;
	s1 =	sshrl.u32 s1, $0x2  }
0xba: {  	s3 =	sand.u32 $0x4000, s31;
	s1 =	sadd.s32 s1, s30  }
0xbb: {  	s0 =	sor.u32 s3, s0;
	s1 =	sshll.u32 s1, $0x11  }
0xbc: {  	s0 =	sor.u32 s1, s0  }
0xbd: {  	s0 =	sadd.s32 $0x8F2B, s0  }
0xbe: {  	[sflag:s0] =	ssyncadd.remote.s32 $0x1  }
0xbf: {  	_ =	sfence.sel $0xFFFF  }
0xc0: {  	[dreg:$0x0] =	wrdreg $0xFFFFFFFF;
	(pc) =	sbr.abs _section_cstart, $3  }
0xc1: {  	[dreg:$0x1] =	wrdreg $0xFFFFFFFF  }
0xc2: {  	_ =	task.clear_ibuf [dreg:s7], $0x2FFFF;
	_ =	strace $0x9FFFFFFF  }
0xc3: {  	(tm) =	ssettm $0x7FFFFFFF  }
tec
execute0_lowered:
.L_overlay_start_1:
0x0: {  	(tag) =	ssettag $0x1  }
0x1: {  	s1 =	rddreg [dreg:$0x0]  }
0x2: {  	s0 =	rddreg [dreg:$0x1]  }
0x3: {  	s2 =	rddreg [dreg:$0x2];
	s3 =	srdreg.scid;
	s4 =	simm.s32 $0x0  }
0x4: {  	s28 =	stileid.u32;
	s29 =	simm.s32 $0x40;
	s30 =	simm.s32 $0x500  }
0x5: {  	s31 =	simm.s32 $0x2500;
	s3 =	sand.u32 $0x1, s3;
	s11 =	smul.u32 $0x50000, s28  }
0x6: {  	[smem:$0x7FF] =	sst s4;
	s8 =	sshll.u32 s28, $0x4;
	s17 =	smul.u32 $0x2800, s28  }
0x7: {  	s5 =	sshll.u32 s3, $0x4;
	_ =	strace $0x80000047;
	s16 =	sshrl.u32 s11, $0x2  }
0x8: {  	s8 =	sand.u32 $0x70, s8;
	s10 =	smul.u32 $0x28000, s3;
	s19 =	sadd.s32 s16, s2  }
0x9: {  	s3 =	ssub.s32 $0x2, s3;
	s18 =	sadd.s32 $0x2000, s19;
	[dreg:$0x8] =	wrdreg s19  }
0xa: {  	s7 =	sor.u32 s28, s5;
	s20 =	sadd.s32 $0x4000, s19;
	[dreg:$0xa] =	wrdreg s18  }
0xb: {  	s5 =	sadd.s32 $0x2800, s0;
	s21 =	sadd.s32 $0x6000, s19;
	[dreg:$0xb] =	wrdreg s20  }
0xc: {  	s11 =	simm.s32 $0x5;
	s22 =	sadd.s32 $0x8000, s19;
	[dreg:$0xc] =	wrdreg s21  }
0xd: {  	s6 =	sshll.u32 s7, $0x4;
	s23 =	sadd.s32 $0xA000, s19;
	[dreg:$0xd] =	wrdreg s22  }
0xe: {  	s7 =	smul.u32 $0x2800, s7;
	s24 =	sadd.s32 $0xC000, s19;
	[dreg:$0xe] =	wrdreg s23  }
0xf: {  	s16 =	simm.s32 $0x7;
	s25 =	sadd.s32 $0xE000, s19;
	[dreg:$0xf] =	wrdreg s24  }
0x10: {  	s9 =	sand.u32 $0x180, s6;
	s26 =	sadd.s32 $0x10000, s19;
	[dreg:$0x10] =	wrdreg s25  }
0x11: {  	s6 =	sadd.s32 $0xC800, s0;
	s28 =	sadd.s32 $0x12000, s19;
	[dreg:$0x11] =	wrdreg s26  }
0x12: {  	s8 =	sor.u32 s8, s9;
	s12 =	sshrl.u32 s7, $0x3;
	[dreg:$0x12] =	wrdreg s28  }
0x13: {  	s21 =	simm.s32 $0xD;
	s22 =	simm.s32 $0x400;
	s23 =	simm.s32 $0x480  }
0x14: {  	s25 =	simm.s32 $0x4500;
	s9 =	simm.s32 $0x4;
	s18 =	simm.s32 $0xC  }
0x15: {  	s8 =	sadd.s32 s8, s0;
	s0 =	sadd.s32 s10, s0;
	s13 =	sadd.s32 s5, s12  }
0x16: {  	s10 =	sshrl.u32 s3, $0x1;
	s14 =	sadd.s32 s6, s12;
	[dreg:$0x4] =	wrdreg s13  }
0x17: {  	s12 =	simm.s32 $0x0;
	s3 =	ssub.s32 s3, s10;
	[dreg:$0x5] =	wrdreg s14  }
0x18: {  	s15 =	sadd.s32 $0x2600, s8;
	s8 =	sadd.s32 $0x2400, s8;
	s0 =	sadd.s32 $0x16800, s0  }
.Ltmp0:
0x19: {  	s10 =	simm.s32 $0x8;
	[dreg:$0x6] =	wrdreg s15;
	(pc) =	sbr.rel .LBB2_1-.Ltmp0, $4  }
0x1a: {  	s13 =	simm.s32 $0x9;
	s14 =	simm.s32 $0x6;
	[dreg:$0x7] =	wrdreg s8  }
0x1b: {  	s3 =	smax.u32 s3, $0x1;
	s0 =	sadd.s32 s17, s0;
	s8 =	simm.s32 $0x3  }
0x1c: {  	s15 =	simm.s32 $0xA;
	s17 =	simm.s32 $0xB;
	[dreg:$0x9] =	wrdreg s3  }
0x1d: {  	v0 =	vimm.f32 $0.0e+00;
	[dreg:$0x13] =	wrdreg s0;
	s0 =	simm.s32 $0x6500;
	s3 =	simm.s32 $0x8500  }
.LBB2_10:
0x1e: {  	_ =	swait.ge [sflag:s8], $0x2000  }
0x1f: {  	[sflag:s8] =	ssyncset.done $0x0  }
0x20: {  	s4 =	simm.s32 $0x2C0;
	[sflag:s8] =	ssyncadd.s32 $0xFFFFE000  }
0x21: {  	[spmem:s2] =	stream.indirect.scatter.add.f32 [tilespmem:s30], [sflag:$0x8], $0x80, s4, s29, $0xb8;
	[tilespmem:$0x1ED00] =	vst v63  }
0x22: {  	_ =	swait.ge [sflag:s18], $0x2000  }
0x23: {  	[sflag:s18] =	ssyncset.done $0x0  }
0x24: {  	[sflag:s18] =	ssyncadd.s32 $0xFFFFE000  }
0x25: {  	_ =	swait.ge [sflag:s10], $0x2000  }
0x26: {  	[sflag:s10] =	ssyncset.done $0x0  }
0x27: {  	[sflag:s10] =	ssyncadd.s32 $0xFFFFE000  }
0x28: {  	_ =	swait.ge [sflag:s9], $0x2000  }
0x29: {  	[sflag:s9] =	ssyncset.done $0x0  }
0x2a: {  	[sflag:s9] =	ssyncadd.s32 $0xFFFFE000  }
0x2b: {  	_ =	swait.ge [sflag:s11], $0x2000  }
0x2c: {  	[sflag:s11] =	ssyncset.done $0x0  }
0x2d: {  	[sflag:s11] =	ssyncadd.s32 $0xFFFFE000  }
0x2e: {  	_ =	swait.ge [sflag:s14], $0x2000  }
0x2f: {  	[sflag:s14] =	ssyncset.done $0x0  }
0x30: {  	s28 =	simm.s32 $0x1;
	[sflag:s14] =	ssyncadd.s32 $0xFFFFE000  }
0x31: {  	_ =	swait.ge [sflag:s28], $0x80  }
0x32: {  	[sflag:s28] =	ssyncset.done $0x0  }
0x33: {  	s12 =	simm.s32 $0x2;
	[sflag:s28] =	ssyncadd.s32 $0xFFFFFF80  }
0x34: {  	_ =	swait.ge [sflag:s12], $0x80  }
0x35: {  	s22 =	simm.s32 $0x400;
	s19 =	simm.s32 $0x10;
	[sflag:s12] =	ssyncset.done $0x0  }
0x36: {  	s21 =	simm.s32 $0xD;
	[sflag:s12] =	ssyncadd.s32 $0xFFFFFF80;
	s12 =	simm.s32 $0xA500  }
0x37: {  	[tilespmem:s12], [sflag:$0xD] =	stream.indirect.gather [hbm4b:s1+s19], $0x80, s22, s19, $0xb8;
	[tilespmem:$0x1ED00] =	vst v63  }
0x38: {  	_ =	swait.ge [sflag:s21], $0x800  }
0x39: {  	[sflag:s21] =	ssyncset.done $0x0  }
0x3a: {  	s23 =	simm.s32 $0x480;
	[sflag:s21] =	ssyncadd.s32 $0xFFFFF800  }
0x3b: {  	[spmem:s2] =	stream.indirect.scatter.add.f32 [tilespmem:s12], [sflag:$0xD], $0x80, s23, s19, $0xb8;
	[tilespmem:$0x1ED00] =	vst v63  }
0x3c: {  	_ =	swait.ge [sflag:s21], $0x800  }
0x3d: {  	[sflag:s21] =	ssyncset.done $0x0  }
0x3e: {  	[sflag:s21] =	ssyncadd.s32 $0xFFFFF800  }
0x3f: {  	s20 =	stileid.u32;
	[bflag:$0x0] =	sbarrier.arrive $0xFFFF  }
0x40: {  	s4 =	sshll.u32 s20, $0x6;
	s19 =	rddreg [dreg:$0x8]  }
0x41: {  	s4 =	sor.u32 $0x1C0D, s4;
	s20 =	rddreg [dreg:$0x13];
	s24 =	sshrl.u32 s19, $0x3  }
0x42: {  	[hbm:s20], [sflag:s4] =	dma.local [spmem:s24], $0x2800  }
0x43: {  	_ =	swait.ge [sflag:s21], $0x2800  }
0x44: {  	s26 =	rddreg [dreg:$0x14]  }
0x45: {  	s28 =	rddreg [dreg:$0x9];
	s12 =	sadd.s32 $0x1, s26  }
0x46: {  	p0 =	sne.s32 s12, s28  }
.Ltmp1:
0x47: {  	_ = 	snop;
	(pc) =	sbr.rel @!p0 .LBB2_11-.Ltmp1, $3  }
0x48: {  	_ =	sdelay $0x1  }
0x49: {  	[sflag:s21] =	ssyncset.done $0x0  }
0x4a: {  	[sflag:s21] =	ssyncadd.s32 $0xFFFFD800  }
.LBB2_1:
0x4b: {  	[dreg:$0x14] =	wrdreg s12  }
0x4c: {  	s4 =	simm.s32 $0x0;
	s26 =	rddreg [dreg:$0x4]  }
0x4d: {  	[tilespmem:s4], [sflag:$0xD] =	stream.linear.gather [hbm4b:s26+s4], $0x180, $0x38;
	[tilespmem:$0x1ED00] =	vst v63  }
0x4e: {  	_ =	swait.ge [sflag:s21], $0x180  }
0x4f: {  	[sflag:s21] =	ssyncset.done $0x0  }
0x50: {  	s20 =	simm.s32 $0x200;
	s28 =	rddreg [dreg:$0x5];
	[sflag:s21] =	ssyncadd.s32 $0xFFFFFE80  }
0x51: {  	[tilespmem:s20], [sflag:$0xD] =	stream.linear.gather [hbm4b:s28+s4], $0x180, $0x38;
	[tilespmem:$0x1ED00] =	vst v63  }
0x52: {  	_ =	swait.ge [sflag:s21], $0x180  }
0x53: {  	[sflag:s21] =	ssyncset.done $0x0  }
0x54: {  	s20 =	rddreg [dreg:$0x6];
	[sflag:s21] =	ssyncadd.s32 $0xFFFFFE80  }
0x55: {  	[tilespmem:s22], [sflag:$0xD] =	stream.linear.gather [hbm4b:s20+s4], $0x80, $0x38;
	[tilespmem:$0x1ED00] =	vst v63  }
0x56: {  	_ =	swait.ge [sflag:s21], $0x80  }
0x57: {  	[sflag:s21] =	ssyncset.done $0x0  }
0x58: {  	s24 =	rddreg [dreg:$0x7];
	[sflag:s21] =	ssyncadd.s32 $0xFFFFFF80  }
0x59: {  	[tilespmem:s23], [sflag:$0xD] =	stream.linear.gather [hbm4b:s24+s4], $0x80, $0x38;
	[tilespmem:$0x1ED00] =	vst v63  }
0x5a: {  	_ =	swait.ge [sflag:s21], $0x80  }
0x5b: {  	[sflag:s21] =	ssyncset.done $0x0  }
0x5c: {  	[sflag:s21] =	ssyncadd.s32 $0xFFFFFF80  }
0x5d: {  	[tilespmem:s30], [sflag:$0x3] =	stream.indirect.gather [hbm4b:s1+s29], $0x80, s4, s29, $0xb8;
	[tilespmem:$0x1ED00] =	vst v63  }
0x5e: {  	_ = 	snop  }
0x5f: {  	[tilespmem:s31], [sflag:$0x4] =	stream.indirect.gather [hbm4b:s1+s29], $0x80, s29, s29, $0xb8;
	[tilespmem:$0x1ED00] =	vst v63  }
0x60: {  	s26 =	simm.s32 $0x80  }
0x61: {  	[tilespmem:s25], [sflag:$0x5] =	stream.indirect.gather [hbm4b:s1+s29], $0x80, s26, s29, $0xb8;
	[tilespmem:$0x1ED00] =	vst v63  }
0x62: {  	s12 =	simm.s32 $0x0;
	s28 =	simm.s32 $0xC0;
	s20 =	simm.s32 $0x200  }
0x63: {  	[tilespmem:s0], [sflag:$0x6] =	stream.indirect.gather [hbm4b:s1+s29], $0x80, s28, s29, $0xb8;
	[tilespmem:$0x1ED00] =	vst v63  }
.LBB2_2:
0x64: {  	p0 =	sne.s32 s20, $0x7E00;
	[tilespmem:s12+$0x8570] =	vst v0  }
0x65: {  	[tilespmem:s12+$0x8500] =	vst v0  }
0x66: {  	[tilespmem:s12+$0x8510] =	vst v0  }
.Ltmp2:
0x67: {  	[tilespmem:s12+$0x8520] =	vst v0;
	(pc) =	sbr.rel @p0 .LBB2_2-.Ltmp2, $4  }
0x68: {  	[tilespmem:s12+$0x8530] =	vst v0  }
0x69: {  	[tilespmem:s12+$0x8540] =	vst v0  }
0x6a: {  	[tilespmem:s12+$0x8550] =	vst v0  }
0x6b: {  	[tilespmem:s12+$0x8560] =	vst v0;
	s12 =	sshra.s32 s20, $0x2;
	s20 =	sadd.s32 $0x200, s20  }
0x6c: {  	[tilespmem:s12+$0x8570] =	vst v0  }
0x6d: {  	[tilespmem:s12+$0x8500] =	vst v0  }
0x6e: {  	[tilespmem:s12+$0x8510] =	vst v0  }
0x6f: {  	[tilespmem:s12+$0x8520] =	vst v0  }
0x70: {  	[tilespmem:s12+$0x8530] =	vst v0  }
0x71: {  	[tilespmem:s12+$0x8540] =	vst v0  }
0x72: {  	[tilespmem:s12+$0x8550] =	vst v0  }
0x73: {  	[tilespmem:s12+$0x8560] =	vst v0  }
0x74: {  	[spmem:s19] =	stream.linear.scatter [tilespmem:s3], [sflag:$0xD], $0x2000, $0x38;
	[tilespmem:$0x1ED00] =	vst v63  }
0x75: {  	_ =	swait.ge [sflag:s21], $0x2000  }
0x76: {  	[sflag:s21] =	ssyncset.done $0x0  }
0x77: {  	s4 =	rddreg [dreg:$0xa];
	[sflag:s21] =	ssyncadd.s32 $0xFFFFE000  }
0x78: {  	[spmem:s4] =	stream.linear.scatter [tilespmem:s3], [sflag:$0xD], $0x2000, $0x38;
	[tilespmem:$0x1ED00] =	vst v63  }
0x79: {  	_ =	swait.ge [sflag:s21], $0x2000  }
0x7a: {  	[sflag:s21] =	ssyncset.done $0x0  }
0x7b: {  	s12 =	rddreg [dreg:$0xb];
	[sflag:s21] =	ssyncadd.s32 $0xFFFFE000  }
0x7c: {  	[spmem:s12] =	stream.linear.scatter [tilespmem:s3], [sflag:$0xD], $0x2000, $0x38;
	[tilespmem:$0x1ED00] =	vst v63  }
0x7d: {  	_ =	swait.ge [sflag:s21], $0x2000  }
0x7e: {  	[sflag:s21] =	ssyncset.done $0x0  }
0x7f: {  	s19 =	rddreg [dreg:$0xc];
	[sflag:s21] =	ssyncadd.s32 $0xFFFFE000  }
0x80: {  	[spmem:s19] =	stream.linear.scatter [tilespmem:s3], [sflag:$0xD], $0x2000, $0x38;
	[tilespmem:$0x1ED00] =	vst v63  }
0x81: {  	_ =	swait.ge [sflag:s21], $0x2000  }
0x82: {  	[sflag:s21] =	ssyncset.done $0x0  }
0x83: {  	s20 =	rddreg [dreg:$0xd];
	[sflag:s21] =	ssyncadd.s32 $0xFFFFE000  }
0x84: {  	[spmem:s20] =	stream.linear.scatter [tilespmem:s3], [sflag:$0xD], $0x2000, $0x38;
	[tilespmem:$0x1ED00] =	vst v63  }
0x85: {  	_ =	swait.ge [sflag:s21], $0x2000  }
0x86: {  	[sflag:s21] =	ssyncset.done $0x0  }
0x87: {  	s22 =	rddreg [dreg:$0xe];
	[sflag:s21] =	ssyncadd.s32 $0xFFFFE000  }
0x88: {  	[spmem:s22] =	stream.linear.scatter [tilespmem:s3], [sflag:$0xD], $0x2000, $0x38;
	[tilespmem:$0x1ED00] =	vst v63  }
0x89: {  	_ =	swait.ge [sflag:s21], $0x2000  }
0x8a: {  	[sflag:s21] =	ssyncset.done $0x0  }
0x8b: {  	s23 =	rddreg [dreg:$0xf];
	[sflag:s21] =	ssyncadd.s32 $0xFFFFE000  }
0x8c: {  	[spmem:s23] =	stream.linear.scatter [tilespmem:s3], [sflag:$0xD], $0x2000, $0x38;
	[tilespmem:$0x1ED00] =	vst v63  }
0x8d: {  	_ =	swait.ge [sflag:s21], $0x2000  }
0x8e: {  	[sflag:s21] =	ssyncset.done $0x0  }
0x8f: {  	s24 =	rddreg [dreg:$0x10];
	[sflag:s21] =	ssyncadd.s32 $0xFFFFE000  }
0x90: {  	[spmem:s24] =	stream.linear.scatter [tilespmem:s3], [sflag:$0xD], $0x2000, $0x38;
	[tilespmem:$0x1ED00] =	vst v63  }
0x91: {  	_ =	swait.ge [sflag:s21], $0x2000  }
0x92: {  	[sflag:s21] =	ssyncset.done $0x0  }
0x93: {  	s26 =	rddreg [dreg:$0x11];
	[sflag:s21] =	ssyncadd.s32 $0xFFFFE000  }
0x94: {  	[spmem:s26] =	stream.linear.scatter [tilespmem:s3], [sflag:$0xD], $0x2000, $0x38;
	[tilespmem:$0x1ED00] =	vst v63  }
0x95: {  	_ =	swait.ge [sflag:s21], $0x2000  }
0x96: {  	[sflag:s21] =	ssyncset.done $0x0  }
0x97: {  	s28 =	rddreg [dreg:$0x12];
	[sflag:s21] =	ssyncadd.s32 $0xFFFFE000  }
0x98: {  	[spmem:s28] =	stream.linear.scatter [tilespmem:s3], [sflag:$0xD], $0x2000, $0x38;
	[tilespmem:$0x1ED00] =	vst v63  }
.Ltmp3:
0x99: {  	_ =	swait.ge [sflag:s21], $0x2000;
	(pc) =	sbr.rel .LBB2_4-.Ltmp3, $4  }
0x9a: {  	[sflag:s21] =	ssyncset.done $0x0  }
0x9b: {  	[sflag:s21] =	ssyncadd.s32 $0xFFFFE000  }
0x9c: {  	[bflag:$0x0] =	sbarrier.arrive $0xFFFF  }
0x9d: {  	s22 =	simm.s32 $0x0;
	s24 =	simm.s32 $0x140  }
.LBB2_8:
0x9e: {  	s12 =	sshrl.u32 s22, $0x1  }
0x9f: {  	s12 =	sadd.s32 $0x3, s12  }
0xa0: {  	s21 =	smin.u32 s12, $0x4D  }
0xa1: {  	s21 =	sshll.u32 s21, $0x7  }
0xa2: {  	s28 =	sand.u32 $0x3C00, s21  }
0xa3: {  	s21 =	sand.u32 $0x380, s21;
	s28 =	sadd.s32 s7, s28  }
0xa4: {  	s21 =	sor.u32 s21, s28  }
0xa5: {  	s12 =	sshll.u32 s12, $0x7;
	s21 =	sshrl.u32 s21, $0x3  }
0xa6: {  	s4 =	simm.s32 $0x0;
	s12 =	sand.u32 $0x180, s12;
	s26 =	sadd.s32 s5, s21  }
0xa7: {  	[tilespmem:s12], [sflag:$0x1] =	stream.linear.gather [hbm4b:s26+s4], $0x80, $0x38;
	[tilespmem:$0x1ED00] =	vst v63  }
0xa8: {  	p0 =	por $0x1, $0x1;
	s21 =	sadd.s32 s6, s21;
	s12 =	sor.u32 $0x200, s12  }
0xa9: {  	[tilespmem:s12], [sflag:$0x2] =	stream.linear.gather [hbm4b:s21+s4], $0x80, $0x38;
	[tilespmem:$0x1ED00] =	vst v63  }
.LBB2_9:
0xaa: {  	s12 =	sadd.s32 $0xFFFFFFC0, s24;
	s26 =	sadd.s32 $0x1, s22  }
0xab: {  	s12 =	sand.u32 $0x1C0, s12;
	s21 =	sand.u32 $0x1, s26;
	s28 =	sshll.u32 s26, $0x6  }
0xac: {  	[tilespmem:s3], [sflag:$0x7] =	stream.indirect.gather [hbm4b:s1+s29], $0x80, s12, s29, $0xb8;
	[tilespmem:$0x1ED00] =	vst v63  }
0xad: {  	s28 =	sand.u32 $0x180, s28;
	s4 =	sshll.u32 s21, $0x6;
	_ =	swait.ge [sflag:s9], $0x2000  }
0xae: {  	s4 =	sor.u32 s4, s28;
	[sflag:s9] =	ssyncset.done $0x0  }
0xaf: {  	p1 =	seq.s32 s21, $0x1;
	s4 =	sor.u32 $0x200, s4;
	[sflag:s9] =	ssyncadd.s32 $0xFFFFE000  }
0xb0: {  	[spmem:s2] =	stream.indirect.scatter.add.f32 [tilespmem:s31], [sflag:$0x9], $0x80, s4, s29, $0xb8;
	[tilespmem:$0x1ED00] =	vst v63  }
0xb1: {  	p2 =	seq.s32 @!p1 s22, $0x0;
	_ =	swait.ge [sflag:s10], $0x2000  }
0xb2: {  	p2 =	por p2, p1;
	s4 =	sshrl.u32 s26, $0x1;
	[sflag:s10] =	ssyncset.done $0x0  }
0xb3: {  	s12 =	simm.s32 @!p2 $0x1;
	s4 =	sadd.s32 @!p1 $0x3, s4;
	[sflag:s10] =	ssyncadd.s32 $0xFFFFE000  }
0xb4: {  	s21 =	smin.u32 @!p1 s4, $0x4D;
	_ =	swait.ge @!p2 [sflag:s12], $0x80  }
0xb5: {  	s21 =	sshll.u32 @!p1 s21, $0x7;
	[sflag:s12] =	ssyncset.done @!p2 $0x0  }
0xb6: {  	s28 =	sand.u32 @!p1 $0x3C00, s21;
	[sflag:s12] =	ssyncadd.s32 @!p2 $0xFFFFFF80;
	s12 =	simm.s32 @!p2 $0x2  }
0xb7: {  	s21 =	sand.u32 @!p1 $0x380, s21;
	s28 =	sadd.s32 @!p1 s7, s28;
	_ =	swait.ge @!p2 [sflag:s12], $0x80  }
0xb8: {  	s21 =	sor.u32 @!p1 s21, s28;
	[sflag:s12] =	ssyncset.done @!p2 $0x0  }
0xb9: {  	s4 =	sshll.u32 @!p1 s4, $0x7;
	[sflag:s12] =	ssyncadd.s32 @!p2 $0xFFFFFF80;
	s12 =	sshrl.u32 @!p1 s21, $0x3  }
0xba: {  	s4 =	sand.u32 @!p1 $0x180, s4;
	s28 =	simm.s32 @!p1 $0x0;
	s21 =	sadd.s32 @!p1 s5, s12  }
0xbb: {  	[tilespmem:s4], [sflag:$0x1] =	stream.linear.gather @!p1 [hbm4b:s21+s28], $0x80, $0x38;
	[tilespmem:$0x1ED00] =	vst v63  }
0xbc: {  	s19 =	sadd.s32 $0x2, s22;
	s12 =	sadd.s32 @!p1 s6, s12;
	s4 =	sor.u32 @!p1 $0x200, s4  }
0xbd: {  	[tilespmem:s4], [sflag:$0x2] =	stream.linear.gather @!p1 [hbm4b:s12+s28], $0x80, $0x38;
	[tilespmem:$0x1ED00] =	vst v63  }
0xbe: {  	s21 =	sshll.u32 s19, $0x6;
	s12 =	sand.u32 $0x1C0, s24  }
0xbf: {  	[tilespmem:s30], [sflag:$0x3] =	stream.indirect.gather [hbm4b:s1+s29], $0x80, s12, s29, $0xb8;
	[tilespmem:$0x1ED00] =	vst v63  }
0xc0: {  	s12 =	sand.u32 $0x180, s21;
	_ =	swait.ge [sflag:s11], $0x2000  }
0xc1: {  	s12 =	sor.u32 s20, s12;
	[sflag:s11] =	ssyncset.done $0x0  }
0xc2: {  	s12 =	sor.u32 $0x200, s12;
	[sflag:s11] =	ssyncadd.s32 $0xFFFFE000  }
0xc3: {  	[spmem:s2] =	stream.indirect.scatter.add.f32 [tilespmem:s25], [sflag:$0xA], $0x80, s12, s29, $0xb8;
	[tilespmem:$0x1ED00] =	vst v63  }
0xc4: {  	s4 =	sshrl.u32 s19, $0x1;
	_ =	swait.ge [sflag:s13], $0x2000  }
0xc5: {  	s4 =	sadd.s32 @p0 $0x3, s4;
	[sflag:s13] =	ssyncset.done $0x0  }
0xc6: {  	s21 =	smin.u32 @p0 s4, $0x4D;
	s12 =	simm.s32 @p0 $0x1;
	[sflag:s13] =	ssyncadd.s32 $0xFFFFE000  }
0xc7: {  	s21 =	sshll.u32 @p0 s21, $0x7;
	_ =	swait.ge @p0 [sflag:s12], $0x80  }
0xc8: {  	s28 =	simm.s32 @p0 $0x2;
	s19 =	sand.u32 @p0 $0x3C00, s21;
	[sflag:s12] =	ssyncset.done @p0 $0x0  }
0xc9: {  	s21 =	sand.u32 @p0 $0x380, s21;
	s19 =	sadd.s32 @p0 s7, s19;
	[sflag:s12] =	ssyncadd.s32 @p0 $0xFFFFFF80  }
0xca: {  	s4 =	sshll.u32 @p0 s4, $0x7;
	s19 =	sor.u32 @p0 s21, s19;
	_ =	swait.ge @p0 [sflag:s28], $0x80  }
0xcb: {  	s4 =	sand.u32 @p0 $0x180, s4;
	s19 =	sshrl.u32 @p0 s19, $0x3;
	[sflag:s28] =	ssyncset.done @p0 $0x0  }
0xcc: {  	s21 =	simm.s32 @p0 $0x0;
	s26 =	sadd.s32 @p0 s5, s19;
	[sflag:s28] =	ssyncadd.s32 @p0 $0xFFFFFF80  }
0xcd: {  	[tilespmem:s4], [sflag:$0x1] =	stream.linear.gather @p0 [hbm4b:s26+s21], $0x80, $0x38;
	[tilespmem:$0x1ED00] =	vst v63  }
0xce: {  	s23 =	smin.u32 s22, $0x95;
	s19 =	sadd.s32 @p0 s6, s19;
	s4 =	sor.u32 @p0 $0x200, s4  }
0xcf: {  	[tilespmem:s4], [sflag:$0x2] =	stream.linear.gather @p0 [hbm4b:s19+s21], $0x80, $0x38;
	[tilespmem:$0x1ED00] =	vst v63  }
0xd0: {  	s4 =	sshll.u32 s23, $0x6  }
0xd1: {  	s26 =	sadd.s32 $0x180, s4  }
0xd2: {  	s4 =	sand.u32 $0x40, s4;
	s19 =	sand.u32 $0x180, s26  }
0xd3: {  	s4 =	sor.u32 s4, s19  }
0xd4: {  	[tilespmem:s31], [sflag:$0x4] =	stream.indirect.gather [hbm4b:s1+s29], $0x80, s4, s29, $0xb8;
	[tilespmem:$0x1ED00] =	vst v63  }
0xd5: {  	s4 =	sadd.s32 $0x3, s22  }
0xd6: {  	s19 =	sand.u32 $0x1, s4;
	s23 =	sshll.u32 s4, $0x6  }
0xd7: {  	_ =	swait.ge [sflag:s14], $0x2000;
	s26 =	sand.u32 $0x180, s23;
	s23 =	sshll.u32 s19, $0x6  }
0xd8: {  	[sflag:s14] =	ssyncset.done $0x0;
	s23 =	sor.u32 s23, s26  }
0xd9: {  	[sflag:s14] =	ssyncadd.s32 $0xFFFFE000;
	s23 =	sor.u32 $0x200, s23  }
0xda: {  	[spmem:s2] =	stream.indirect.scatter.add.f32 [tilespmem:s0], [sflag:$0xB], $0x80, s23, s29, $0xb8;
	[tilespmem:$0x1ED00] =	vst v63  }
0xdb: {  	_ =	swait.ge [sflag:s15], $0x2000  }
0xdc: {  	s4 =	sshrl.u32 s4, $0x1;
	p1 =	seq.s32 s19, $0x1;
	[sflag:s15] =	ssyncset.done $0x0  }
0xdd: {  	s19 =	simm.s32 @!p1 $0x1;
	s4 =	sadd.s32 @!p1 $0x3, s4;
	[sflag:s15] =	ssyncadd.s32 $0xFFFFE000  }
0xde: {  	s23 =	smin.u32 @!p1 s4, $0x4D;
	_ =	swait.ge @!p1 [sflag:s19], $0x80  }
0xdf: {  	s23 =	sshll.u32 @!p1 s23, $0x7;
	[sflag:s19] =	ssyncset.done @!p1 $0x0  }
0xe0: {  	s26 =	sand.u32 @!p1 $0x3C00, s23;
	[sflag:s19] =	ssyncadd.s32 @!p1 $0xFFFFFF80;
	s19 =	simm.s32 @!p1 $0x2  }
0xe1: {  	s23 =	sand.u32 @!p1 $0x380, s23;
	s26 =	sadd.s32 @!p1 s7, s26;
	_ =	swait.ge @!p1 [sflag:s19], $0x80  }
0xe2: {  	s23 =	sor.u32 @!p1 s23, s26;
	[sflag:s19] =	ssyncset.done @!p1 $0x0  }
0xe3: {  	s4 =	sshll.u32 @!p1 s4, $0x7;
	[sflag:s19] =	ssyncadd.s32 @!p1 $0xFFFFFF80;
	s19 =	sshrl.u32 @!p1 s23, $0x3  }
0xe4: {  	s4 =	sand.u32 @!p1 $0x180, s4;
	s26 =	simm.s32 @!p1 $0x0;
	s23 =	sadd.s32 @!p1 s5, s19  }
0xe5: {  	[tilespmem:s4], [sflag:$0x1] =	stream.linear.gather @!p1 [hbm4b:s23+s26], $0x80, $0x38;
	[tilespmem:$0x1ED00] =	vst v63  }
0xe6: {  	s19 =	sadd.s32 @!p1 s6, s19;
	s4 =	sor.u32 @!p1 $0x200, s4  }
0xe7: {  	[tilespmem:s4], [sflag:$0x2] =	stream.linear.gather @!p1 [hbm4b:s19+s26], $0x80, $0x38;
	[tilespmem:$0x1ED00] =	vst v63  }
0xe8: {  	s19 =	smin.u32 s22, $0x94  }
0xe9: {  	s4 =	sshll.u32 s19, $0x6  }
0xea: {  	s23 =	sadd.s32 $0x4, s22;
	s4 =	sadd.s32 $0x1C0, s4  }
0xeb: {  	s26 =	sshll.u32 s23, $0x6;
	s4 =	sand.u32 $0x1C0, s4  }
0xec: {  	[tilespmem:s25], [sflag:$0x5] =	stream.indirect.gather [hbm4b:s1+s29], $0x80, s4, s29, $0xb8;
	[tilespmem:$0x1ED00] =	vst v63  }
0xed: {  	s4 =	sand.u32 $0x180, s26;
	_ =	swait.ge [sflag:s16], $0x2000  }
0xee: {  	s4 =	sor.u32 s20, s4;
	[sflag:s16] =	ssyncset.done $0x0  }
0xef: {  	s4 =	sor.u32 $0x200, s4;
	[sflag:s16] =	ssyncadd.s32 $0xFFFFE000  }
0xf0: {  	[spmem:s2] =	stream.indirect.scatter.add.f32 [tilespmem:s3], [sflag:$0xC], $0x80, s4, s29, $0xb8;
	[tilespmem:$0x1ED00] =	vst v63  }
0xf1: {  	s4 =	sshrl.u32 s23, $0x1;
	_ =	swait.ge [sflag:s17], $0x2000  }
0xf2: {  	s4 =	sadd.s32 @p0 $0x3, s4;
	[sflag:s17] =	ssyncset.done $0x0  }
0xf3: {  	s19 =	smin.u32 @p0 s4, $0x4D;
	[sflag:s17] =	ssyncadd.s32 $0xFFFFE000  }
0xf4: {  	s19 =	sshll.u32 @p0 s19, $0x7;
	_ =	swait.ge @p0 [sflag:s12], $0x80  }
0xf5: {  	s20 =	sand.u32 @p0 $0x3C00, s19;
	[sflag:s12] =	ssyncset.done @p0 $0x0  }
0xf6: {  	s19 =	sand.u32 @p0 $0x380, s19;
	[sflag:s12] =	ssyncadd.s32 @p0 $0xFFFFFF80;
	s12 =	sadd.s32 @p0 s7, s20  }
0xf7: {  	s4 =	sshll.u32 @p0 s4, $0x7;
	s12 =	sor.u32 @p0 s19, s12;
	_ =	swait.ge @p0 [sflag:s28], $0x80  }
0xf8: {  	s4 =	sand.u32 @p0 $0x180, s4;
	[sflag:s28] =	ssyncset.done @p0 $0x0;
	s12 =	sshrl.u32 @p0 s12, $0x3  }
0xf9: {  	[sflag:s28] =	ssyncadd.s32 @p0 $0xFFFFFF80;
	s19 =	sadd.s32 @p0 s5, s12;
	s12 =	sadd.s32 @p0 s6, s12  }
0xfa: {  	[tilespmem:s4], [sflag:$0x1] =	stream.linear.gather @p0 [hbm4b:s19+s21], $0x80, $0x38;
	[tilespmem:$0x1ED00] =	vst v63  }
0xfb: {  	s28 =	smin.u32 s22, $0x93;
	s22 =	sadd.s32 $0x5, s22;
	s4 =	sor.u32 @p0 $0x200, s4  }
0xfc: {  	[tilespmem:s4], [sflag:$0x2] =	stream.linear.gather @p0 [hbm4b:s12+s21], $0x80, $0x38;
	[tilespmem:$0x1ED00] =	vst v63  }
0xfd: {  	p0 =	sne.s32 s22, $0x9B  }
.Ltmp4:
0xfe: {  	_ = 	snop;
	(pc) =	sbr.rel @!p0 .LBB2_10-.Ltmp4, $4  }
0xff: {  	_ = 	snop  }
0x100: {  	s4 =	sshll.u32 s28, $0x6  }
0x101: {  	s24 =	sadd.s32 $0x140, s24;
	s4 =	sand.u32 $0x1C0, s4  }
0x102: {  	[tilespmem:s0], [sflag:$0x6] =	stream.indirect.gather [hbm4b:s1+s29], $0x80, s4, s29, $0xb8;
	[tilespmem:$0x1ED00] =	vst v63  }
.LBB2_4:
0x103: {  	s12 =	sand.u32 $0x1, s22;
	p0 =	sne.s32 s22, $0x0  }
.Ltmp5:
0x104: {  	s20 =	sshll.u32 s22, $0x6;
	s21 =	sshll.u32 s12, $0x8;
	(pc) =	sbr.rel @!p0 .LBB2_5-.Ltmp5, $4  }
0x105: {  	_ =	swait.ge [sflag:s8], $0x2000;
	s28 =	sand.u32 $0x180, s20;
	s20 =	sshrl.u32 s21, $0x2  }
0x106: {  	[sflag:s8] =	ssyncset.done $0x0;
	s21 =	sor.u32 s20, s28  }
0x107: {  	[sflag:s8] =	ssyncadd.s32 $0xFFFFE000;
	s21 =	sor.u32 $0x200, s21  }
0x108: {  	[spmem:s2] =	stream.indirect.scatter.add.f32 [tilespmem:s30], [sflag:$0x8], $0x80, s21, s29, $0xb8;
	[tilespmem:$0x1ED00] =	vst v63  }
0x109: {  	p1 =	sne.s32 s12, $0x0  }
.Ltmp6:
0x10a: {  	_ = 	snop;
	(pc) =	sbr.rel @p1 .LBB2_9-.Ltmp6, $4  }
0x10b: {  	_ = 	snop  }
0x10c: {  	_ =	swait.ge [sflag:s18], $0x2000  }
0x10d: {  	[sflag:s18] =	ssyncset.done $0x0  }
0x10e: {  	p0 =	por $0x0, $0x0;
	[sflag:s18] =	ssyncadd.s32 $0xFFFFE000  }
0x10f: {  	s4 =	simm.s32 $0x1  }
0x110: {  	_ =	swait.ge [sflag:s4], $0x80  }
.Ltmp7:
0x111: {  	[sflag:s4] =	ssyncset.done $0x0;
	(pc) =	sbr.rel .LBB2_8-.Ltmp7, $4  }
0x112: {  	s28 =	simm.s32 $0x2;
	[sflag:s4] =	ssyncadd.s32 $0xFFFFFF80  }
0x113: {  	_ =	swait.ge [sflag:s28], $0x80  }
0x114: {  	[sflag:s28] =	ssyncset.done $0x0  }
0x115: {  	[sflag:s28] =	ssyncadd.s32 $0xFFFFFF80  }
.LBB2_5:
0x116: {  	p1 =	seq.s32 s12, $0x0  }
.Ltmp8:
0x117: {  	_ = 	snop;
	(pc) =	sbr.rel @p1 .LBB2_8-.Ltmp8, $4  }
.Ltmp9:
0x118: {  	_ = 	snop;
	(pc) =	sbr.rel @!p1 .LBB2_9-.Ltmp9, $4  }
0x119: {  	_ = 	snop  }
0x11a: {  	_ = 	snop  }
0x11b: {  	p0 =	por $0x0, $0x0  }
0x11c: {  	_ = 	snop  }
.LBB2_11:
0x11d: {  	_ =	sfence.sel $0x180000  }
0x11e: {  	[bflag:$0x0] =	sbarrier.arrive $0xFFFF  }
0x11f: {  	_ =	strace $0x90000047  }
0x120: {  	s0 =	stileid.u32;
	[bflag:$0x2] =	sbarrier.arrive $0xFFFF  }
0x121: {  	p0 =	sne.s32 s0, $0x0;
	s0 =	rddreg [dreg:$0x3]  }
0x122: {  	s0 =	sadd.s32 @!p0 $0x100000, s0  }
0x123: {  	[sflag:s0] =	ssyncadd.tile.s32 @!p0 $0x1;
	_ =	shalt  }
.Lfunc_end2:
_tile_overlayer_lowered:
.L_overlay_start_2:
0x124: {  	(tag) =	ssettag $0x2  }
0x125: {  	s0 =	rddreg [dreg:$0x0];
	s2 =	stileid.u32  }
0x126: {  	s1 =	rddreg [dreg:$0x1];
	p0 =	sne.s32 s2, $0x0  }
0x127: {  	s3 =	rddreg [dreg:$0x2];
	[bflag:$0x3] =	sbarrier.arrive $0xFFFF;
	s2 =	simm.s32 @!p0 $0x1C0D  }
0x128: {  	[timem:s3], [sflag:s2] =	dma.local @!p0 [hbm:s0], s1  }
0x129: {  	s0 =	simm.s32 @!p0 $0xD  }
0x12a: {  	_ =	swait.ge @!p0 [sflag:s0], s1  }
0x12b: {  	s1 =	ssub.s32 @!p0 $0x0, s1;
	[sflag:s0] =	ssyncset.done @!p0 $0x0  }
0x12c: {  	[sflag:s0] =	ssyncadd.s32 @!p0 s1  }
0x12d: {  	[bflag:$0x3] =	sbarrier.arrive $0xFFFF  }
0x12e: {  	_ =	shalt  }

</sc_bundles>
